<compile_context>
chip_gen: v7x
topology: tpu7x:2x2x1
jax: 0.10.2.dev20260603
libtpu: 0.0.44.dev20260713+nightly
codegen_flags: <defaults>
</compile_context>

<pallas_src>
import functools

import jax
import jax.numpy as jnp
from jax import lax
from jax.experimental import pallas as pl
from jax.experimental.pallas import tpu as pltpu
from jax.experimental.pallas import tpu_sc as plsc

_N = 10000
_E = 320000
_H = 128
_B = 16
_C = 10
_L = 3

_NC = 2
_NS = 16
_NW = _NC * _NS
_EPW = _E // _NW
_K = 80
_NCHUNK = _EPW // _K

_ZROWS = 640
_ZLAST = _N - 15 * _ZROWS


def _seg_body(hm, srcr, dstr, zrows, part, src_v, dst_v, rows0, rows1,
              accum, gs0, gs1, ss0, ss1):
    cid = lax.axis_index("c")
    sid = lax.axis_index("s")
    wid = sid * _NC + cid

    base = sid * _ZROWS

    pltpu.async_copy(srcr.at[wid], src_v, gs0)
    pltpu.async_copy(dstr.at[wid], dst_v, gs1)

    @pl.when(sid < _NS - 1)
    def _():
        pltpu.async_copy(zrows, accum.at[pl.ds(base, _ZROWS)], ss0)

    @pl.when(sid == _NS - 1)
    def _():
        pltpu.async_copy(zrows.at[pl.ds(0, _ZLAST)],
                         accum.at[pl.ds(15 * _ZROWS, _ZLAST)], ss0)

    def gather(j, buf, sem):
        pltpu.async_copy(hm.at[src_v.at[pl.ds(j * _K, _K)]], buf, sem)

    def gwait(buf, sem):
        pltpu.make_async_copy(hm.at[src_v.at[pl.ds(0, _K)]], buf, sem).wait()

    def scat(j, buf, sem):
        pltpu.async_copy(buf, accum.at[dst_v.at[j]], sem, add=True)

    def swait(buf, sem):
        pltpu.make_async_copy(hm.at[src_v.at[pl.ds(0, _K)]], buf, sem).wait()

    pltpu.make_async_copy(srcr.at[wid], src_v, gs0).wait()
    pltpu.make_async_copy(dstr.at[wid], dst_v, gs1).wait()
    gather(0, rows0, gs0)
    gather(1, rows1, gs1)

    @pl.when(sid < _NS - 1)
    def _():
        pltpu.make_async_copy(zrows, accum.at[pl.ds(base, _ZROWS)], ss0).wait()

    @pl.when(sid == _NS - 1)
    def _():
        pltpu.make_async_copy(zrows.at[pl.ds(0, _ZLAST)],
                              accum.at[pl.ds(15 * _ZROWS, _ZLAST)], ss0).wait()

    plsc.subcore_barrier()

    def pipe(t, carry):
        j = 2 * t
        gwait(rows0, gs0)
        scat(j, rows0, ss0)
        swait(rows0, ss0)
        gather(j + 2, rows0, gs0)
        gwait(rows1, gs1)
        scat(j + 1, rows1, ss1)
        swait(rows1, ss1)
        gather(j + 3, rows1, gs1)
        return carry

    lax.fori_loop(0, (_NCHUNK - 3) // 2, pipe, 0)
    gwait(rows0, gs0)
    scat(_NCHUNK - 3, rows0, ss0)
    swait(rows0, ss0)
    gather(_NCHUNK - 1, rows0, gs0)
    gwait(rows1, gs1)
    scat(_NCHUNK - 2, rows1, ss1)
    gwait(rows0, gs0)
    scat(_NCHUNK - 1, rows0, ss0)
    swait(rows0, ss0)
    swait(rows1, ss1)

    plsc.subcore_barrier()

    @pl.when(sid < _NS - 1)
    def _():
        pltpu.sync_copy(accum.at[pl.ds(base, _ZROWS)],
                        part.at[cid, pl.ds(base, _ZROWS)])

    @pl.when(sid == _NS - 1)
    def _():
        pltpu.sync_copy(accum.at[pl.ds(15 * _ZROWS, _ZLAST)],
                        part.at[cid, pl.ds(15 * _ZROWS, _ZLAST)])


@functools.cache
def _get_seg_kernel():
    return pl.kernel(
        _seg_body,
        out_type=jax.ShapeDtypeStruct((_NC, _N, _H), jnp.float32),
        mesh=plsc.VectorSubcoreMesh(core_axis_name="c", subcore_axis_name="s",
                                    num_cores=_NC, num_subcores=_NS),
        scratch_types=[
            pltpu.VMEM((_EPW,), jnp.int32),
            pltpu.VMEM((_NCHUNK, _K), jnp.int32),
            pltpu.VMEM((_K, _H), jnp.float32),
            pltpu.VMEM((_K, _H), jnp.float32),
            pltpu.VMEM_SHARED((_N, _H), jnp.float32),
            pltpu.SemaphoreType.DMA,
            pltpu.SemaphoreType.DMA,
            pltpu.SemaphoreType.DMA,
            pltpu.SemaphoreType.DMA,
        ],
    )

_BLK = 1000
_GRID = _N // _BLK


def _row_spec(r, c):
    return pl.BlockSpec((r, c), lambda i: (i, 0))


def _full_spec(r, c):
    return pl.BlockSpec((r, c), lambda i: (0, 0))


def _lin0_body(x, w, b, o):
    o[...] = jnp.dot(x[...], w[...], preferred_element_type=jnp.float32) + b[...]


_lin0 = pl.pallas_call(
    _lin0_body,
    grid=(_GRID,),
    in_specs=[_row_spec(_BLK, _H), _full_spec(_H, _H), _full_spec(1, _H)],
    out_specs=_row_spec(_BLK, _H),
    out_shape=jax.ShapeDtypeStruct((_N, _H), jnp.float32),
)


def _mask_body(part, hm, h, w1, b1, w2, b2, w3a, w3b, b3, mask_o, hm2_o):
    aggr = part[0] + part[1]
    a = jax.nn.relu(jnp.dot(aggr, w1[...], preferred_element_type=jnp.float32)
                    + b1[...])
    bb = jax.nn.relu(jnp.dot(hm[...], w2[...], preferred_element_type=jnp.float32)
                     + b2[...])
    logit = (jnp.dot(a, w3a[...], preferred_element_type=jnp.float32)
             + jnp.dot(bb, w3b[...], preferred_element_type=jnp.float32)
             + b3[...])
    mask = jax.nn.sigmoid(logit)
    mask_o[...] = mask
    hm2_o[...] = h[...] * mask


_mask_stage = pl.pallas_call(
    _mask_body,
    grid=(_GRID,),
    in_specs=[
        pl.BlockSpec((_NC, _BLK, _H), lambda i: (0, i, 0)),
        _row_spec(_BLK, _H),
        _row_spec(_BLK, _H),
        _full_spec(_H, _H), _full_spec(1, _H),
        _full_spec(_H, _H), _full_spec(1, _H),
        _full_spec(_H, 1), _full_spec(_H, 1), _full_spec(1, 1),
    ],
    out_specs=[_row_spec(_BLK, 1), _row_spec(_BLK, _H)],
    out_shape=[
        jax.ShapeDtypeStruct((_N, 1), jnp.float32),
        jax.ShapeDtypeStruct((_N, _H), jnp.float32),
    ],
)


def _conv_body(part, hm2, mask, w1, b1, w2, b2, h_o, hmn_o):
    aggr = part[0] + part[1]
    h_new = jax.nn.relu(
        jnp.dot(aggr, w1[...], preferred_element_type=jnp.float32) + b1[...]
        + jnp.dot(hm2[...], w2[...], preferred_element_type=jnp.float32) + b2[...])
    h_o[...] = h_new
    hmn_o[...] = h_new * mask[...]


_conv_stage = pl.pallas_call(
    _conv_body,
    grid=(_GRID,),
    in_specs=[
        pl.BlockSpec((_NC, _BLK, _H), lambda i: (0, i, 0)),
        _row_spec(_BLK, _H),
        _row_spec(_BLK, 1),
        _full_spec(_H, _H), _full_spec(1, _H),
        _full_spec(_H, _H), _full_spec(1, _H),
    ],
    out_specs=[_row_spec(_BLK, _H), _row_spec(_BLK, _H)],
    out_shape=[
        jax.ShapeDtypeStruct((_N, _H), jnp.float32),
        jax.ShapeDtypeStruct((_N, _H), jnp.float32),
    ],
)


def _head_body(h, batch, w1, b1, w2, b2, o, acc):
    i = pl.program_id(0)

    @pl.when(i == 0)
    def _():
        acc[...] = jnp.zeros_like(acc)

    onehot = (lax.broadcasted_iota(jnp.int32, (_B, _BLK), 0)
              == batch[0]).astype(jnp.float32)
    acc[...] += jnp.dot(onehot, h[...], preferred_element_type=jnp.float32)

    @pl.when(i == _GRID - 1)
    def _():
        pooled = acc[...]
        t = jax.nn.relu(
            jnp.dot(pooled, w1[...], preferred_element_type=jnp.float32) + b1[...])
        z = jnp.dot(t, w2[...], preferred_element_type=jnp.float32) + b2[...]
        m = jnp.max(z, axis=-1, keepdims=True)
        lse = m + jnp.log(jnp.sum(jnp.exp(z - m), axis=-1, keepdims=True))
        o[...] = z - lse


_head = pl.pallas_call(
    _head_body,
    grid=(_GRID,),
    in_specs=[
        _row_spec(_BLK, _H),
        pl.BlockSpec((1, 1, _BLK), lambda i: (i, 0, 0)),
        _full_spec(_H, _H), _full_spec(1, _H),
        _full_spec(_H, _C), _full_spec(1, _C),
    ],
    out_specs=_full_spec(_B, _C),
    out_shape=jax.ShapeDtypeStruct((_B, _C), jnp.float32),
    scratch_shapes=[pltpu.VMEM((_B, _H), jnp.float32)],
)


def kernel(x, edge_index, batch, lin0_W, lin0_b, mask_W1, mask_b1, mask_W2,
           mask_b2, mask_W3, mask_b3, conv_W1, conv_b1, conv_W2, conv_b2,
           lin1_W, lin1_b, lin2_W, lin2_b):
    srcr = edge_index[0].reshape(_NW, _EPW)
    dstr = edge_index[1].reshape(_NW, _NCHUNK, _K)
    zrows = jnp.zeros((_ZROWS, _H), jnp.float32)
    batch3d = batch.reshape(_GRID, 1, _BLK)

    seg = _get_seg_kernel()
    h = _lin0(x, lin0_W, lin0_b.reshape(1, _H))
    hm = h
    for i in range(_L):
        part = seg(hm, srcr, dstr, zrows)
        mask, hm2 = _mask_stage(
            part, hm, h,
            mask_W1[i], mask_b1[i].reshape(1, _H),
            mask_W2[i], mask_b2[i].reshape(1, _H),
            mask_W3[i, :_H], mask_W3[i, _H:], mask_b3[i].reshape(1, 1))
        part2 = seg(hm2, srcr, dstr, zrows)
        h, hm = _conv_stage(
            part2, hm2, mask,
            conv_W1[i], conv_b1[i].reshape(1, _H),
            conv_W2[i], conv_b2[i].reshape(1, _H))

    return _head(h, batch3d, lin1_W, lin1_b.reshape(1, _H),
                 lin2_W, lin2_b.reshape(1, _C))

# --- scband reference (transcript-rebuilt; emitter-appended) ---
"""Pipeline reference for scband-smg-84000970375418 (READ-ONLY COPY).

The authoritative reference and input builder live on the scoring server;
editing this copy changes nothing except your own understanding.
"""

import jax, jax.numpy as jnp
import numpy as np

N = 10000
E = 320000
F_IN = 128
H = 128
C = 10
L = 3
B = 16


def setup_inputs(seed: int = 0) -> dict:
    key = jax.random.key(seed)
    ks = jax.random.split(key, 12)

    def w(k, shape):
        return jax.random.normal(k, shape, dtype=jnp.float32) * 0.05

    inp = {}
    inp["x"] = jax.random.normal(ks[0], (N, F_IN), dtype=jnp.float32)
    inp["edge_index"] = jax.random.randint(ks[1], (2, E), 0, N, dtype=jnp.int32)
    inp["batch"] = jnp.sort(jax.random.randint(ks[2], (N,), 0, B, dtype=jnp.int32))
    inp["lin0_W"] = w(ks[3], (F_IN, H)); inp["lin0_b"] = jnp.zeros((H,), jnp.float32)
    inp["mask_W1"] = w(ks[4], (L, H, H)); inp["mask_b1"] = jnp.zeros((L, H), jnp.float32)
    inp["mask_W2"] = w(ks[5], (L, H, H)); inp["mask_b2"] = jnp.zeros((L, H), jnp.float32)
    inp["mask_W3"] = w(ks[6], (L, 2 * H, 1)); inp["mask_b3"] = jnp.zeros((L, 1), jnp.float32)
    inp["conv_W1"] = w(ks[7], (L, H, H)); inp["conv_b1"] = jnp.zeros((L, H), jnp.float32)
    inp["conv_W2"] = w(ks[8], (L, H, H)); inp["conv_b2"] = jnp.zeros((L, H), jnp.float32)
    inp["lin1_W"] = w(ks[9], (H, H)); inp["lin1_b"] = jnp.zeros((H,), jnp.float32)
    inp["lin2_W"] = w(ks[10], (H, C)); inp["lin2_b"] = jnp.zeros((C,), jnp.float32)
    return inp


def reference(x, edge_index, batch, lin0_W, lin0_b, mask_W1, mask_b1, mask_W2, mask_b2,
              mask_W3, mask_b3, conv_W1, conv_b1, conv_W2, conv_b2, lin1_W, lin1_b,
              lin2_W, lin2_b):
    src = edge_index[0]
    dst = edge_index[1]
    h = x @ lin0_W + lin0_b
    mask_val = None
    for i in range(L):
        # WeightConv1: mask = sigmoid(lin3(cat[relu(lin1(aggr)), relu(lin2(x_masked))]))
        hm = h if mask_val is None else h * mask_val
        aggr = jax.ops.segment_sum(hm[src], dst, num_segments=N)
        a = jax.nn.relu(aggr @ mask_W1[i] + mask_b1[i])
        b = jax.nn.relu(hm @ mask_W2[i] + mask_b2[i])
        mask_val = jax.nn.sigmoid(jnp.concatenate([a, b], axis=1) @ mask_W3[i] + mask_b3[i])
        # SparseConv: out = lin1(sum_j (x*mask)_j) + lin2(x*mask); then ReLU in SMG
        hm2 = h * mask_val
        aggr2 = jax.ops.segment_sum(hm2[src], dst, num_segments=N)
        h = jax.nn.relu(aggr2 @ conv_W1[i] + conv_b1[i] + hm2 @ conv_W2[i] + conv_b2[i])
    pooled = jax.ops.segment_sum(h, batch, num_segments=B)  # global_add_pool
    out = jax.nn.relu(pooled @ lin1_W + lin1_b)
    # dropout disabled (eval mode)
    out = out @ lin2_W + lin2_b
    return jax.nn.log_softmax(out, axis=-1)

if __name__ == "__main__":
    import jax
    _d = setup_inputs()
    print(jax.jit(kernel)(*tuple(_d.values())))

</pallas_src>

<mosaic_0001>
#map = affine_map<(d0, d1) -> (0, 0)>
#map1 = affine_map<(d0, d1) -> (0, 0, 0)>
module attributes {stable_mosaic.version = 14 : i64} {
  func.func @_seg_body(%arg0: i32, %arg1: i32, %arg2: memref<10000x128xf32, #tpu.memory_space<hbm>>, %arg3: memref<32x10000xi32, #tpu.memory_space<hbm>>, %arg4: memref<32x125x80xi32, #tpu.memory_space<hbm>>, %arg5: memref<640x128xf32, #tpu.memory_space<hbm>>, %arg6: memref<2x10000x128xf32, #tpu.memory_space<hbm>>, %arg7: memref<10000xi32, #tpu.memory_space<vmem>>, %arg8: memref<125x80xi32, #tpu.memory_space<vmem>>, %arg9: memref<80x128xf32, #tpu.memory_space<vmem>>, %arg10: memref<80x128xf32, #tpu.memory_space<vmem>>, %arg11: memref<10000x128xf32, #tpu.memory_space<vmem_shared>>, %arg12: memref<!tpu.dma_semaphore, #tpu.memory_space<semaphore_mem>>, %arg13: memref<!tpu.dma_semaphore, #tpu.memory_space<semaphore_mem>>, %arg14: memref<!tpu.dma_semaphore, #tpu.memory_space<semaphore_mem>>, %arg15: memref<!tpu.dma_semaphore, #tpu.memory_space<semaphore_mem>>) attributes {dimension_semantics = [#tpu.dimension_semantics<core_parallel>, #tpu.dimension_semantics<subcore_parallel>], iteration_bounds = array<i64: 2, 16>, scalar_prefetch = 0 : i64, scratch_operands = 9 : i64, tpu.core_type = #tpu.core_type<sc_vector_subcore>, window_params = [{transform_indices = #map}, {transform_indices = #map}, {transform_indices = #map1}, {transform_indices = #map}, {transform_indices = #map1}]} {
    %mul3A = arith.constant 2 : i32
    %mul3A_0 = arith.muli %arg1, %mul3A : i32
    %add3A = arith.addi %mul3A_0, %arg0 : i32
    %mul3A_1 = arith.constant 640 : i32
    %mul3A_2 = arith.muli %arg1, %mul3A_1 : i32
    %dma_start3A = arith.constant 0 : i32
    %dma_start3A_3 = tpu.memref_slice %arg3[%add3A, %dma_start3A] : memref<32x10000xi32, #tpu.memory_space<hbm>> -> memref<1x10000xi32, #tpu.memory_space<hbm>>
    %dma_start3A_4 = tpu.memref_squeeze %dma_start3A_3 : memref<1x10000xi32, #tpu.memory_space<hbm>> -> memref<10000xi32, #tpu.memory_space<hbm>>
    %dma_start3A_5 = arith.constant 0 : i32
    %dma_start3A_6 = tpu.memref_slice %arg3[%add3A, %dma_start3A_5] : memref<32x10000xi32, #tpu.memory_space<hbm>> -> memref<1x10000xi32, #tpu.memory_space<hbm>>
    %dma_start3A_7 = tpu.memref_squeeze %dma_start3A_6 : memref<1x10000xi32, #tpu.memory_space<hbm>> -> memref<10000xi32, #tpu.memory_space<hbm>>
    tpu.enqueue_dma source(%dma_start3A_7 : memref<10000xi32, #tpu.memory_space<hbm>>) target(%arg7 : memref<10000xi32, #tpu.memory_space<vmem>>) target_semaphore(%arg12 : memref<!tpu.dma_semaphore, #tpu.memory_space<semaphore_mem>>)
    %dma_start3A_8 = arith.constant 0 : i32
    %dma_start3A_9 = arith.constant 0 : i32
    %dma_start3A_10 = tpu.memref_slice %arg4[%add3A, %dma_start3A_8, %dma_start3A_9] : memref<32x125x80xi32, #tpu.memory_space<hbm>> -> memref<1x125x80xi32, #tpu.memory_space<hbm>>
    %dma_start3A_11 = tpu.memref_squeeze %dma_start3A_10 : memref<1x125x80xi32, #tpu.memory_space<hbm>> -> memref<125x80xi32, #tpu.memory_space<hbm>>
    %dma_start3A_12 = arith.constant 0 : i32
    %dma_start3A_13 = arith.constant 0 : i32
    %dma_start3A_14 = tpu.memref_slice %arg4[%add3A, %dma_start3A_12, %dma_start3A_13] : memref<32x125x80xi32, #tpu.memory_space<hbm>> -> memref<1x125x80xi32, #tpu.memory_space<hbm>>
    %dma_start3A_15 = tpu.memref_squeeze %dma_start3A_14 : memref<1x125x80xi32, #tpu.memory_space<hbm>> -> memref<125x80xi32, #tpu.memory_space<hbm>>
    tpu.enqueue_dma source(%dma_start3A_15 : memref<125x80xi32, #tpu.memory_space<hbm>>) target(%arg8 : memref<125x80xi32, #tpu.memory_space<vmem>>) target_semaphore(%arg13 : memref<!tpu.dma_semaphore, #tpu.memory_space<semaphore_mem>>)
    %lt3A = arith.constant 15 : i32
    %lt3A_16 = arith.cmpi slt, %arg1, %lt3A : i32
    %convert_element_type3A = arith.extui %lt3A_16 : i1 to i32
    %cond3A = arith.constant 0 : i32
    %cond3A_17 = arith.cmpi ne, %convert_element_type3A, %cond3A : i32
    scf.if %cond3A_17 {
      %dma_start3A_127 = arith.constant 0 : i32
      %dma_start3A_128 = tpu.memref_slice %arg11[%mul3A_2, %dma_start3A_127] : memref<10000x128xf32, #tpu.memory_space<vmem_shared>> -> memref<640x128xf32, #tpu.memory_space<vmem_shared>>
      tpu.enqueue_dma source(%arg5 : memref<640x128xf32, #tpu.memory_space<hbm>>) target(%dma_start3A_128 : memref<640x128xf32, #tpu.memory_space<vmem_shared>>) target_semaphore(%arg14 : memref<!tpu.dma_semaphore, #tpu.memory_space<semaphore_mem>>)
    } else {
    }
    %eq3A = arith.constant 15 : i32
    %eq3A_18 = arith.cmpi eq, %arg1, %eq3A : i32
    %convert_element_type3A_19 = arith.extui %eq3A_18 : i1 to i32
    %cond3A_20 = arith.constant 0 : i32
    %cond3A_21 = arith.cmpi ne, %convert_element_type3A_19, %cond3A_20 : i32
    scf.if %cond3A_21 {
      %dma_start3A_127 = arith.constant 9600 : i32
      %dma_start3A_128 = arith.constant 0 : i32
      %dma_start3A_129 = tpu.memref_slice %arg11[%dma_start3A_127, %dma_start3A_128] : memref<10000x128xf32, #tpu.memory_space<vmem_shared>> -> memref<400x128xf32, #tpu.memory_space<vmem_shared>>
      %dma_start3A_130 = arith.constant 0 : i32
      %dma_start3A_131 = arith.constant 0 : i32
      %dma_start3A_132 = tpu.memref_slice %arg5[%dma_start3A_130, %dma_start3A_131] : memref<640x128xf32, #tpu.memory_space<hbm>> -> memref<400x128xf32, #tpu.memory_space<hbm>>
      tpu.enqueue_dma source(%dma_start3A_132 : memref<400x128xf32, #tpu.memory_space<hbm>>) target(%dma_start3A_129 : memref<400x128xf32, #tpu.memory_space<vmem_shared>>) target_semaphore(%arg14 : memref<!tpu.dma_semaphore, #tpu.memory_space<semaphore_mem>>)
    } else {
    }
    %dma_wait3A = arith.constant 0 : i32
    %dma_wait3A_22 = tpu.memref_slice %arg3[%add3A, %dma_wait3A] : memref<32x10000xi32, #tpu.memory_space<hbm>> -> memref<1x10000xi32, #tpu.memory_space<hbm>>
    %dma_wait3A_23 = tpu.memref_squeeze %dma_wait3A_22 : memref<1x10000xi32, #tpu.memory_space<hbm>> -> memref<10000xi32, #tpu.memory_space<hbm>>
    %dma_wait3A_24 = arith.constant 0 : i32
    %dma_wait3A_25 = tpu.memref_slice %arg3[%add3A, %dma_wait3A_24] : memref<32x10000xi32, #tpu.memory_space<hbm>> -> memref<1x10000xi32, #tpu.memory_space<hbm>>
    %dma_wait3A_26 = tpu.memref_squeeze %dma_wait3A_25 : memref<1x10000xi32, #tpu.memory_space<hbm>> -> memref<10000xi32, #tpu.memory_space<hbm>>
    tpu.wait_dma2 semaphore(%arg12 : memref<!tpu.dma_semaphore, #tpu.memory_space<semaphore_mem>>) src(%dma_wait3A_26 : memref<10000xi32, #tpu.memory_space<hbm>>) dst(%arg7 : memref<10000xi32, #tpu.memory_space<vmem>>)
    %dma_wait3A_27 = arith.constant 0 : i32
    %dma_wait3A_28 = arith.constant 0 : i32
    %dma_wait3A_29 = tpu.memref_slice %arg4[%add3A, %dma_wait3A_27, %dma_wait3A_28] : memref<32x125x80xi32, #tpu.memory_space<hbm>> -> memref<1x125x80xi32, #tpu.memory_space<hbm>>
    %dma_wait3A_30 = tpu.memref_squeeze %dma_wait3A_29 : memref<1x125x80xi32, #tpu.memory_space<hbm>> -> memref<125x80xi32, #tpu.memory_space<hbm>>
    %dma_wait3A_31 = arith.constant 0 : i32
    %dma_wait3A_32 = arith.constant 0 : i32
    %dma_wait3A_33 = tpu.memref_slice %arg4[%add3A, %dma_wait3A_31, %dma_wait3A_32] : memref<32x125x80xi32, #tpu.memory_space<hbm>> -> memref<1x125x80xi32, #tpu.memory_space<hbm>>
    %dma_wait3A_34 = tpu.memref_squeeze %dma_wait3A_33 : memref<1x125x80xi32, #tpu.memory_space<hbm>> -> memref<125x80xi32, #tpu.memory_space<hbm>>
    tpu.wait_dma2 semaphore(%arg13 : memref<!tpu.dma_semaphore, #tpu.memory_space<semaphore_mem>>) src(%dma_wait3A_34 : memref<125x80xi32, #tpu.memory_space<hbm>>) dst(%arg8 : memref<125x80xi32, #tpu.memory_space<vmem>>)
    %dma_start3A_35 = arith.constant 0 : i32
    %dma_start3A_36 = tpu.memref_slice %arg7[%dma_start3A_35] : memref<10000xi32, #tpu.memory_space<vmem>> -> memref<80xi32, #tpu.memory_space<vmem>>
    %dma_start3A_37 = arith.constant 0 : i32
    %dma_start3A_38 = arith.constant 0 : i32
    %dma_start3A_39 = tpu.memref_slice %arg2[%dma_start3A_37, %dma_start3A_38] : memref<10000x128xf32, #tpu.memory_space<hbm>> -> memref<10000x128xf32, #tpu.memory_space<hbm>>
    tpu.enqueue_indirect_dma source(%dma_start3A_39 : memref<10000x128xf32, #tpu.memory_space<hbm>>) target(%arg9 : memref<80x128xf32, #tpu.memory_space<vmem>>) offsets(%dma_start3A_36 : memref<80xi32, #tpu.memory_space<vmem>>) semaphore(%arg12 : memref<!tpu.dma_semaphore, #tpu.memory_space<semaphore_mem>>)
    %dma_start3A_40 = arith.constant 80 : i32
    %dma_start3A_41 = tpu.memref_slice %arg7[%dma_start3A_40] : memref<10000xi32, #tpu.memory_space<vmem>> -> memref<80xi32, #tpu.memory_space<vmem>>
    %dma_start3A_42 = arith.constant 0 : i32
    %dma_start3A_43 = arith.constant 0 : i32
    %dma_start3A_44 = tpu.memref_slice %arg2[%dma_start3A_42, %dma_start3A_43] : memref<10000x128xf32, #tpu.memory_space<hbm>> -> memref<10000x128xf32, #tpu.memory_space<hbm>>
    tpu.enqueue_indirect_dma source(%dma_start3A_44 : memref<10000x128xf32, #tpu.memory_space<hbm>>) target(%arg10 : memref<80x128xf32, #tpu.memory_space<vmem>>) offsets(%dma_start3A_41 : memref<80xi32, #tpu.memory_space<vmem>>) semaphore(%arg13 : memref<!tpu.dma_semaphore, #tpu.memory_space<semaphore_mem>>)
    %lt3A_45 = arith.constant 15 : i32
    %lt3A_46 = arith.cmpi slt, %arg1, %lt3A_45 : i32
    %convert_element_type3A_47 = arith.extui %lt3A_46 : i1 to i32
    %cond3A_48 = arith.constant 0 : i32
    %cond3A_49 = arith.cmpi ne, %convert_element_type3A_47, %cond3A_48 : i32
    scf.if %cond3A_49 {
      %dma_wait3A_127 = arith.constant 0 : i32
      %dma_wait3A_128 = tpu.memref_slice %arg11[%mul3A_2, %dma_wait3A_127] : memref<10000x128xf32, #tpu.memory_space<vmem_shared>> -> memref<640x128xf32, #tpu.memory_space<vmem_shared>>
      tpu.wait_dma2 semaphore(%arg14 : memref<!tpu.dma_semaphore, #tpu.memory_space<semaphore_mem>>) src(%arg5 : memref<640x128xf32, #tpu.memory_space<hbm>>) dst(%dma_wait3A_128 : memref<640x128xf32, #tpu.memory_space<vmem_shared>>)
    } else {
    }
    %eq3A_50 = arith.constant 15 : i32
    %eq3A_51 = arith.cmpi eq, %arg1, %eq3A_50 : i32
    %convert_element_type3A_52 = arith.extui %eq3A_51 : i1 to i32
    %cond3A_53 = arith.constant 0 : i32
    %cond3A_54 = arith.cmpi ne, %convert_element_type3A_52, %cond3A_53 : i32
    scf.if %cond3A_54 {
      %dma_wait3A_127 = arith.constant 9600 : i32
      %dma_wait3A_128 = arith.constant 0 : i32
      %dma_wait3A_129 = tpu.memref_slice %arg11[%dma_wait3A_127, %dma_wait3A_128] : memref<10000x128xf32, #tpu.memory_space<vmem_shared>> -> memref<400x128xf32, #tpu.memory_space<vmem_shared>>
      %dma_wait3A_130 = arith.constant 0 : i32
      %dma_wait3A_131 = arith.constant 0 : i32
      %dma_wait3A_132 = tpu.memref_slice %arg5[%dma_wait3A_130, %dma_wait3A_131] : memref<640x128xf32, #tpu.memory_space<hbm>> -> memref<400x128xf32, #tpu.memory_space<hbm>>
      tpu.wait_dma2 semaphore(%arg14 : memref<!tpu.dma_semaphore, #tpu.memory_space<semaphore_mem>>) src(%dma_wait3A_132 : memref<400x128xf32, #tpu.memory_space<hbm>>) dst(%dma_wait3A_129 : memref<400x128xf32, #tpu.memory_space<vmem_shared>>)
    } else {
    }
    %barrier3A = arith.constant 0 : index
    tpu.barrier barrier_id(%barrier3A)
    %scan3A = arith.constant 0 : i32
    %scan3A_55 = arith.constant 0 : i32
    %scan3A_56 = arith.constant 61 : i32
    %scan3A_57 = arith.addi %scan3A_55, %scan3A_56 : i32
    %scan3A_58 = arith.constant 1 : i32
    scf.for %scan3A_127 = %scan3A_55 to %scan3A_57 step %scan3A_58  : i32 {
      %mul3A_128 = arith.constant 2 : i32
      %mul3A_129 = arith.muli %mul3A_128, %scan3A_127 : i32
      %dma_wait3A_130 = arith.constant 0 : i32
      %dma_wait3A_131 = tpu.memref_slice %arg7[%dma_wait3A_130] : memref<10000xi32, #tpu.memory_space<vmem>> -> memref<80xi32, #tpu.memory_space<vmem>>
      %dma_wait3A_132 = arith.constant 0 : i32
      %dma_wait3A_133 = arith.constant 0 : i32
      %dma_wait3A_134 = tpu.memref_slice %arg2[%dma_wait3A_132, %dma_wait3A_133] : memref<10000x128xf32, #tpu.memory_space<hbm>> -> memref<10000x128xf32, #tpu.memory_space<hbm>>
      tpu.wait_indirect_dma semaphore(%arg12 : memref<!tpu.dma_semaphore, #tpu.memory_space<semaphore_mem>>) src(%dma_wait3A_134 : memref<10000x128xf32, #tpu.memory_space<hbm>>) dst(%arg9 : memref<80x128xf32, #tpu.memory_space<vmem>>)
      %dma_start3A_135 = arith.constant 0 : i32
      %dma_start3A_136 = tpu.memref_slice %arg8[%mul3A_129, %dma_start3A_135] : memref<125x80xi32, #tpu.memory_space<vmem>> -> memref<1x80xi32, #tpu.memory_space<vmem>>
      %dma_start3A_137 = tpu.memref_squeeze %dma_start3A_136 : memref<1x80xi32, #tpu.memory_space<vmem>> -> memref<80xi32, #tpu.memory_space<vmem>>
      %dma_start3A_138 = arith.constant 0 : i32
      %dma_start3A_139 = arith.constant 0 : i32
      %dma_start3A_140 = tpu.memref_slice %arg11[%dma_start3A_138, %dma_start3A_139] : memref<10000x128xf32, #tpu.memory_space<vmem_shared>> -> memref<10000x128xf32, #tpu.memory_space<vmem_shared>>
      tpu.enqueue_indirect_dma source(%arg9 : memref<80x128xf32, #tpu.memory_space<vmem>>) target(%dma_start3A_140 : memref<10000x128xf32, #tpu.memory_space<vmem_shared>>) offsets(%dma_start3A_137 : memref<80xi32, #tpu.memory_space<vmem>>) semaphore(%arg14 : memref<!tpu.dma_semaphore, #tpu.memory_space<semaphore_mem>>) {add = true}
      %dma_wait3A_141 = arith.constant 0 : i32
      %dma_wait3A_142 = tpu.memref_slice %arg7[%dma_wait3A_141] : memref<10000xi32, #tpu.memory_space<vmem>> -> memref<80xi32, #tpu.memory_space<vmem>>
      %dma_wait3A_143 = arith.constant 0 : i32
      %dma_wait3A_144 = arith.constant 0 : i32
      %dma_wait3A_145 = tpu.memref_slice %arg2[%dma_wait3A_143, %dma_wait3A_144] : memref<10000x128xf32, #tpu.memory_space<hbm>> -> memref<10000x128xf32, #tpu.memory_space<hbm>>
      tpu.wait_indirect_dma semaphore(%arg14 : memref<!tpu.dma_semaphore, #tpu.memory_space<semaphore_mem>>) src(%dma_wait3A_145 : memref<10000x128xf32, #tpu.memory_space<hbm>>) dst(%arg9 : memref<80x128xf32, #tpu.memory_space<vmem>>)
      %add3A_146 = arith.constant 2 : i32
      %add3A_147 = arith.addi %mul3A_129, %add3A_146 : i32
      %mul3A_148 = arith.constant 80 : i32
      %mul3A_149 = arith.muli %add3A_147, %mul3A_148 : i32
      %dma_start3A_150 = tpu.memref_slice %arg7[%mul3A_149] : memref<10000xi32, #tpu.memory_space<vmem>> -> memref<80xi32, #tpu.memory_space<vmem>>
      %dma_start3A_151 = arith.constant 0 : i32
      %dma_start3A_152 = arith.constant 0 : i32
      %dma_start3A_153 = tpu.memref_slice %arg2[%dma_start3A_151, %dma_start3A_152] : memref<10000x128xf32, #tpu.memory_space<hbm>> -> memref<10000x128xf32, #tpu.memory_space<hbm>>
      tpu.enqueue_indirect_dma source(%dma_start3A_153 : memref<10000x128xf32, #tpu.memory_space<hbm>>) target(%arg9 : memref<80x128xf32, #tpu.memory_space<vmem>>) offsets(%dma_start3A_150 : memref<80xi32, #tpu.memory_space<vmem>>) semaphore(%arg12 : memref<!tpu.dma_semaphore, #tpu.memory_space<semaphore_mem>>)
      %dma_wait3A_154 = arith.constant 0 : i32
      %dma_wait3A_155 = tpu.memref_slice %arg7[%dma_wait3A_154] : memref<10000xi32, #tpu.memory_space<vmem>> -> memref<80xi32, #tpu.memory_space<vmem>>
      %dma_wait3A_156 = arith.constant 0 : i32
      %dma_wait3A_157 = arith.constant 0 : i32
      %dma_wait3A_158 = tpu.memref_slice %arg2[%dma_wait3A_156, %dma_wait3A_157] : memref<10000x128xf32, #tpu.memory_space<hbm>> -> memref<10000x128xf32, #tpu.memory_space<hbm>>
      tpu.wait_indirect_dma semaphore(%arg13 : memref<!tpu.dma_semaphore, #tpu.memory_space<semaphore_mem>>) src(%dma_wait3A_158 : memref<10000x128xf32, #tpu.memory_space<hbm>>) dst(%arg10 : memref<80x128xf32, #tpu.memory_space<vmem>>)
      %add3A_159 = arith.constant 1 : i32
      %add3A_160 = arith.addi %mul3A_129, %add3A_159 : i32
      %dma_start3A_161 = arith.constant 0 : i32
      %dma_start3A_162 = tpu.memref_slice %arg8[%add3A_160, %dma_start3A_161] : memref<125x80xi32, #tpu.memory_space<vmem>> -> memref<1x80xi32, #tpu.memory_space<vmem>>
      %dma_start3A_163 = tpu.memref_squeeze %dma_start3A_162 : memref<1x80xi32, #tpu.memory_space<vmem>> -> memref<80xi32, #tpu.memory_space<vmem>>
      %dma_start3A_164 = arith.constant 0 : i32
      %dma_start3A_165 = arith.constant 0 : i32
      %dma_start3A_166 = tpu.memref_slice %arg11[%dma_start3A_164, %dma_start3A_165] : memref<10000x128xf32, #tpu.memory_space<vmem_shared>> -> memref<10000x128xf32, #tpu.memory_space<vmem_shared>>
      tpu.enqueue_indirect_dma source(%arg10 : memref<80x128xf32, #tpu.memory_space<vmem>>) target(%dma_start3A_166 : memref<10000x128xf32, #tpu.memory_space<vmem_shared>>) offsets(%dma_start3A_163 : memref<80xi32, #tpu.memory_space<vmem>>) semaphore(%arg15 : memref<!tpu.dma_semaphore, #tpu.memory_space<semaphore_mem>>) {add = true}
      %dma_wait3A_167 = arith.constant 0 : i32
      %dma_wait3A_168 = tpu.memref_slice %arg7[%dma_wait3A_167] : memref<10000xi32, #tpu.memory_space<vmem>> -> memref<80xi32, #tpu.memory_space<vmem>>
      %dma_wait3A_169 = arith.constant 0 : i32
      %dma_wait3A_170 = arith.constant 0 : i32
      %dma_wait3A_171 = tpu.memref_slice %arg2[%dma_wait3A_169, %dma_wait3A_170] : memref<10000x128xf32, #tpu.memory_space<hbm>> -> memref<10000x128xf32, #tpu.memory_space<hbm>>
      tpu.wait_indirect_dma semaphore(%arg15 : memref<!tpu.dma_semaphore, #tpu.memory_space<semaphore_mem>>) src(%dma_wait3A_171 : memref<10000x128xf32, #tpu.memory_space<hbm>>) dst(%arg10 : memref<80x128xf32, #tpu.memory_space<vmem>>)
      %add3A_172 = arith.constant 3 : i32
      %add3A_173 = arith.addi %mul3A_129, %add3A_172 : i32
      %mul3A_174 = arith.constant 80 : i32
      %mul3A_175 = arith.muli %add3A_173, %mul3A_174 : i32
      %dma_start3A_176 = tpu.memref_slice %arg7[%mul3A_175] : memref<10000xi32, #tpu.memory_space<vmem>> -> memref<80xi32, #tpu.memory_space<vmem>>
      %dma_start3A_177 = arith.constant 0 : i32
      %dma_start3A_178 = arith.constant 0 : i32
      %dma_start3A_179 = tpu.memref_slice %arg2[%dma_start3A_177, %dma_start3A_178] : memref<10000x128xf32, #tpu.memory_space<hbm>> -> memref<10000x128xf32, #tpu.memory_space<hbm>>
      tpu.enqueue_indirect_dma source(%dma_start3A_179 : memref<10000x128xf32, #tpu.memory_space<hbm>>) target(%arg10 : memref<80x128xf32, #tpu.memory_space<vmem>>) offsets(%dma_start3A_176 : memref<80xi32, #tpu.memory_space<vmem>>) semaphore(%arg13 : memref<!tpu.dma_semaphore, #tpu.memory_space<semaphore_mem>>)
    }
    %scan3A_59 = arith.constant 61 : i32
    %dma_wait3A_60 = arith.constant 0 : i32
    %dma_wait3A_61 = tpu.memref_slice %arg7[%dma_wait3A_60] : memref<10000xi32, #tpu.memory_space<vmem>> -> memref<80xi32, #tpu.memory_space<vmem>>
    %dma_wait3A_62 = arith.constant 0 : i32
    %dma_wait3A_63 = arith.constant 0 : i32
    %dma_wait3A_64 = tpu.memref_slice %arg2[%dma_wait3A_62, %dma_wait3A_63] : memref<10000x128xf32, #tpu.memory_space<hbm>> -> memref<10000x128xf32, #tpu.memory_space<hbm>>
    tpu.wait_indirect_dma semaphore(%arg12 : memref<!tpu.dma_semaphore, #tpu.memory_space<semaphore_mem>>) src(%dma_wait3A_64 : memref<10000x128xf32, #tpu.memory_space<hbm>>) dst(%arg9 : memref<80x128xf32, #tpu.memory_space<vmem>>)
    %dma_start3A_65 = arith.constant 122 : i32
    %dma_start3A_66 = arith.constant 0 : i32
    %dma_start3A_67 = tpu.memref_slice %arg8[%dma_start3A_65, %dma_start3A_66] : memref<125x80xi32, #tpu.memory_space<vmem>> -> memref<1x80xi32, #tpu.memory_space<vmem>>
    %dma_start3A_68 = tpu.memref_squeeze %dma_start3A_67 : memref<1x80xi32, #tpu.memory_space<vmem>> -> memref<80xi32, #tpu.memory_space<vmem>>
    %dma_start3A_69 = arith.constant 0 : i32
    %dma_start3A_70 = arith.constant 0 : i32
    %dma_start3A_71 = tpu.memref_slice %arg11[%dma_start3A_69, %dma_start3A_70] : memref<10000x128xf32, #tpu.memory_space<vmem_shared>> -> memref<10000x128xf32, #tpu.memory_space<vmem_shared>>
    tpu.enqueue_indirect_dma source(%arg9 : memref<80x128xf32, #tpu.memory_space<vmem>>) target(%dma_start3A_71 : memref<10000x128xf32, #tpu.memory_space<vmem_shared>>) offsets(%dma_start3A_68 : memref<80xi32, #tpu.memory_space<vmem>>) semaphore(%arg14 : memref<!tpu.dma_semaphore, #tpu.memory_space<semaphore_mem>>) {add = true}
    %dma_wait3A_72 = arith.constant 0 : i32
    %dma_wait3A_73 = tpu.memref_slice %arg7[%dma_wait3A_72] : memref<10000xi32, #tpu.memory_space<vmem>> -> memref<80xi32, #tpu.memory_space<vmem>>
    %dma_wait3A_74 = arith.constant 0 : i32
    %dma_wait3A_75 = arith.constant 0 : i32
    %dma_wait3A_76 = tpu.memref_slice %arg2[%dma_wait3A_74, %dma_wait3A_75] : memref<10000x128xf32, #tpu.memory_space<hbm>> -> memref<10000x128xf32, #tpu.memory_space<hbm>>
    tpu.wait_indirect_dma semaphore(%arg14 : memref<!tpu.dma_semaphore, #tpu.memory_space<semaphore_mem>>) src(%dma_wait3A_76 : memref<10000x128xf32, #tpu.memory_space<hbm>>) dst(%arg9 : memref<80x128xf32, #tpu.memory_space<vmem>>)
    %dma_start3A_77 = arith.constant 9920 : i32
    %dma_start3A_78 = tpu.memref_slice %arg7[%dma_start3A_77] : memref<10000xi32, #tpu.memory_space<vmem>> -> memref<80xi32, #tpu.memory_space<vmem>>
    %dma_start3A_79 = arith.constant 0 : i32
    %dma_start3A_80 = arith.constant 0 : i32
    %dma_start3A_81 = tpu.memref_slice %arg2[%dma_start3A_79, %dma_start3A_80] : memref<10000x128xf32, #tpu.memory_space<hbm>> -> memref<10000x128xf32, #tpu.memory_space<hbm>>
    tpu.enqueue_indirect_dma source(%dma_start3A_81 : memref<10000x128xf32, #tpu.memory_space<hbm>>) target(%arg9 : memref<80x128xf32, #tpu.memory_space<vmem>>) offsets(%dma_start3A_78 : memref<80xi32, #tpu.memory_space<vmem>>) semaphore(%arg12 : memref<!tpu.dma_semaphore, #tpu.memory_space<semaphore_mem>>)
    %dma_wait3A_82 = arith.constant 0 : i32
    %dma_wait3A_83 = tpu.memref_slice %arg7[%dma_wait3A_82] : memref<10000xi32, #tpu.memory_space<vmem>> -> memref<80xi32, #tpu.memory_space<vmem>>
    %dma_wait3A_84 = arith.constant 0 : i32
    %dma_wait3A_85 = arith.constant 0 : i32
    %dma_wait3A_86 = tpu.memref_slice %arg2[%dma_wait3A_84, %dma_wait3A_85] : memref<10000x128xf32, #tpu.memory_space<hbm>> -> memref<10000x128xf32, #tpu.memory_space<hbm>>
    tpu.wait_indirect_dma semaphore(%arg13 : memref<!tpu.dma_semaphore, #tpu.memory_space<semaphore_mem>>) src(%dma_wait3A_86 : memref<10000x128xf32, #tpu.memory_space<hbm>>) dst(%arg10 : memref<80x128xf32, #tpu.memory_space<vmem>>)
    %dma_start3A_87 = arith.constant 123 : i32
    %dma_start3A_88 = arith.constant 0 : i32
    %dma_start3A_89 = tpu.memref_slice %arg8[%dma_start3A_87, %dma_start3A_88] : memref<125x80xi32, #tpu.memory_space<vmem>> -> memref<1x80xi32, #tpu.memory_space<vmem>>
    %dma_start3A_90 = tpu.memref_squeeze %dma_start3A_89 : memref<1x80xi32, #tpu.memory_space<vmem>> -> memref<80xi32, #tpu.memory_space<vmem>>
    %dma_start3A_91 = arith.constant 0 : i32
    %dma_start3A_92 = arith.constant 0 : i32
    %dma_start3A_93 = tpu.memref_slice %arg11[%dma_start3A_91, %dma_start3A_92] : memref<10000x128xf32, #tpu.memory_space<vmem_shared>> -> memref<10000x128xf32, #tpu.memory_space<vmem_shared>>
    tpu.enqueue_indirect_dma source(%arg10 : memref<80x128xf32, #tpu.memory_space<vmem>>) target(%dma_start3A_93 : memref<10000x128xf32, #tpu.memory_space<vmem_shared>>) offsets(%dma_start3A_90 : memref<80xi32, #tpu.memory_space<vmem>>) semaphore(%arg15 : memref<!tpu.dma_semaphore, #tpu.memory_space<semaphore_mem>>) {add = true}
    %dma_wait3A_94 = arith.constant 0 : i32
    %dma_wait3A_95 = tpu.memref_slice %arg7[%dma_wait3A_94] : memref<10000xi32, #tpu.memory_space<vmem>> -> memref<80xi32, #tpu.memory_space<vmem>>
    %dma_wait3A_96 = arith.constant 0 : i32
    %dma_wait3A_97 = arith.constant 0 : i32
    %dma_wait3A_98 = tpu.memref_slice %arg2[%dma_wait3A_96, %dma_wait3A_97] : memref<10000x128xf32, #tpu.memory_space<hbm>> -> memref<10000x128xf32, #tpu.memory_space<hbm>>
    tpu.wait_indirect_dma semaphore(%arg12 : memref<!tpu.dma_semaphore, #tpu.memory_space<semaphore_mem>>) src(%dma_wait3A_98 : memref<10000x128xf32, #tpu.memory_space<hbm>>) dst(%arg9 : memref<80x128xf32, #tpu.memory_space<vmem>>)
    %dma_start3A_99 = arith.constant 124 : i32
    %dma_start3A_100 = arith.constant 0 : i32
    %dma_start3A_101 = tpu.memref_slice %arg8[%dma_start3A_99, %dma_start3A_100] : memref<125x80xi32, #tpu.memory_space<vmem>> -> memref<1x80xi32, #tpu.memory_space<vmem>>
    %dma_start3A_102 = tpu.memref_squeeze %dma_start3A_101 : memref<1x80xi32, #tpu.memory_space<vmem>> -> memref<80xi32, #tpu.memory_space<vmem>>
    %dma_start3A_103 = arith.constant 0 : i32
    %dma_start3A_104 = arith.constant 0 : i32
    %dma_start3A_105 = tpu.memref_slice %arg11[%dma_start3A_103, %dma_start3A_104] : memref<10000x128xf32, #tpu.memory_space<vmem_shared>> -> memref<10000x128xf32, #tpu.memory_space<vmem_shared>>
    tpu.enqueue_indirect_dma source(%arg9 : memref<80x128xf32, #tpu.memory_space<vmem>>) target(%dma_start3A_105 : memref<10000x128xf32, #tpu.memory_space<vmem_shared>>) offsets(%dma_start3A_102 : memref<80xi32, #tpu.memory_space<vmem>>) semaphore(%arg14 : memref<!tpu.dma_semaphore, #tpu.memory_space<semaphore_mem>>) {add = true}
    %dma_wait3A_106 = arith.constant 0 : i32
    %dma_wait3A_107 = tpu.memref_slice %arg7[%dma_wait3A_106] : memref<10000xi32, #tpu.memory_space<vmem>> -> memref<80xi32, #tpu.memory_space<vmem>>
    %dma_wait3A_108 = arith.constant 0 : i32
    %dma_wait3A_109 = arith.constant 0 : i32
    %dma_wait3A_110 = tpu.memref_slice %arg2[%dma_wait3A_108, %dma_wait3A_109] : memref<10000x128xf32, #tpu.memory_space<hbm>> -> memref<10000x128xf32, #tpu.memory_space<hbm>>
    tpu.wait_indirect_dma semaphore(%arg14 : memref<!tpu.dma_semaphore, #tpu.memory_space<semaphore_mem>>) src(%dma_wait3A_110 : memref<10000x128xf32, #tpu.memory_space<hbm>>) dst(%arg9 : memref<80x128xf32, #tpu.memory_space<vmem>>)
    %dma_wait3A_111 = arith.constant 0 : i32
    %dma_wait3A_112 = tpu.memref_slice %arg7[%dma_wait3A_111] : memref<10000xi32, #tpu.memory_space<vmem>> -> memref<80xi32, #tpu.memory_space<vmem>>
    %dma_wait3A_113 = arith.constant 0 : i32
    %dma_wait3A_114 = arith.constant 0 : i32
    %dma_wait3A_115 = tpu.memref_slice %arg2[%dma_wait3A_113, %dma_wait3A_114] : memref<10000x128xf32, #tpu.memory_space<hbm>> -> memref<10000x128xf32, #tpu.memory_space<hbm>>
    tpu.wait_indirect_dma semaphore(%arg15 : memref<!tpu.dma_semaphore, #tpu.memory_space<semaphore_mem>>) src(%dma_wait3A_115 : memref<10000x128xf32, #tpu.memory_space<hbm>>) dst(%arg10 : memref<80x128xf32, #tpu.memory_space<vmem>>)
    %barrier3A_116 = arith.constant 0 : index
    tpu.barrier barrier_id(%barrier3A_116)
    %lt3A_117 = arith.constant 15 : i32
    %lt3A_118 = arith.cmpi slt, %arg1, %lt3A_117 : i32
    %convert_element_type3A_119 = arith.extui %lt3A_118 : i1 to i32
    %cond3A_120 = arith.constant 0 : i32
    %cond3A_121 = arith.cmpi ne, %convert_element_type3A_119, %cond3A_120 : i32
    scf.if %cond3A_121 {
      "tpu.region"() ({
        %run_scoped3A = tpu.sem_alloc : memref<!tpu.dma_semaphore, #tpu.memory_space<semaphore_mem>>
        %dma_start3A_127 = arith.constant 0 : i32
        %dma_start3A_128 = tpu.memref_slice %arg6[%arg0, %mul3A_2, %dma_start3A_127] : memref<2x10000x128xf32, #tpu.memory_space<hbm>> -> memref<1x640x128xf32, #tpu.memory_space<hbm>>
        %dma_start3A_129 = tpu.memref_squeeze %dma_start3A_128 : memref<1x640x128xf32, #tpu.memory_space<hbm>> -> memref<640x128xf32, #tpu.memory_space<hbm>>
        %dma_start3A_130 = arith.constant 0 : i32
        %dma_start3A_131 = tpu.memref_slice %arg11[%mul3A_2, %dma_start3A_130] : memref<10000x128xf32, #tpu.memory_space<vmem_shared>> -> memref<640x128xf32, #tpu.memory_space<vmem_shared>>
        tpu.enqueue_dma source(%dma_start3A_131 : memref<640x128xf32, #tpu.memory_space<vmem_shared>>) target(%dma_start3A_129 : memref<640x128xf32, #tpu.memory_space<hbm>>) target_semaphore(%run_scoped3A : memref<!tpu.dma_semaphore, #tpu.memory_space<semaphore_mem>>)
        %dma_wait3A_132 = arith.constant 0 : i32
        %dma_wait3A_133 = tpu.memref_slice %arg6[%arg0, %mul3A_2, %dma_wait3A_132] : memref<2x10000x128xf32, #tpu.memory_space<hbm>> -> memref<1x640x128xf32, #tpu.memory_space<hbm>>
        %dma_wait3A_134 = tpu.memref_squeeze %dma_wait3A_133 : memref<1x640x128xf32, #tpu.memory_space<hbm>> -> memref<640x128xf32, #tpu.memory_space<hbm>>
        %dma_wait3A_135 = arith.constant 0 : i32
        %dma_wait3A_136 = tpu.memref_slice %arg11[%mul3A_2, %dma_wait3A_135] : memref<10000x128xf32, #tpu.memory_space<vmem_shared>> -> memref<640x128xf32, #tpu.memory_space<vmem_shared>>
        tpu.wait_dma2 semaphore(%run_scoped3A : memref<!tpu.dma_semaphore, #tpu.memory_space<semaphore_mem>>) src(%dma_wait3A_136 : memref<640x128xf32, #tpu.memory_space<vmem_shared>>) dst(%dma_wait3A_134 : memref<640x128xf32, #tpu.memory_space<hbm>>)
        tpu.yield
      }) : () -> ()
    } else {
    }
    %eq3A_122 = arith.constant 15 : i32
    %eq3A_123 = arith.cmpi eq, %arg1, %eq3A_122 : i32
    %convert_element_type3A_124 = arith.extui %eq3A_123 : i1 to i32
    %cond3A_125 = arith.constant 0 : i32
    %cond3A_126 = arith.cmpi ne, %convert_element_type3A_124, %cond3A_125 : i32
    scf.if %cond3A_126 {
      "tpu.region"() ({
        %run_scoped3A = tpu.sem_alloc : memref<!tpu.dma_semaphore, #tpu.memory_space<semaphore_mem>>
        %dma_start3A_127 = arith.constant 9600 : i32
        %dma_start3A_128 = arith.constant 0 : i32
        %dma_start3A_129 = tpu.memref_slice %arg6[%arg0, %dma_start3A_127, %dma_start3A_128] : memref<2x10000x128xf32, #tpu.memory_space<hbm>> -> memref<1x400x128xf32, #tpu.memory_space<hbm>>
        %dma_start3A_130 = tpu.memref_squeeze %dma_start3A_129 : memref<1x400x128xf32, #tpu.memory_space<hbm>> -> memref<400x128xf32, #tpu.memory_space<hbm>>
        %dma_start3A_131 = arith.constant 9600 : i32
        %dma_start3A_132 = arith.constant 0 : i32
        %dma_start3A_133 = tpu.memref_slice %arg11[%dma_start3A_131, %dma_start3A_132] : memref<10000x128xf32, #tpu.memory_space<vmem_shared>> -> memref<400x128xf32, #tpu.memory_space<vmem_shared>>
        tpu.enqueue_dma source(%dma_start3A_133 : memref<400x128xf32, #tpu.memory_space<vmem_shared>>) target(%dma_start3A_130 : memref<400x128xf32, #tpu.memory_space<hbm>>) target_semaphore(%run_scoped3A : memref<!tpu.dma_semaphore, #tpu.memory_space<semaphore_mem>>)
        %dma_wait3A_134 = arith.constant 9600 : i32
        %dma_wait3A_135 = arith.constant 0 : i32
        %dma_wait3A_136 = tpu.memref_slice %arg6[%arg0, %dma_wait3A_134, %dma_wait3A_135] : memref<2x10000x128xf32, #tpu.memory_space<hbm>> -> memref<1x400x128xf32, #tpu.memory_space<hbm>>
        %dma_wait3A_137 = tpu.memref_squeeze %dma_wait3A_136 : memref<1x400x128xf32, #tpu.memory_space<hbm>> -> memref<400x128xf32, #tpu.memory_space<hbm>>
        %dma_wait3A_138 = arith.constant 9600 : i32
        %dma_wait3A_139 = arith.constant 0 : i32
        %dma_wait3A_140 = tpu.memref_slice %arg11[%dma_wait3A_138, %dma_wait3A_139] : memref<10000x128xf32, #tpu.memory_space<vmem_shared>> -> memref<400x128xf32, #tpu.memory_space<vmem_shared>>
        tpu.wait_dma2 semaphore(%run_scoped3A : memref<!tpu.dma_semaphore, #tpu.memory_space<semaphore_mem>>) src(%dma_wait3A_140 : memref<400x128xf32, #tpu.memory_space<vmem_shared>>) dst(%dma_wait3A_137 : memref<400x128xf32, #tpu.memory_space<hbm>>)
        tpu.yield
      }) : () -> ()
    } else {
    }
    return
  }
}

#map = affine_map<(d0, d1) -> (0, 0)>
#map1 = affine_map<(d0, d1) -> (0, 0, 0)>
module attributes {stable_mosaic.version = 14 : i64} {
  func.func @_seg_body(%arg0: i32, %arg1: i32, %arg2: memref<10000x128xf32, #tpu.memory_space<hbm>>, %arg3: memref<32x10000xi32, #tpu.memory_space<hbm>>, %arg4: memref<32x125x80xi32, #tpu.memory_space<hbm>>, %arg5: memref<640x128xf32, #tpu.memory_space<hbm>>, %arg6: memref<2x10000x128xf32, #tpu.memory_space<hbm>>, %arg7: memref<10000xi32, #tpu.memory_space<vmem>>, %arg8: memref<125x80xi32, #tpu.memory_space<vmem>>, %arg9: memref<80x128xf32, #tpu.memory_space<vmem>>, %arg10: memref<80x128xf32, #tpu.memory_space<vmem>>, %arg11: memref<10000x128xf32, #tpu.memory_space<vmem_shared>>, %arg12: memref<!tpu.dma_semaphore, #tpu.memory_space<semaphore_mem>>, %arg13: memref<!tpu.dma_semaphore, #tpu.memory_space<semaphore_mem>>, %arg14: memref<!tpu.dma_semaphore, #tpu.memory_space<semaphore_mem>>, %arg15: memref<!tpu.dma_semaphore, #tpu.memory_space<semaphore_mem>>) attributes {dimension_semantics = [#tpu.dimension_semantics<core_parallel>, #tpu.dimension_semantics<subcore_parallel>], iteration_bounds = array<i64: 2, 16>, scalar_prefetch = 0 : i64, scratch_operands = 9 : i64, tpu.core_type = #tpu.core_type<sc_vector_subcore>, window_params = [{transform_indices = #map}, {transform_indices = #map}, {transform_indices = #map1}, {transform_indices = #map}, {transform_indices = #map1}]} {
    %mul3A = arith.constant 2 : i32
    %mul3A_0 = arith.muli %arg1, %mul3A : i32
    %add3A = arith.addi %mul3A_0, %arg0 : i32
    %mul3A_1 = arith.constant 640 : i32
    %mul3A_2 = arith.muli %arg1, %mul3A_1 : i32
    %dma_start3A = arith.constant 0 : i32
    %dma_start3A_3 = tpu.memref_slice %arg3[%add3A, %dma_start3A] : memref<32x10000xi32, #tpu.memory_space<hbm>> -> memref<1x10000xi32, #tpu.memory_space<hbm>>
    %dma_start3A_4 = tpu.memref_squeeze %dma_start3A_3 : memref<1x10000xi32, #tpu.memory_space<hbm>> -> memref<10000xi32, #tpu.memory_space<hbm>>
    %dma_start3A_5 = arith.constant 0 : i32
    %dma_start3A_6 = tpu.memref_slice %arg3[%add3A, %dma_start3A_5] : memref<32x10000xi32, #tpu.memory_space<hbm>> -> memref<1x10000xi32, #tpu.memory_space<hbm>>
    %dma_start3A_7 = tpu.memref_squeeze %dma_start3A_6 : memref<1x10000xi32, #tpu.memory_space<hbm>> -> memref<10000xi32, #tpu.memory_space<hbm>>
    tpu.enqueue_dma source(%dma_start3A_7 : memref<10000xi32, #tpu.memory_space<hbm>>) target(%arg7 : memref<10000xi32, #tpu.memory_space<vmem>>) target_semaphore(%arg12 : memref<!tpu.dma_semaphore, #tpu.memory_space<semaphore_mem>>)
    %dma_start3A_8 = arith.constant 0 : i32
    %dma_start3A_9 = arith.constant 0 : i32
    %dma_start3A_10 = tpu.memref_slice %arg4[%add3A, %dma_start3A_8, %dma_start3A_9] : memref<32x125x80xi32, #tpu.memory_space<hbm>> -> memref<1x125x80xi32, #tpu.memory_space<hbm>>
    %dma_start3A_11 = tpu.memref_squeeze %dma_start3A_10 : memref<1x125x80xi32, #tpu.memory_space<hbm>> -> memref<125x80xi32, #tpu.memory_space<hbm>>
    %dma_start3A_12 = arith.constant 0 : i32
    %dma_start3A_13 = arith.constant 0 : i32
    %dma_start3A_14 = tpu.memref_slice %arg4[%add3A, %dma_start3A_12, %dma_start3A_13] : memref<32x125x80xi32, #tpu.memory_space<hbm>> -> memref<1x125x80xi32, #tpu.memory_space<hbm>>
    %dma_start3A_15 = tpu.memref_squeeze %dma_start3A_14 : memref<1x125x80xi32, #tpu.memory_space<hbm>> -> memref<125x80xi32, #tpu.memory_space<hbm>>
    tpu.enqueue_dma source(%dma_start3A_15 : memref<125x80xi32, #tpu.memory_space<hbm>>) target(%arg8 : memref<125x80xi32, #tpu.memory_space<vmem>>) target_semaphore(%arg13 : memref<!tpu.dma_semaphore, #tpu.memory_space<semaphore_mem>>)
    %lt3A = arith.constant 15 : i32
    %lt3A_16 = arith.cmpi slt, %arg1, %lt3A : i32
    %convert_element_type3A = arith.extui %lt3A_16 : i1 to i32
    %cond3A = arith.constant 0 : i32
    %cond3A_17 = arith.cmpi ne, %convert_element_type3A, %cond3A : i32
    scf.if %cond3A_17 {
      %dma_start3A_127 = arith.constant 0 : i32
      %dma_start3A_128 = tpu.memref_slice %arg11[%mul3A_2, %dma_start3A_127] : memref<10000x128xf32, #tpu.memory_space<vmem_shared>> -> memref<640x128xf32, #tpu.memory_space<vmem_shared>>
      tpu.enqueue_dma source(%arg5 : memref<640x128xf32, #tpu.memory_space<hbm>>) target(%dma_start3A_128 : memref<640x128xf32, #tpu.memory_space<vmem_shared>>) target_semaphore(%arg14 : memref<!tpu.dma_semaphore, #tpu.memory_space<semaphore_mem>>)
    } else {
    }
    %eq3A = arith.constant 15 : i32
    %eq3A_18 = arith.cmpi eq, %arg1, %eq3A : i32
    %convert_element_type3A_19 = arith.extui %eq3A_18 : i1 to i32
    %cond3A_20 = arith.constant 0 : i32
    %cond3A_21 = arith.cmpi ne, %convert_element_type3A_19, %cond3A_20 : i32
    scf.if %cond3A_21 {
      %dma_start3A_127 = arith.constant 9600 : i32
      %dma_start3A_128 = arith.constant 0 : i32
      %dma_start3A_129 = tpu.memref_slice %arg11[%dma_start3A_127, %dma_start3A_128] : memref<10000x128xf32, #tpu.memory_space<vmem_shared>> -> memref<400x128xf32, #tpu.memory_space<vmem_shared>>
      %dma_start3A_130 = arith.constant 0 : i32
      %dma_start3A_131 = arith.constant 0 : i32
      %dma_start3A_132 = tpu.memref_slice %arg5[%dma_start3A_130, %dma_start3A_131] : memref<640x128xf32, #tpu.memory_space<hbm>> -> memref<400x128xf32, #tpu.memory_space<hbm>>
      tpu.enqueue_dma source(%dma_start3A_132 : memref<400x128xf32, #tpu.memory_space<hbm>>) target(%dma_start3A_129 : memref<400x128xf32, #tpu.memory_space<vmem_shared>>) target_semaphore(%arg14 : memref<!tpu.dma_semaphore, #tpu.memory_space<semaphore_mem>>)
    } else {
    }
    %dma_wait3A = arith.constant 0 : i32
    %dma_wait3A_22 = tpu.memref_slice %arg3[%add3A, %dma_wait3A] : memref<32x10000xi32, #tpu.memory_space<hbm>> -> memref<1x10000xi32, #tpu.memory_space<hbm>>
    %dma_wait3A_23 = tpu.memref_squeeze %dma_wait3A_22 : memref<1x10000xi32, #tpu.memory_space<hbm>> -> memref<10000xi32, #tpu.memory_space<hbm>>
    %dma_wait3A_24 = arith.constant 0 : i32
    %dma_wait3A_25 = tpu.memref_slice %arg3[%add3A, %dma_wait3A_24] : memref<32x10000xi32, #tpu.memory_space<hbm>> -> memref<1x10000xi32, #tpu.memory_space<hbm>>
    %dma_wait3A_26 = tpu.memref_squeeze %dma_wait3A_25 : memref<1x10000xi32, #tpu.memory_space<hbm>> -> memref<10000xi32, #tpu.memory_space<hbm>>
    tpu.wait_dma2 semaphore(%arg12 : memref<!tpu.dma_semaphore, #tpu.memory_space<semaphore_mem>>) src(%dma_wait3A_26 : memref<10000xi32, #tpu.memory_space<hbm>>) dst(%arg7 : memref<10000xi32, #tpu.memory_space<vmem>>)
    %dma_wait3A_27 = arith.constant 0 : i32
    %dma_wait3A_28 = arith.constant 0 : i32
    %dma_wait3A_29 = tpu.memref_slice %arg4[%add3A, %dma_wait3A_27, %dma_wait3A_28] : memref<32x125x80xi32, #tpu.memory_space<hbm>> -> memref<1x125x80xi32, #tpu.memory_space<hbm>>
    %dma_wait3A_30 = tpu.memref_squeeze %dma_wait3A_29 : memref<1x125x80xi32, #tpu.memory_space<hbm>> -> memref<125x80xi32, #tpu.memory_space<hbm>>
    %dma_wait3A_31 = arith.constant 0 : i32
    %dma_wait3A_32 = arith.constant 0 : i32
    %dma_wait3A_33 = tpu.memref_slice %arg4[%add3A, %dma_wait3A_31, %dma_wait3A_32] : memref<32x125x80xi32, #tpu.memory_space<hbm>> -> memref<1x125x80xi32, #tpu.memory_space<hbm>>
    %dma_wait3A_34 = tpu.memref_squeeze %dma_wait3A_33 : memref<1x125x80xi32, #tpu.memory_space<hbm>> -> memref<125x80xi32, #tpu.memory_space<hbm>>
    tpu.wait_dma2 semaphore(%arg13 : memref<!tpu.dma_semaphore, #tpu.memory_space<semaphore_mem>>) src(%dma_wait3A_34 : memref<125x80xi32, #tpu.memory_space<hbm>>) dst(%arg8 : memref<125x80xi32, #tpu.memory_space<vmem>>)
    %dma_start3A_35 = arith.constant 0 : i32
    %dma_start3A_36 = tpu.memref_slice %arg7[%dma_start3A_35] : memref<10000xi32, #tpu.memory_space<vmem>> -> memref<80xi32, #tpu.memory_space<vmem>>
    %dma_start3A_37 = arith.constant 0 : i32
    %dma_start3A_38 = arith.constant 0 : i32
    %dma_start3A_39 = tpu.memref_slice %arg2[%dma_start3A_37, %dma_start3A_38] : memref<10000x128xf32, #tpu.memory_space<hbm>> -> memref<10000x128xf32, #tpu.memory_space<hbm>>
    tpu.enqueue_indirect_dma source(%dma_start3A_39 : memref<10000x128xf32, #tpu.memory_space<hbm>>) target(%arg9 : memref<80x128xf32, #tpu.memory_space<vmem>>) offsets(%dma_start3A_36 : memref<80xi32, #tpu.memory_space<vmem>>) semaphore(%arg12 : memref<!tpu.dma_semaphore, #tpu.memory_space<semaphore_mem>>)
    %dma_start3A_40 = arith.constant 80 : i32
    %dma_start3A_41 = tpu.memref_slice %arg7[%dma_start3A_40] : memref<10000xi32, #tpu.memory_space<vmem>> -> memref<80xi32, #tpu.memory_space<vmem>>
    %dma_start3A_42 = arith.constant 0 : i32
    %dma_start3A_43 = arith.constant 0 : i32
    %dma_start3A_44 = tpu.memref_slice %arg2[%dma_start3A_42, %dma_start3A_43] : memref<10000x128xf32, #tpu.memory_space<hbm>> -> memref<10000x128xf32, #tpu.memory_space<hbm>>
    tpu.enqueue_indirect_dma source(%dma_start3A_44 : memref<10000x128xf32, #tpu.memory_space<hbm>>) target(%arg10 : memref<80x128xf32, #tpu.memory_space<vmem>>) offsets(%dma_start3A_41 : memref<80xi32, #tpu.memory_space<vmem>>) semaphore(%arg13 : memref<!tpu.dma_semaphore, #tpu.memory_space<semaphore_mem>>)
    %lt3A_45 = arith.constant 15 : i32
    %lt3A_46 = arith.cmpi slt, %arg1, %lt3A_45 : i32
    %convert_element_type3A_47 = arith.extui %lt3A_46 : i1 to i32
    %cond3A_48 = arith.constant 0 : i32
    %cond3A_49 = arith.cmpi ne, %convert_element_type3A_47, %cond3A_48 : i32
    scf.if %cond3A_49 {
      %dma_wait3A_127 = arith.constant 0 : i32
      %dma_wait3A_128 = tpu.memref_slice %arg11[%mul3A_2, %dma_wait3A_127] : memref<10000x128xf32, #tpu.memory_space<vmem_shared>> -> memref<640x128xf32, #tpu.memory_space<vmem_shared>>
      tpu.wait_dma2 semaphore(%arg14 : memref<!tpu.dma_semaphore, #tpu.memory_space<semaphore_mem>>) src(%arg5 : memref<640x128xf32, #tpu.memory_space<hbm>>) dst(%dma_wait3A_128 : memref<640x128xf32, #tpu.memory_space<vmem_shared>>)
    } else {
    }
    %eq3A_50 = arith.constant 15 : i32
    %eq3A_51 = arith.cmpi eq, %arg1, %eq3A_50 : i32
    %convert_element_type3A_52 = arith.extui %eq3A_51 : i1 to i32
    %cond3A_53 = arith.constant 0 : i32
    %cond3A_54 = arith.cmpi ne, %convert_element_type3A_52, %cond3A_53 : i32
    scf.if %cond3A_54 {
      %dma_wait3A_127 = arith.constant 9600 : i32
      %dma_wait3A_128 = arith.constant 0 : i32
      %dma_wait3A_129 = tpu.memref_slice %arg11[%dma_wait3A_127, %dma_wait3A_128] : memref<10000x128xf32, #tpu.memory_space<vmem_shared>> -> memref<400x128xf32, #tpu.memory_space<vmem_shared>>
      %dma_wait3A_130 = arith.constant 0 : i32
      %dma_wait3A_131 = arith.constant 0 : i32
      %dma_wait3A_132 = tpu.memref_slice %arg5[%dma_wait3A_130, %dma_wait3A_131] : memref<640x128xf32, #tpu.memory_space<hbm>> -> memref<400x128xf32, #tpu.memory_space<hbm>>
      tpu.wait_dma2 semaphore(%arg14 : memref<!tpu.dma_semaphore, #tpu.memory_space<semaphore_mem>>) src(%dma_wait3A_132 : memref<400x128xf32, #tpu.memory_space<hbm>>) dst(%dma_wait3A_129 : memref<400x128xf32, #tpu.memory_space<vmem_shared>>)
    } else {
    }
    %barrier3A = arith.constant 0 : index
    tpu.barrier barrier_id(%barrier3A)
    %scan3A = arith.constant 0 : i32
    %scan3A_55 = arith.constant 0 : i32
    %scan3A_56 = arith.constant 61 : i32
    %scan3A_57 = arith.addi %scan3A_55, %scan3A_56 : i32
    %scan3A_58 = arith.constant 1 : i32
    scf.for %scan3A_127 = %scan3A_55 to %scan3A_57 step %scan3A_58  : i32 {
      %mul3A_128 = arith.constant 2 : i32
      %mul3A_129 = arith.muli %mul3A_128, %scan3A_127 : i32
      %dma_wait3A_130 = arith.constant 0 : i32
      %dma_wait3A_131 = tpu.memref_slice %arg7[%dma_wait3A_130] : memref<10000xi32, #tpu.memory_space<vmem>> -> memref<80xi32, #tpu.memory_space<vmem>>
      %dma_wait3A_132 = arith.constant 0 : i32
      %dma_wait3A_133 = arith.constant 0 : i32
      %dma_wait3A_134 = tpu.memref_slice %arg2[%dma_wait3A_132, %dma_wait3A_133] : memref<10000x128xf32, #tpu.memory_space<hbm>> -> memref<10000x128xf32, #tpu.memory_space<hbm>>
      tpu.wait_indirect_dma semaphore(%arg12 : memref<!tpu.dma_semaphore, #tpu.memory_space<semaphore_mem>>) src(%dma_wait3A_134 : memref<10000x128xf32, #tpu.memory_space<hbm>>) dst(%arg9 : memref<80x128xf32, #tpu.memory_space<vmem>>)
      %dma_start3A_135 = arith.constant 0 : i32
      %dma_start3A_136 = tpu.memref_slice %arg8[%mul3A_129, %dma_start3A_135] : memref<125x80xi32, #tpu.memory_space<vmem>> -> memref<1x80xi32, #tpu.memory_space<vmem>>
      %dma_start3A_137 = tpu.memref_squeeze %dma_start3A_136 : memref<1x80xi32, #tpu.memory_space<vmem>> -> memref<80xi32, #tpu.memory_space<vmem>>
      %dma_start3A_138 = arith.constant 0 : i32
      %dma_start3A_139 = arith.constant 0 : i32
      %dma_start3A_140 = tpu.memref_slice %arg11[%dma_start3A_138, %dma_start3A_139] : memref<10000x128xf32, #tpu.memory_space<vmem_shared>> -> memref<10000x128xf32, #tpu.memory_space<vmem_shared>>
      tpu.enqueue_indirect_dma source(%arg9 : memref<80x128xf32, #tpu.memory_space<vmem>>) target(%dma_start3A_140 : memref<10000x128xf32, #tpu.memory_space<vmem_shared>>) offsets(%dma_start3A_137 : memref<80xi32, #tpu.memory_space<vmem>>) semaphore(%arg14 : memref<!tpu.dma_semaphore, #tpu.memory_space<semaphore_mem>>) {add = true}
      %dma_wait3A_141 = arith.constant 0 : i32
      %dma_wait3A_142 = tpu.memref_slice %arg7[%dma_wait3A_141] : memref<10000xi32, #tpu.memory_space<vmem>> -> memref<80xi32, #tpu.memory_space<vmem>>
      %dma_wait3A_143 = arith.constant 0 : i32
      %dma_wait3A_144 = arith.constant 0 : i32
      %dma_wait3A_145 = tpu.memref_slice %arg2[%dma_wait3A_143, %dma_wait3A_144] : memref<10000x128xf32, #tpu.memory_space<hbm>> -> memref<10000x128xf32, #tpu.memory_space<hbm>>
      tpu.wait_indirect_dma semaphore(%arg14 : memref<!tpu.dma_semaphore, #tpu.memory_space<semaphore_mem>>) src(%dma_wait3A_145 : memref<10000x128xf32, #tpu.memory_space<hbm>>) dst(%arg9 : memref<80x128xf32, #tpu.memory_space<vmem>>)
      %add3A_146 = arith.constant 2 : i32
      %add3A_147 = arith.addi %mul3A_129, %add3A_146 : i32
      %mul3A_148 = arith.constant 80 : i32
      %mul3A_149 = arith.muli %add3A_147, %mul3A_148 : i32
      %dma_start3A_150 = tpu.memref_slice %arg7[%mul3A_149] : memref<10000xi32, #tpu.memory_space<vmem>> -> memref<80xi32, #tpu.memory_space<vmem>>
      %dma_start3A_151 = arith.constant 0 : i32
      %dma_start3A_152 = arith.constant 0 : i32
      %dma_start3A_153 = tpu.memref_slice %arg2[%dma_start3A_151, %dma_start3A_152] : memref<10000x128xf32, #tpu.memory_space<hbm>> -> memref<10000x128xf32, #tpu.memory_space<hbm>>
      tpu.enqueue_indirect_dma source(%dma_start3A_153 : memref<10000x128xf32, #tpu.memory_space<hbm>>) target(%arg9 : memref<80x128xf32, #tpu.memory_space<vmem>>) offsets(%dma_start3A_150 : memref<80xi32, #tpu.memory_space<vmem>>) semaphore(%arg12 : memref<!tpu.dma_semaphore, #tpu.memory_space<semaphore_mem>>)
      %dma_wait3A_154 = arith.constant 0 : i32
      %dma_wait3A_155 = tpu.memref_slice %arg7[%dma_wait3A_154] : memref<10000xi32, #tpu.memory_space<vmem>> -> memref<80xi32, #tpu.memory_space<vmem>>
      %dma_wait3A_156 = arith.constant 0 : i32
      %dma_wait3A_157 = arith.constant 0 : i32
      %dma_wait3A_158 = tpu.memref_slice %arg2[%dma_wait3A_156, %dma_wait3A_157] : memref<10000x128xf32, #tpu.memory_space<hbm>> -> memref<10000x128xf32, #tpu.memory_space<hbm>>
      tpu.wait_indirect_dma semaphore(%arg13 : memref<!tpu.dma_semaphore, #tpu.memory_space<semaphore_mem>>) src(%dma_wait3A_158 : memref<10000x128xf32, #tpu.memory_space<hbm>>) dst(%arg10 : memref<80x128xf32, #tpu.memory_space<vmem>>)
      %add3A_159 = arith.constant 1 : i32
      %add3A_160 = arith.addi %mul3A_129, %add3A_159 : i32
      %dma_start3A_161 = arith.constant 0 : i32
      %dma_start3A_162 = tpu.memref_slice %arg8[%add3A_160, %dma_start3A_161] : memref<125x80xi32, #tpu.memory_space<vmem>> -> memref<1x80xi32, #tpu.memory_space<vmem>>
      %dma_start3A_163 = tpu.memref_squeeze %dma_start3A_162 : memref<1x80xi32, #tpu.memory_space<vmem>> -> memref<80xi32, #tpu.memory_space<vmem>>
      %dma_start3A_164 = arith.constant 0 : i32
      %dma_start3A_165 = arith.constant 0 : i32
      %dma_start3A_166 = tpu.memref_slice %arg11[%dma_start3A_164, %dma_start3A_165] : memref<10000x128xf32, #tpu.memory_space<vmem_shared>> -> memref<10000x128xf32, #tpu.memory_space<vmem_shared>>
      tpu.enqueue_indirect_dma source(%arg10 : memref<80x128xf32, #tpu.memory_space<vmem>>) target(%dma_start3A_166 : memref<10000x128xf32, #tpu.memory_space<vmem_shared>>) offsets(%dma_start3A_163 : memref<80xi32, #tpu.memory_space<vmem>>) semaphore(%arg15 : memref<!tpu.dma_semaphore, #tpu.memory_space<semaphore_mem>>) {add = true}
      %dma_wait3A_167 = arith.constant 0 : i32
      %dma_wait3A_168 = tpu.memref_slice %arg7[%dma_wait3A_167] : memref<10000xi32, #tpu.memory_space<vmem>> -> memref<80xi32, #tpu.memory_space<vmem>>
      %dma_wait3A_169 = arith.constant 0 : i32
      %dma_wait3A_170 = arith.constant 0 : i32
      %dma_wait3A_171 = tpu.memref_slice %arg2[%dma_wait3A_169, %dma_wait3A_170] : memref<10000x128xf32, #tpu.memory_space<hbm>> -> memref<10000x128xf32, #tpu.memory_space<hbm>>
      tpu.wait_indirect_dma semaphore(%arg15 : memref<!tpu.dma_semaphore, #tpu.memory_space<semaphore_mem>>) src(%dma_wait3A_171 : memref<10000x128xf32, #tpu.memory_space<hbm>>) dst(%arg10 : memref<80x128xf32, #tpu.memory_space<vmem>>)
      %add3A_172 = arith.constant 3 : i32
      %add3A_173 = arith.addi %mul3A_129, %add3A_172 : i32
      %mul3A_174 = arith.constant 80 : i32
      %mul3A_175 = arith.muli %add3A_173, %mul3A_174 : i32
      %dma_start3A_176 = tpu.memref_slice %arg7[%mul3A_175] : memref<10000xi32, #tpu.memory_space<vmem>> -> memref<80xi32, #tpu.memory_space<vmem>>
      %dma_start3A_177 = arith.constant 0 : i32
      %dma_start3A_178 = arith.constant 0 : i32
      %dma_start3A_179 = tpu.memref_slice %arg2[%dma_start3A_177, %dma_start3A_178] : memref<10000x128xf32, #tpu.memory_space<hbm>> -> memref<10000x128xf32, #tpu.memory_space<hbm>>
      tpu.enqueue_indirect_dma source(%dma_start3A_179 : memref<10000x128xf32, #tpu.memory_space<hbm>>) target(%arg10 : memref<80x128xf32, #tpu.memory_space<vmem>>) offsets(%dma_start3A_176 : memref<80xi32, #tpu.memory_space<vmem>>) semaphore(%arg13 : memref<!tpu.dma_semaphore, #tpu.memory_space<semaphore_mem>>)
    }
    %scan3A_59 = arith.constant 61 : i32
    %dma_wait3A_60 = arith.constant 0 : i32
    %dma_wait3A_61 = tpu.memref_slice %arg7[%dma_wait3A_60] : memref<10000xi32, #tpu.memory_space<vmem>> -> memref<80xi32, #tpu.memory_space<vmem>>
    %dma_wait3A_62 = arith.constant 0 : i32
    %dma_wait3A_63 = arith.constant 0 : i32
    %dma_wait3A_64 = tpu.memref_slice %arg2[%dma_wait3A_62, %dma_wait3A_63] : memref<10000x128xf32, #tpu.memory_space<hbm>> -> memref<10000x128xf32, #tpu.memory_space<hbm>>
    tpu.wait_indirect_dma semaphore(%arg12 : memref<!tpu.dma_semaphore, #tpu.memory_space<semaphore_mem>>) src(%dma_wait3A_64 : memref<10000x128xf32, #tpu.memory_space<hbm>>) dst(%arg9 : memref<80x128xf32, #tpu.memory_space<vmem>>)
    %dma_start3A_65 = arith.constant 122 : i32
    %dma_start3A_66 = arith.constant 0 : i32
    %dma_start3A_67 = tpu.memref_slice %arg8[%dma_start3A_65, %dma_start3A_66] : memref<125x80xi32, #tpu.memory_space<vmem>> -> memref<1x80xi32, #tpu.memory_space<vmem>>
    %dma_start3A_68 = tpu.memref_squeeze %dma_start3A_67 : memref<1x80xi32, #tpu.memory_space<vmem>> -> memref<80xi32, #tpu.memory_space<vmem>>
    %dma_start3A_69 = arith.constant 0 : i32
    %dma_start3A_70 = arith.constant 0 : i32
    %dma_start3A_71 = tpu.memref_slice %arg11[%dma_start3A_69, %dma_start3A_70] : memref<10000x128xf32, #tpu.memory_space<vmem_shared>> -> memref<10000x128xf32, #tpu.memory_space<vmem_shared>>
    tpu.enqueue_indirect_dma source(%arg9 : memref<80x128xf32, #tpu.memory_space<vmem>>) target(%dma_start3A_71 : memref<10000x128xf32, #tpu.memory_space<vmem_shared>>) offsets(%dma_start3A_68 : memref<80xi32, #tpu.memory_space<vmem>>) semaphore(%arg14 : memref<!tpu.dma_semaphore, #tpu.memory_space<semaphore_mem>>) {add = true}
    %dma_wait3A_72 = arith.constant 0 : i32
    %dma_wait3A_73 = tpu.memref_slice %arg7[%dma_wait3A_72] : memref<10000xi32, #tpu.memory_space<vmem>> -> memref<80xi32, #tpu.memory_space<vmem>>
    %dma_wait3A_74 = arith.constant 0 : i32
    %dma_wait3A_75 = arith.constant 0 : i32
    %dma_wait3A_76 = tpu.memref_slice %arg2[%dma_wait3A_74, %dma_wait3A_75] : memref<10000x128xf32, #tpu.memory_space<hbm>> -> memref<10000x128xf32, #tpu.memory_space<hbm>>
    tpu.wait_indirect_dma semaphore(%arg14 : memref<!tpu.dma_semaphore, #tpu.memory_space<semaphore_mem>>) src(%dma_wait3A_76 : memref<10000x128xf32, #tpu.memory_space<hbm>>) dst(%arg9 : memref<80x128xf32, #tpu.memory_space<vmem>>)
    %dma_start3A_77 = arith.constant 9920 : i32
    %dma_start3A_78 = tpu.memref_slice %arg7[%dma_start3A_77] : memref<10000xi32, #tpu.memory_space<vmem>> -> memref<80xi32, #tpu.memory_space<vmem>>
    %dma_start3A_79 = arith.constant 0 : i32
    %dma_start3A_80 = arith.constant 0 : i32
    %dma_start3A_81 = tpu.memref_slice %arg2[%dma_start3A_79, %dma_start3A_80] : memref<10000x128xf32, #tpu.memory_space<hbm>> -> memref<10000x128xf32, #tpu.memory_space<hbm>>
    tpu.enqueue_indirect_dma source(%dma_start3A_81 : memref<10000x128xf32, #tpu.memory_space<hbm>>) target(%arg9 : memref<80x128xf32, #tpu.memory_space<vmem>>) offsets(%dma_start3A_78 : memref<80xi32, #tpu.memory_space<vmem>>) semaphore(%arg12 : memref<!tpu.dma_semaphore, #tpu.memory_space<semaphore_mem>>)
    %dma_wait3A_82 = arith.constant 0 : i32
    %dma_wait3A_83 = tpu.memref_slice %arg7[%dma_wait3A_82] : memref<10000xi32, #tpu.memory_space<vmem>> -> memref<80xi32, #tpu.memory_space<vmem>>
    %dma_wait3A_84 = arith.constant 0 : i32
    %dma_wait3A_85 = arith.constant 0 : i32
    %dma_wait3A_86 = tpu.memref_slice %arg2[%dma_wait3A_84, %dma_wait3A_85] : memref<10000x128xf32, #tpu.memory_space<hbm>> -> memref<10000x128xf32, #tpu.memory_space<hbm>>
    tpu.wait_indirect_dma semaphore(%arg13 : memref<!tpu.dma_semaphore, #tpu.memory_space<semaphore_mem>>) src(%dma_wait3A_86 : memref<10000x128xf32, #tpu.memory_space<hbm>>) dst(%arg10 : memref<80x128xf32, #tpu.memory_space<vmem>>)
    %dma_start3A_87 = arith.constant 123 : i32
    %dma_start3A_88 = arith.constant 0 : i32
    %dma_start3A_89 = tpu.memref_slice %arg8[%dma_start3A_87, %dma_start3A_88] : memref<125x80xi32, #tpu.memory_space<vmem>> -> memref<1x80xi32, #tpu.memory_space<vmem>>
    %dma_start3A_90 = tpu.memref_squeeze %dma_start3A_89 : memref<1x80xi32, #tpu.memory_space<vmem>> -> memref<80xi32, #tpu.memory_space<vmem>>
    %dma_start3A_91 = arith.constant 0 : i32
    %dma_start3A_92 = arith.constant 0 : i32
    %dma_start3A_93 = tpu.memref_slice %arg11[%dma_start3A_91, %dma_start3A_92] : memref<10000x128xf32, #tpu.memory_space<vmem_shared>> -> memref<10000x128xf32, #tpu.memory_space<vmem_shared>>
    tpu.enqueue_indirect_dma source(%arg10 : memref<80x128xf32, #tpu.memory_space<vmem>>) target(%dma_start3A_93 : memref<10000x128xf32, #tpu.memory_space<vmem_shared>>) offsets(%dma_start3A_90 : memref<80xi32, #tpu.memory_space<vmem>>) semaphore(%arg15 : memref<!tpu.dma_semaphore, #tpu.memory_space<semaphore_mem>>) {add = true}
    %dma_wait3A_94 = arith.constant 0 : i32
    %dma_wait3A_95 = tpu.memref_slice %arg7[%dma_wait3A_94] : memref<10000xi32, #tpu.memory_space<vmem>> -> memref<80xi32, #tpu.memory_space<vmem>>
    %dma_wait3A_96 = arith.constant 0 : i32
    %dma_wait3A_97 = arith.constant 0 : i32
    %dma_wait3A_98 = tpu.memref_slice %arg2[%dma_wait3A_96, %dma_wait3A_97] : memref<10000x128xf32, #tpu.memory_space<hbm>> -> memref<10000x128xf32, #tpu.memory_space<hbm>>
    tpu.wait_indirect_dma semaphore(%arg12 : memref<!tpu.dma_semaphore, #tpu.memory_space<semaphore_mem>>) src(%dma_wait3A_98 : memref<10000x128xf32, #tpu.memory_space<hbm>>) dst(%arg9 : memref<80x128xf32, #tpu.memory_space<vmem>>)
    %dma_start3A_99 = arith.constant 124 : i32
    %dma_start3A_100 = arith.constant 0 : i32
    %dma_start3A_101 = tpu.memref_slice %arg8[%dma_start3A_99, %dma_start3A_100] : memref<125x80xi32, #tpu.memory_space<vmem>> -> memref<1x80xi32, #tpu.memory_space<vmem>>
    %dma_start3A_102 = tpu.memref_squeeze %dma_start3A_101 : memref<1x80xi32, #tpu.memory_space<vmem>> -> memref<80xi32, #tpu.memory_space<vmem>>
    %dma_start3A_103 = arith.constant 0 : i32
    %dma_start3A_104 = arith.constant 0 : i32
    %dma_start3A_105 = tpu.memref_slice %arg11[%dma_start3A_103, %dma_start3A_104] : memref<10000x128xf32, #tpu.memory_space<vmem_shared>> -> memref<10000x128xf32, #tpu.memory_space<vmem_shared>>
    tpu.enqueue_indirect_dma source(%arg9 : memref<80x128xf32, #tpu.memory_space<vmem>>) target(%dma_start3A_105 : memref<10000x128xf32, #tpu.memory_space<vmem_shared>>) offsets(%dma_start3A_102 : memref<80xi32, #tpu.memory_space<vmem>>) semaphore(%arg14 : memref<!tpu.dma_semaphore, #tpu.memory_space<semaphore_mem>>) {add = true}
    %dma_wait3A_106 = arith.constant 0 : i32
    %dma_wait3A_107 = tpu.memref_slice %arg7[%dma_wait3A_106] : memref<10000xi32, #tpu.memory_space<vmem>> -> memref<80xi32, #tpu.memory_space<vmem>>
    %dma_wait3A_108 = arith.constant 0 : i32
    %dma_wait3A_109 = arith.constant 0 : i32
    %dma_wait3A_110 = tpu.memref_slice %arg2[%dma_wait3A_108, %dma_wait3A_109] : memref<10000x128xf32, #tpu.memory_space<hbm>> -> memref<10000x128xf32, #tpu.memory_space<hbm>>
    tpu.wait_indirect_dma semaphore(%arg14 : memref<!tpu.dma_semaphore, #tpu.memory_space<semaphore_mem>>) src(%dma_wait3A_110 : memref<10000x128xf32, #tpu.memory_space<hbm>>) dst(%arg9 : memref<80x128xf32, #tpu.memory_space<vmem>>)
    %dma_wait3A_111 = arith.constant 0 : i32
    %dma_wait3A_112 = tpu.memref_slice %arg7[%dma_wait3A_111] : memref<10000xi32, #tpu.memory_space<vmem>> -> memref<80xi32, #tpu.memory_space<vmem>>
    %dma_wait3A_113 = arith.constant 0 : i32
    %dma_wait3A_114 = arith.constant 0 : i32
    %dma_wait3A_115 = tpu.memref_slice %arg2[%dma_wait3A_113, %dma_wait3A_114] : memref<10000x128xf32, #tpu.memory_space<hbm>> -> memref<10000x128xf32, #tpu.memory_space<hbm>>
    tpu.wait_indirect_dma semaphore(%arg15 : memref<!tpu.dma_semaphore, #tpu.memory_space<semaphore_mem>>) src(%dma_wait3A_115 : memref<10000x128xf32, #tpu.memory_space<hbm>>) dst(%arg10 : memref<80x128xf32, #tpu.memory_space<vmem>>)
    %barrier3A_116 = arith.constant 0 : index
    tpu.barrier barrier_id(%barrier3A_116)
    %lt3A_117 = arith.constant 15 : i32
    %lt3A_118 = arith.cmpi slt, %arg1, %lt3A_117 : i32
    %convert_element_type3A_119 = arith.extui %lt3A_118 : i1 to i32
    %cond3A_120 = arith.constant 0 : i32
    %cond3A_121 = arith.cmpi ne, %convert_element_type3A_119, %cond3A_120 : i32
    scf.if %cond3A_121 {
      "tpu.region"() ({
        %run_scoped3A = tpu.sem_alloc : memref<!tpu.dma_semaphore, #tpu.memory_space<semaphore_mem>>
        %dma_start3A_127 = arith.constant 0 : i32
        %dma_start3A_128 = tpu.memref_slice %arg6[%arg0, %mul3A_2, %dma_start3A_127] : memref<2x10000x128xf32, #tpu.memory_space<hbm>> -> memref<1x640x128xf32, #tpu.memory_space<hbm>>
        %dma_start3A_129 = tpu.memref_squeeze %dma_start3A_128 : memref<1x640x128xf32, #tpu.memory_space<hbm>> -> memref<640x128xf32, #tpu.memory_space<hbm>>
        %dma_start3A_130 = arith.constant 0 : i32
        %dma_start3A_131 = tpu.memref_slice %arg11[%mul3A_2, %dma_start3A_130] : memref<10000x128xf32, #tpu.memory_space<vmem_shared>> -> memref<640x128xf32, #tpu.memory_space<vmem_shared>>
        tpu.enqueue_dma source(%dma_start3A_131 : memref<640x128xf32, #tpu.memory_space<vmem_shared>>) target(%dma_start3A_129 : memref<640x128xf32, #tpu.memory_space<hbm>>) target_semaphore(%run_scoped3A : memref<!tpu.dma_semaphore, #tpu.memory_space<semaphore_mem>>)
        %dma_wait3A_132 = arith.constant 0 : i32
        %dma_wait3A_133 = tpu.memref_slice %arg6[%arg0, %mul3A_2, %dma_wait3A_132] : memref<2x10000x128xf32, #tpu.memory_space<hbm>> -> memref<1x640x128xf32, #tpu.memory_space<hbm>>
        %dma_wait3A_134 = tpu.memref_squeeze %dma_wait3A_133 : memref<1x640x128xf32, #tpu.memory_space<hbm>> -> memref<640x128xf32, #tpu.memory_space<hbm>>
        %dma_wait3A_135 = arith.constant 0 : i32
        %dma_wait3A_136 = tpu.memref_slice %arg11[%mul3A_2, %dma_wait3A_135] : memref<10000x128xf32, #tpu.memory_space<vmem_shared>> -> memref<640x128xf32, #tpu.memory_space<vmem_shared>>
        tpu.wait_dma2 semaphore(%run_scoped3A : memref<!tpu.dma_semaphore, #tpu.memory_space<semaphore_mem>>) src(%dma_wait3A_136 : memref<640x128xf32, #tpu.memory_space<vmem_shared>>) dst(%dma_wait3A_134 : memref<640x128xf32, #tpu.memory_space<hbm>>)
        tpu.yield
      }) : () -> ()
    } else {
    }
    %eq3A_122 = arith.constant 15 : i32
    %eq3A_123 = arith.cmpi eq, %arg1, %eq3A_122 : i32
    %convert_element_type3A_124 = arith.extui %eq3A_123 : i1 to i32
    %cond3A_125 = arith.constant 0 : i32
    %cond3A_126 = arith.cmpi ne, %convert_element_type3A_124, %cond3A_125 : i32
    scf.if %cond3A_126 {
      "tpu.region"() ({
        %run_scoped3A = tpu.sem_alloc : memref<!tpu.dma_semaphore, #tpu.memory_space<semaphore_mem>>
        %dma_start3A_127 = arith.constant 9600 : i32
        %dma_start3A_128 = arith.constant 0 : i32
        %dma_start3A_129 = tpu.memref_slice %arg6[%arg0, %dma_start3A_127, %dma_start3A_128] : memref<2x10000x128xf32, #tpu.memory_space<hbm>> -> memref<1x400x128xf32, #tpu.memory_space<hbm>>
        %dma_start3A_130 = tpu.memref_squeeze %dma_start3A_129 : memref<1x400x128xf32, #tpu.memory_space<hbm>> -> memref<400x128xf32, #tpu.memory_space<hbm>>
        %dma_start3A_131 = arith.constant 9600 : i32
        %dma_start3A_132 = arith.constant 0 : i32
        %dma_start3A_133 = tpu.memref_slice %arg11[%dma_start3A_131, %dma_start3A_132] : memref<10000x128xf32, #tpu.memory_space<vmem_shared>> -> memref<400x128xf32, #tpu.memory_space<vmem_shared>>
        tpu.enqueue_dma source(%dma_start3A_133 : memref<400x128xf32, #tpu.memory_space<vmem_shared>>) target(%dma_start3A_130 : memref<400x128xf32, #tpu.memory_space<hbm>>) target_semaphore(%run_scoped3A : memref<!tpu.dma_semaphore, #tpu.memory_space<semaphore_mem>>)
        %dma_wait3A_134 = arith.constant 9600 : i32
        %dma_wait3A_135 = arith.constant 0 : i32
        %dma_wait3A_136 = tpu.memref_slice %arg6[%arg0, %dma_wait3A_134, %dma_wait3A_135] : memref<2x10000x128xf32, #tpu.memory_space<hbm>> -> memref<1x400x128xf32, #tpu.memory_space<hbm>>
        %dma_wait3A_137 = tpu.memref_squeeze %dma_wait3A_136 : memref<1x400x128xf32, #tpu.memory_space<hbm>> -> memref<400x128xf32, #tpu.memory_space<hbm>>
        %dma_wait3A_138 = arith.constant 9600 : i32
        %dma_wait3A_139 = arith.constant 0 : i32
        %dma_wait3A_140 = tpu.memref_slice %arg11[%dma_wait3A_138, %dma_wait3A_139] : memref<10000x128xf32, #tpu.memory_space<vmem_shared>> -> memref<400x128xf32, #tpu.memory_space<vmem_shared>>
        tpu.wait_dma2 semaphore(%run_scoped3A : memref<!tpu.dma_semaphore, #tpu.memory_space<semaphore_mem>>) src(%dma_wait3A_140 : memref<400x128xf32, #tpu.memory_space<vmem_shared>>) dst(%dma_wait3A_137 : memref<400x128xf32, #tpu.memory_space<hbm>>)
        tpu.yield
      }) : () -> ()
    } else {
    }
    return
  }
}

#map = affine_map<(d0, d1) -> (0, 0)>
#map1 = affine_map<(d0, d1) -> (0, 0, 0)>
module attributes {stable_mosaic.version = 14 : i64} {
  func.func @_seg_body(%arg0: i32, %arg1: i32, %arg2: memref<10000x128xf32, #tpu.memory_space<hbm>>, %arg3: memref<32x10000xi32, #tpu.memory_space<hbm>>, %arg4: memref<32x125x80xi32, #tpu.memory_space<hbm>>, %arg5: memref<640x128xf32, #tpu.memory_space<hbm>>, %arg6: memref<2x10000x128xf32, #tpu.memory_space<hbm>>, %arg7: memref<10000xi32, #tpu.memory_space<vmem>>, %arg8: memref<125x80xi32, #tpu.memory_space<vmem>>, %arg9: memref<80x128xf32, #tpu.memory_space<vmem>>, %arg10: memref<80x128xf32, #tpu.memory_space<vmem>>, %arg11: memref<10000x128xf32, #tpu.memory_space<vmem_shared>>, %arg12: memref<!tpu.dma_semaphore, #tpu.memory_space<semaphore_mem>>, %arg13: memref<!tpu.dma_semaphore, #tpu.memory_space<semaphore_mem>>, %arg14: memref<!tpu.dma_semaphore, #tpu.memory_space<semaphore_mem>>, %arg15: memref<!tpu.dma_semaphore, #tpu.memory_space<semaphore_mem>>) attributes {dimension_semantics = [#tpu.dimension_semantics<core_parallel>, #tpu.dimension_semantics<subcore_parallel>], iteration_bounds = array<i64: 2, 16>, scalar_prefetch = 0 : i64, scratch_operands = 9 : i64, tpu.core_type = #tpu.core_type<sc_vector_subcore>, window_params = [{transform_indices = #map}, {transform_indices = #map}, {transform_indices = #map1}, {transform_indices = #map}, {transform_indices = #map1}]} {
    %mul3A = arith.constant 2 : i32
    %mul3A_0 = arith.muli %arg1, %mul3A : i32
    %add3A = arith.addi %mul3A_0, %arg0 : i32
    %mul3A_1 = arith.constant 640 : i32
    %mul3A_2 = arith.muli %arg1, %mul3A_1 : i32
    %dma_start3A = arith.constant 0 : i32
    %dma_start3A_3 = tpu.memref_slice %arg3[%add3A, %dma_start3A] : memref<32x10000xi32, #tpu.memory_space<hbm>> -> memref<1x10000xi32, #tpu.memory_space<hbm>>
    %dma_start3A_4 = tpu.memref_squeeze %dma_start3A_3 : memref<1x10000xi32, #tpu.memory_space<hbm>> -> memref<10000xi32, #tpu.memory_space<hbm>>
    %dma_start3A_5 = arith.constant 0 : i32
    %dma_start3A_6 = tpu.memref_slice %arg3[%add3A, %dma_start3A_5] : memref<32x10000xi32, #tpu.memory_space<hbm>> -> memref<1x10000xi32, #tpu.memory_space<hbm>>
    %dma_start3A_7 = tpu.memref_squeeze %dma_start3A_6 : memref<1x10000xi32, #tpu.memory_space<hbm>> -> memref<10000xi32, #tpu.memory_space<hbm>>
    tpu.enqueue_dma source(%dma_start3A_7 : memref<10000xi32, #tpu.memory_space<hbm>>) target(%arg7 : memref<10000xi32, #tpu.memory_space<vmem>>) target_semaphore(%arg12 : memref<!tpu.dma_semaphore, #tpu.memory_space<semaphore_mem>>)
    %dma_start3A_8 = arith.constant 0 : i32
    %dma_start3A_9 = arith.constant 0 : i32
    %dma_start3A_10 = tpu.memref_slice %arg4[%add3A, %dma_start3A_8, %dma_start3A_9] : memref<32x125x80xi32, #tpu.memory_space<hbm>> -> memref<1x125x80xi32, #tpu.memory_space<hbm>>
    %dma_start3A_11 = tpu.memref_squeeze %dma_start3A_10 : memref<1x125x80xi32, #tpu.memory_space<hbm>> -> memref<125x80xi32, #tpu.memory_space<hbm>>
    %dma_start3A_12 = arith.constant 0 : i32
    %dma_start3A_13 = arith.constant 0 : i32
    %dma_start3A_14 = tpu.memref_slice %arg4[%add3A, %dma_start3A_12, %dma_start3A_13] : memref<32x125x80xi32, #tpu.memory_space<hbm>> -> memref<1x125x80xi32, #tpu.memory_space<hbm>>
    %dma_start3A_15 = tpu.memref_squeeze %dma_start3A_14 : memref<1x125x80xi32, #tpu.memory_space<hbm>> -> memref<125x80xi32, #tpu.memory_space<hbm>>
    tpu.enqueue_dma source(%dma_start3A_15 : memref<125x80xi32, #tpu.memory_space<hbm>>) target(%arg8 : memref<125x80xi32, #tpu.memory_space<vmem>>) target_semaphore(%arg13 : memref<!tpu.dma_semaphore, #tpu.memory_space<semaphore_mem>>)
    %lt3A = arith.constant 15 : i32
    %lt3A_16 = arith.cmpi slt, %arg1, %lt3A : i32
    %convert_element_type3A = arith.extui %lt3A_16 : i1 to i32
    %cond3A = arith.constant 0 : i32
    %cond3A_17 = arith.cmpi ne, %convert_element_type3A, %cond3A : i32
    scf.if %cond3A_17 {
      %dma_start3A_127 = arith.constant 0 : i32
      %dma_start3A_128 = tpu.memref_slice %arg11[%mul3A_2, %dma_start3A_127] : memref<10000x128xf32, #tpu.memory_space<vmem_shared>> -> memref<640x128xf32, #tpu.memory_space<vmem_shared>>
      tpu.enqueue_dma source(%arg5 : memref<640x128xf32, #tpu.memory_space<hbm>>) target(%dma_start3A_128 : memref<640x128xf32, #tpu.memory_space<vmem_shared>>) target_semaphore(%arg14 : memref<!tpu.dma_semaphore, #tpu.memory_space<semaphore_mem>>)
    } else {
    }
    %eq3A = arith.constant 15 : i32
    %eq3A_18 = arith.cmpi eq, %arg1, %eq3A : i32
    %convert_element_type3A_19 = arith.extui %eq3A_18 : i1 to i32
    %cond3A_20 = arith.constant 0 : i32
    %cond3A_21 = arith.cmpi ne, %convert_element_type3A_19, %cond3A_20 : i32
    scf.if %cond3A_21 {
      %dma_start3A_127 = arith.constant 9600 : i32
      %dma_start3A_128 = arith.constant 0 : i32
      %dma_start3A_129 = tpu.memref_slice %arg11[%dma_start3A_127, %dma_start3A_128] : memref<10000x128xf32, #tpu.memory_space<vmem_shared>> -> memref<400x128xf32, #tpu.memory_space<vmem_shared>>
      %dma_start3A_130 = arith.constant 0 : i32
      %dma_start3A_131 = arith.constant 0 : i32
      %dma_start3A_132 = tpu.memref_slice %arg5[%dma_start3A_130, %dma_start3A_131] : memref<640x128xf32, #tpu.memory_space<hbm>> -> memref<400x128xf32, #tpu.memory_space<hbm>>
      tpu.enqueue_dma source(%dma_start3A_132 : memref<400x128xf32, #tpu.memory_space<hbm>>) target(%dma_start3A_129 : memref<400x128xf32, #tpu.memory_space<vmem_shared>>) target_semaphore(%arg14 : memref<!tpu.dma_semaphore, #tpu.memory_space<semaphore_mem>>)
    } else {
    }
    %dma_wait3A = arith.constant 0 : i32
    %dma_wait3A_22 = tpu.memref_slice %arg3[%add3A, %dma_wait3A] : memref<32x10000xi32, #tpu.memory_space<hbm>> -> memref<1x10000xi32, #tpu.memory_space<hbm>>
    %dma_wait3A_23 = tpu.memref_squeeze %dma_wait3A_22 : memref<1x10000xi32, #tpu.memory_space<hbm>> -> memref<10000xi32, #tpu.memory_space<hbm>>
    %dma_wait3A_24 = arith.constant 0 : i32
    %dma_wait3A_25 = tpu.memref_slice %arg3[%add3A, %dma_wait3A_24] : memref<32x10000xi32, #tpu.memory_space<hbm>> -> memref<1x10000xi32, #tpu.memory_space<hbm>>
    %dma_wait3A_26 = tpu.memref_squeeze %dma_wait3A_25 : memref<1x10000xi32, #tpu.memory_space<hbm>> -> memref<10000xi32, #tpu.memory_space<hbm>>
    tpu.wait_dma2 semaphore(%arg12 : memref<!tpu.dma_semaphore, #tpu.memory_space<semaphore_mem>>) src(%dma_wait3A_26 : memref<10000xi32, #tpu.memory_space<hbm>>) dst(%arg7 : memref<10000xi32, #tpu.memory_space<vmem>>)
    %dma_wait3A_27 = arith.constant 0 : i32
    %dma_wait3A_28 = arith.constant 0 : i32
    %dma_wait3A_29 = tpu.memref_slice %arg4[%add3A, %dma_wait3A_27, %dma_wait3A_28] : memref<32x125x80xi32, #tpu.memory_space<hbm>> -> memref<1x125x80xi32, #tpu.memory_space<hbm>>
    %dma_wait3A_30 = tpu.memref_squeeze %dma_wait3A_29 : memref<1x125x80xi32, #tpu.memory_space<hbm>> -> memref<125x80xi32, #tpu.memory_space<hbm>>
    %dma_wait3A_31 = arith.constant 0 : i32
    %dma_wait3A_32 = arith.constant 0 : i32
    %dma_wait3A_33 = tpu.memref_slice %arg4[%add3A, %dma_wait3A_31, %dma_wait3A_32] : memref<32x125x80xi32, #tpu.memory_space<hbm>> -> memref<1x125x80xi32, #tpu.memory_space<hbm>>
    %dma_wait3A_34 = tpu.memref_squeeze %dma_wait3A_33 : memref<1x125x80xi32, #tpu.memory_space<hbm>> -> memref<125x80xi32, #tpu.memory_space<hbm>>
    tpu.wait_dma2 semaphore(%arg13 : memref<!tpu.dma_semaphore, #tpu.memory_space<semaphore_mem>>) src(%dma_wait3A_34 : memref<125x80xi32, #tpu.memory_space<hbm>>) dst(%arg8 : memref<125x80xi32, #tpu.memory_space<vmem>>)
    %dma_start3A_35 = arith.constant 0 : i32
    %dma_start3A_36 = tpu.memref_slice %arg7[%dma_start3A_35] : memref<10000xi32, #tpu.memory_space<vmem>> -> memref<80xi32, #tpu.memory_space<vmem>>
    %dma_start3A_37 = arith.constant 0 : i32
    %dma_start3A_38 = arith.constant 0 : i32
    %dma_start3A_39 = tpu.memref_slice %arg2[%dma_start3A_37, %dma_start3A_38] : memref<10000x128xf32, #tpu.memory_space<hbm>> -> memref<10000x128xf32, #tpu.memory_space<hbm>>
    tpu.enqueue_indirect_dma source(%dma_start3A_39 : memref<10000x128xf32, #tpu.memory_space<hbm>>) target(%arg9 : memref<80x128xf32, #tpu.memory_space<vmem>>) offsets(%dma_start3A_36 : memref<80xi32, #tpu.memory_space<vmem>>) semaphore(%arg12 : memref<!tpu.dma_semaphore, #tpu.memory_space<semaphore_mem>>)
    %dma_start3A_40 = arith.constant 80 : i32
    %dma_start3A_41 = tpu.memref_slice %arg7[%dma_start3A_40] : memref<10000xi32, #tpu.memory_space<vmem>> -> memref<80xi32, #tpu.memory_space<vmem>>
    %dma_start3A_42 = arith.constant 0 : i32
    %dma_start3A_43 = arith.constant 0 : i32
    %dma_start3A_44 = tpu.memref_slice %arg2[%dma_start3A_42, %dma_start3A_43] : memref<10000x128xf32, #tpu.memory_space<hbm>> -> memref<10000x128xf32, #tpu.memory_space<hbm>>
    tpu.enqueue_indirect_dma source(%dma_start3A_44 : memref<10000x128xf32, #tpu.memory_space<hbm>>) target(%arg10 : memref<80x128xf32, #tpu.memory_space<vmem>>) offsets(%dma_start3A_41 : memref<80xi32, #tpu.memory_space<vmem>>) semaphore(%arg13 : memref<!tpu.dma_semaphore, #tpu.memory_space<semaphore_mem>>)
    %lt3A_45 = arith.constant 15 : i32
    %lt3A_46 = arith.cmpi slt, %arg1, %lt3A_45 : i32
    %convert_element_type3A_47 = arith.extui %lt3A_46 : i1 to i32
    %cond3A_48 = arith.constant 0 : i32
    %cond3A_49 = arith.cmpi ne, %convert_element_type3A_47, %cond3A_48 : i32
    scf.if %cond3A_49 {
      %dma_wait3A_127 = arith.constant 0 : i32
      %dma_wait3A_128 = tpu.memref_slice %arg11[%mul3A_2, %dma_wait3A_127] : memref<10000x128xf32, #tpu.memory_space<vmem_shared>> -> memref<640x128xf32, #tpu.memory_space<vmem_shared>>
      tpu.wait_dma2 semaphore(%arg14 : memref<!tpu.dma_semaphore, #tpu.memory_space<semaphore_mem>>) src(%arg5 : memref<640x128xf32, #tpu.memory_space<hbm>>) dst(%dma_wait3A_128 : memref<640x128xf32, #tpu.memory_space<vmem_shared>>)
    } else {
    }
    %eq3A_50 = arith.constant 15 : i32
    %eq3A_51 = arith.cmpi eq, %arg1, %eq3A_50 : i32
    %convert_element_type3A_52 = arith.extui %eq3A_51 : i1 to i32
    %cond3A_53 = arith.constant 0 : i32
    %cond3A_54 = arith.cmpi ne, %convert_element_type3A_52, %cond3A_53 : i32
    scf.if %cond3A_54 {
      %dma_wait3A_127 = arith.constant 9600 : i32
      %dma_wait3A_128 = arith.constant 0 : i32
      %dma_wait3A_129 = tpu.memref_slice %arg11[%dma_wait3A_127, %dma_wait3A_128] : memref<10000x128xf32, #tpu.memory_space<vmem_shared>> -> memref<400x128xf32, #tpu.memory_space<vmem_shared>>
      %dma_wait3A_130 = arith.constant 0 : i32
      %dma_wait3A_131 = arith.constant 0 : i32
      %dma_wait3A_132 = tpu.memref_slice %arg5[%dma_wait3A_130, %dma_wait3A_131] : memref<640x128xf32, #tpu.memory_space<hbm>> -> memref<400x128xf32, #tpu.memory_space<hbm>>
      tpu.wait_dma2 semaphore(%arg14 : memref<!tpu.dma_semaphore, #tpu.memory_space<semaphore_mem>>) src(%dma_wait3A_132 : memref<400x128xf32, #tpu.memory_space<hbm>>) dst(%dma_wait3A_129 : memref<400x128xf32, #tpu.memory_space<vmem_shared>>)
    } else {
    }
    %barrier3A = arith.constant 0 : index
    tpu.barrier barrier_id(%barrier3A)
    %scan3A = arith.constant 0 : i32
    %scan3A_55 = arith.constant 0 : i32
    %scan3A_56 = arith.constant 61 : i32
    %scan3A_57 = arith.addi %scan3A_55, %scan3A_56 : i32
    %scan3A_58 = arith.constant 1 : i32
    scf.for %scan3A_127 = %scan3A_55 to %scan3A_57 step %scan3A_58  : i32 {
      %mul3A_128 = arith.constant 2 : i32
      %mul3A_129 = arith.muli %mul3A_128, %scan3A_127 : i32
      %dma_wait3A_130 = arith.constant 0 : i32
      %dma_wait3A_131 = tpu.memref_slice %arg7[%dma_wait3A_130] : memref<10000xi32, #tpu.memory_space<vmem>> -> memref<80xi32, #tpu.memory_space<vmem>>
      %dma_wait3A_132 = arith.constant 0 : i32
      %dma_wait3A_133 = arith.constant 0 : i32
      %dma_wait3A_134 = tpu.memref_slice %arg2[%dma_wait3A_132, %dma_wait3A_133] : memref<10000x128xf32, #tpu.memory_space<hbm>> -> memref<10000x128xf32, #tpu.memory_space<hbm>>
      tpu.wait_indirect_dma semaphore(%arg12 : memref<!tpu.dma_semaphore, #tpu.memory_space<semaphore_mem>>) src(%dma_wait3A_134 : memref<10000x128xf32, #tpu.memory_space<hbm>>) dst(%arg9 : memref<80x128xf32, #tpu.memory_space<vmem>>)
      %dma_start3A_135 = arith.constant 0 : i32
      %dma_start3A_136 = tpu.memref_slice %arg8[%mul3A_129, %dma_start3A_135] : memref<125x80xi32, #tpu.memory_space<vmem>> -> memref<1x80xi32, #tpu.memory_space<vmem>>
      %dma_start3A_137 = tpu.memref_squeeze %dma_start3A_136 : memref<1x80xi32, #tpu.memory_space<vmem>> -> memref<80xi32, #tpu.memory_space<vmem>>
      %dma_start3A_138 = arith.constant 0 : i32
      %dma_start3A_139 = arith.constant 0 : i32
      %dma_start3A_140 = tpu.memref_slice %arg11[%dma_start3A_138, %dma_start3A_139] : memref<10000x128xf32, #tpu.memory_space<vmem_shared>> -> memref<10000x128xf32, #tpu.memory_space<vmem_shared>>
      tpu.enqueue_indirect_dma source(%arg9 : memref<80x128xf32, #tpu.memory_space<vmem>>) target(%dma_start3A_140 : memref<10000x128xf32, #tpu.memory_space<vmem_shared>>) offsets(%dma_start3A_137 : memref<80xi32, #tpu.memory_space<vmem>>) semaphore(%arg14 : memref<!tpu.dma_semaphore, #tpu.memory_space<semaphore_mem>>) {add = true}
      %dma_wait3A_141 = arith.constant 0 : i32
      %dma_wait3A_142 = tpu.memref_slice %arg7[%dma_wait3A_141] : memref<10000xi32, #tpu.memory_space<vmem>> -> memref<80xi32, #tpu.memory_space<vmem>>
      %dma_wait3A_143 = arith.constant 0 : i32
      %dma_wait3A_144 = arith.constant 0 : i32
      %dma_wait3A_145 = tpu.memref_slice %arg2[%dma_wait3A_143, %dma_wait3A_144] : memref<10000x128xf32, #tpu.memory_space<hbm>> -> memref<10000x128xf32, #tpu.memory_space<hbm>>
      tpu.wait_indirect_dma semaphore(%arg14 : memref<!tpu.dma_semaphore, #tpu.memory_space<semaphore_mem>>) src(%dma_wait3A_145 : memref<10000x128xf32, #tpu.memory_space<hbm>>) dst(%arg9 : memref<80x128xf32, #tpu.memory_space<vmem>>)
      %add3A_146 = arith.constant 2 : i32
      %add3A_147 = arith.addi %mul3A_129, %add3A_146 : i32
      %mul3A_148 = arith.constant 80 : i32
      %mul3A_149 = arith.muli %add3A_147, %mul3A_148 : i32
      %dma_start3A_150 = tpu.memref_slice %arg7[%mul3A_149] : memref<10000xi32, #tpu.memory_space<vmem>> -> memref<80xi32, #tpu.memory_space<vmem>>
      %dma_start3A_151 = arith.constant 0 : i32
      %dma_start3A_152 = arith.constant 0 : i32
      %dma_start3A_153 = tpu.memref_slice %arg2[%dma_start3A_151, %dma_start3A_152] : memref<10000x128xf32, #tpu.memory_space<hbm>> -> memref<10000x128xf32, #tpu.memory_space<hbm>>
      tpu.enqueue_indirect_dma source(%dma_start3A_153 : memref<10000x128xf32, #tpu.memory_space<hbm>>) target(%arg9 : memref<80x128xf32, #tpu.memory_space<vmem>>) offsets(%dma_start3A_150 : memref<80xi32, #tpu.memory_space<vmem>>) semaphore(%arg12 : memref<!tpu.dma_semaphore, #tpu.memory_space<semaphore_mem>>)
      %dma_wait3A_154 = arith.constant 0 : i32
      %dma_wait3A_155 = tpu.memref_slice %arg7[%dma_wait3A_154] : memref<10000xi32, #tpu.memory_space<vmem>> -> memref<80xi32, #tpu.memory_space<vmem>>
      %dma_wait3A_156 = arith.constant 0 : i32
      %dma_wait3A_157 = arith.constant 0 : i32
      %dma_wait3A_158 = tpu.memref_slice %arg2[%dma_wait3A_156, %dma_wait3A_157] : memref<10000x128xf32, #tpu.memory_space<hbm>> -> memref<10000x128xf32, #tpu.memory_space<hbm>>
      tpu.wait_indirect_dma semaphore(%arg13 : memref<!tpu.dma_semaphore, #tpu.memory_space<semaphore_mem>>) src(%dma_wait3A_158 : memref<10000x128xf32, #tpu.memory_space<hbm>>) dst(%arg10 : memref<80x128xf32, #tpu.memory_space<vmem>>)
      %add3A_159 = arith.constant 1 : i32
      %add3A_160 = arith.addi %mul3A_129, %add3A_159 : i32
      %dma_start3A_161 = arith.constant 0 : i32
      %dma_start3A_162 = tpu.memref_slice %arg8[%add3A_160, %dma_start3A_161] : memref<125x80xi32, #tpu.memory_space<vmem>> -> memref<1x80xi32, #tpu.memory_space<vmem>>
      %dma_start3A_163 = tpu.memref_squeeze %dma_start3A_162 : memref<1x80xi32, #tpu.memory_space<vmem>> -> memref<80xi32, #tpu.memory_space<vmem>>
      %dma_start3A_164 = arith.constant 0 : i32
      %dma_start3A_165 = arith.constant 0 : i32
      %dma_start3A_166 = tpu.memref_slice %arg11[%dma_start3A_164, %dma_start3A_165] : memref<10000x128xf32, #tpu.memory_space<vmem_shared>> -> memref<10000x128xf32, #tpu.memory_space<vmem_shared>>
      tpu.enqueue_indirect_dma source(%arg10 : memref<80x128xf32, #tpu.memory_space<vmem>>) target(%dma_start3A_166 : memref<10000x128xf32, #tpu.memory_space<vmem_shared>>) offsets(%dma_start3A_163 : memref<80xi32, #tpu.memory_space<vmem>>) semaphore(%arg15 : memref<!tpu.dma_semaphore, #tpu.memory_space<semaphore_mem>>) {add = true}
      %dma_wait3A_167 = arith.constant 0 : i32
      %dma_wait3A_168 = tpu.memref_slice %arg7[%dma_wait3A_167] : memref<10000xi32, #tpu.memory_space<vmem>> -> memref<80xi32, #tpu.memory_space<vmem>>
      %dma_wait3A_169 = arith.constant 0 : i32
      %dma_wait3A_170 = arith.constant 0 : i32
      %dma_wait3A_171 = tpu.memref_slice %arg2[%dma_wait3A_169, %dma_wait3A_170] : memref<10000x128xf32, #tpu.memory_space<hbm>> -> memref<10000x128xf32, #tpu.memory_space<hbm>>
      tpu.wait_indirect_dma semaphore(%arg15 : memref<!tpu.dma_semaphore, #tpu.memory_space<semaphore_mem>>) src(%dma_wait3A_171 : memref<10000x128xf32, #tpu.memory_space<hbm>>) dst(%arg10 : memref<80x128xf32, #tpu.memory_space<vmem>>)
      %add3A_172 = arith.constant 3 : i32
      %add3A_173 = arith.addi %mul3A_129, %add3A_172 : i32
      %mul3A_174 = arith.constant 80 : i32
      %mul3A_175 = arith.muli %add3A_173, %mul3A_174 : i32
      %dma_start3A_176 = tpu.memref_slice %arg7[%mul3A_175] : memref<10000xi32, #tpu.memory_space<vmem>> -> memref<80xi32, #tpu.memory_space<vmem>>
      %dma_start3A_177 = arith.constant 0 : i32
      %dma_start3A_178 = arith.constant 0 : i32
      %dma_start3A_179 = tpu.memref_slice %arg2[%dma_start3A_177, %dma_start3A_178] : memref<10000x128xf32, #tpu.memory_space<hbm>> -> memref<10000x128xf32, #tpu.memory_space<hbm>>
      tpu.enqueue_indirect_dma source(%dma_start3A_179 : memref<10000x128xf32, #tpu.memory_space<hbm>>) target(%arg10 : memref<80x128xf32, #tpu.memory_space<vmem>>) offsets(%dma_start3A_176 : memref<80xi32, #tpu.memory_space<vmem>>) semaphore(%arg13 : memref<!tpu.dma_semaphore, #tpu.memory_space<semaphore_mem>>)
    }
    %scan3A_59 = arith.constant 61 : i32
    %dma_wait3A_60 = arith.constant 0 : i32
    %dma_wait3A_61 = tpu.memref_slice %arg7[%dma_wait3A_60] : memref<10000xi32, #tpu.memory_space<vmem>> -> memref<80xi32, #tpu.memory_space<vmem>>
    %dma_wait3A_62 = arith.constant 0 : i32
    %dma_wait3A_63 = arith.constant 0 : i32
    %dma_wait3A_64 = tpu.memref_slice %arg2[%dma_wait3A_62, %dma_wait3A_63] : memref<10000x128xf32, #tpu.memory_space<hbm>> -> memref<10000x128xf32, #tpu.memory_space<hbm>>
    tpu.wait_indirect_dma semaphore(%arg12 : memref<!tpu.dma_semaphore, #tpu.memory_space<semaphore_mem>>) src(%dma_wait3A_64 : memref<10000x128xf32, #tpu.memory_space<hbm>>) dst(%arg9 : memref<80x128xf32, #tpu.memory_space<vmem>>)
    %dma_start3A_65 = arith.constant 122 : i32
    %dma_start3A_66 = arith.constant 0 : i32
    %dma_start3A_67 = tpu.memref_slice %arg8[%dma_start3A_65, %dma_start3A_66] : memref<125x80xi32, #tpu.memory_space<vmem>> -> memref<1x80xi32, #tpu.memory_space<vmem>>
    %dma_start3A_68 = tpu.memref_squeeze %dma_start3A_67 : memref<1x80xi32, #tpu.memory_space<vmem>> -> memref<80xi32, #tpu.memory_space<vmem>>
    %dma_start3A_69 = arith.constant 0 : i32
    %dma_start3A_70 = arith.constant 0 : i32
    %dma_start3A_71 = tpu.memref_slice %arg11[%dma_start3A_69, %dma_start3A_70] : memref<10000x128xf32, #tpu.memory_space<vmem_shared>> -> memref<10000x128xf32, #tpu.memory_space<vmem_shared>>
    tpu.enqueue_indirect_dma source(%arg9 : memref<80x128xf32, #tpu.memory_space<vmem>>) target(%dma_start3A_71 : memref<10000x128xf32, #tpu.memory_space<vmem_shared>>) offsets(%dma_start3A_68 : memref<80xi32, #tpu.memory_space<vmem>>) semaphore(%arg14 : memref<!tpu.dma_semaphore, #tpu.memory_space<semaphore_mem>>) {add = true}
    %dma_wait3A_72 = arith.constant 0 : i32
    %dma_wait3A_73 = tpu.memref_slice %arg7[%dma_wait3A_72] : memref<10000xi32, #tpu.memory_space<vmem>> -> memref<80xi32, #tpu.memory_space<vmem>>
    %dma_wait3A_74 = arith.constant 0 : i32
    %dma_wait3A_75 = arith.constant 0 : i32
    %dma_wait3A_76 = tpu.memref_slice %arg2[%dma_wait3A_74, %dma_wait3A_75] : memref<10000x128xf32, #tpu.memory_space<hbm>> -> memref<10000x128xf32, #tpu.memory_space<hbm>>
    tpu.wait_indirect_dma semaphore(%arg14 : memref<!tpu.dma_semaphore, #tpu.memory_space<semaphore_mem>>) src(%dma_wait3A_76 : memref<10000x128xf32, #tpu.memory_space<hbm>>) dst(%arg9 : memref<80x128xf32, #tpu.memory_space<vmem>>)
    %dma_start3A_77 = arith.constant 9920 : i32
    %dma_start3A_78 = tpu.memref_slice %arg7[%dma_start3A_77] : memref<10000xi32, #tpu.memory_space<vmem>> -> memref<80xi32, #tpu.memory_space<vmem>>
    %dma_start3A_79 = arith.constant 0 : i32
    %dma_start3A_80 = arith.constant 0 : i32
    %dma_start3A_81 = tpu.memref_slice %arg2[%dma_start3A_79, %dma_start3A_80] : memref<10000x128xf32, #tpu.memory_space<hbm>> -> memref<10000x128xf32, #tpu.memory_space<hbm>>
    tpu.enqueue_indirect_dma source(%dma_start3A_81 : memref<10000x128xf32, #tpu.memory_space<hbm>>) target(%arg9 : memref<80x128xf32, #tpu.memory_space<vmem>>) offsets(%dma_start3A_78 : memref<80xi32, #tpu.memory_space<vmem>>) semaphore(%arg12 : memref<!tpu.dma_semaphore, #tpu.memory_space<semaphore_mem>>)
    %dma_wait3A_82 = arith.constant 0 : i32
    %dma_wait3A_83 = tpu.memref_slice %arg7[%dma_wait3A_82] : memref<10000xi32, #tpu.memory_space<vmem>> -> memref<80xi32, #tpu.memory_space<vmem>>
    %dma_wait3A_84 = arith.constant 0 : i32
    %dma_wait3A_85 = arith.constant 0 : i32
    %dma_wait3A_86 = tpu.memref_slice %arg2[%dma_wait3A_84, %dma_wait3A_85] : memref<10000x128xf32, #tpu.memory_space<hbm>> -> memref<10000x128xf32, #tpu.memory_space<hbm>>
    tpu.wait_indirect_dma semaphore(%arg13 : memref<!tpu.dma_semaphore, #tpu.memory_space<semaphore_mem>>) src(%dma_wait3A_86 : memref<10000x128xf32, #tpu.memory_space<hbm>>) dst(%arg10 : memref<80x128xf32, #tpu.memory_space<vmem>>)
    %dma_start3A_87 = arith.constant 123 : i32
    %dma_start3A_88 = arith.constant 0 : i32
    %dma_start3A_89 = tpu.memref_slice %arg8[%dma_start3A_87, %dma_start3A_88] : memref<125x80xi32, #tpu.memory_space<vmem>> -> memref<1x80xi32, #tpu.memory_space<vmem>>
    %dma_start3A_90 = tpu.memref_squeeze %dma_start3A_89 : memref<1x80xi32, #tpu.memory_space<vmem>> -> memref<80xi32, #tpu.memory_space<vmem>>
    %dma_start3A_91 = arith.constant 0 : i32
    %dma_start3A_92 = arith.constant 0 : i32
    %dma_start3A_93 = tpu.memref_slice %arg11[%dma_start3A_91, %dma_start3A_92] : memref<10000x128xf32, #tpu.memory_space<vmem_shared>> -> memref<10000x128xf32, #tpu.memory_space<vmem_shared>>
    tpu.enqueue_indirect_dma source(%arg10 : memref<80x128xf32, #tpu.memory_space<vmem>>) target(%dma_start3A_93 : memref<10000x128xf32, #tpu.memory_space<vmem_shared>>) offsets(%dma_start3A_90 : memref<80xi32, #tpu.memory_space<vmem>>) semaphore(%arg15 : memref<!tpu.dma_semaphore, #tpu.memory_space<semaphore_mem>>) {add = true}
    %dma_wait3A_94 = arith.constant 0 : i32
    %dma_wait3A_95 = tpu.memref_slice %arg7[%dma_wait3A_94] : memref<10000xi32, #tpu.memory_space<vmem>> -> memref<80xi32, #tpu.memory_space<vmem>>
    %dma_wait3A_96 = arith.constant 0 : i32
    %dma_wait3A_97 = arith.constant 0 : i32
    %dma_wait3A_98 = tpu.memref_slice %arg2[%dma_wait3A_96, %dma_wait3A_97] : memref<10000x128xf32, #tpu.memory_space<hbm>> -> memref<10000x128xf32, #tpu.memory_space<hbm>>
    tpu.wait_indirect_dma semaphore(%arg12 : memref<!tpu.dma_semaphore, #tpu.memory_space<semaphore_mem>>) src(%dma_wait3A_98 : memref<10000x128xf32, #tpu.memory_space<hbm>>) dst(%arg9 : memref<80x128xf32, #tpu.memory_space<vmem>>)
    %dma_start3A_99 = arith.constant 124 : i32
    %dma_start3A_100 = arith.constant 0 : i32
    %dma_start3A_101 = tpu.memref_slice %arg8[%dma_start3A_99, %dma_start3A_100] : memref<125x80xi32, #tpu.memory_space<vmem>> -> memref<1x80xi32, #tpu.memory_space<vmem>>
    %dma_start3A_102 = tpu.memref_squeeze %dma_start3A_101 : memref<1x80xi32, #tpu.memory_space<vmem>> -> memref<80xi32, #tpu.memory_space<vmem>>
    %dma_start3A_103 = arith.constant 0 : i32
    %dma_start3A_104 = arith.constant 0 : i32
    %dma_start3A_105 = tpu.memref_slice %arg11[%dma_start3A_103, %dma_start3A_104] : memref<10000x128xf32, #tpu.memory_space<vmem_shared>> -> memref<10000x128xf32, #tpu.memory_space<vmem_shared>>
    tpu.enqueue_indirect_dma source(%arg9 : memref<80x128xf32, #tpu.memory_space<vmem>>) target(%dma_start3A_105 : memref<10000x128xf32, #tpu.memory_space<vmem_shared>>) offsets(%dma_start3A_102 : memref<80xi32, #tpu.memory_space<vmem>>) semaphore(%arg14 : memref<!tpu.dma_semaphore, #tpu.memory_space<semaphore_mem>>) {add = true}
    %dma_wait3A_106 = arith.constant 0 : i32
    %dma_wait3A_107 = tpu.memref_slice %arg7[%dma_wait3A_106] : memref<10000xi32, #tpu.memory_space<vmem>> -> memref<80xi32, #tpu.memory_space<vmem>>
    %dma_wait3A_108 = arith.constant 0 : i32
    %dma_wait3A_109 = arith.constant 0 : i32
    %dma_wait3A_110 = tpu.memref_slice %arg2[%dma_wait3A_108, %dma_wait3A_109] : memref<10000x128xf32, #tpu.memory_space<hbm>> -> memref<10000x128xf32, #tpu.memory_space<hbm>>
    tpu.wait_indirect_dma semaphore(%arg14 : memref<!tpu.dma_semaphore, #tpu.memory_space<semaphore_mem>>) src(%dma_wait3A_110 : memref<10000x128xf32, #tpu.memory_space<hbm>>) dst(%arg9 : memref<80x128xf32, #tpu.memory_space<vmem>>)
    %dma_wait3A_111 = arith.constant 0 : i32
    %dma_wait3A_112 = tpu.memref_slice %arg7[%dma_wait3A_111] : memref<10000xi32, #tpu.memory_space<vmem>> -> memref<80xi32, #tpu.memory_space<vmem>>
    %dma_wait3A_113 = arith.constant 0 : i32
    %dma_wait3A_114 = arith.constant 0 : i32
    %dma_wait3A_115 = tpu.memref_slice %arg2[%dma_wait3A_113, %dma_wait3A_114] : memref<10000x128xf32, #tpu.memory_space<hbm>> -> memref<10000x128xf32, #tpu.memory_space<hbm>>
    tpu.wait_indirect_dma semaphore(%arg15 : memref<!tpu.dma_semaphore, #tpu.memory_space<semaphore_mem>>) src(%dma_wait3A_115 : memref<10000x128xf32, #tpu.memory_space<hbm>>) dst(%arg10 : memref<80x128xf32, #tpu.memory_space<vmem>>)
    %barrier3A_116 = arith.constant 0 : index
    tpu.barrier barrier_id(%barrier3A_116)
    %lt3A_117 = arith.constant 15 : i32
    %lt3A_118 = arith.cmpi slt, %arg1, %lt3A_117 : i32
    %convert_element_type3A_119 = arith.extui %lt3A_118 : i1 to i32
    %cond3A_120 = arith.constant 0 : i32
    %cond3A_121 = arith.cmpi ne, %convert_element_type3A_119, %cond3A_120 : i32
    scf.if %cond3A_121 {
      "tpu.region"() ({
        %run_scoped3A = tpu.sem_alloc : memref<!tpu.dma_semaphore, #tpu.memory_space<semaphore_mem>>
        %dma_start3A_127 = arith.constant 0 : i32
        %dma_start3A_128 = tpu.memref_slice %arg6[%arg0, %mul3A_2, %dma_start3A_127] : memref<2x10000x128xf32, #tpu.memory_space<hbm>> -> memref<1x640x128xf32, #tpu.memory_space<hbm>>
        %dma_start3A_129 = tpu.memref_squeeze %dma_start3A_128 : memref<1x640x128xf32, #tpu.memory_space<hbm>> -> memref<640x128xf32, #tpu.memory_space<hbm>>
        %dma_start3A_130 = arith.constant 0 : i32
        %dma_start3A_131 = tpu.memref_slice %arg11[%mul3A_2, %dma_start3A_130] : memref<10000x128xf32, #tpu.memory_space<vmem_shared>> -> memref<640x128xf32, #tpu.memory_space<vmem_shared>>
        tpu.enqueue_dma source(%dma_start3A_131 : memref<640x128xf32, #tpu.memory_space<vmem_shared>>) target(%dma_start3A_129 : memref<640x128xf32, #tpu.memory_space<hbm>>) target_semaphore(%run_scoped3A : memref<!tpu.dma_semaphore, #tpu.memory_space<semaphore_mem>>)
        %dma_wait3A_132 = arith.constant 0 : i32
        %dma_wait3A_133 = tpu.memref_slice %arg6[%arg0, %mul3A_2, %dma_wait3A_132] : memref<2x10000x128xf32, #tpu.memory_space<hbm>> -> memref<1x640x128xf32, #tpu.memory_space<hbm>>
        %dma_wait3A_134 = tpu.memref_squeeze %dma_wait3A_133 : memref<1x640x128xf32, #tpu.memory_space<hbm>> -> memref<640x128xf32, #tpu.memory_space<hbm>>
        %dma_wait3A_135 = arith.constant 0 : i32
        %dma_wait3A_136 = tpu.memref_slice %arg11[%mul3A_2, %dma_wait3A_135] : memref<10000x128xf32, #tpu.memory_space<vmem_shared>> -> memref<640x128xf32, #tpu.memory_space<vmem_shared>>
        tpu.wait_dma2 semaphore(%run_scoped3A : memref<!tpu.dma_semaphore, #tpu.memory_space<semaphore_mem>>) src(%dma_wait3A_136 : memref<640x128xf32, #tpu.memory_space<vmem_shared>>) dst(%dma_wait3A_134 : memref<640x128xf32, #tpu.memory_space<hbm>>)
        tpu.yield
      }) : () -> ()
    } else {
    }
    %eq3A_122 = arith.constant 15 : i32
    %eq3A_123 = arith.cmpi eq, %arg1, %eq3A_122 : i32
    %convert_element_type3A_124 = arith.extui %eq3A_123 : i1 to i32
    %cond3A_125 = arith.constant 0 : i32
    %cond3A_126 = arith.cmpi ne, %convert_element_type3A_124, %cond3A_125 : i32
    scf.if %cond3A_126 {
      "tpu.region"() ({
        %run_scoped3A = tpu.sem_alloc : memref<!tpu.dma_semaphore, #tpu.memory_space<semaphore_mem>>
        %dma_start3A_127 = arith.constant 9600 : i32
        %dma_start3A_128 = arith.constant 0 : i32
        %dma_start3A_129 = tpu.memref_slice %arg6[%arg0, %dma_start3A_127, %dma_start3A_128] : memref<2x10000x128xf32, #tpu.memory_space<hbm>> -> memref<1x400x128xf32, #tpu.memory_space<hbm>>
        %dma_start3A_130 = tpu.memref_squeeze %dma_start3A_129 : memref<1x400x128xf32, #tpu.memory_space<hbm>> -> memref<400x128xf32, #tpu.memory_space<hbm>>
        %dma_start3A_131 = arith.constant 9600 : i32
        %dma_start3A_132 = arith.constant 0 : i32
        %dma_start3A_133 = tpu.memref_slice %arg11[%dma_start3A_131, %dma_start3A_132] : memref<10000x128xf32, #tpu.memory_space<vmem_shared>> -> memref<400x128xf32, #tpu.memory_space<vmem_shared>>
        tpu.enqueue_dma source(%dma_start3A_133 : memref<400x128xf32, #tpu.memory_space<vmem_shared>>) target(%dma_start3A_130 : memref<400x128xf32, #tpu.memory_space<hbm>>) target_semaphore(%run_scoped3A : memref<!tpu.dma_semaphore, #tpu.memory_space<semaphore_mem>>)
        %dma_wait3A_134 = arith.constant 9600 : i32
        %dma_wait3A_135 = arith.constant 0 : i32
        %dma_wait3A_136 = tpu.memref_slice %arg6[%arg0, %dma_wait3A_134, %dma_wait3A_135] : memref<2x10000x128xf32, #tpu.memory_space<hbm>> -> memref<1x400x128xf32, #tpu.memory_space<hbm>>
        %dma_wait3A_137 = tpu.memref_squeeze %dma_wait3A_136 : memref<1x400x128xf32, #tpu.memory_space<hbm>> -> memref<400x128xf32, #tpu.memory_space<hbm>>
        %dma_wait3A_138 = arith.constant 9600 : i32
        %dma_wait3A_139 = arith.constant 0 : i32
        %dma_wait3A_140 = tpu.memref_slice %arg11[%dma_wait3A_138, %dma_wait3A_139] : memref<10000x128xf32, #tpu.memory_space<vmem_shared>> -> memref<400x128xf32, #tpu.memory_space<vmem_shared>>
        tpu.wait_dma2 semaphore(%run_scoped3A : memref<!tpu.dma_semaphore, #tpu.memory_space<semaphore_mem>>) src(%dma_wait3A_140 : memref<400x128xf32, #tpu.memory_space<vmem_shared>>) dst(%dma_wait3A_137 : memref<400x128xf32, #tpu.memory_space<hbm>>)
        tpu.yield
      }) : () -> ()
    } else {
    }
    return
  }
}

#map = affine_map<(d0, d1) -> (0, 0)>
#map1 = affine_map<(d0, d1) -> (0, 0, 0)>
module attributes {stable_mosaic.version = 14 : i64} {
  func.func @_seg_body(%arg0: i32, %arg1: i32, %arg2: memref<10000x128xf32, #tpu.memory_space<hbm>>, %arg3: memref<32x10000xi32, #tpu.memory_space<hbm>>, %arg4: memref<32x125x80xi32, #tpu.memory_space<hbm>>, %arg5: memref<640x128xf32, #tpu.memory_space<hbm>>, %arg6: memref<2x10000x128xf32, #tpu.memory_space<hbm>>, %arg7: memref<10000xi32, #tpu.memory_space<vmem>>, %arg8: memref<125x80xi32, #tpu.memory_space<vmem>>, %arg9: memref<80x128xf32, #tpu.memory_space<vmem>>, %arg10: memref<80x128xf32, #tpu.memory_space<vmem>>, %arg11: memref<10000x128xf32, #tpu.memory_space<vmem_shared>>, %arg12: memref<!tpu.dma_semaphore, #tpu.memory_space<semaphore_mem>>, %arg13: memref<!tpu.dma_semaphore, #tpu.memory_space<semaphore_mem>>, %arg14: memref<!tpu.dma_semaphore, #tpu.memory_space<semaphore_mem>>, %arg15: memref<!tpu.dma_semaphore, #tpu.memory_space<semaphore_mem>>) attributes {dimension_semantics = [#tpu.dimension_semantics<core_parallel>, #tpu.dimension_semantics<subcore_parallel>], iteration_bounds = array<i64: 2, 16>, scalar_prefetch = 0 : i64, scratch_operands = 9 : i64, tpu.core_type = #tpu.core_type<sc_vector_subcore>, window_params = [{transform_indices = #map}, {transform_indices = #map}, {transform_indices = #map1}, {transform_indices = #map}, {transform_indices = #map1}]} {
    %mul3A = arith.constant 2 : i32
    %mul3A_0 = arith.muli %arg1, %mul3A : i32
    %add3A = arith.addi %mul3A_0, %arg0 : i32
    %mul3A_1 = arith.constant 640 : i32
    %mul3A_2 = arith.muli %arg1, %mul3A_1 : i32
    %dma_start3A = arith.constant 0 : i32
    %dma_start3A_3 = tpu.memref_slice %arg3[%add3A, %dma_start3A] : memref<32x10000xi32, #tpu.memory_space<hbm>> -> memref<1x10000xi32, #tpu.memory_space<hbm>>
    %dma_start3A_4 = tpu.memref_squeeze %dma_start3A_3 : memref<1x10000xi32, #tpu.memory_space<hbm>> -> memref<10000xi32, #tpu.memory_space<hbm>>
    %dma_start3A_5 = arith.constant 0 : i32
    %dma_start3A_6 = tpu.memref_slice %arg3[%add3A, %dma_start3A_5] : memref<32x10000xi32, #tpu.memory_space<hbm>> -> memref<1x10000xi32, #tpu.memory_space<hbm>>
    %dma_start3A_7 = tpu.memref_squeeze %dma_start3A_6 : memref<1x10000xi32, #tpu.memory_space<hbm>> -> memref<10000xi32, #tpu.memory_space<hbm>>
    tpu.enqueue_dma source(%dma_start3A_7 : memref<10000xi32, #tpu.memory_space<hbm>>) target(%arg7 : memref<10000xi32, #tpu.memory_space<vmem>>) target_semaphore(%arg12 : memref<!tpu.dma_semaphore, #tpu.memory_space<semaphore_mem>>)
    %dma_start3A_8 = arith.constant 0 : i32
    %dma_start3A_9 = arith.constant 0 : i32
    %dma_start3A_10 = tpu.memref_slice %arg4[%add3A, %dma_start3A_8, %dma_start3A_9] : memref<32x125x80xi32, #tpu.memory_space<hbm>> -> memref<1x125x80xi32, #tpu.memory_space<hbm>>
    %dma_start3A_11 = tpu.memref_squeeze %dma_start3A_10 : memref<1x125x80xi32, #tpu.memory_space<hbm>> -> memref<125x80xi32, #tpu.memory_space<hbm>>
    %dma_start3A_12 = arith.constant 0 : i32
    %dma_start3A_13 = arith.constant 0 : i32
    %dma_start3A_14 = tpu.memref_slice %arg4[%add3A, %dma_start3A_12, %dma_start3A_13] : memref<32x125x80xi32, #tpu.memory_space<hbm>> -> memref<1x125x80xi32, #tpu.memory_space<hbm>>
    %dma_start3A_15 = tpu.memref_squeeze %dma_start3A_14 : memref<1x125x80xi32, #tpu.memory_space<hbm>> -> memref<125x80xi32, #tpu.memory_space<hbm>>
    tpu.enqueue_dma source(%dma_start3A_15 : memref<125x80xi32, #tpu.memory_space<hbm>>) target(%arg8 : memref<125x80xi32, #tpu.memory_space<vmem>>) target_semaphore(%arg13 : memref<!tpu.dma_semaphore, #tpu.memory_space<semaphore_mem>>)
    %lt3A = arith.constant 15 : i32
    %lt3A_16 = arith.cmpi slt, %arg1, %lt3A : i32
    %convert_element_type3A = arith.extui %lt3A_16 : i1 to i32
    %cond3A = arith.constant 0 : i32
    %cond3A_17 = arith.cmpi ne, %convert_element_type3A, %cond3A : i32
    scf.if %cond3A_17 {
      %dma_start3A_127 = arith.constant 0 : i32
      %dma_start3A_128 = tpu.memref_slice %arg11[%mul3A_2, %dma_start3A_127] : memref<10000x128xf32, #tpu.memory_space<vmem_shared>> -> memref<640x128xf32, #tpu.memory_space<vmem_shared>>
      tpu.enqueue_dma source(%arg5 : memref<640x128xf32, #tpu.memory_space<hbm>>) target(%dma_start3A_128 : memref<640x128xf32, #tpu.memory_space<vmem_shared>>) target_semaphore(%arg14 : memref<!tpu.dma_semaphore, #tpu.memory_space<semaphore_mem>>)
    } else {
    }
    %eq3A = arith.constant 15 : i32
    %eq3A_18 = arith.cmpi eq, %arg1, %eq3A : i32
    %convert_element_type3A_19 = arith.extui %eq3A_18 : i1 to i32
    %cond3A_20 = arith.constant 0 : i32
    %cond3A_21 = arith.cmpi ne, %convert_element_type3A_19, %cond3A_20 : i32
    scf.if %cond3A_21 {
      %dma_start3A_127 = arith.constant 9600 : i32
      %dma_start3A_128 = arith.constant 0 : i32
      %dma_start3A_129 = tpu.memref_slice %arg11[%dma_start3A_127, %dma_start3A_128] : memref<10000x128xf32, #tpu.memory_space<vmem_shared>> -> memref<400x128xf32, #tpu.memory_space<vmem_shared>>
      %dma_start3A_130 = arith.constant 0 : i32
      %dma_start3A_131 = arith.constant 0 : i32
      %dma_start3A_132 = tpu.memref_slice %arg5[%dma_start3A_130, %dma_start3A_131] : memref<640x128xf32, #tpu.memory_space<hbm>> -> memref<400x128xf32, #tpu.memory_space<hbm>>
      tpu.enqueue_dma source(%dma_start3A_132 : memref<400x128xf32, #tpu.memory_space<hbm>>) target(%dma_start3A_129 : memref<400x128xf32, #tpu.memory_space<vmem_shared>>) target_semaphore(%arg14 : memref<!tpu.dma_semaphore, #tpu.memory_space<semaphore_mem>>)
    } else {
    }
    %dma_wait3A = arith.constant 0 : i32
    %dma_wait3A_22 = tpu.memref_slice %arg3[%add3A, %dma_wait3A] : memref<32x10000xi32, #tpu.memory_space<hbm>> -> memref<1x10000xi32, #tpu.memory_space<hbm>>
    %dma_wait3A_23 = tpu.memref_squeeze %dma_wait3A_22 : memref<1x10000xi32, #tpu.memory_space<hbm>> -> memref<10000xi32, #tpu.memory_space<hbm>>
    %dma_wait3A_24 = arith.constant 0 : i32
    %dma_wait3A_25 = tpu.memref_slice %arg3[%add3A, %dma_wait3A_24] : memref<32x10000xi32, #tpu.memory_space<hbm>> -> memref<1x10000xi32, #tpu.memory_space<hbm>>
    %dma_wait3A_26 = tpu.memref_squeeze %dma_wait3A_25 : memref<1x10000xi32, #tpu.memory_space<hbm>> -> memref<10000xi32, #tpu.memory_space<hbm>>
    tpu.wait_dma2 semaphore(%arg12 : memref<!tpu.dma_semaphore, #tpu.memory_space<semaphore_mem>>) src(%dma_wait3A_26 : memref<10000xi32, #tpu.memory_space<hbm>>) dst(%arg7 : memref<10000xi32, #tpu.memory_space<vmem>>)
    %dma_wait3A_27 = arith.constant 0 : i32
    %dma_wait3A_28 = arith.constant 0 : i32
    %dma_wait3A_29 = tpu.memref_slice %arg4[%add3A, %dma_wait3A_27, %dma_wait3A_28] : memref<32x125x80xi32, #tpu.memory_space<hbm>> -> memref<1x125x80xi32, #tpu.memory_space<hbm>>
    %dma_wait3A_30 = tpu.memref_squeeze %dma_wait3A_29 : memref<1x125x80xi32, #tpu.memory_space<hbm>> -> memref<125x80xi32, #tpu.memory_space<hbm>>
    %dma_wait3A_31 = arith.constant 0 : i32
    %dma_wait3A_32 = arith.constant 0 : i32
    %dma_wait3A_33 = tpu.memref_slice %arg4[%add3A, %dma_wait3A_31, %dma_wait3A_32] : memref<32x125x80xi32, #tpu.memory_space<hbm>> -> memref<1x125x80xi32, #tpu.memory_space<hbm>>
    %dma_wait3A_34 = tpu.memref_squeeze %dma_wait3A_33 : memref<1x125x80xi32, #tpu.memory_space<hbm>> -> memref<125x80xi32, #tpu.memory_space<hbm>>
    tpu.wait_dma2 semaphore(%arg13 : memref<!tpu.dma_semaphore, #tpu.memory_space<semaphore_mem>>) src(%dma_wait3A_34 : memref<125x80xi32, #tpu.memory_space<hbm>>) dst(%arg8 : memref<125x80xi32, #tpu.memory_space<vmem>>)
    %dma_start3A_35 = arith.constant 0 : i32
    %dma_start3A_36 = tpu.memref_slice %arg7[%dma_start3A_35] : memref<10000xi32, #tpu.memory_space<vmem>> -> memref<80xi32, #tpu.memory_space<vmem>>
    %dma_start3A_37 = arith.constant 0 : i32
    %dma_start3A_38 = arith.constant 0 : i32
    %dma_start3A_39 = tpu.memref_slice %arg2[%dma_start3A_37, %dma_start3A_38] : memref<10000x128xf32, #tpu.memory_space<hbm>> -> memref<10000x128xf32, #tpu.memory_space<hbm>>
    tpu.enqueue_indirect_dma source(%dma_start3A_39 : memref<10000x128xf32, #tpu.memory_space<hbm>>) target(%arg9 : memref<80x128xf32, #tpu.memory_space<vmem>>) offsets(%dma_start3A_36 : memref<80xi32, #tpu.memory_space<vmem>>) semaphore(%arg12 : memref<!tpu.dma_semaphore, #tpu.memory_space<semaphore_mem>>)
    %dma_start3A_40 = arith.constant 80 : i32
    %dma_start3A_41 = tpu.memref_slice %arg7[%dma_start3A_40] : memref<10000xi32, #tpu.memory_space<vmem>> -> memref<80xi32, #tpu.memory_space<vmem>>
    %dma_start3A_42 = arith.constant 0 : i32
    %dma_start3A_43 = arith.constant 0 : i32
    %dma_start3A_44 = tpu.memref_slice %arg2[%dma_start3A_42, %dma_start3A_43] : memref<10000x128xf32, #tpu.memory_space<hbm>> -> memref<10000x128xf32, #tpu.memory_space<hbm>>
    tpu.enqueue_indirect_dma source(%dma_start3A_44 : memref<10000x128xf32, #tpu.memory_space<hbm>>) target(%arg10 : memref<80x128xf32, #tpu.memory_space<vmem>>) offsets(%dma_start3A_41 : memref<80xi32, #tpu.memory_space<vmem>>) semaphore(%arg13 : memref<!tpu.dma_semaphore, #tpu.memory_space<semaphore_mem>>)
    %lt3A_45 = arith.constant 15 : i32
    %lt3A_46 = arith.cmpi slt, %arg1, %lt3A_45 : i32
    %convert_element_type3A_47 = arith.extui %lt3A_46 : i1 to i32
    %cond3A_48 = arith.constant 0 : i32
    %cond3A_49 = arith.cmpi ne, %convert_element_type3A_47, %cond3A_48 : i32
    scf.if %cond3A_49 {
      %dma_wait3A_127 = arith.constant 0 : i32
      %dma_wait3A_128 = tpu.memref_slice %arg11[%mul3A_2, %dma_wait3A_127] : memref<10000x128xf32, #tpu.memory_space<vmem_shared>> -> memref<640x128xf32, #tpu.memory_space<vmem_shared>>
      tpu.wait_dma2 semaphore(%arg14 : memref<!tpu.dma_semaphore, #tpu.memory_space<semaphore_mem>>) src(%arg5 : memref<640x128xf32, #tpu.memory_space<hbm>>) dst(%dma_wait3A_128 : memref<640x128xf32, #tpu.memory_space<vmem_shared>>)
    } else {
    }
    %eq3A_50 = arith.constant 15 : i32
    %eq3A_51 = arith.cmpi eq, %arg1, %eq3A_50 : i32
    %convert_element_type3A_52 = arith.extui %eq3A_51 : i1 to i32
    %cond3A_53 = arith.constant 0 : i32
    %cond3A_54 = arith.cmpi ne, %convert_element_type3A_52, %cond3A_53 : i32
    scf.if %cond3A_54 {
      %dma_wait3A_127 = arith.constant 9600 : i32
      %dma_wait3A_128 = arith.constant 0 : i32
      %dma_wait3A_129 = tpu.memref_slice %arg11[%dma_wait3A_127, %dma_wait3A_128] : memref<10000x128xf32, #tpu.memory_space<vmem_shared>> -> memref<400x128xf32, #tpu.memory_space<vmem_shared>>
      %dma_wait3A_130 = arith.constant 0 : i32
      %dma_wait3A_131 = arith.constant 0 : i32
      %dma_wait3A_132 = tpu.memref_slice %arg5[%dma_wait3A_130, %dma_wait3A_131] : memref<640x128xf32, #tpu.memory_space<hbm>> -> memref<400x128xf32, #tpu.memory_space<hbm>>
      tpu.wait_dma2 semaphore(%arg14 : memref<!tpu.dma_semaphore, #tpu.memory_space<semaphore_mem>>) src(%dma_wait3A_132 : memref<400x128xf32, #tpu.memory_space<hbm>>) dst(%dma_wait3A_129 : memref<400x128xf32, #tpu.memory_space<vmem_shared>>)
    } else {
    }
    %barrier3A = arith.constant 0 : index
    tpu.barrier barrier_id(%barrier3A)
    %scan3A = arith.constant 0 : i32
    %scan3A_55 = arith.constant 0 : i32
    %scan3A_56 = arith.constant 61 : i32
    %scan3A_57 = arith.addi %scan3A_55, %scan3A_56 : i32
    %scan3A_58 = arith.constant 1 : i32
    scf.for %scan3A_127 = %scan3A_55 to %scan3A_57 step %scan3A_58  : i32 {
      %mul3A_128 = arith.constant 2 : i32
      %mul3A_129 = arith.muli %mul3A_128, %scan3A_127 : i32
      %dma_wait3A_130 = arith.constant 0 : i32
      %dma_wait3A_131 = tpu.memref_slice %arg7[%dma_wait3A_130] : memref<10000xi32, #tpu.memory_space<vmem>> -> memref<80xi32, #tpu.memory_space<vmem>>
      %dma_wait3A_132 = arith.constant 0 : i32
      %dma_wait3A_133 = arith.constant 0 : i32
      %dma_wait3A_134 = tpu.memref_slice %arg2[%dma_wait3A_132, %dma_wait3A_133] : memref<10000x128xf32, #tpu.memory_space<hbm>> -> memref<10000x128xf32, #tpu.memory_space<hbm>>
      tpu.wait_indirect_dma semaphore(%arg12 : memref<!tpu.dma_semaphore, #tpu.memory_space<semaphore_mem>>) src(%dma_wait3A_134 : memref<10000x128xf32, #tpu.memory_space<hbm>>) dst(%arg9 : memref<80x128xf32, #tpu.memory_space<vmem>>)
      %dma_start3A_135 = arith.constant 0 : i32
      %dma_start3A_136 = tpu.memref_slice %arg8[%mul3A_129, %dma_start3A_135] : memref<125x80xi32, #tpu.memory_space<vmem>> -> memref<1x80xi32, #tpu.memory_space<vmem>>
      %dma_start3A_137 = tpu.memref_squeeze %dma_start3A_136 : memref<1x80xi32, #tpu.memory_space<vmem>> -> memref<80xi32, #tpu.memory_space<vmem>>
      %dma_start3A_138 = arith.constant 0 : i32
      %dma_start3A_139 = arith.constant 0 : i32
      %dma_start3A_140 = tpu.memref_slice %arg11[%dma_start3A_138, %dma_start3A_139] : memref<10000x128xf32, #tpu.memory_space<vmem_shared>> -> memref<10000x128xf32, #tpu.memory_space<vmem_shared>>
      tpu.enqueue_indirect_dma source(%arg9 : memref<80x128xf32, #tpu.memory_space<vmem>>) target(%dma_start3A_140 : memref<10000x128xf32, #tpu.memory_space<vmem_shared>>) offsets(%dma_start3A_137 : memref<80xi32, #tpu.memory_space<vmem>>) semaphore(%arg14 : memref<!tpu.dma_semaphore, #tpu.memory_space<semaphore_mem>>) {add = true}
      %dma_wait3A_141 = arith.constant 0 : i32
      %dma_wait3A_142 = tpu.memref_slice %arg7[%dma_wait3A_141] : memref<10000xi32, #tpu.memory_space<vmem>> -> memref<80xi32, #tpu.memory_space<vmem>>
      %dma_wait3A_143 = arith.constant 0 : i32
      %dma_wait3A_144 = arith.constant 0 : i32
      %dma_wait3A_145 = tpu.memref_slice %arg2[%dma_wait3A_143, %dma_wait3A_144] : memref<10000x128xf32, #tpu.memory_space<hbm>> -> memref<10000x128xf32, #tpu.memory_space<hbm>>
      tpu.wait_indirect_dma semaphore(%arg14 : memref<!tpu.dma_semaphore, #tpu.memory_space<semaphore_mem>>) src(%dma_wait3A_145 : memref<10000x128xf32, #tpu.memory_space<hbm>>) dst(%arg9 : memref<80x128xf32, #tpu.memory_space<vmem>>)
      %add3A_146 = arith.constant 2 : i32
      %add3A_147 = arith.addi %mul3A_129, %add3A_146 : i32
      %mul3A_148 = arith.constant 80 : i32
      %mul3A_149 = arith.muli %add3A_147, %mul3A_148 : i32
      %dma_start3A_150 = tpu.memref_slice %arg7[%mul3A_149] : memref<10000xi32, #tpu.memory_space<vmem>> -> memref<80xi32, #tpu.memory_space<vmem>>
      %dma_start3A_151 = arith.constant 0 : i32
      %dma_start3A_152 = arith.constant 0 : i32
      %dma_start3A_153 = tpu.memref_slice %arg2[%dma_start3A_151, %dma_start3A_152] : memref<10000x128xf32, #tpu.memory_space<hbm>> -> memref<10000x128xf32, #tpu.memory_space<hbm>>
      tpu.enqueue_indirect_dma source(%dma_start3A_153 : memref<10000x128xf32, #tpu.memory_space<hbm>>) target(%arg9 : memref<80x128xf32, #tpu.memory_space<vmem>>) offsets(%dma_start3A_150 : memref<80xi32, #tpu.memory_space<vmem>>) semaphore(%arg12 : memref<!tpu.dma_semaphore, #tpu.memory_space<semaphore_mem>>)
      %dma_wait3A_154 = arith.constant 0 : i32
      %dma_wait3A_155 = tpu.memref_slice %arg7[%dma_wait3A_154] : memref<10000xi32, #tpu.memory_space<vmem>> -> memref<80xi32, #tpu.memory_space<vmem>>
      %dma_wait3A_156 = arith.constant 0 : i32
      %dma_wait3A_157 = arith.constant 0 : i32
      %dma_wait3A_158 = tpu.memref_slice %arg2[%dma_wait3A_156, %dma_wait3A_157] : memref<10000x128xf32, #tpu.memory_space<hbm>> -> memref<10000x128xf32, #tpu.memory_space<hbm>>
      tpu.wait_indirect_dma semaphore(%arg13 : memref<!tpu.dma_semaphore, #tpu.memory_space<semaphore_mem>>) src(%dma_wait3A_158 : memref<10000x128xf32, #tpu.memory_space<hbm>>) dst(%arg10 : memref<80x128xf32, #tpu.memory_space<vmem>>)
      %add3A_159 = arith.constant 1 : i32
      %add3A_160 = arith.addi %mul3A_129, %add3A_159 : i32
      %dma_start3A_161 = arith.constant 0 : i32
      %dma_start3A_162 = tpu.memref_slice %arg8[%add3A_160, %dma_start3A_161] : memref<125x80xi32, #tpu.memory_space<vmem>> -> memref<1x80xi32, #tpu.memory_space<vmem>>
      %dma_start3A_163 = tpu.memref_squeeze %dma_start3A_162 : memref<1x80xi32, #tpu.memory_space<vmem>> -> memref<80xi32, #tpu.memory_space<vmem>>
      %dma_start3A_164 = arith.constant 0 : i32
      %dma_start3A_165 = arith.constant 0 : i32
      %dma_start3A_166 = tpu.memref_slice %arg11[%dma_start3A_164, %dma_start3A_165] : memref<10000x128xf32, #tpu.memory_space<vmem_shared>> -> memref<10000x128xf32, #tpu.memory_space<vmem_shared>>
      tpu.enqueue_indirect_dma source(%arg10 : memref<80x128xf32, #tpu.memory_space<vmem>>) target(%dma_start3A_166 : memref<10000x128xf32, #tpu.memory_space<vmem_shared>>) offsets(%dma_start3A_163 : memref<80xi32, #tpu.memory_space<vmem>>) semaphore(%arg15 : memref<!tpu.dma_semaphore, #tpu.memory_space<semaphore_mem>>) {add = true}
      %dma_wait3A_167 = arith.constant 0 : i32
      %dma_wait3A_168 = tpu.memref_slice %arg7[%dma_wait3A_167] : memref<10000xi32, #tpu.memory_space<vmem>> -> memref<80xi32, #tpu.memory_space<vmem>>
      %dma_wait3A_169 = arith.constant 0 : i32
      %dma_wait3A_170 = arith.constant 0 : i32
      %dma_wait3A_171 = tpu.memref_slice %arg2[%dma_wait3A_169, %dma_wait3A_170] : memref<10000x128xf32, #tpu.memory_space<hbm>> -> memref<10000x128xf32, #tpu.memory_space<hbm>>
      tpu.wait_indirect_dma semaphore(%arg15 : memref<!tpu.dma_semaphore, #tpu.memory_space<semaphore_mem>>) src(%dma_wait3A_171 : memref<10000x128xf32, #tpu.memory_space<hbm>>) dst(%arg10 : memref<80x128xf32, #tpu.memory_space<vmem>>)
      %add3A_172 = arith.constant 3 : i32
      %add3A_173 = arith.addi %mul3A_129, %add3A_172 : i32
      %mul3A_174 = arith.constant 80 : i32
      %mul3A_175 = arith.muli %add3A_173, %mul3A_174 : i32
      %dma_start3A_176 = tpu.memref_slice %arg7[%mul3A_175] : memref<10000xi32, #tpu.memory_space<vmem>> -> memref<80xi32, #tpu.memory_space<vmem>>
      %dma_start3A_177 = arith.constant 0 : i32
      %dma_start3A_178 = arith.constant 0 : i32
      %dma_start3A_179 = tpu.memref_slice %arg2[%dma_start3A_177, %dma_start3A_178] : memref<10000x128xf32, #tpu.memory_space<hbm>> -> memref<10000x128xf32, #tpu.memory_space<hbm>>
      tpu.enqueue_indirect_dma source(%dma_start3A_179 : memref<10000x128xf32, #tpu.memory_space<hbm>>) target(%arg10 : memref<80x128xf32, #tpu.memory_space<vmem>>) offsets(%dma_start3A_176 : memref<80xi32, #tpu.memory_space<vmem>>) semaphore(%arg13 : memref<!tpu.dma_semaphore, #tpu.memory_space<semaphore_mem>>)
    }
    %scan3A_59 = arith.constant 61 : i32
    %dma_wait3A_60 = arith.constant 0 : i32
    %dma_wait3A_61 = tpu.memref_slice %arg7[%dma_wait3A_60] : memref<10000xi32, #tpu.memory_space<vmem>> -> memref<80xi32, #tpu.memory_space<vmem>>
    %dma_wait3A_62 = arith.constant 0 : i32
    %dma_wait3A_63 = arith.constant 0 : i32
    %dma_wait3A_64 = tpu.memref_slice %arg2[%dma_wait3A_62, %dma_wait3A_63] : memref<10000x128xf32, #tpu.memory_space<hbm>> -> memref<10000x128xf32, #tpu.memory_space<hbm>>
    tpu.wait_indirect_dma semaphore(%arg12 : memref<!tpu.dma_semaphore, #tpu.memory_space<semaphore_mem>>) src(%dma_wait3A_64 : memref<10000x128xf32, #tpu.memory_space<hbm>>) dst(%arg9 : memref<80x128xf32, #tpu.memory_space<vmem>>)
    %dma_start3A_65 = arith.constant 122 : i32
    %dma_start3A_66 = arith.constant 0 : i32
    %dma_start3A_67 = tpu.memref_slice %arg8[%dma_start3A_65, %dma_start3A_66] : memref<125x80xi32, #tpu.memory_space<vmem>> -> memref<1x80xi32, #tpu.memory_space<vmem>>
    %dma_start3A_68 = tpu.memref_squeeze %dma_start3A_67 : memref<1x80xi32, #tpu.memory_space<vmem>> -> memref<80xi32, #tpu.memory_space<vmem>>
    %dma_start3A_69 = arith.constant 0 : i32
    %dma_start3A_70 = arith.constant 0 : i32
    %dma_start3A_71 = tpu.memref_slice %arg11[%dma_start3A_69, %dma_start3A_70] : memref<10000x128xf32, #tpu.memory_space<vmem_shared>> -> memref<10000x128xf32, #tpu.memory_space<vmem_shared>>
    tpu.enqueue_indirect_dma source(%arg9 : memref<80x128xf32, #tpu.memory_space<vmem>>) target(%dma_start3A_71 : memref<10000x128xf32, #tpu.memory_space<vmem_shared>>) offsets(%dma_start3A_68 : memref<80xi32, #tpu.memory_space<vmem>>) semaphore(%arg14 : memref<!tpu.dma_semaphore, #tpu.memory_space<semaphore_mem>>) {add = true}
    %dma_wait3A_72 = arith.constant 0 : i32
    %dma_wait3A_73 = tpu.memref_slice %arg7[%dma_wait3A_72] : memref<10000xi32, #tpu.memory_space<vmem>> -> memref<80xi32, #tpu.memory_space<vmem>>
    %dma_wait3A_74 = arith.constant 0 : i32
    %dma_wait3A_75 = arith.constant 0 : i32
    %dma_wait3A_76 = tpu.memref_slice %arg2[%dma_wait3A_74, %dma_wait3A_75] : memref<10000x128xf32, #tpu.memory_space<hbm>> -> memref<10000x128xf32, #tpu.memory_space<hbm>>
    tpu.wait_indirect_dma semaphore(%arg14 : memref<!tpu.dma_semaphore, #tpu.memory_space<semaphore_mem>>) src(%dma_wait3A_76 : memref<10000x128xf32, #tpu.memory_space<hbm>>) dst(%arg9 : memref<80x128xf32, #tpu.memory_space<vmem>>)
    %dma_start3A_77 = arith.constant 9920 : i32
    %dma_start3A_78 = tpu.memref_slice %arg7[%dma_start3A_77] : memref<10000xi32, #tpu.memory_space<vmem>> -> memref<80xi32, #tpu.memory_space<vmem>>
    %dma_start3A_79 = arith.constant 0 : i32
    %dma_start3A_80 = arith.constant 0 : i32
    %dma_start3A_81 = tpu.memref_slice %arg2[%dma_start3A_79, %dma_start3A_80] : memref<10000x128xf32, #tpu.memory_space<hbm>> -> memref<10000x128xf32, #tpu.memory_space<hbm>>
    tpu.enqueue_indirect_dma source(%dma_start3A_81 : memref<10000x128xf32, #tpu.memory_space<hbm>>) target(%arg9 : memref<80x128xf32, #tpu.memory_space<vmem>>) offsets(%dma_start3A_78 : memref<80xi32, #tpu.memory_space<vmem>>) semaphore(%arg12 : memref<!tpu.dma_semaphore, #tpu.memory_space<semaphore_mem>>)
    %dma_wait3A_82 = arith.constant 0 : i32
    %dma_wait3A_83 = tpu.memref_slice %arg7[%dma_wait3A_82] : memref<10000xi32, #tpu.memory_space<vmem>> -> memref<80xi32, #tpu.memory_space<vmem>>
    %dma_wait3A_84 = arith.constant 0 : i32
    %dma_wait3A_85 = arith.constant 0 : i32
    %dma_wait3A_86 = tpu.memref_slice %arg2[%dma_wait3A_84, %dma_wait3A_85] : memref<10000x128xf32, #tpu.memory_space<hbm>> -> memref<10000x128xf32, #tpu.memory_space<hbm>>
    tpu.wait_indirect_dma semaphore(%arg13 : memref<!tpu.dma_semaphore, #tpu.memory_space<semaphore_mem>>) src(%dma_wait3A_86 : memref<10000x128xf32, #tpu.memory_space<hbm>>) dst(%arg10 : memref<80x128xf32, #tpu.memory_space<vmem>>)
    %dma_start3A_87 = arith.constant 123 : i32
    %dma_start3A_88 = arith.constant 0 : i32
    %dma_start3A_89 = tpu.memref_slice %arg8[%dma_start3A_87, %dma_start3A_88] : memref<125x80xi32, #tpu.memory_space<vmem>> -> memref<1x80xi32, #tpu.memory_space<vmem>>
    %dma_start3A_90 = tpu.memref_squeeze %dma_start3A_89 : memref<1x80xi32, #tpu.memory_space<vmem>> -> memref<80xi32, #tpu.memory_space<vmem>>
    %dma_start3A_91 = arith.constant 0 : i32
    %dma_start3A_92 = arith.constant 0 : i32
    %dma_start3A_93 = tpu.memref_slice %arg11[%dma_start3A_91, %dma_start3A_92] : memref<10000x128xf32, #tpu.memory_space<vmem_shared>> -> memref<10000x128xf32, #tpu.memory_space<vmem_shared>>
    tpu.enqueue_indirect_dma source(%arg10 : memref<80x128xf32, #tpu.memory_space<vmem>>) target(%dma_start3A_93 : memref<10000x128xf32, #tpu.memory_space<vmem_shared>>) offsets(%dma_start3A_90 : memref<80xi32, #tpu.memory_space<vmem>>) semaphore(%arg15 : memref<!tpu.dma_semaphore, #tpu.memory_space<semaphore_mem>>) {add = true}
    %dma_wait3A_94 = arith.constant 0 : i32
    %dma_wait3A_95 = tpu.memref_slice %arg7[%dma_wait3A_94] : memref<10000xi32, #tpu.memory_space<vmem>> -> memref<80xi32, #tpu.memory_space<vmem>>
    %dma_wait3A_96 = arith.constant 0 : i32
    %dma_wait3A_97 = arith.constant 0 : i32
    %dma_wait3A_98 = tpu.memref_slice %arg2[%dma_wait3A_96, %dma_wait3A_97] : memref<10000x128xf32, #tpu.memory_space<hbm>> -> memref<10000x128xf32, #tpu.memory_space<hbm>>
    tpu.wait_indirect_dma semaphore(%arg12 : memref<!tpu.dma_semaphore, #tpu.memory_space<semaphore_mem>>) src(%dma_wait3A_98 : memref<10000x128xf32, #tpu.memory_space<hbm>>) dst(%arg9 : memref<80x128xf32, #tpu.memory_space<vmem>>)
    %dma_start3A_99 = arith.constant 124 : i32
    %dma_start3A_100 = arith.constant 0 : i32
    %dma_start3A_101 = tpu.memref_slice %arg8[%dma_start3A_99, %dma_start3A_100] : memref<125x80xi32, #tpu.memory_space<vmem>> -> memref<1x80xi32, #tpu.memory_space<vmem>>
    %dma_start3A_102 = tpu.memref_squeeze %dma_start3A_101 : memref<1x80xi32, #tpu.memory_space<vmem>> -> memref<80xi32, #tpu.memory_space<vmem>>
    %dma_start3A_103 = arith.constant 0 : i32
    %dma_start3A_104 = arith.constant 0 : i32
    %dma_start3A_105 = tpu.memref_slice %arg11[%dma_start3A_103, %dma_start3A_104] : memref<10000x128xf32, #tpu.memory_space<vmem_shared>> -> memref<10000x128xf32, #tpu.memory_space<vmem_shared>>
    tpu.enqueue_indirect_dma source(%arg9 : memref<80x128xf32, #tpu.memory_space<vmem>>) target(%dma_start3A_105 : memref<10000x128xf32, #tpu.memory_space<vmem_shared>>) offsets(%dma_start3A_102 : memref<80xi32, #tpu.memory_space<vmem>>) semaphore(%arg14 : memref<!tpu.dma_semaphore, #tpu.memory_space<semaphore_mem>>) {add = true}
    %dma_wait3A_106 = arith.constant 0 : i32
    %dma_wait3A_107 = tpu.memref_slice %arg7[%dma_wait3A_106] : memref<10000xi32, #tpu.memory_space<vmem>> -> memref<80xi32, #tpu.memory_space<vmem>>
    %dma_wait3A_108 = arith.constant 0 : i32
    %dma_wait3A_109 = arith.constant 0 : i32
    %dma_wait3A_110 = tpu.memref_slice %arg2[%dma_wait3A_108, %dma_wait3A_109] : memref<10000x128xf32, #tpu.memory_space<hbm>> -> memref<10000x128xf32, #tpu.memory_space<hbm>>
    tpu.wait_indirect_dma semaphore(%arg14 : memref<!tpu.dma_semaphore, #tpu.memory_space<semaphore_mem>>) src(%dma_wait3A_110 : memref<10000x128xf32, #tpu.memory_space<hbm>>) dst(%arg9 : memref<80x128xf32, #tpu.memory_space<vmem>>)
    %dma_wait3A_111 = arith.constant 0 : i32
    %dma_wait3A_112 = tpu.memref_slice %arg7[%dma_wait3A_111] : memref<10000xi32, #tpu.memory_space<vmem>> -> memref<80xi32, #tpu.memory_space<vmem>>
    %dma_wait3A_113 = arith.constant 0 : i32
    %dma_wait3A_114 = arith.constant 0 : i32
    %dma_wait3A_115 = tpu.memref_slice %arg2[%dma_wait3A_113, %dma_wait3A_114] : memref<10000x128xf32, #tpu.memory_space<hbm>> -> memref<10000x128xf32, #tpu.memory_space<hbm>>
    tpu.wait_indirect_dma semaphore(%arg15 : memref<!tpu.dma_semaphore, #tpu.memory_space<semaphore_mem>>) src(%dma_wait3A_115 : memref<10000x128xf32, #tpu.memory_space<hbm>>) dst(%arg10 : memref<80x128xf32, #tpu.memory_space<vmem>>)
    %barrier3A_116 = arith.constant 0 : index
    tpu.barrier barrier_id(%barrier3A_116)
    %lt3A_117 = arith.constant 15 : i32
    %lt3A_118 = arith.cmpi slt, %arg1, %lt3A_117 : i32
    %convert_element_type3A_119 = arith.extui %lt3A_118 : i1 to i32
    %cond3A_120 = arith.constant 0 : i32
    %cond3A_121 = arith.cmpi ne, %convert_element_type3A_119, %cond3A_120 : i32
    scf.if %cond3A_121 {
      "tpu.region"() ({
        %run_scoped3A = tpu.sem_alloc : memref<!tpu.dma_semaphore, #tpu.memory_space<semaphore_mem>>
        %dma_start3A_127 = arith.constant 0 : i32
        %dma_start3A_128 = tpu.memref_slice %arg6[%arg0, %mul3A_2, %dma_start3A_127] : memref<2x10000x128xf32, #tpu.memory_space<hbm>> -> memref<1x640x128xf32, #tpu.memory_space<hbm>>
        %dma_start3A_129 = tpu.memref_squeeze %dma_start3A_128 : memref<1x640x128xf32, #tpu.memory_space<hbm>> -> memref<640x128xf32, #tpu.memory_space<hbm>>
        %dma_start3A_130 = arith.constant 0 : i32
        %dma_start3A_131 = tpu.memref_slice %arg11[%mul3A_2, %dma_start3A_130] : memref<10000x128xf32, #tpu.memory_space<vmem_shared>> -> memref<640x128xf32, #tpu.memory_space<vmem_shared>>
        tpu.enqueue_dma source(%dma_start3A_131 : memref<640x128xf32, #tpu.memory_space<vmem_shared>>) target(%dma_start3A_129 : memref<640x128xf32, #tpu.memory_space<hbm>>) target_semaphore(%run_scoped3A : memref<!tpu.dma_semaphore, #tpu.memory_space<semaphore_mem>>)
        %dma_wait3A_132 = arith.constant 0 : i32
        %dma_wait3A_133 = tpu.memref_slice %arg6[%arg0, %mul3A_2, %dma_wait3A_132] : memref<2x10000x128xf32, #tpu.memory_space<hbm>> -> memref<1x640x128xf32, #tpu.memory_space<hbm>>
        %dma_wait3A_134 = tpu.memref_squeeze %dma_wait3A_133 : memref<1x640x128xf32, #tpu.memory_space<hbm>> -> memref<640x128xf32, #tpu.memory_space<hbm>>
        %dma_wait3A_135 = arith.constant 0 : i32
        %dma_wait3A_136 = tpu.memref_slice %arg11[%mul3A_2, %dma_wait3A_135] : memref<10000x128xf32, #tpu.memory_space<vmem_shared>> -> memref<640x128xf32, #tpu.memory_space<vmem_shared>>
        tpu.wait_dma2 semaphore(%run_scoped3A : memref<!tpu.dma_semaphore, #tpu.memory_space<semaphore_mem>>) src(%dma_wait3A_136 : memref<640x128xf32, #tpu.memory_space<vmem_shared>>) dst(%dma_wait3A_134 : memref<640x128xf32, #tpu.memory_space<hbm>>)
        tpu.yield
      }) : () -> ()
    } else {
    }
    %eq3A_122 = arith.constant 15 : i32
    %eq3A_123 = arith.cmpi eq, %arg1, %eq3A_122 : i32
    %convert_element_type3A_124 = arith.extui %eq3A_123 : i1 to i32
    %cond3A_125 = arith.constant 0 : i32
    %cond3A_126 = arith.cmpi ne, %convert_element_type3A_124, %cond3A_125 : i32
    scf.if %cond3A_126 {
      "tpu.region"() ({
        %run_scoped3A = tpu.sem_alloc : memref<!tpu.dma_semaphore, #tpu.memory_space<semaphore_mem>>
        %dma_start3A_127 = arith.constant 9600 : i32
        %dma_start3A_128 = arith.constant 0 : i32
        %dma_start3A_129 = tpu.memref_slice %arg6[%arg0, %dma_start3A_127, %dma_start3A_128] : memref<2x10000x128xf32, #tpu.memory_space<hbm>> -> memref<1x400x128xf32, #tpu.memory_space<hbm>>
        %dma_start3A_130 = tpu.memref_squeeze %dma_start3A_129 : memref<1x400x128xf32, #tpu.memory_space<hbm>> -> memref<400x128xf32, #tpu.memory_space<hbm>>
        %dma_start3A_131 = arith.constant 9600 : i32
        %dma_start3A_132 = arith.constant 0 : i32
        %dma_start3A_133 = tpu.memref_slice %arg11[%dma_start3A_131, %dma_start3A_132] : memref<10000x128xf32, #tpu.memory_space<vmem_shared>> -> memref<400x128xf32, #tpu.memory_space<vmem_shared>>
        tpu.enqueue_dma source(%dma_start3A_133 : memref<400x128xf32, #tpu.memory_space<vmem_shared>>) target(%dma_start3A_130 : memref<400x128xf32, #tpu.memory_space<hbm>>) target_semaphore(%run_scoped3A : memref<!tpu.dma_semaphore, #tpu.memory_space<semaphore_mem>>)
        %dma_wait3A_134 = arith.constant 9600 : i32
        %dma_wait3A_135 = arith.constant 0 : i32
        %dma_wait3A_136 = tpu.memref_slice %arg6[%arg0, %dma_wait3A_134, %dma_wait3A_135] : memref<2x10000x128xf32, #tpu.memory_space<hbm>> -> memref<1x400x128xf32, #tpu.memory_space<hbm>>
        %dma_wait3A_137 = tpu.memref_squeeze %dma_wait3A_136 : memref<1x400x128xf32, #tpu.memory_space<hbm>> -> memref<400x128xf32, #tpu.memory_space<hbm>>
        %dma_wait3A_138 = arith.constant 9600 : i32
        %dma_wait3A_139 = arith.constant 0 : i32
        %dma_wait3A_140 = tpu.memref_slice %arg11[%dma_wait3A_138, %dma_wait3A_139] : memref<10000x128xf32, #tpu.memory_space<vmem_shared>> -> memref<400x128xf32, #tpu.memory_space<vmem_shared>>
        tpu.wait_dma2 semaphore(%run_scoped3A : memref<!tpu.dma_semaphore, #tpu.memory_space<semaphore_mem>>) src(%dma_wait3A_140 : memref<400x128xf32, #tpu.memory_space<vmem_shared>>) dst(%dma_wait3A_137 : memref<400x128xf32, #tpu.memory_space<hbm>>)
        tpu.yield
      }) : () -> ()
    } else {
    }
    return
  }
}

#map = affine_map<(d0, d1) -> (0, 0)>
#map1 = affine_map<(d0, d1) -> (0, 0, 0)>
module attributes {stable_mosaic.version = 14 : i64} {
  func.func @_seg_body(%arg0: i32, %arg1: i32, %arg2: memref<10000x128xf32, #tpu.memory_space<hbm>>, %arg3: memref<32x10000xi32, #tpu.memory_space<hbm>>, %arg4: memref<32x125x80xi32, #tpu.memory_space<hbm>>, %arg5: memref<640x128xf32, #tpu.memory_space<hbm>>, %arg6: memref<2x10000x128xf32, #tpu.memory_space<hbm>>, %arg7: memref<10000xi32, #tpu.memory_space<vmem>>, %arg8: memref<125x80xi32, #tpu.memory_space<vmem>>, %arg9: memref<80x128xf32, #tpu.memory_space<vmem>>, %arg10: memref<80x128xf32, #tpu.memory_space<vmem>>, %arg11: memref<10000x128xf32, #tpu.memory_space<vmem_shared>>, %arg12: memref<!tpu.dma_semaphore, #tpu.memory_space<semaphore_mem>>, %arg13: memref<!tpu.dma_semaphore, #tpu.memory_space<semaphore_mem>>, %arg14: memref<!tpu.dma_semaphore, #tpu.memory_space<semaphore_mem>>, %arg15: memref<!tpu.dma_semaphore, #tpu.memory_space<semaphore_mem>>) attributes {dimension_semantics = [#tpu.dimension_semantics<core_parallel>, #tpu.dimension_semantics<subcore_parallel>], iteration_bounds = array<i64: 2, 16>, scalar_prefetch = 0 : i64, scratch_operands = 9 : i64, tpu.core_type = #tpu.core_type<sc_vector_subcore>, window_params = [{transform_indices = #map}, {transform_indices = #map}, {transform_indices = #map1}, {transform_indices = #map}, {transform_indices = #map1}]} {
    %mul3A = arith.constant 2 : i32
    %mul3A_0 = arith.muli %arg1, %mul3A : i32
    %add3A = arith.addi %mul3A_0, %arg0 : i32
    %mul3A_1 = arith.constant 640 : i32
    %mul3A_2 = arith.muli %arg1, %mul3A_1 : i32
    %dma_start3A = arith.constant 0 : i32
    %dma_start3A_3 = tpu.memref_slice %arg3[%add3A, %dma_start3A] : memref<32x10000xi32, #tpu.memory_space<hbm>> -> memref<1x10000xi32, #tpu.memory_space<hbm>>
    %dma_start3A_4 = tpu.memref_squeeze %dma_start3A_3 : memref<1x10000xi32, #tpu.memory_space<hbm>> -> memref<10000xi32, #tpu.memory_space<hbm>>
    %dma_start3A_5 = arith.constant 0 : i32
    %dma_start3A_6 = tpu.memref_slice %arg3[%add3A, %dma_start3A_5] : memref<32x10000xi32, #tpu.memory_space<hbm>> -> memref<1x10000xi32, #tpu.memory_space<hbm>>
    %dma_start3A_7 = tpu.memref_squeeze %dma_start3A_6 : memref<1x10000xi32, #tpu.memory_space<hbm>> -> memref<10000xi32, #tpu.memory_space<hbm>>
    tpu.enqueue_dma source(%dma_start3A_7 : memref<10000xi32, #tpu.memory_space<hbm>>) target(%arg7 : memref<10000xi32, #tpu.memory_space<vmem>>) target_semaphore(%arg12 : memref<!tpu.dma_semaphore, #tpu.memory_space<semaphore_mem>>)
    %dma_start3A_8 = arith.constant 0 : i32
    %dma_start3A_9 = arith.constant 0 : i32
    %dma_start3A_10 = tpu.memref_slice %arg4[%add3A, %dma_start3A_8, %dma_start3A_9] : memref<32x125x80xi32, #tpu.memory_space<hbm>> -> memref<1x125x80xi32, #tpu.memory_space<hbm>>
    %dma_start3A_11 = tpu.memref_squeeze %dma_start3A_10 : memref<1x125x80xi32, #tpu.memory_space<hbm>> -> memref<125x80xi32, #tpu.memory_space<hbm>>
    %dma_start3A_12 = arith.constant 0 : i32
    %dma_start3A_13 = arith.constant 0 : i32
    %dma_start3A_14 = tpu.memref_slice %arg4[%add3A, %dma_start3A_12, %dma_start3A_13] : memref<32x125x80xi32, #tpu.memory_space<hbm>> -> memref<1x125x80xi32, #tpu.memory_space<hbm>>
    %dma_start3A_15 = tpu.memref_squeeze %dma_start3A_14 : memref<1x125x80xi32, #tpu.memory_space<hbm>> -> memref<125x80xi32, #tpu.memory_space<hbm>>
    tpu.enqueue_dma source(%dma_start3A_15 : memref<125x80xi32, #tpu.memory_space<hbm>>) target(%arg8 : memref<125x80xi32, #tpu.memory_space<vmem>>) target_semaphore(%arg13 : memref<!tpu.dma_semaphore, #tpu.memory_space<semaphore_mem>>)
    %lt3A = arith.constant 15 : i32
    %lt3A_16 = arith.cmpi slt, %arg1, %lt3A : i32
    %convert_element_type3A = arith.extui %lt3A_16 : i1 to i32
    %cond3A = arith.constant 0 : i32
    %cond3A_17 = arith.cmpi ne, %convert_element_type3A, %cond3A : i32
    scf.if %cond3A_17 {
      %dma_start3A_127 = arith.constant 0 : i32
      %dma_start3A_128 = tpu.memref_slice %arg11[%mul3A_2, %dma_start3A_127] : memref<10000x128xf32, #tpu.memory_space<vmem_shared>> -> memref<640x128xf32, #tpu.memory_space<vmem_shared>>
      tpu.enqueue_dma source(%arg5 : memref<640x128xf32, #tpu.memory_space<hbm>>) target(%dma_start3A_128 : memref<640x128xf32, #tpu.memory_space<vmem_shared>>) target_semaphore(%arg14 : memref<!tpu.dma_semaphore, #tpu.memory_space<semaphore_mem>>)
    } else {
    }
    %eq3A = arith.constant 15 : i32
    %eq3A_18 = arith.cmpi eq, %arg1, %eq3A : i32
    %convert_element_type3A_19 = arith.extui %eq3A_18 : i1 to i32
    %cond3A_20 = arith.constant 0 : i32
    %cond3A_21 = arith.cmpi ne, %convert_element_type3A_19, %cond3A_20 : i32
    scf.if %cond3A_21 {
      %dma_start3A_127 = arith.constant 9600 : i32
      %dma_start3A_128 = arith.constant 0 : i32
      %dma_start3A_129 = tpu.memref_slice %arg11[%dma_start3A_127, %dma_start3A_128] : memref<10000x128xf32, #tpu.memory_space<vmem_shared>> -> memref<400x128xf32, #tpu.memory_space<vmem_shared>>
      %dma_start3A_130 = arith.constant 0 : i32
      %dma_start3A_131 = arith.constant 0 : i32
      %dma_start3A_132 = tpu.memref_slice %arg5[%dma_start3A_130, %dma_start3A_131] : memref<640x128xf32, #tpu.memory_space<hbm>> -> memref<400x128xf32, #tpu.memory_space<hbm>>
      tpu.enqueue_dma source(%dma_start3A_132 : memref<400x128xf32, #tpu.memory_space<hbm>>) target(%dma_start3A_129 : memref<400x128xf32, #tpu.memory_space<vmem_shared>>) target_semaphore(%arg14 : memref<!tpu.dma_semaphore, #tpu.memory_space<semaphore_mem>>)
    } else {
    }
    %dma_wait3A = arith.constant 0 : i32
    %dma_wait3A_22 = tpu.memref_slice %arg3[%add3A, %dma_wait3A] : memref<32x10000xi32, #tpu.memory_space<hbm>> -> memref<1x10000xi32, #tpu.memory_space<hbm>>
    %dma_wait3A_23 = tpu.memref_squeeze %dma_wait3A_22 : memref<1x10000xi32, #tpu.memory_space<hbm>> -> memref<10000xi32, #tpu.memory_space<hbm>>
    %dma_wait3A_24 = arith.constant 0 : i32
    %dma_wait3A_25 = tpu.memref_slice %arg3[%add3A, %dma_wait3A_24] : memref<32x10000xi32, #tpu.memory_space<hbm>> -> memref<1x10000xi32, #tpu.memory_space<hbm>>
    %dma_wait3A_26 = tpu.memref_squeeze %dma_wait3A_25 : memref<1x10000xi32, #tpu.memory_space<hbm>> -> memref<10000xi32, #tpu.memory_space<hbm>>
    tpu.wait_dma2 semaphore(%arg12 : memref<!tpu.dma_semaphore, #tpu.memory_space<semaphore_mem>>) src(%dma_wait3A_26 : memref<10000xi32, #tpu.memory_space<hbm>>) dst(%arg7 : memref<10000xi32, #tpu.memory_space<vmem>>)
    %dma_wait3A_27 = arith.constant 0 : i32
    %dma_wait3A_28 = arith.constant 0 : i32
    %dma_wait3A_29 = tpu.memref_slice %arg4[%add3A, %dma_wait3A_27, %dma_wait3A_28] : memref<32x125x80xi32, #tpu.memory_space<hbm>> -> memref<1x125x80xi32, #tpu.memory_space<hbm>>
    %dma_wait3A_30 = tpu.memref_squeeze %dma_wait3A_29 : memref<1x125x80xi32, #tpu.memory_space<hbm>> -> memref<125x80xi32, #tpu.memory_space<hbm>>
    %dma_wait3A_31 = arith.constant 0 : i32
    %dma_wait3A_32 = arith.constant 0 : i32
    %dma_wait3A_33 = tpu.memref_slice %arg4[%add3A, %dma_wait3A_31, %dma_wait3A_32] : memref<32x125x80xi32, #tpu.memory_space<hbm>> -> memref<1x125x80xi32, #tpu.memory_space<hbm>>
    %dma_wait3A_34 = tpu.memref_squeeze %dma_wait3A_33 : memref<1x125x80xi32, #tpu.memory_space<hbm>> -> memref<125x80xi32, #tpu.memory_space<hbm>>
    tpu.wait_dma2 semaphore(%arg13 : memref<!tpu.dma_semaphore, #tpu.memory_space<semaphore_mem>>) src(%dma_wait3A_34 : memref<125x80xi32, #tpu.memory_space<hbm>>) dst(%arg8 : memref<125x80xi32, #tpu.memory_space<vmem>>)
    %dma_start3A_35 = arith.constant 0 : i32
    %dma_start3A_36 = tpu.memref_slice %arg7[%dma_start3A_35] : memref<10000xi32, #tpu.memory_space<vmem>> -> memref<80xi32, #tpu.memory_space<vmem>>
    %dma_start3A_37 = arith.constant 0 : i32
    %dma_start3A_38 = arith.constant 0 : i32
    %dma_start3A_39 = tpu.memref_slice %arg2[%dma_start3A_37, %dma_start3A_38] : memref<10000x128xf32, #tpu.memory_space<hbm>> -> memref<10000x128xf32, #tpu.memory_space<hbm>>
    tpu.enqueue_indirect_dma source(%dma_start3A_39 : memref<10000x128xf32, #tpu.memory_space<hbm>>) target(%arg9 : memref<80x128xf32, #tpu.memory_space<vmem>>) offsets(%dma_start3A_36 : memref<80xi32, #tpu.memory_space<vmem>>) semaphore(%arg12 : memref<!tpu.dma_semaphore, #tpu.memory_space<semaphore_mem>>)
    %dma_start3A_40 = arith.constant 80 : i32
    %dma_start3A_41 = tpu.memref_slice %arg7[%dma_start3A_40] : memref<10000xi32, #tpu.memory_space<vmem>> -> memref<80xi32, #tpu.memory_space<vmem>>
    %dma_start3A_42 = arith.constant 0 : i32
    %dma_start3A_43 = arith.constant 0 : i32
    %dma_start3A_44 = tpu.memref_slice %arg2[%dma_start3A_42, %dma_start3A_43] : memref<10000x128xf32, #tpu.memory_space<hbm>> -> memref<10000x128xf32, #tpu.memory_space<hbm>>
    tpu.enqueue_indirect_dma source(%dma_start3A_44 : memref<10000x128xf32, #tpu.memory_space<hbm>>) target(%arg10 : memref<80x128xf32, #tpu.memory_space<vmem>>) offsets(%dma_start3A_41 : memref<80xi32, #tpu.memory_space<vmem>>) semaphore(%arg13 : memref<!tpu.dma_semaphore, #tpu.memory_space<semaphore_mem>>)
    %lt3A_45 = arith.constant 15 : i32
    %lt3A_46 = arith.cmpi slt, %arg1, %lt3A_45 : i32
    %convert_element_type3A_47 = arith.extui %lt3A_46 : i1 to i32
    %cond3A_48 = arith.constant 0 : i32
    %cond3A_49 = arith.cmpi ne, %convert_element_type3A_47, %cond3A_48 : i32
    scf.if %cond3A_49 {
      %dma_wait3A_127 = arith.constant 0 : i32
      %dma_wait3A_128 = tpu.memref_slice %arg11[%mul3A_2, %dma_wait3A_127] : memref<10000x128xf32, #tpu.memory_space<vmem_shared>> -> memref<640x128xf32, #tpu.memory_space<vmem_shared>>
      tpu.wait_dma2 semaphore(%arg14 : memref<!tpu.dma_semaphore, #tpu.memory_space<semaphore_mem>>) src(%arg5 : memref<640x128xf32, #tpu.memory_space<hbm>>) dst(%dma_wait3A_128 : memref<640x128xf32, #tpu.memory_space<vmem_shared>>)
    } else {
    }
    %eq3A_50 = arith.constant 15 : i32
    %eq3A_51 = arith.cmpi eq, %arg1, %eq3A_50 : i32
    %convert_element_type3A_52 = arith.extui %eq3A_51 : i1 to i32
    %cond3A_53 = arith.constant 0 : i32
    %cond3A_54 = arith.cmpi ne, %convert_element_type3A_52, %cond3A_53 : i32
    scf.if %cond3A_54 {
      %dma_wait3A_127 = arith.constant 9600 : i32
      %dma_wait3A_128 = arith.constant 0 : i32
      %dma_wait3A_129 = tpu.memref_slice %arg11[%dma_wait3A_127, %dma_wait3A_128] : memref<10000x128xf32, #tpu.memory_space<vmem_shared>> -> memref<400x128xf32, #tpu.memory_space<vmem_shared>>
      %dma_wait3A_130 = arith.constant 0 : i32
      %dma_wait3A_131 = arith.constant 0 : i32
      %dma_wait3A_132 = tpu.memref_slice %arg5[%dma_wait3A_130, %dma_wait3A_131] : memref<640x128xf32, #tpu.memory_space<hbm>> -> memref<400x128xf32, #tpu.memory_space<hbm>>
      tpu.wait_dma2 semaphore(%arg14 : memref<!tpu.dma_semaphore, #tpu.memory_space<semaphore_mem>>) src(%dma_wait3A_132 : memref<400x128xf32, #tpu.memory_space<hbm>>) dst(%dma_wait3A_129 : memref<400x128xf32, #tpu.memory_space<vmem_shared>>)
    } else {
    }
    %barrier3A = arith.constant 0 : index
    tpu.barrier barrier_id(%barrier3A)
    %scan3A = arith.constant 0 : i32
    %scan3A_55 = arith.constant 0 : i32
    %scan3A_56 = arith.constant 61 : i32
    %scan3A_57 = arith.addi %scan3A_55, %scan3A_56 : i32
    %scan3A_58 = arith.constant 1 : i32
    scf.for %scan3A_127 = %scan3A_55 to %scan3A_57 step %scan3A_58  : i32 {
      %mul3A_128 = arith.constant 2 : i32
      %mul3A_129 = arith.muli %mul3A_128, %scan3A_127 : i32
      %dma_wait3A_130 = arith.constant 0 : i32
      %dma_wait3A_131 = tpu.memref_slice %arg7[%dma_wait3A_130] : memref<10000xi32, #tpu.memory_space<vmem>> -> memref<80xi32, #tpu.memory_space<vmem>>
      %dma_wait3A_132 = arith.constant 0 : i32
      %dma_wait3A_133 = arith.constant 0 : i32
      %dma_wait3A_134 = tpu.memref_slice %arg2[%dma_wait3A_132, %dma_wait3A_133] : memref<10000x128xf32, #tpu.memory_space<hbm>> -> memref<10000x128xf32, #tpu.memory_space<hbm>>
      tpu.wait_indirect_dma semaphore(%arg12 : memref<!tpu.dma_semaphore, #tpu.memory_space<semaphore_mem>>) src(%dma_wait3A_134 : memref<10000x128xf32, #tpu.memory_space<hbm>>) dst(%arg9 : memref<80x128xf32, #tpu.memory_space<vmem>>)
      %dma_start3A_135 = arith.constant 0 : i32
      %dma_start3A_136 = tpu.memref_slice %arg8[%mul3A_129, %dma_start3A_135] : memref<125x80xi32, #tpu.memory_space<vmem>> -> memref<1x80xi32, #tpu.memory_space<vmem>>
      %dma_start3A_137 = tpu.memref_squeeze %dma_start3A_136 : memref<1x80xi32, #tpu.memory_space<vmem>> -> memref<80xi32, #tpu.memory_space<vmem>>
      %dma_start3A_138 = arith.constant 0 : i32
      %dma_start3A_139 = arith.constant 0 : i32
      %dma_start3A_140 = tpu.memref_slice %arg11[%dma_start3A_138, %dma_start3A_139] : memref<10000x128xf32, #tpu.memory_space<vmem_shared>> -> memref<10000x128xf32, #tpu.memory_space<vmem_shared>>
      tpu.enqueue_indirect_dma source(%arg9 : memref<80x128xf32, #tpu.memory_space<vmem>>) target(%dma_start3A_140 : memref<10000x128xf32, #tpu.memory_space<vmem_shared>>) offsets(%dma_start3A_137 : memref<80xi32, #tpu.memory_space<vmem>>) semaphore(%arg14 : memref<!tpu.dma_semaphore, #tpu.memory_space<semaphore_mem>>) {add = true}
      %dma_wait3A_141 = arith.constant 0 : i32
      %dma_wait3A_142 = tpu.memref_slice %arg7[%dma_wait3A_141] : memref<10000xi32, #tpu.memory_space<vmem>> -> memref<80xi32, #tpu.memory_space<vmem>>
      %dma_wait3A_143 = arith.constant 0 : i32
      %dma_wait3A_144 = arith.constant 0 : i32
      %dma_wait3A_145 = tpu.memref_slice %arg2[%dma_wait3A_143, %dma_wait3A_144] : memref<10000x128xf32, #tpu.memory_space<hbm>> -> memref<10000x128xf32, #tpu.memory_space<hbm>>
      tpu.wait_indirect_dma semaphore(%arg14 : memref<!tpu.dma_semaphore, #tpu.memory_space<semaphore_mem>>) src(%dma_wait3A_145 : memref<10000x128xf32, #tpu.memory_space<hbm>>) dst(%arg9 : memref<80x128xf32, #tpu.memory_space<vmem>>)
      %add3A_146 = arith.constant 2 : i32
      %add3A_147 = arith.addi %mul3A_129, %add3A_146 : i32
      %mul3A_148 = arith.constant 80 : i32
      %mul3A_149 = arith.muli %add3A_147, %mul3A_148 : i32
      %dma_start3A_150 = tpu.memref_slice %arg7[%mul3A_149] : memref<10000xi32, #tpu.memory_space<vmem>> -> memref<80xi32, #tpu.memory_space<vmem>>
      %dma_start3A_151 = arith.constant 0 : i32
      %dma_start3A_152 = arith.constant 0 : i32
      %dma_start3A_153 = tpu.memref_slice %arg2[%dma_start3A_151, %dma_start3A_152] : memref<10000x128xf32, #tpu.memory_space<hbm>> -> memref<10000x128xf32, #tpu.memory_space<hbm>>
      tpu.enqueue_indirect_dma source(%dma_start3A_153 : memref<10000x128xf32, #tpu.memory_space<hbm>>) target(%arg9 : memref<80x128xf32, #tpu.memory_space<vmem>>) offsets(%dma_start3A_150 : memref<80xi32, #tpu.memory_space<vmem>>) semaphore(%arg12 : memref<!tpu.dma_semaphore, #tpu.memory_space<semaphore_mem>>)
      %dma_wait3A_154 = arith.constant 0 : i32
      %dma_wait3A_155 = tpu.memref_slice %arg7[%dma_wait3A_154] : memref<10000xi32, #tpu.memory_space<vmem>> -> memref<80xi32, #tpu.memory_space<vmem>>
      %dma_wait3A_156 = arith.constant 0 : i32
      %dma_wait3A_157 = arith.constant 0 : i32
      %dma_wait3A_158 = tpu.memref_slice %arg2[%dma_wait3A_156, %dma_wait3A_157] : memref<10000x128xf32, #tpu.memory_space<hbm>> -> memref<10000x128xf32, #tpu.memory_space<hbm>>
      tpu.wait_indirect_dma semaphore(%arg13 : memref<!tpu.dma_semaphore, #tpu.memory_space<semaphore_mem>>) src(%dma_wait3A_158 : memref<10000x128xf32, #tpu.memory_space<hbm>>) dst(%arg10 : memref<80x128xf32, #tpu.memory_space<vmem>>)
      %add3A_159 = arith.constant 1 : i32
      %add3A_160 = arith.addi %mul3A_129, %add3A_159 : i32
      %dma_start3A_161 = arith.constant 0 : i32
      %dma_start3A_162 = tpu.memref_slice %arg8[%add3A_160, %dma_start3A_161] : memref<125x80xi32, #tpu.memory_space<vmem>> -> memref<1x80xi32, #tpu.memory_space<vmem>>
      %dma_start3A_163 = tpu.memref_squeeze %dma_start3A_162 : memref<1x80xi32, #tpu.memory_space<vmem>> -> memref<80xi32, #tpu.memory_space<vmem>>
      %dma_start3A_164 = arith.constant 0 : i32
      %dma_start3A_165 = arith.constant 0 : i32
      %dma_start3A_166 = tpu.memref_slice %arg11[%dma_start3A_164, %dma_start3A_165] : memref<10000x128xf32, #tpu.memory_space<vmem_shared>> -> memref<10000x128xf32, #tpu.memory_space<vmem_shared>>
      tpu.enqueue_indirect_dma source(%arg10 : memref<80x128xf32, #tpu.memory_space<vmem>>) target(%dma_start3A_166 : memref<10000x128xf32, #tpu.memory_space<vmem_shared>>) offsets(%dma_start3A_163 : memref<80xi32, #tpu.memory_space<vmem>>) semaphore(%arg15 : memref<!tpu.dma_semaphore, #tpu.memory_space<semaphore_mem>>) {add = true}
      %dma_wait3A_167 = arith.constant 0 : i32
      %dma_wait3A_168 = tpu.memref_slice %arg7[%dma_wait3A_167] : memref<10000xi32, #tpu.memory_space<vmem>> -> memref<80xi32, #tpu.memory_space<vmem>>
      %dma_wait3A_169 = arith.constant 0 : i32
      %dma_wait3A_170 = arith.constant 0 : i32
      %dma_wait3A_171 = tpu.memref_slice %arg2[%dma_wait3A_169, %dma_wait3A_170] : memref<10000x128xf32, #tpu.memory_space<hbm>> -> memref<10000x128xf32, #tpu.memory_space<hbm>>
      tpu.wait_indirect_dma semaphore(%arg15 : memref<!tpu.dma_semaphore, #tpu.memory_space<semaphore_mem>>) src(%dma_wait3A_171 : memref<10000x128xf32, #tpu.memory_space<hbm>>) dst(%arg10 : memref<80x128xf32, #tpu.memory_space<vmem>>)
      %add3A_172 = arith.constant 3 : i32
      %add3A_173 = arith.addi %mul3A_129, %add3A_172 : i32
      %mul3A_174 = arith.constant 80 : i32
      %mul3A_175 = arith.muli %add3A_173, %mul3A_174 : i32
      %dma_start3A_176 = tpu.memref_slice %arg7[%mul3A_175] : memref<10000xi32, #tpu.memory_space<vmem>> -> memref<80xi32, #tpu.memory_space<vmem>>
      %dma_start3A_177 = arith.constant 0 : i32
      %dma_start3A_178 = arith.constant 0 : i32
      %dma_start3A_179 = tpu.memref_slice %arg2[%dma_start3A_177, %dma_start3A_178] : memref<10000x128xf32, #tpu.memory_space<hbm>> -> memref<10000x128xf32, #tpu.memory_space<hbm>>
      tpu.enqueue_indirect_dma source(%dma_start3A_179 : memref<10000x128xf32, #tpu.memory_space<hbm>>) target(%arg10 : memref<80x128xf32, #tpu.memory_space<vmem>>) offsets(%dma_start3A_176 : memref<80xi32, #tpu.memory_space<vmem>>) semaphore(%arg13 : memref<!tpu.dma_semaphore, #tpu.memory_space<semaphore_mem>>)
    }
    %scan3A_59 = arith.constant 61 : i32
    %dma_wait3A_60 = arith.constant 0 : i32
    %dma_wait3A_61 = tpu.memref_slice %arg7[%dma_wait3A_60] : memref<10000xi32, #tpu.memory_space<vmem>> -> memref<80xi32, #tpu.memory_space<vmem>>
    %dma_wait3A_62 = arith.constant 0 : i32
    %dma_wait3A_63 = arith.constant 0 : i32
    %dma_wait3A_64 = tpu.memref_slice %arg2[%dma_wait3A_62, %dma_wait3A_63] : memref<10000x128xf32, #tpu.memory_space<hbm>> -> memref<10000x128xf32, #tpu.memory_space<hbm>>
    tpu.wait_indirect_dma semaphore(%arg12 : memref<!tpu.dma_semaphore, #tpu.memory_space<semaphore_mem>>) src(%dma_wait3A_64 : memref<10000x128xf32, #tpu.memory_space<hbm>>) dst(%arg9 : memref<80x128xf32, #tpu.memory_space<vmem>>)
    %dma_start3A_65 = arith.constant 122 : i32
    %dma_start3A_66 = arith.constant 0 : i32
    %dma_start3A_67 = tpu.memref_slice %arg8[%dma_start3A_65, %dma_start3A_66] : memref<125x80xi32, #tpu.memory_space<vmem>> -> memref<1x80xi32, #tpu.memory_space<vmem>>
    %dma_start3A_68 = tpu.memref_squeeze %dma_start3A_67 : memref<1x80xi32, #tpu.memory_space<vmem>> -> memref<80xi32, #tpu.memory_space<vmem>>
    %dma_start3A_69 = arith.constant 0 : i32
    %dma_start3A_70 = arith.constant 0 : i32
    %dma_start3A_71 = tpu.memref_slice %arg11[%dma_start3A_69, %dma_start3A_70] : memref<10000x128xf32, #tpu.memory_space<vmem_shared>> -> memref<10000x128xf32, #tpu.memory_space<vmem_shared>>
    tpu.enqueue_indirect_dma source(%arg9 : memref<80x128xf32, #tpu.memory_space<vmem>>) target(%dma_start3A_71 : memref<10000x128xf32, #tpu.memory_space<vmem_shared>>) offsets(%dma_start3A_68 : memref<80xi32, #tpu.memory_space<vmem>>) semaphore(%arg14 : memref<!tpu.dma_semaphore, #tpu.memory_space<semaphore_mem>>) {add = true}
    %dma_wait3A_72 = arith.constant 0 : i32
    %dma_wait3A_73 = tpu.memref_slice %arg7[%dma_wait3A_72] : memref<10000xi32, #tpu.memory_space<vmem>> -> memref<80xi32, #tpu.memory_space<vmem>>
    %dma_wait3A_74 = arith.constant 0 : i32
    %dma_wait3A_75 = arith.constant 0 : i32
    %dma_wait3A_76 = tpu.memref_slice %arg2[%dma_wait3A_74, %dma_wait3A_75] : memref<10000x128xf32, #tpu.memory_space<hbm>> -> memref<10000x128xf32, #tpu.memory_space<hbm>>
    tpu.wait_indirect_dma semaphore(%arg14 : memref<!tpu.dma_semaphore, #tpu.memory_space<semaphore_mem>>) src(%dma_wait3A_76 : memref<10000x128xf32, #tpu.memory_space<hbm>>) dst(%arg9 : memref<80x128xf32, #tpu.memory_space<vmem>>)
    %dma_start3A_77 = arith.constant 9920 : i32
    %dma_start3A_78 = tpu.memref_slice %arg7[%dma_start3A_77] : memref<10000xi32, #tpu.memory_space<vmem>> -> memref<80xi32, #tpu.memory_space<vmem>>
    %dma_start3A_79 = arith.constant 0 : i32
    %dma_start3A_80 = arith.constant 0 : i32
    %dma_start3A_81 = tpu.memref_slice %arg2[%dma_start3A_79, %dma_start3A_80] : memref<10000x128xf32, #tpu.memory_space<hbm>> -> memref<10000x128xf32, #tpu.memory_space<hbm>>
    tpu.enqueue_indirect_dma source(%dma_start3A_81 : memref<10000x128xf32, #tpu.memory_space<hbm>>) target(%arg9 : memref<80x128xf32, #tpu.memory_space<vmem>>) offsets(%dma_start3A_78 : memref<80xi32, #tpu.memory_space<vmem>>) semaphore(%arg12 : memref<!tpu.dma_semaphore, #tpu.memory_space<semaphore_mem>>)
    %dma_wait3A_82 = arith.constant 0 : i32
    %dma_wait3A_83 = tpu.memref_slice %arg7[%dma_wait3A_82] : memref<10000xi32, #tpu.memory_space<vmem>> -> memref<80xi32, #tpu.memory_space<vmem>>
    %dma_wait3A_84 = arith.constant 0 : i32
    %dma_wait3A_85 = arith.constant 0 : i32
    %dma_wait3A_86 = tpu.memref_slice %arg2[%dma_wait3A_84, %dma_wait3A_85] : memref<10000x128xf32, #tpu.memory_space<hbm>> -> memref<10000x128xf32, #tpu.memory_space<hbm>>
    tpu.wait_indirect_dma semaphore(%arg13 : memref<!tpu.dma_semaphore, #tpu.memory_space<semaphore_mem>>) src(%dma_wait3A_86 : memref<10000x128xf32, #tpu.memory_space<hbm>>) dst(%arg10 : memref<80x128xf32, #tpu.memory_space<vmem>>)
    %dma_start3A_87 = arith.constant 123 : i32
    %dma_start3A_88 = arith.constant 0 : i32
    %dma_start3A_89 = tpu.memref_slice %arg8[%dma_start3A_87, %dma_start3A_88] : memref<125x80xi32, #tpu.memory_space<vmem>> -> memref<1x80xi32, #tpu.memory_space<vmem>>
    %dma_start3A_90 = tpu.memref_squeeze %dma_start3A_89 : memref<1x80xi32, #tpu.memory_space<vmem>> -> memref<80xi32, #tpu.memory_space<vmem>>
    %dma_start3A_91 = arith.constant 0 : i32
    %dma_start3A_92 = arith.constant 0 : i32
    %dma_start3A_93 = tpu.memref_slice %arg11[%dma_start3A_91, %dma_start3A_92] : memref<10000x128xf32, #tpu.memory_space<vmem_shared>> -> memref<10000x128xf32, #tpu.memory_space<vmem_shared>>
    tpu.enqueue_indirect_dma source(%arg10 : memref<80x128xf32, #tpu.memory_space<vmem>>) target(%dma_start3A_93 : memref<10000x128xf32, #tpu.memory_space<vmem_shared>>) offsets(%dma_start3A_90 : memref<80xi32, #tpu.memory_space<vmem>>) semaphore(%arg15 : memref<!tpu.dma_semaphore, #tpu.memory_space<semaphore_mem>>) {add = true}
    %dma_wait3A_94 = arith.constant 0 : i32
    %dma_wait3A_95 = tpu.memref_slice %arg7[%dma_wait3A_94] : memref<10000xi32, #tpu.memory_space<vmem>> -> memref<80xi32, #tpu.memory_space<vmem>>
    %dma_wait3A_96 = arith.constant 0 : i32
    %dma_wait3A_97 = arith.constant 0 : i32
    %dma_wait3A_98 = tpu.memref_slice %arg2[%dma_wait3A_96, %dma_wait3A_97] : memref<10000x128xf32, #tpu.memory_space<hbm>> -> memref<10000x128xf32, #tpu.memory_space<hbm>>
    tpu.wait_indirect_dma semaphore(%arg12 : memref<!tpu.dma_semaphore, #tpu.memory_space<semaphore_mem>>) src(%dma_wait3A_98 : memref<10000x128xf32, #tpu.memory_space<hbm>>) dst(%arg9 : memref<80x128xf32, #tpu.memory_space<vmem>>)
    %dma_start3A_99 = arith.constant 124 : i32
    %dma_start3A_100 = arith.constant 0 : i32
    %dma_start3A_101 = tpu.memref_slice %arg8[%dma_start3A_99, %dma_start3A_100] : memref<125x80xi32, #tpu.memory_space<vmem>> -> memref<1x80xi32, #tpu.memory_space<vmem>>
    %dma_start3A_102 = tpu.memref_squeeze %dma_start3A_101 : memref<1x80xi32, #tpu.memory_space<vmem>> -> memref<80xi32, #tpu.memory_space<vmem>>
    %dma_start3A_103 = arith.constant 0 : i32
    %dma_start3A_104 = arith.constant 0 : i32
    %dma_start3A_105 = tpu.memref_slice %arg11[%dma_start3A_103, %dma_start3A_104] : memref<10000x128xf32, #tpu.memory_space<vmem_shared>> -> memref<10000x128xf32, #tpu.memory_space<vmem_shared>>
    tpu.enqueue_indirect_dma source(%arg9 : memref<80x128xf32, #tpu.memory_space<vmem>>) target(%dma_start3A_105 : memref<10000x128xf32, #tpu.memory_space<vmem_shared>>) offsets(%dma_start3A_102 : memref<80xi32, #tpu.memory_space<vmem>>) semaphore(%arg14 : memref<!tpu.dma_semaphore, #tpu.memory_space<semaphore_mem>>) {add = true}
    %dma_wait3A_106 = arith.constant 0 : i32
    %dma_wait3A_107 = tpu.memref_slice %arg7[%dma_wait3A_106] : memref<10000xi32, #tpu.memory_space<vmem>> -> memref<80xi32, #tpu.memory_space<vmem>>
    %dma_wait3A_108 = arith.constant 0 : i32
    %dma_wait3A_109 = arith.constant 0 : i32
    %dma_wait3A_110 = tpu.memref_slice %arg2[%dma_wait3A_108, %dma_wait3A_109] : memref<10000x128xf32, #tpu.memory_space<hbm>> -> memref<10000x128xf32, #tpu.memory_space<hbm>>
    tpu.wait_indirect_dma semaphore(%arg14 : memref<!tpu.dma_semaphore, #tpu.memory_space<semaphore_mem>>) src(%dma_wait3A_110 : memref<10000x128xf32, #tpu.memory_space<hbm>>) dst(%arg9 : memref<80x128xf32, #tpu.memory_space<vmem>>)
    %dma_wait3A_111 = arith.constant 0 : i32
    %dma_wait3A_112 = tpu.memref_slice %arg7[%dma_wait3A_111] : memref<10000xi32, #tpu.memory_space<vmem>> -> memref<80xi32, #tpu.memory_space<vmem>>
    %dma_wait3A_113 = arith.constant 0 : i32
    %dma_wait3A_114 = arith.constant 0 : i32
    %dma_wait3A_115 = tpu.memref_slice %arg2[%dma_wait3A_113, %dma_wait3A_114] : memref<10000x128xf32, #tpu.memory_space<hbm>> -> memref<10000x128xf32, #tpu.memory_space<hbm>>
    tpu.wait_indirect_dma semaphore(%arg15 : memref<!tpu.dma_semaphore, #tpu.memory_space<semaphore_mem>>) src(%dma_wait3A_115 : memref<10000x128xf32, #tpu.memory_space<hbm>>) dst(%arg10 : memref<80x128xf32, #tpu.memory_space<vmem>>)
    %barrier3A_116 = arith.constant 0 : index
    tpu.barrier barrier_id(%barrier3A_116)
    %lt3A_117 = arith.constant 15 : i32
    %lt3A_118 = arith.cmpi slt, %arg1, %lt3A_117 : i32
    %convert_element_type3A_119 = arith.extui %lt3A_118 : i1 to i32
    %cond3A_120 = arith.constant 0 : i32
    %cond3A_121 = arith.cmpi ne, %convert_element_type3A_119, %cond3A_120 : i32
    scf.if %cond3A_121 {
      "tpu.region"() ({
        %run_scoped3A = tpu.sem_alloc : memref<!tpu.dma_semaphore, #tpu.memory_space<semaphore_mem>>
        %dma_start3A_127 = arith.constant 0 : i32
        %dma_start3A_128 = tpu.memref_slice %arg6[%arg0, %mul3A_2, %dma_start3A_127] : memref<2x10000x128xf32, #tpu.memory_space<hbm>> -> memref<1x640x128xf32, #tpu.memory_space<hbm>>
        %dma_start3A_129 = tpu.memref_squeeze %dma_start3A_128 : memref<1x640x128xf32, #tpu.memory_space<hbm>> -> memref<640x128xf32, #tpu.memory_space<hbm>>
        %dma_start3A_130 = arith.constant 0 : i32
        %dma_start3A_131 = tpu.memref_slice %arg11[%mul3A_2, %dma_start3A_130] : memref<10000x128xf32, #tpu.memory_space<vmem_shared>> -> memref<640x128xf32, #tpu.memory_space<vmem_shared>>
        tpu.enqueue_dma source(%dma_start3A_131 : memref<640x128xf32, #tpu.memory_space<vmem_shared>>) target(%dma_start3A_129 : memref<640x128xf32, #tpu.memory_space<hbm>>) target_semaphore(%run_scoped3A : memref<!tpu.dma_semaphore, #tpu.memory_space<semaphore_mem>>)
        %dma_wait3A_132 = arith.constant 0 : i32
        %dma_wait3A_133 = tpu.memref_slice %arg6[%arg0, %mul3A_2, %dma_wait3A_132] : memref<2x10000x128xf32, #tpu.memory_space<hbm>> -> memref<1x640x128xf32, #tpu.memory_space<hbm>>
        %dma_wait3A_134 = tpu.memref_squeeze %dma_wait3A_133 : memref<1x640x128xf32, #tpu.memory_space<hbm>> -> memref<640x128xf32, #tpu.memory_space<hbm>>
        %dma_wait3A_135 = arith.constant 0 : i32
        %dma_wait3A_136 = tpu.memref_slice %arg11[%mul3A_2, %dma_wait3A_135] : memref<10000x128xf32, #tpu.memory_space<vmem_shared>> -> memref<640x128xf32, #tpu.memory_space<vmem_shared>>
        tpu.wait_dma2 semaphore(%run_scoped3A : memref<!tpu.dma_semaphore, #tpu.memory_space<semaphore_mem>>) src(%dma_wait3A_136 : memref<640x128xf32, #tpu.memory_space<vmem_shared>>) dst(%dma_wait3A_134 : memref<640x128xf32, #tpu.memory_space<hbm>>)
        tpu.yield
      }) : () -> ()
    } else {
    }
    %eq3A_122 = arith.constant 15 : i32
    %eq3A_123 = arith.cmpi eq, %arg1, %eq3A_122 : i32
    %convert_element_type3A_124 = arith.extui %eq3A_123 : i1 to i32
    %cond3A_125 = arith.constant 0 : i32
    %cond3A_126 = arith.cmpi ne, %convert_element_type3A_124, %cond3A_125 : i32
    scf.if %cond3A_126 {
      "tpu.region"() ({
        %run_scoped3A = tpu.sem_alloc : memref<!tpu.dma_semaphore, #tpu.memory_space<semaphore_mem>>
        %dma_start3A_127 = arith.constant 9600 : i32
        %dma_start3A_128 = arith.constant 0 : i32
        %dma_start3A_129 = tpu.memref_slice %arg6[%arg0, %dma_start3A_127, %dma_start3A_128] : memref<2x10000x128xf32, #tpu.memory_space<hbm>> -> memref<1x400x128xf32, #tpu.memory_space<hbm>>
        %dma_start3A_130 = tpu.memref_squeeze %dma_start3A_129 : memref<1x400x128xf32, #tpu.memory_space<hbm>> -> memref<400x128xf32, #tpu.memory_space<hbm>>
        %dma_start3A_131 = arith.constant 9600 : i32
        %dma_start3A_132 = arith.constant 0 : i32
        %dma_start3A_133 = tpu.memref_slice %arg11[%dma_start3A_131, %dma_start3A_132] : memref<10000x128xf32, #tpu.memory_space<vmem_shared>> -> memref<400x128xf32, #tpu.memory_space<vmem_shared>>
        tpu.enqueue_dma source(%dma_start3A_133 : memref<400x128xf32, #tpu.memory_space<vmem_shared>>) target(%dma_start3A_130 : memref<400x128xf32, #tpu.memory_space<hbm>>) target_semaphore(%run_scoped3A : memref<!tpu.dma_semaphore, #tpu.memory_space<semaphore_mem>>)
        %dma_wait3A_134 = arith.constant 9600 : i32
        %dma_wait3A_135 = arith.constant 0 : i32
        %dma_wait3A_136 = tpu.memref_slice %arg6[%arg0, %dma_wait3A_134, %dma_wait3A_135] : memref<2x10000x128xf32, #tpu.memory_space<hbm>> -> memref<1x400x128xf32, #tpu.memory_space<hbm>>
        %dma_wait3A_137 = tpu.memref_squeeze %dma_wait3A_136 : memref<1x400x128xf32, #tpu.memory_space<hbm>> -> memref<400x128xf32, #tpu.memory_space<hbm>>
        %dma_wait3A_138 = arith.constant 9600 : i32
        %dma_wait3A_139 = arith.constant 0 : i32
        %dma_wait3A_140 = tpu.memref_slice %arg11[%dma_wait3A_138, %dma_wait3A_139] : memref<10000x128xf32, #tpu.memory_space<vmem_shared>> -> memref<400x128xf32, #tpu.memory_space<vmem_shared>>
        tpu.wait_dma2 semaphore(%run_scoped3A : memref<!tpu.dma_semaphore, #tpu.memory_space<semaphore_mem>>) src(%dma_wait3A_140 : memref<400x128xf32, #tpu.memory_space<vmem_shared>>) dst(%dma_wait3A_137 : memref<400x128xf32, #tpu.memory_space<hbm>>)
        tpu.yield
      }) : () -> ()
    } else {
    }
    return
  }
}

#map = affine_map<(d0, d1) -> (0, 0)>
#map1 = affine_map<(d0, d1) -> (0, 0, 0)>
module attributes {stable_mosaic.version = 14 : i64} {
  func.func @_seg_body(%arg0: i32, %arg1: i32, %arg2: memref<10000x128xf32, #tpu.memory_space<hbm>>, %arg3: memref<32x10000xi32, #tpu.memory_space<hbm>>, %arg4: memref<32x125x80xi32, #tpu.memory_space<hbm>>, %arg5: memref<640x128xf32, #tpu.memory_space<hbm>>, %arg6: memref<2x10000x128xf32, #tpu.memory_space<hbm>>, %arg7: memref<10000xi32, #tpu.memory_space<vmem>>, %arg8: memref<125x80xi32, #tpu.memory_space<vmem>>, %arg9: memref<80x128xf32, #tpu.memory_space<vmem>>, %arg10: memref<80x128xf32, #tpu.memory_space<vmem>>, %arg11: memref<10000x128xf32, #tpu.memory_space<vmem_shared>>, %arg12: memref<!tpu.dma_semaphore, #tpu.memory_space<semaphore_mem>>, %arg13: memref<!tpu.dma_semaphore, #tpu.memory_space<semaphore_mem>>, %arg14: memref<!tpu.dma_semaphore, #tpu.memory_space<semaphore_mem>>, %arg15: memref<!tpu.dma_semaphore, #tpu.memory_space<semaphore_mem>>) attributes {dimension_semantics = [#tpu.dimension_semantics<core_parallel>, #tpu.dimension_semantics<subcore_parallel>], iteration_bounds = array<i64: 2, 16>, scalar_prefetch = 0 : i64, scratch_operands = 9 : i64, tpu.core_type = #tpu.core_type<sc_vector_subcore>, window_params = [{transform_indices = #map}, {transform_indices = #map}, {transform_indices = #map1}, {transform_indices = #map}, {transform_indices = #map1}]} {
    %mul3A = arith.constant 2 : i32
    %mul3A_0 = arith.muli %arg1, %mul3A : i32
    %add3A = arith.addi %mul3A_0, %arg0 : i32
    %mul3A_1 = arith.constant 640 : i32
    %mul3A_2 = arith.muli %arg1, %mul3A_1 : i32
    %dma_start3A = arith.constant 0 : i32
    %dma_start3A_3 = tpu.memref_slice %arg3[%add3A, %dma_start3A] : memref<32x10000xi32, #tpu.memory_space<hbm>> -> memref<1x10000xi32, #tpu.memory_space<hbm>>
    %dma_start3A_4 = tpu.memref_squeeze %dma_start3A_3 : memref<1x10000xi32, #tpu.memory_space<hbm>> -> memref<10000xi32, #tpu.memory_space<hbm>>
    %dma_start3A_5 = arith.constant 0 : i32
    %dma_start3A_6 = tpu.memref_slice %arg3[%add3A, %dma_start3A_5] : memref<32x10000xi32, #tpu.memory_space<hbm>> -> memref<1x10000xi32, #tpu.memory_space<hbm>>
    %dma_start3A_7 = tpu.memref_squeeze %dma_start3A_6 : memref<1x10000xi32, #tpu.memory_space<hbm>> -> memref<10000xi32, #tpu.memory_space<hbm>>
    tpu.enqueue_dma source(%dma_start3A_7 : memref<10000xi32, #tpu.memory_space<hbm>>) target(%arg7 : memref<10000xi32, #tpu.memory_space<vmem>>) target_semaphore(%arg12 : memref<!tpu.dma_semaphore, #tpu.memory_space<semaphore_mem>>)
    %dma_start3A_8 = arith.constant 0 : i32
    %dma_start3A_9 = arith.constant 0 : i32
    %dma_start3A_10 = tpu.memref_slice %arg4[%add3A, %dma_start3A_8, %dma_start3A_9] : memref<32x125x80xi32, #tpu.memory_space<hbm>> -> memref<1x125x80xi32, #tpu.memory_space<hbm>>
    %dma_start3A_11 = tpu.memref_squeeze %dma_start3A_10 : memref<1x125x80xi32, #tpu.memory_space<hbm>> -> memref<125x80xi32, #tpu.memory_space<hbm>>
    %dma_start3A_12 = arith.constant 0 : i32
    %dma_start3A_13 = arith.constant 0 : i32
    %dma_start3A_14 = tpu.memref_slice %arg4[%add3A, %dma_start3A_12, %dma_start3A_13] : memref<32x125x80xi32, #tpu.memory_space<hbm>> -> memref<1x125x80xi32, #tpu.memory_space<hbm>>
    %dma_start3A_15 = tpu.memref_squeeze %dma_start3A_14 : memref<1x125x80xi32, #tpu.memory_space<hbm>> -> memref<125x80xi32, #tpu.memory_space<hbm>>
    tpu.enqueue_dma source(%dma_start3A_15 : memref<125x80xi32, #tpu.memory_space<hbm>>) target(%arg8 : memref<125x80xi32, #tpu.memory_space<vmem>>) target_semaphore(%arg13 : memref<!tpu.dma_semaphore, #tpu.memory_space<semaphore_mem>>)
    %lt3A = arith.constant 15 : i32
    %lt3A_16 = arith.cmpi slt, %arg1, %lt3A : i32
    %convert_element_type3A = arith.extui %lt3A_16 : i1 to i32
    %cond3A = arith.constant 0 : i32
    %cond3A_17 = arith.cmpi ne, %convert_element_type3A, %cond3A : i32
    scf.if %cond3A_17 {
      %dma_start3A_127 = arith.constant 0 : i32
      %dma_start3A_128 = tpu.memref_slice %arg11[%mul3A_2, %dma_start3A_127] : memref<10000x128xf32, #tpu.memory_space<vmem_shared>> -> memref<640x128xf32, #tpu.memory_space<vmem_shared>>
      tpu.enqueue_dma source(%arg5 : memref<640x128xf32, #tpu.memory_space<hbm>>) target(%dma_start3A_128 : memref<640x128xf32, #tpu.memory_space<vmem_shared>>) target_semaphore(%arg14 : memref<!tpu.dma_semaphore, #tpu.memory_space<semaphore_mem>>)
    } else {
    }
    %eq3A = arith.constant 15 : i32
    %eq3A_18 = arith.cmpi eq, %arg1, %eq3A : i32
    %convert_element_type3A_19 = arith.extui %eq3A_18 : i1 to i32
    %cond3A_20 = arith.constant 0 : i32
    %cond3A_21 = arith.cmpi ne, %convert_element_type3A_19, %cond3A_20 : i32
    scf.if %cond3A_21 {
      %dma_start3A_127 = arith.constant 9600 : i32
      %dma_start3A_128 = arith.constant 0 : i32
      %dma_start3A_129 = tpu.memref_slice %arg11[%dma_start3A_127, %dma_start3A_128] : memref<10000x128xf32, #tpu.memory_space<vmem_shared>> -> memref<400x128xf32, #tpu.memory_space<vmem_shared>>
      %dma_start3A_130 = arith.constant 0 : i32
      %dma_start3A_131 = arith.constant 0 : i32
      %dma_start3A_132 = tpu.memref_slice %arg5[%dma_start3A_130, %dma_start3A_131] : memref<640x128xf32, #tpu.memory_space<hbm>> -> memref<400x128xf32, #tpu.memory_space<hbm>>
      tpu.enqueue_dma source(%dma_start3A_132 : memref<400x128xf32, #tpu.memory_space<hbm>>) target(%dma_start3A_129 : memref<400x128xf32, #tpu.memory_space<vmem_shared>>) target_semaphore(%arg14 : memref<!tpu.dma_semaphore, #tpu.memory_space<semaphore_mem>>)
    } else {
    }
    %dma_wait3A = arith.constant 0 : i32
    %dma_wait3A_22 = tpu.memref_slice %arg3[%add3A, %dma_wait3A] : memref<32x10000xi32, #tpu.memory_space<hbm>> -> memref<1x10000xi32, #tpu.memory_space<hbm>>
    %dma_wait3A_23 = tpu.memref_squeeze %dma_wait3A_22 : memref<1x10000xi32, #tpu.memory_space<hbm>> -> memref<10000xi32, #tpu.memory_space<hbm>>
    %dma_wait3A_24 = arith.constant 0 : i32
    %dma_wait3A_25 = tpu.memref_slice %arg3[%add3A, %dma_wait3A_24] : memref<32x10000xi32, #tpu.memory_space<hbm>> -> memref<1x10000xi32, #tpu.memory_space<hbm>>
    %dma_wait3A_26 = tpu.memref_squeeze %dma_wait3A_25 : memref<1x10000xi32, #tpu.memory_space<hbm>> -> memref<10000xi32, #tpu.memory_space<hbm>>
    tpu.wait_dma2 semaphore(%arg12 : memref<!tpu.dma_semaphore, #tpu.memory_space<semaphore_mem>>) src(%dma_wait3A_26 : memref<10000xi32, #tpu.memory_space<hbm>>) dst(%arg7 : memref<10000xi32, #tpu.memory_space<vmem>>)
    %dma_wait3A_27 = arith.constant 0 : i32
    %dma_wait3A_28 = arith.constant 0 : i32
    %dma_wait3A_29 = tpu.memref_slice %arg4[%add3A, %dma_wait3A_27, %dma_wait3A_28] : memref<32x125x80xi32, #tpu.memory_space<hbm>> -> memref<1x125x80xi32, #tpu.memory_space<hbm>>
    %dma_wait3A_30 = tpu.memref_squeeze %dma_wait3A_29 : memref<1x125x80xi32, #tpu.memory_space<hbm>> -> memref<125x80xi32, #tpu.memory_space<hbm>>
    %dma_wait3A_31 = arith.constant 0 : i32
    %dma_wait3A_32 = arith.constant 0 : i32
    %dma_wait3A_33 = tpu.memref_slice %arg4[%add3A, %dma_wait3A_31, %dma_wait3A_32] : memref<32x125x80xi32, #tpu.memory_space<hbm>> -> memref<1x125x80xi32, #tpu.memory_space<hbm>>
    %dma_wait3A_34 = tpu.memref_squeeze %dma_wait3A_33 : memref<1x125x80xi32, #tpu.memory_space<hbm>> -> memref<125x80xi32, #tpu.memory_space<hbm>>
    tpu.wait_dma2 semaphore(%arg13 : memref<!tpu.dma_semaphore, #tpu.memory_space<semaphore_mem>>) src(%dma_wait3A_34 : memref<125x80xi32, #tpu.memory_space<hbm>>) dst(%arg8 : memref<125x80xi32, #tpu.memory_space<vmem>>)
    %dma_start3A_35 = arith.constant 0 : i32
    %dma_start3A_36 = tpu.memref_slice %arg7[%dma_start3A_35] : memref<10000xi32, #tpu.memory_space<vmem>> -> memref<80xi32, #tpu.memory_space<vmem>>
    %dma_start3A_37 = arith.constant 0 : i32
    %dma_start3A_38 = arith.constant 0 : i32
    %dma_start3A_39 = tpu.memref_slice %arg2[%dma_start3A_37, %dma_start3A_38] : memref<10000x128xf32, #tpu.memory_space<hbm>> -> memref<10000x128xf32, #tpu.memory_space<hbm>>
    tpu.enqueue_indirect_dma source(%dma_start3A_39 : memref<10000x128xf32, #tpu.memory_space<hbm>>) target(%arg9 : memref<80x128xf32, #tpu.memory_space<vmem>>) offsets(%dma_start3A_36 : memref<80xi32, #tpu.memory_space<vmem>>) semaphore(%arg12 : memref<!tpu.dma_semaphore, #tpu.memory_space<semaphore_mem>>)
    %dma_start3A_40 = arith.constant 80 : i32
    %dma_start3A_41 = tpu.memref_slice %arg7[%dma_start3A_40] : memref<10000xi32, #tpu.memory_space<vmem>> -> memref<80xi32, #tpu.memory_space<vmem>>
    %dma_start3A_42 = arith.constant 0 : i32
    %dma_start3A_43 = arith.constant 0 : i32
    %dma_start3A_44 = tpu.memref_slice %arg2[%dma_start3A_42, %dma_start3A_43] : memref<10000x128xf32, #tpu.memory_space<hbm>> -> memref<10000x128xf32, #tpu.memory_space<hbm>>
    tpu.enqueue_indirect_dma source(%dma_start3A_44 : memref<10000x128xf32, #tpu.memory_space<hbm>>) target(%arg10 : memref<80x128xf32, #tpu.memory_space<vmem>>) offsets(%dma_start3A_41 : memref<80xi32, #tpu.memory_space<vmem>>) semaphore(%arg13 : memref<!tpu.dma_semaphore, #tpu.memory_space<semaphore_mem>>)
    %lt3A_45 = arith.constant 15 : i32
    %lt3A_46 = arith.cmpi slt, %arg1, %lt3A_45 : i32
    %convert_element_type3A_47 = arith.extui %lt3A_46 : i1 to i32
    %cond3A_48 = arith.constant 0 : i32
    %cond3A_49 = arith.cmpi ne, %convert_element_type3A_47, %cond3A_48 : i32
    scf.if %cond3A_49 {
      %dma_wait3A_127 = arith.constant 0 : i32
      %dma_wait3A_128 = tpu.memref_slice %arg11[%mul3A_2, %dma_wait3A_127] : memref<10000x128xf32, #tpu.memory_space<vmem_shared>> -> memref<640x128xf32, #tpu.memory_space<vmem_shared>>
      tpu.wait_dma2 semaphore(%arg14 : memref<!tpu.dma_semaphore, #tpu.memory_space<semaphore_mem>>) src(%arg5 : memref<640x128xf32, #tpu.memory_space<hbm>>) dst(%dma_wait3A_128 : memref<640x128xf32, #tpu.memory_space<vmem_shared>>)
    } else {
    }
    %eq3A_50 = arith.constant 15 : i32
    %eq3A_51 = arith.cmpi eq, %arg1, %eq3A_50 : i32
    %convert_element_type3A_52 = arith.extui %eq3A_51 : i1 to i32
    %cond3A_53 = arith.constant 0 : i32
    %cond3A_54 = arith.cmpi ne, %convert_element_type3A_52, %cond3A_53 : i32
    scf.if %cond3A_54 {
      %dma_wait3A_127 = arith.constant 9600 : i32
      %dma_wait3A_128 = arith.constant 0 : i32
      %dma_wait3A_129 = tpu.memref_slice %arg11[%dma_wait3A_127, %dma_wait3A_128] : memref<10000x128xf32, #tpu.memory_space<vmem_shared>> -> memref<400x128xf32, #tpu.memory_space<vmem_shared>>
      %dma_wait3A_130 = arith.constant 0 : i32
      %dma_wait3A_131 = arith.constant 0 : i32
      %dma_wait3A_132 = tpu.memref_slice %arg5[%dma_wait3A_130, %dma_wait3A_131] : memref<640x128xf32, #tpu.memory_space<hbm>> -> memref<400x128xf32, #tpu.memory_space<hbm>>
      tpu.wait_dma2 semaphore(%arg14 : memref<!tpu.dma_semaphore, #tpu.memory_space<semaphore_mem>>) src(%dma_wait3A_132 : memref<400x128xf32, #tpu.memory_space<hbm>>) dst(%dma_wait3A_129 : memref<400x128xf32, #tpu.memory_space<vmem_shared>>)
    } else {
    }
    %barrier3A = arith.constant 0 : index
    tpu.barrier barrier_id(%barrier3A)
    %scan3A = arith.constant 0 : i32
    %scan3A_55 = arith.constant 0 : i32
    %scan3A_56 = arith.constant 61 : i32
    %scan3A_57 = arith.addi %scan3A_55, %scan3A_56 : i32
    %scan3A_58 = arith.constant 1 : i32
    scf.for %scan3A_127 = %scan3A_55 to %scan3A_57 step %scan3A_58  : i32 {
      %mul3A_128 = arith.constant 2 : i32
      %mul3A_129 = arith.muli %mul3A_128, %scan3A_127 : i32
      %dma_wait3A_130 = arith.constant 0 : i32
      %dma_wait3A_131 = tpu.memref_slice %arg7[%dma_wait3A_130] : memref<10000xi32, #tpu.memory_space<vmem>> -> memref<80xi32, #tpu.memory_space<vmem>>
      %dma_wait3A_132 = arith.constant 0 : i32
      %dma_wait3A_133 = arith.constant 0 : i32
      %dma_wait3A_134 = tpu.memref_slice %arg2[%dma_wait3A_132, %dma_wait3A_133] : memref<10000x128xf32, #tpu.memory_space<hbm>> -> memref<10000x128xf32, #tpu.memory_space<hbm>>
      tpu.wait_indirect_dma semaphore(%arg12 : memref<!tpu.dma_semaphore, #tpu.memory_space<semaphore_mem>>) src(%dma_wait3A_134 : memref<10000x128xf32, #tpu.memory_space<hbm>>) dst(%arg9 : memref<80x128xf32, #tpu.memory_space<vmem>>)
      %dma_start3A_135 = arith.constant 0 : i32
      %dma_start3A_136 = tpu.memref_slice %arg8[%mul3A_129, %dma_start3A_135] : memref<125x80xi32, #tpu.memory_space<vmem>> -> memref<1x80xi32, #tpu.memory_space<vmem>>
      %dma_start3A_137 = tpu.memref_squeeze %dma_start3A_136 : memref<1x80xi32, #tpu.memory_space<vmem>> -> memref<80xi32, #tpu.memory_space<vmem>>
      %dma_start3A_138 = arith.constant 0 : i32
      %dma_start3A_139 = arith.constant 0 : i32
      %dma_start3A_140 = tpu.memref_slice %arg11[%dma_start3A_138, %dma_start3A_139] : memref<10000x128xf32, #tpu.memory_space<vmem_shared>> -> memref<10000x128xf32, #tpu.memory_space<vmem_shared>>
      tpu.enqueue_indirect_dma source(%arg9 : memref<80x128xf32, #tpu.memory_space<vmem>>) target(%dma_start3A_140 : memref<10000x128xf32, #tpu.memory_space<vmem_shared>>) offsets(%dma_start3A_137 : memref<80xi32, #tpu.memory_space<vmem>>) semaphore(%arg14 : memref<!tpu.dma_semaphore, #tpu.memory_space<semaphore_mem>>) {add = true}
      %dma_wait3A_141 = arith.constant 0 : i32
      %dma_wait3A_142 = tpu.memref_slice %arg7[%dma_wait3A_141] : memref<10000xi32, #tpu.memory_space<vmem>> -> memref<80xi32, #tpu.memory_space<vmem>>
      %dma_wait3A_143 = arith.constant 0 : i32
      %dma_wait3A_144 = arith.constant 0 : i32
      %dma_wait3A_145 = tpu.memref_slice %arg2[%dma_wait3A_143, %dma_wait3A_144] : memref<10000x128xf32, #tpu.memory_space<hbm>> -> memref<10000x128xf32, #tpu.memory_space<hbm>>
      tpu.wait_indirect_dma semaphore(%arg14 : memref<!tpu.dma_semaphore, #tpu.memory_space<semaphore_mem>>) src(%dma_wait3A_145 : memref<10000x128xf32, #tpu.memory_space<hbm>>) dst(%arg9 : memref<80x128xf32, #tpu.memory_space<vmem>>)
      %add3A_146 = arith.constant 2 : i32
      %add3A_147 = arith.addi %mul3A_129, %add3A_146 : i32
      %mul3A_148 = arith.constant 80 : i32
      %mul3A_149 = arith.muli %add3A_147, %mul3A_148 : i32
      %dma_start3A_150 = tpu.memref_slice %arg7[%mul3A_149] : memref<10000xi32, #tpu.memory_space<vmem>> -> memref<80xi32, #tpu.memory_space<vmem>>
      %dma_start3A_151 = arith.constant 0 : i32
      %dma_start3A_152 = arith.constant 0 : i32
      %dma_start3A_153 = tpu.memref_slice %arg2[%dma_start3A_151, %dma_start3A_152] : memref<10000x128xf32, #tpu.memory_space<hbm>> -> memref<10000x128xf32, #tpu.memory_space<hbm>>
      tpu.enqueue_indirect_dma source(%dma_start3A_153 : memref<10000x128xf32, #tpu.memory_space<hbm>>) target(%arg9 : memref<80x128xf32, #tpu.memory_space<vmem>>) offsets(%dma_start3A_150 : memref<80xi32, #tpu.memory_space<vmem>>) semaphore(%arg12 : memref<!tpu.dma_semaphore, #tpu.memory_space<semaphore_mem>>)
      %dma_wait3A_154 = arith.constant 0 : i32
      %dma_wait3A_155 = tpu.memref_slice %arg7[%dma_wait3A_154] : memref<10000xi32, #tpu.memory_space<vmem>> -> memref<80xi32, #tpu.memory_space<vmem>>
      %dma_wait3A_156 = arith.constant 0 : i32
      %dma_wait3A_157 = arith.constant 0 : i32
      %dma_wait3A_158 = tpu.memref_slice %arg2[%dma_wait3A_156, %dma_wait3A_157] : memref<10000x128xf32, #tpu.memory_space<hbm>> -> memref<10000x128xf32, #tpu.memory_space<hbm>>
      tpu.wait_indirect_dma semaphore(%arg13 : memref<!tpu.dma_semaphore, #tpu.memory_space<semaphore_mem>>) src(%dma_wait3A_158 : memref<10000x128xf32, #tpu.memory_space<hbm>>) dst(%arg10 : memref<80x128xf32, #tpu.memory_space<vmem>>)
      %add3A_159 = arith.constant 1 : i32
      %add3A_160 = arith.addi %mul3A_129, %add3A_159 : i32
      %dma_start3A_161 = arith.constant 0 : i32
      %dma_start3A_162 = tpu.memref_slice %arg8[%add3A_160, %dma_start3A_161] : memref<125x80xi32, #tpu.memory_space<vmem>> -> memref<1x80xi32, #tpu.memory_space<vmem>>
      %dma_start3A_163 = tpu.memref_squeeze %dma_start3A_162 : memref<1x80xi32, #tpu.memory_space<vmem>> -> memref<80xi32, #tpu.memory_space<vmem>>
      %dma_start3A_164 = arith.constant 0 : i32
      %dma_start3A_165 = arith.constant 0 : i32
      %dma_start3A_166 = tpu.memref_slice %arg11[%dma_start3A_164, %dma_start3A_165] : memref<10000x128xf32, #tpu.memory_space<vmem_shared>> -> memref<10000x128xf32, #tpu.memory_space<vmem_shared>>
      tpu.enqueue_indirect_dma source(%arg10 : memref<80x128xf32, #tpu.memory_space<vmem>>) target(%dma_start3A_166 : memref<10000x128xf32, #tpu.memory_space<vmem_shared>>) offsets(%dma_start3A_163 : memref<80xi32, #tpu.memory_space<vmem>>) semaphore(%arg15 : memref<!tpu.dma_semaphore, #tpu.memory_space<semaphore_mem>>) {add = true}
      %dma_wait3A_167 = arith.constant 0 : i32
      %dma_wait3A_168 = tpu.memref_slice %arg7[%dma_wait3A_167] : memref<10000xi32, #tpu.memory_space<vmem>> -> memref<80xi32, #tpu.memory_space<vmem>>
      %dma_wait3A_169 = arith.constant 0 : i32
      %dma_wait3A_170 = arith.constant 0 : i32
      %dma_wait3A_171 = tpu.memref_slice %arg2[%dma_wait3A_169, %dma_wait3A_170] : memref<10000x128xf32, #tpu.memory_space<hbm>> -> memref<10000x128xf32, #tpu.memory_space<hbm>>
      tpu.wait_indirect_dma semaphore(%arg15 : memref<!tpu.dma_semaphore, #tpu.memory_space<semaphore_mem>>) src(%dma_wait3A_171 : memref<10000x128xf32, #tpu.memory_space<hbm>>) dst(%arg10 : memref<80x128xf32, #tpu.memory_space<vmem>>)
      %add3A_172 = arith.constant 3 : i32
      %add3A_173 = arith.addi %mul3A_129, %add3A_172 : i32
      %mul3A_174 = arith.constant 80 : i32
      %mul3A_175 = arith.muli %add3A_173, %mul3A_174 : i32
      %dma_start3A_176 = tpu.memref_slice %arg7[%mul3A_175] : memref<10000xi32, #tpu.memory_space<vmem>> -> memref<80xi32, #tpu.memory_space<vmem>>
      %dma_start3A_177 = arith.constant 0 : i32
      %dma_start3A_178 = arith.constant 0 : i32
      %dma_start3A_179 = tpu.memref_slice %arg2[%dma_start3A_177, %dma_start3A_178] : memref<10000x128xf32, #tpu.memory_space<hbm>> -> memref<10000x128xf32, #tpu.memory_space<hbm>>
      tpu.enqueue_indirect_dma source(%dma_start3A_179 : memref<10000x128xf32, #tpu.memory_space<hbm>>) target(%arg10 : memref<80x128xf32, #tpu.memory_space<vmem>>) offsets(%dma_start3A_176 : memref<80xi32, #tpu.memory_space<vmem>>) semaphore(%arg13 : memref<!tpu.dma_semaphore, #tpu.memory_space<semaphore_mem>>)
    }
    %scan3A_59 = arith.constant 61 : i32
    %dma_wait3A_60 = arith.constant 0 : i32
    %dma_wait3A_61 = tpu.memref_slice %arg7[%dma_wait3A_60] : memref<10000xi32, #tpu.memory_space<vmem>> -> memref<80xi32, #tpu.memory_space<vmem>>
    %dma_wait3A_62 = arith.constant 0 : i32
    %dma_wait3A_63 = arith.constant 0 : i32
    %dma_wait3A_64 = tpu.memref_slice %arg2[%dma_wait3A_62, %dma_wait3A_63] : memref<10000x128xf32, #tpu.memory_space<hbm>> -> memref<10000x128xf32, #tpu.memory_space<hbm>>
    tpu.wait_indirect_dma semaphore(%arg12 : memref<!tpu.dma_semaphore, #tpu.memory_space<semaphore_mem>>) src(%dma_wait3A_64 : memref<10000x128xf32, #tpu.memory_space<hbm>>) dst(%arg9 : memref<80x128xf32, #tpu.memory_space<vmem>>)
    %dma_start3A_65 = arith.constant 122 : i32
    %dma_start3A_66 = arith.constant 0 : i32
    %dma_start3A_67 = tpu.memref_slice %arg8[%dma_start3A_65, %dma_start3A_66] : memref<125x80xi32, #tpu.memory_space<vmem>> -> memref<1x80xi32, #tpu.memory_space<vmem>>
    %dma_start3A_68 = tpu.memref_squeeze %dma_start3A_67 : memref<1x80xi32, #tpu.memory_space<vmem>> -> memref<80xi32, #tpu.memory_space<vmem>>
    %dma_start3A_69 = arith.constant 0 : i32
    %dma_start3A_70 = arith.constant 0 : i32
    %dma_start3A_71 = tpu.memref_slice %arg11[%dma_start3A_69, %dma_start3A_70] : memref<10000x128xf32, #tpu.memory_space<vmem_shared>> -> memref<10000x128xf32, #tpu.memory_space<vmem_shared>>
    tpu.enqueue_indirect_dma source(%arg9 : memref<80x128xf32, #tpu.memory_space<vmem>>) target(%dma_start3A_71 : memref<10000x128xf32, #tpu.memory_space<vmem_shared>>) offsets(%dma_start3A_68 : memref<80xi32, #tpu.memory_space<vmem>>) semaphore(%arg14 : memref<!tpu.dma_semaphore, #tpu.memory_space<semaphore_mem>>) {add = true}
    %dma_wait3A_72 = arith.constant 0 : i32
    %dma_wait3A_73 = tpu.memref_slice %arg7[%dma_wait3A_72] : memref<10000xi32, #tpu.memory_space<vmem>> -> memref<80xi32, #tpu.memory_space<vmem>>
    %dma_wait3A_74 = arith.constant 0 : i32
    %dma_wait3A_75 = arith.constant 0 : i32
    %dma_wait3A_76 = tpu.memref_slice %arg2[%dma_wait3A_74, %dma_wait3A_75] : memref<10000x128xf32, #tpu.memory_space<hbm>> -> memref<10000x128xf32, #tpu.memory_space<hbm>>
    tpu.wait_indirect_dma semaphore(%arg14 : memref<!tpu.dma_semaphore, #tpu.memory_space<semaphore_mem>>) src(%dma_wait3A_76 : memref<10000x128xf32, #tpu.memory_space<hbm>>) dst(%arg9 : memref<80x128xf32, #tpu.memory_space<vmem>>)
    %dma_start3A_77 = arith.constant 9920 : i32
    %dma_start3A_78 = tpu.memref_slice %arg7[%dma_start3A_77] : memref<10000xi32, #tpu.memory_space<vmem>> -> memref<80xi32, #tpu.memory_space<vmem>>
    %dma_start3A_79 = arith.constant 0 : i32
    %dma_start3A_80 = arith.constant 0 : i32
    %dma_start3A_81 = tpu.memref_slice %arg2[%dma_start3A_79, %dma_start3A_80] : memref<10000x128xf32, #tpu.memory_space<hbm>> -> memref<10000x128xf32, #tpu.memory_space<hbm>>
    tpu.enqueue_indirect_dma source(%dma_start3A_81 : memref<10000x128xf32, #tpu.memory_space<hbm>>) target(%arg9 : memref<80x128xf32, #tpu.memory_space<vmem>>) offsets(%dma_start3A_78 : memref<80xi32, #tpu.memory_space<vmem>>) semaphore(%arg12 : memref<!tpu.dma_semaphore, #tpu.memory_space<semaphore_mem>>)
    %dma_wait3A_82 = arith.constant 0 : i32
    %dma_wait3A_83 = tpu.memref_slice %arg7[%dma_wait3A_82] : memref<10000xi32, #tpu.memory_space<vmem>> -> memref<80xi32, #tpu.memory_space<vmem>>
    %dma_wait3A_84 = arith.constant 0 : i32
    %dma_wait3A_85 = arith.constant 0 : i32
    %dma_wait3A_86 = tpu.memref_slice %arg2[%dma_wait3A_84, %dma_wait3A_85] : memref<10000x128xf32, #tpu.memory_space<hbm>> -> memref<10000x128xf32, #tpu.memory_space<hbm>>
    tpu.wait_indirect_dma semaphore(%arg13 : memref<!tpu.dma_semaphore, #tpu.memory_space<semaphore_mem>>) src(%dma_wait3A_86 : memref<10000x128xf32, #tpu.memory_space<hbm>>) dst(%arg10 : memref<80x128xf32, #tpu.memory_space<vmem>>)
    %dma_start3A_87 = arith.constant 123 : i32
    %dma_start3A_88 = arith.constant 0 : i32
    %dma_start3A_89 = tpu.memref_slice %arg8[%dma_start3A_87, %dma_start3A_88] : memref<125x80xi32, #tpu.memory_space<vmem>> -> memref<1x80xi32, #tpu.memory_space<vmem>>
    %dma_start3A_90 = tpu.memref_squeeze %dma_start3A_89 : memref<1x80xi32, #tpu.memory_space<vmem>> -> memref<80xi32, #tpu.memory_space<vmem>>
    %dma_start3A_91 = arith.constant 0 : i32
    %dma_start3A_92 = arith.constant 0 : i32
    %dma_start3A_93 = tpu.memref_slice %arg11[%dma_start3A_91, %dma_start3A_92] : memref<10000x128xf32, #tpu.memory_space<vmem_shared>> -> memref<10000x128xf32, #tpu.memory_space<vmem_shared>>
    tpu.enqueue_indirect_dma source(%arg10 : memref<80x128xf32, #tpu.memory_space<vmem>>) target(%dma_start3A_93 : memref<10000x128xf32, #tpu.memory_space<vmem_shared>>) offsets(%dma_start3A_90 : memref<80xi32, #tpu.memory_space<vmem>>) semaphore(%arg15 : memref<!tpu.dma_semaphore, #tpu.memory_space<semaphore_mem>>) {add = true}
    %dma_wait3A_94 = arith.constant 0 : i32
    %dma_wait3A_95 = tpu.memref_slice %arg7[%dma_wait3A_94] : memref<10000xi32, #tpu.memory_space<vmem>> -> memref<80xi32, #tpu.memory_space<vmem>>
    %dma_wait3A_96 = arith.constant 0 : i32
    %dma_wait3A_97 = arith.constant 0 : i32
    %dma_wait3A_98 = tpu.memref_slice %arg2[%dma_wait3A_96, %dma_wait3A_97] : memref<10000x128xf32, #tpu.memory_space<hbm>> -> memref<10000x128xf32, #tpu.memory_space<hbm>>
    tpu.wait_indirect_dma semaphore(%arg12 : memref<!tpu.dma_semaphore, #tpu.memory_space<semaphore_mem>>) src(%dma_wait3A_98 : memref<10000x128xf32, #tpu.memory_space<hbm>>) dst(%arg9 : memref<80x128xf32, #tpu.memory_space<vmem>>)
    %dma_start3A_99 = arith.constant 124 : i32
    %dma_start3A_100 = arith.constant 0 : i32
    %dma_start3A_101 = tpu.memref_slice %arg8[%dma_start3A_99, %dma_start3A_100] : memref<125x80xi32, #tpu.memory_space<vmem>> -> memref<1x80xi32, #tpu.memory_space<vmem>>
    %dma_start3A_102 = tpu.memref_squeeze %dma_start3A_101 : memref<1x80xi32, #tpu.memory_space<vmem>> -> memref<80xi32, #tpu.memory_space<vmem>>
    %dma_start3A_103 = arith.constant 0 : i32
    %dma_start3A_104 = arith.constant 0 : i32
    %dma_start3A_105 = tpu.memref_slice %arg11[%dma_start3A_103, %dma_start3A_104] : memref<10000x128xf32, #tpu.memory_space<vmem_shared>> -> memref<10000x128xf32, #tpu.memory_space<vmem_shared>>
    tpu.enqueue_indirect_dma source(%arg9 : memref<80x128xf32, #tpu.memory_space<vmem>>) target(%dma_start3A_105 : memref<10000x128xf32, #tpu.memory_space<vmem_shared>>) offsets(%dma_start3A_102 : memref<80xi32, #tpu.memory_space<vmem>>) semaphore(%arg14 : memref<!tpu.dma_semaphore, #tpu.memory_space<semaphore_mem>>) {add = true}
    %dma_wait3A_106 = arith.constant 0 : i32
    %dma_wait3A_107 = tpu.memref_slice %arg7[%dma_wait3A_106] : memref<10000xi32, #tpu.memory_space<vmem>> -> memref<80xi32, #tpu.memory_space<vmem>>
    %dma_wait3A_108 = arith.constant 0 : i32
    %dma_wait3A_109 = arith.constant 0 : i32
    %dma_wait3A_110 = tpu.memref_slice %arg2[%dma_wait3A_108, %dma_wait3A_109] : memref<10000x128xf32, #tpu.memory_space<hbm>> -> memref<10000x128xf32, #tpu.memory_space<hbm>>
    tpu.wait_indirect_dma semaphore(%arg14 : memref<!tpu.dma_semaphore, #tpu.memory_space<semaphore_mem>>) src(%dma_wait3A_110 : memref<10000x128xf32, #tpu.memory_space<hbm>>) dst(%arg9 : memref<80x128xf32, #tpu.memory_space<vmem>>)
    %dma_wait3A_111 = arith.constant 0 : i32
    %dma_wait3A_112 = tpu.memref_slice %arg7[%dma_wait3A_111] : memref<10000xi32, #tpu.memory_space<vmem>> -> memref<80xi32, #tpu.memory_space<vmem>>
    %dma_wait3A_113 = arith.constant 0 : i32
    %dma_wait3A_114 = arith.constant 0 : i32
    %dma_wait3A_115 = tpu.memref_slice %arg2[%dma_wait3A_113, %dma_wait3A_114] : memref<10000x128xf32, #tpu.memory_space<hbm>> -> memref<10000x128xf32, #tpu.memory_space<hbm>>
    tpu.wait_indirect_dma semaphore(%arg15 : memref<!tpu.dma_semaphore, #tpu.memory_space<semaphore_mem>>) src(%dma_wait3A_115 : memref<10000x128xf32, #tpu.memory_space<hbm>>) dst(%arg10 : memref<80x128xf32, #tpu.memory_space<vmem>>)
    %barrier3A_116 = arith.constant 0 : index
    tpu.barrier barrier_id(%barrier3A_116)
    %lt3A_117 = arith.constant 15 : i32
    %lt3A_118 = arith.cmpi slt, %arg1, %lt3A_117 : i32
    %convert_element_type3A_119 = arith.extui %lt3A_118 : i1 to i32
    %cond3A_120 = arith.constant 0 : i32
    %cond3A_121 = arith.cmpi ne, %convert_element_type3A_119, %cond3A_120 : i32
    scf.if %cond3A_121 {
      "tpu.region"() ({
        %run_scoped3A = tpu.sem_alloc : memref<!tpu.dma_semaphore, #tpu.memory_space<semaphore_mem>>
        %dma_start3A_127 = arith.constant 0 : i32
        %dma_start3A_128 = tpu.memref_slice %arg6[%arg0, %mul3A_2, %dma_start3A_127] : memref<2x10000x128xf32, #tpu.memory_space<hbm>> -> memref<1x640x128xf32, #tpu.memory_space<hbm>>
        %dma_start3A_129 = tpu.memref_squeeze %dma_start3A_128 : memref<1x640x128xf32, #tpu.memory_space<hbm>> -> memref<640x128xf32, #tpu.memory_space<hbm>>
        %dma_start3A_130 = arith.constant 0 : i32
        %dma_start3A_131 = tpu.memref_slice %arg11[%mul3A_2, %dma_start3A_130] : memref<10000x128xf32, #tpu.memory_space<vmem_shared>> -> memref<640x128xf32, #tpu.memory_space<vmem_shared>>
        tpu.enqueue_dma source(%dma_start3A_131 : memref<640x128xf32, #tpu.memory_space<vmem_shared>>) target(%dma_start3A_129 : memref<640x128xf32, #tpu.memory_space<hbm>>) target_semaphore(%run_scoped3A : memref<!tpu.dma_semaphore, #tpu.memory_space<semaphore_mem>>)
        %dma_wait3A_132 = arith.constant 0 : i32
        %dma_wait3A_133 = tpu.memref_slice %arg6[%arg0, %mul3A_2, %dma_wait3A_132] : memref<2x10000x128xf32, #tpu.memory_space<hbm>> -> memref<1x640x128xf32, #tpu.memory_space<hbm>>
        %dma_wait3A_134 = tpu.memref_squeeze %dma_wait3A_133 : memref<1x640x128xf32, #tpu.memory_space<hbm>> -> memref<640x128xf32, #tpu.memory_space<hbm>>
        %dma_wait3A_135 = arith.constant 0 : i32
        %dma_wait3A_136 = tpu.memref_slice %arg11[%mul3A_2, %dma_wait3A_135] : memref<10000x128xf32, #tpu.memory_space<vmem_shared>> -> memref<640x128xf32, #tpu.memory_space<vmem_shared>>
        tpu.wait_dma2 semaphore(%run_scoped3A : memref<!tpu.dma_semaphore, #tpu.memory_space<semaphore_mem>>) src(%dma_wait3A_136 : memref<640x128xf32, #tpu.memory_space<vmem_shared>>) dst(%dma_wait3A_134 : memref<640x128xf32, #tpu.memory_space<hbm>>)
        tpu.yield
      }) : () -> ()
    } else {
    }
    %eq3A_122 = arith.constant 15 : i32
    %eq3A_123 = arith.cmpi eq, %arg1, %eq3A_122 : i32
    %convert_element_type3A_124 = arith.extui %eq3A_123 : i1 to i32
    %cond3A_125 = arith.constant 0 : i32
    %cond3A_126 = arith.cmpi ne, %convert_element_type3A_124, %cond3A_125 : i32
    scf.if %cond3A_126 {
      "tpu.region"() ({
        %run_scoped3A = tpu.sem_alloc : memref<!tpu.dma_semaphore, #tpu.memory_space<semaphore_mem>>
        %dma_start3A_127 = arith.constant 9600 : i32
        %dma_start3A_128 = arith.constant 0 : i32
        %dma_start3A_129 = tpu.memref_slice %arg6[%arg0, %dma_start3A_127, %dma_start3A_128] : memref<2x10000x128xf32, #tpu.memory_space<hbm>> -> memref<1x400x128xf32, #tpu.memory_space<hbm>>
        %dma_start3A_130 = tpu.memref_squeeze %dma_start3A_129 : memref<1x400x128xf32, #tpu.memory_space<hbm>> -> memref<400x128xf32, #tpu.memory_space<hbm>>
        %dma_start3A_131 = arith.constant 9600 : i32
        %dma_start3A_132 = arith.constant 0 : i32
        %dma_start3A_133 = tpu.memref_slice %arg11[%dma_start3A_131, %dma_start3A_132] : memref<10000x128xf32, #tpu.memory_space<vmem_shared>> -> memref<400x128xf32, #tpu.memory_space<vmem_shared>>
        tpu.enqueue_dma source(%dma_start3A_133 : memref<400x128xf32, #tpu.memory_space<vmem_shared>>) target(%dma_start3A_130 : memref<400x128xf32, #tpu.memory_space<hbm>>) target_semaphore(%run_scoped3A : memref<!tpu.dma_semaphore, #tpu.memory_space<semaphore_mem>>)
        %dma_wait3A_134 = arith.constant 9600 : i32
        %dma_wait3A_135 = arith.constant 0 : i32
        %dma_wait3A_136 = tpu.memref_slice %arg6[%arg0, %dma_wait3A_134, %dma_wait3A_135] : memref<2x10000x128xf32, #tpu.memory_space<hbm>> -> memref<1x400x128xf32, #tpu.memory_space<hbm>>
        %dma_wait3A_137 = tpu.memref_squeeze %dma_wait3A_136 : memref<1x400x128xf32, #tpu.memory_space<hbm>> -> memref<400x128xf32, #tpu.memory_space<hbm>>
        %dma_wait3A_138 = arith.constant 9600 : i32
        %dma_wait3A_139 = arith.constant 0 : i32
        %dma_wait3A_140 = tpu.memref_slice %arg11[%dma_wait3A_138, %dma_wait3A_139] : memref<10000x128xf32, #tpu.memory_space<vmem_shared>> -> memref<400x128xf32, #tpu.memory_space<vmem_shared>>
        tpu.wait_dma2 semaphore(%run_scoped3A : memref<!tpu.dma_semaphore, #tpu.memory_space<semaphore_mem>>) src(%dma_wait3A_140 : memref<400x128xf32, #tpu.memory_space<vmem_shared>>) dst(%dma_wait3A_137 : memref<400x128xf32, #tpu.memory_space<hbm>>)
        tpu.yield
      }) : () -> ()
    } else {
    }
    return
  }
}

module attributes {stable_mosaic.version = 14 : i64} {
  func.func @_lin0_body(%arg0: i32, %arg1: memref<1000x128xf32, #tpu.memory_space<vmem>>, %arg2: memref<128x128xf32, #tpu.memory_space<vmem>>, %arg3: memref<1x128xf32, #tpu.memory_space<vmem>>, %arg4: memref<1000x128xf32, #tpu.memory_space<vmem>>) attributes {dimension_semantics = [#tpu.dimension_semantics<arbitrary>], iteration_bounds = array<i64: 10>, scalar_prefetch = 0 : i64, scratch_operands = 0 : i64, tpu.core_type = #tpu.core_type<tc>, window_params = [{transform_indices = @transform_0, window_bounds = array<i64: 1000, 128>}, {pipeline_mode = #tpu.pipeline_mode<synchronous>, transform_indices = @transform_1, window_bounds = array<i64: 128, 128>}, {pipeline_mode = #tpu.pipeline_mode<synchronous>, transform_indices = @transform_2, window_bounds = array<i64: 1, 128>}, {transform_indices = @transform_3, window_bounds = array<i64: 1000, 128>}]} {
    %get3A = arith.constant 0 : index
    %get3A_0 = arith.constant 0 : index
    %get3A_1 = vector.load %arg1[%get3A, %get3A_0] : memref<1000x128xf32, #tpu.memory_space<vmem>>, vector<1000x128xf32>
    %get3A_2 = arith.constant 0 : index
    %get3A_3 = arith.constant 0 : index
    %get3A_4 = vector.load %arg2[%get3A_2, %get3A_3] : memref<128x128xf32, #tpu.memory_space<vmem>>, vector<128x128xf32>
    %dot_general3A = arith.constant dense<0.000000e+00> : vector<1000x128xf32>
    %dot_general3A_5 = tpu.matmul %get3A_1, %get3A_4, %dot_general3A {dimension_numbers = #tpu.dot_dimension_numbers<[1], [0], [0], [1], [0, 0, 1, 1], [], []>, transpose_lhs_hint = false} : vector<1000x128xf32>, vector<128x128xf32>, vector<1000x128xf32> -> vector<1000x128xf32>
    %get3A_6 = arith.constant 0 : index
    %get3A_7 = arith.constant 0 : index
    %get3A_8 = vector.load %arg3[%get3A_6, %get3A_7] : memref<1x128xf32, #tpu.memory_space<vmem>>, vector<1x128xf32>
    %add3A = vector.broadcast %get3A_8 : vector<1x128xf32> to vector<1000x128xf32>
    %add3A_9 = arith.addf %dot_general3A_5, %add3A : vector<1000x128xf32>
    %swap3A = arith.constant 0 : index
    %swap3A_10 = arith.constant 0 : index
    %swap3A_11 = vector.load %arg4[%swap3A, %swap3A_10] : memref<1000x128xf32, #tpu.memory_space<vmem>>, vector<1000x128xf32>
    tpu.vector_store %arg4[%swap3A, %swap3A_10], %add3A_9 {strides = array<i32>} : memref<1000x128xf32, #tpu.memory_space<vmem>>, vector<1000x128xf32>,
    return
  }
  func.func @transform_0(%arg0: i32) -> (i32, i32) {
    %c0_i32 = arith.constant 0 : i32
    %c0_i32_0 = arith.constant 0 : i32
    return %arg0, %c0_i32 : i32, i32
  }
  func.func @transform_1(%arg0: i32) -> (i32, i32) {
    %c0_i32 = arith.constant 0 : i32
    %c0_i32_0 = arith.constant 0 : i32
    %c0_i32_1 = arith.constant 0 : i32
    return %c0_i32, %c0_i32_0 : i32, i32
  }
  func.func @transform_2(%arg0: i32) -> (i32, i32) {
    %c0_i32 = arith.constant 0 : i32
    %c0_i32_0 = arith.constant 0 : i32
    %c0_i32_1 = arith.constant 0 : i32
    return %c0_i32, %c0_i32_0 : i32, i32
  }
  func.func @transform_3(%arg0: i32) -> (i32, i32) {
    %c0_i32 = arith.constant 0 : i32
    %c0_i32_0 = arith.constant 0 : i32
    return %arg0, %c0_i32 : i32, i32
  }
}

module attributes {stable_mosaic.version = 14 : i64} {
  func.func @_mask_body(%arg0: i32, %arg1: memref<2x1000x128xf32, #tpu.memory_space<vmem>>, %arg2: memref<1000x128xf32, #tpu.memory_space<vmem>>, %arg3: memref<1000x128xf32, #tpu.memory_space<vmem>>, %arg4: memref<128x128xf32, #tpu.memory_space<vmem>>, %arg5: memref<1x128xf32, #tpu.memory_space<vmem>>, %arg6: memref<128x128xf32, #tpu.memory_space<vmem>>, %arg7: memref<1x128xf32, #tpu.memory_space<vmem>>, %arg8: memref<128x1xf32, #tpu.memory_space<vmem>>, %arg9: memref<128x1xf32, #tpu.memory_space<vmem>>, %arg10: memref<1x1xf32, #tpu.memory_space<vmem>>, %arg11: memref<1000x1xf32, #tpu.memory_space<vmem>>, %arg12: memref<1000x128xf32, #tpu.memory_space<vmem>>) attributes {dimension_semantics = [#tpu.dimension_semantics<arbitrary>], iteration_bounds = array<i64: 10>, scalar_prefetch = 0 : i64, scratch_operands = 0 : i64, tpu.core_type = #tpu.core_type<tc>, window_params = [{transform_indices = @transform_0, window_bounds = array<i64: 2, 1000, 128>}, {transform_indices = @transform_1, window_bounds = array<i64: 1000, 128>}, {transform_indices = @transform_2, window_bounds = array<i64: 1000, 128>}, {pipeline_mode = #tpu.pipeline_mode<synchronous>, transform_indices = @transform_3, window_bounds = array<i64: 128, 128>}, {pipeline_mode = #tpu.pipeline_mode<synchronous>, transform_indices = @transform_4, window_bounds = array<i64: 1, 128>}, {pipeline_mode = #tpu.pipeline_mode<synchronous>, transform_indices = @transform_5, window_bounds = array<i64: 128, 128>}, {pipeline_mode = #tpu.pipeline_mode<synchronous>, transform_indices = @transform_6, window_bounds = array<i64: 1, 128>}, {pipeline_mode = #tpu.pipeline_mode<synchronous>, transform_indices = @transform_7, window_bounds = array<i64: 128, 1>}, {pipeline_mode = #tpu.pipeline_mode<synchronous>, transform_indices = @transform_8, window_bounds = array<i64: 128, 1>}, {pipeline_mode = #tpu.pipeline_mode<synchronous>, transform_indices = @transform_9, window_bounds = array<i64: 1, 1>}, {transform_indices = @transform_10, window_bounds = array<i64: 1000, 1>}, {transform_indices = @transform_11, window_bounds = array<i64: 1000, 128>}]} {
    %get3A = arith.constant 0 : index
    %get3A_0 = arith.constant 0 : index
    %get3A_1 = arith.constant 0 : index
    %get3A_2 = vector.load %arg1[%get3A, %get3A_0, %get3A_1] : memref<2x1000x128xf32, #tpu.memory_space<vmem>>, vector<1x1000x128xf32>
    %get3A_3 = vector.shape_cast %get3A_2 : vector<1x1000x128xf32> to vector<1000x128xf32>
    %get3A_4 = arith.constant 1 : index
    %get3A_5 = arith.constant 0 : index
    %get3A_6 = arith.constant 0 : index
    %get3A_7 = vector.load %arg1[%get3A_4, %get3A_5, %get3A_6] : memref<2x1000x128xf32, #tpu.memory_space<vmem>>, vector<1x1000x128xf32>
    %get3A_8 = vector.shape_cast %get3A_7 : vector<1x1000x128xf32> to vector<1000x128xf32>
    %add3A = arith.addf %get3A_3, %get3A_8 : vector<1000x128xf32>
    %get3A_9 = arith.constant 0 : index
    %get3A_10 = arith.constant 0 : index
    %get3A_11 = vector.load %arg4[%get3A_9, %get3A_10] : memref<128x128xf32, #tpu.memory_space<vmem>>, vector<128x128xf32>
    %dot_general3A = arith.constant dense<0.000000e+00> : vector<1000x128xf32>
    %dot_general3A_12 = tpu.matmul %add3A, %get3A_11, %dot_general3A {dimension_numbers = #tpu.dot_dimension_numbers<[1], [0], [0], [1], [0, 0, 1, 1], [], []>, transpose_lhs_hint = false} : vector<1000x128xf32>, vector<128x128xf32>, vector<1000x128xf32> -> vector<1000x128xf32>
    %get3A_13 = arith.constant 0 : index
    %get3A_14 = arith.constant 0 : index
    %get3A_15 = vector.load %arg5[%get3A_13, %get3A_14] : memref<1x128xf32, #tpu.memory_space<vmem>>, vector<1x128xf32>
    %add3A_16 = vector.broadcast %get3A_15 : vector<1x128xf32> to vector<1000x128xf32>
    %add3A_17 = arith.addf %dot_general3A_12, %add3A_16 : vector<1000x128xf32>
    %max3A = arith.constant 0.000000e+00 : f32
    %max3A_18 = vector.broadcast %max3A : f32 to vector<1000x128xf32>
    %max3A_19 = arith.maximumf %add3A_17, %max3A_18 : vector<1000x128xf32>
    %get3A_20 = arith.constant 0 : index
    %get3A_21 = arith.constant 0 : index
    %get3A_22 = vector.load %arg2[%get3A_20, %get3A_21] : memref<1000x128xf32, #tpu.memory_space<vmem>>, vector<1000x128xf32>
    %get3A_23 = arith.constant 0 : index
    %get3A_24 = arith.constant 0 : index
    %get3A_25 = vector.load %arg6[%get3A_23, %get3A_24] : memref<128x128xf32, #tpu.memory_space<vmem>>, vector<128x128xf32>
    %dot_general3A_26 = arith.constant dense<0.000000e+00> : vector<1000x128xf32>
    %dot_general3A_27 = tpu.matmul %get3A_22, %get3A_25, %dot_general3A_26 {dimension_numbers = #tpu.dot_dimension_numbers<[1], [0], [0], [1], [0, 0, 1, 1], [], []>, transpose_lhs_hint = false} : vector<1000x128xf32>, vector<128x128xf32>, vector<1000x128xf32> -> vector<1000x128xf32>
    %get3A_28 = arith.constant 0 : index
    %get3A_29 = arith.constant 0 : index
    %get3A_30 = vector.load %arg7[%get3A_28, %get3A_29] : memref<1x128xf32, #tpu.memory_space<vmem>>, vector<1x128xf32>
    %add3A_31 = vector.broadcast %get3A_30 : vector<1x128xf32> to vector<1000x128xf32>
    %add3A_32 = arith.addf %dot_general3A_27, %add3A_31 : vector<1000x128xf32>
    %max3A_33 = arith.constant 0.000000e+00 : f32
    %max3A_34 = vector.broadcast %max3A_33 : f32 to vector<1000x128xf32>
    %max3A_35 = arith.maximumf %add3A_32, %max3A_34 : vector<1000x128xf32>
    %get3A_36 = arith.constant 0 : index
    %get3A_37 = arith.constant 0 : index
    %get3A_38 = vector.load %arg8[%get3A_36, %get3A_37] : memref<128x1xf32, #tpu.memory_space<vmem>>, vector<128x1xf32>
    %dot_general3A_39 = arith.constant dense<0.000000e+00> : vector<1000x1xf32>
    %dot_general3A_40 = tpu.matmul %max3A_19, %get3A_38, %dot_general3A_39 {dimension_numbers = #tpu.dot_dimension_numbers<[1], [0], [0], [1], [0, 0, 1, 1], [], []>, transpose_lhs_hint = false} : vector<1000x128xf32>, vector<128x1xf32>, vector<1000x1xf32> -> vector<1000x1xf32>
    %get3A_41 = arith.constant 0 : index
    %get3A_42 = arith.constant 0 : index
    %get3A_43 = vector.load %arg9[%get3A_41, %get3A_42] : memref<128x1xf32, #tpu.memory_space<vmem>>, vector<128x1xf32>
    %dot_general3A_44 = arith.constant dense<0.000000e+00> : vector<1000x1xf32>
    %dot_general3A_45 = tpu.matmul %max3A_35, %get3A_43, %dot_general3A_44 {dimension_numbers = #tpu.dot_dimension_numbers<[1], [0], [0], [1], [0, 0, 1, 1], [], []>, transpose_lhs_hint = false} : vector<1000x128xf32>, vector<128x1xf32>, vector<1000x1xf32> -> vector<1000x1xf32>
    %add3A_46 = arith.addf %dot_general3A_40, %dot_general3A_45 : vector<1000x1xf32>
    %get3A_47 = arith.constant 0 : index
    %get3A_48 = arith.constant 0 : index
    %get3A_49 = vector.load %arg10[%get3A_47, %get3A_48] : memref<1x1xf32, #tpu.memory_space<vmem>>, vector<1x1xf32>
    %add3A_50 = vector.broadcast %get3A_49 : vector<1x1xf32> to vector<1000x1xf32>
    %add3A_51 = arith.addf %add3A_46, %add3A_50 : vector<1000x1xf32>
    %logistic3A = arith.negf %add3A_51 : vector<1000x1xf32>
    %logistic3A_52 = math.exp %logistic3A : vector<1000x1xf32>
    %logistic3A_53 = arith.constant 1.000000e+00 : f32
    %logistic3A_54 = vector.broadcast %logistic3A_53 : f32 to vector<1000x1xf32>
    %logistic3A_55 = arith.addf %logistic3A_54, %logistic3A_52 : vector<1000x1xf32>
    %logistic3A_56 = arith.divf %logistic3A_54, %logistic3A_55 : vector<1000x1xf32>
    %swap3A = arith.constant 0 : index
    %swap3A_57 = arith.constant 0 : index
    %swap3A_58 = vector.load %arg11[%swap3A, %swap3A_57] : memref<1000x1xf32, #tpu.memory_space<vmem>>, vector<1000x1xf32>
    tpu.vector_store %arg11[%swap3A, %swap3A_57], %logistic3A_56 {strides = array<i32>} : memref<1000x1xf32, #tpu.memory_space<vmem>>, vector<1000x1xf32>,
    %get3A_59 = arith.constant 0 : index
    %get3A_60 = arith.constant 0 : index
    %get3A_61 = vector.load %arg3[%get3A_59, %get3A_60] : memref<1000x128xf32, #tpu.memory_space<vmem>>, vector<1000x128xf32>
    %mul3A = vector.broadcast %logistic3A_56 : vector<1000x1xf32> to vector<1000x128xf32>
    %mul3A_62 = arith.mulf %get3A_61, %mul3A : vector<1000x128xf32>
    %swap3A_63 = arith.constant 0 : index
    %swap3A_64 = arith.constant 0 : index
    %swap3A_65 = vector.load %arg12[%swap3A_63, %swap3A_64] : memref<1000x128xf32, #tpu.memory_space<vmem>>, vector<1000x128xf32>
    tpu.vector_store %arg12[%swap3A_63, %swap3A_64], %mul3A_62 {strides = array<i32>} : memref<1000x128xf32, #tpu.memory_space<vmem>>, vector<1000x128xf32>,
    return
  }
  func.func @transform_0(%arg0: i32) -> (i32, i32, i32) {
    %c0_i32 = arith.constant 0 : i32
    %c0_i32_0 = arith.constant 0 : i32
    %c0_i32_1 = arith.constant 0 : i32
    return %c0_i32, %arg0, %c0_i32_0 : i32, i32, i32
  }
  func.func @transform_1(%arg0: i32) -> (i32, i32) {
    %c0_i32 = arith.constant 0 : i32
    %c0_i32_0 = arith.constant 0 : i32
    return %arg0, %c0_i32 : i32, i32
  }
  func.func @transform_2(%arg0: i32) -> (i32, i32) {
    %c0_i32 = arith.constant 0 : i32
    %c0_i32_0 = arith.constant 0 : i32
    return %arg0, %c0_i32 : i32, i32
  }
  func.func @transform_3(%arg0: i32) -> (i32, i32) {
    %c0_i32 = arith.constant 0 : i32
    %c0_i32_0 = arith.constant 0 : i32
    %c0_i32_1 = arith.constant 0 : i32
    return %c0_i32, %c0_i32_0 : i32, i32
  }
  func.func @transform_4(%arg0: i32) -> (i32, i32) {
    %c0_i32 = arith.constant 0 : i32
    %c0_i32_0 = arith.constant 0 : i32
    %c0_i32_1 = arith.constant 0 : i32
    return %c0_i32, %c0_i32_0 : i32, i32
  }
  func.func @transform_5(%arg0: i32) -> (i32, i32) {
    %c0_i32 = arith.constant 0 : i32
    %c0_i32_0 = arith.constant 0 : i32
    %c0_i32_1 = arith.constant 0 : i32
    return %c0_i32, %c0_i32_0 : i32, i32
  }
  func.func @transform_6(%arg0: i32) -> (i32, i32) {
    %c0_i32 = arith.constant 0 : i32
    %c0_i32_0 = arith.constant 0 : i32
    %c0_i32_1 = arith.constant 0 : i32
    return %c0_i32, %c0_i32_0 : i32, i32
  }
  func.func @transform_7(%arg0: i32) -> (i32, i32) {
    %c0_i32 = arith.constant 0 : i32
    %c0_i32_0 = arith.constant 0 : i32
    %c0_i32_1 = arith.constant 0 : i32
    return %c0_i32, %c0_i32_0 : i32, i32
  }
  func.func @transform_8(%arg0: i32) -> (i32, i32) {
    %c0_i32 = arith.constant 0 : i32
    %c0_i32_0 = arith.constant 0 : i32
    %c0_i32_1 = arith.constant 0 : i32
    return %c0_i32, %c0_i32_0 : i32, i32
  }
  func.func @transform_9(%arg0: i32) -> (i32, i32) {
    %c0_i32 = arith.constant 0 : i32
    %c0_i32_0 = arith.constant 0 : i32
    %c0_i32_1 = arith.constant 0 : i32
    return %c0_i32, %c0_i32_0 : i32, i32
  }
  func.func @transform_10(%arg0: i32) -> (i32, i32) {
    %c0_i32 = arith.constant 0 : i32
    %c0_i32_0 = arith.constant 0 : i32
    return %arg0, %c0_i32 : i32, i32
  }
  func.func @transform_11(%arg0: i32) -> (i32, i32) {
    %c0_i32 = arith.constant 0 : i32
    %c0_i32_0 = arith.constant 0 : i32
    return %arg0, %c0_i32 : i32, i32
  }
}

module attributes {stable_mosaic.version = 14 : i64} {
  func.func @_conv_body(%arg0: i32, %arg1: memref<2x1000x128xf32, #tpu.memory_space<vmem>>, %arg2: memref<1000x128xf32, #tpu.memory_space<vmem>>, %arg3: memref<1000x1xf32, #tpu.memory_space<vmem>>, %arg4: memref<128x128xf32, #tpu.memory_space<vmem>>, %arg5: memref<1x128xf32, #tpu.memory_space<vmem>>, %arg6: memref<128x128xf32, #tpu.memory_space<vmem>>, %arg7: memref<1x128xf32, #tpu.memory_space<vmem>>, %arg8: memref<1000x128xf32, #tpu.memory_space<vmem>>, %arg9: memref<1000x128xf32, #tpu.memory_space<vmem>>) attributes {dimension_semantics = [#tpu.dimension_semantics<arbitrary>], iteration_bounds = array<i64: 10>, scalar_prefetch = 0 : i64, scratch_operands = 0 : i64, tpu.core_type = #tpu.core_type<tc>, window_params = [{transform_indices = @transform_0, window_bounds = array<i64: 2, 1000, 128>}, {transform_indices = @transform_1, window_bounds = array<i64: 1000, 128>}, {transform_indices = @transform_2, window_bounds = array<i64: 1000, 1>}, {pipeline_mode = #tpu.pipeline_mode<synchronous>, transform_indices = @transform_3, window_bounds = array<i64: 128, 128>}, {pipeline_mode = #tpu.pipeline_mode<synchronous>, transform_indices = @transform_4, window_bounds = array<i64: 1, 128>}, {pipeline_mode = #tpu.pipeline_mode<synchronous>, transform_indices = @transform_5, window_bounds = array<i64: 128, 128>}, {pipeline_mode = #tpu.pipeline_mode<synchronous>, transform_indices = @transform_6, window_bounds = array<i64: 1, 128>}, {transform_indices = @transform_7, window_bounds = array<i64: 1000, 128>}, {transform_indices = @transform_8, window_bounds = array<i64: 1000, 128>}]} {
    %get3A = arith.constant 0 : index
    %get3A_0 = arith.constant 0 : index
    %get3A_1 = arith.constant 0 : index
    %get3A_2 = vector.load %arg1[%get3A, %get3A_0, %get3A_1] : memref<2x1000x128xf32, #tpu.memory_space<vmem>>, vector<1x1000x128xf32>
    %get3A_3 = vector.shape_cast %get3A_2 : vector<1x1000x128xf32> to vector<1000x128xf32>
    %get3A_4 = arith.constant 1 : index
    %get3A_5 = arith.constant 0 : index
    %get3A_6 = arith.constant 0 : index
    %get3A_7 = vector.load %arg1[%get3A_4, %get3A_5, %get3A_6] : memref<2x1000x128xf32, #tpu.memory_space<vmem>>, vector<1x1000x128xf32>
    %get3A_8 = vector.shape_cast %get3A_7 : vector<1x1000x128xf32> to vector<1000x128xf32>
    %add3A = arith.addf %get3A_3, %get3A_8 : vector<1000x128xf32>
    %get3A_9 = arith.constant 0 : index
    %get3A_10 = arith.constant 0 : index
    %get3A_11 = vector.load %arg4[%get3A_9, %get3A_10] : memref<128x128xf32, #tpu.memory_space<vmem>>, vector<128x128xf32>
    %dot_general3A = arith.constant dense<0.000000e+00> : vector<1000x128xf32>
    %dot_general3A_12 = tpu.matmul %add3A, %get3A_11, %dot_general3A {dimension_numbers = #tpu.dot_dimension_numbers<[1], [0], [0], [1], [0, 0, 1, 1], [], []>, transpose_lhs_hint = false} : vector<1000x128xf32>, vector<128x128xf32>, vector<1000x128xf32> -> vector<1000x128xf32>
    %get3A_13 = arith.constant 0 : index
    %get3A_14 = arith.constant 0 : index
    %get3A_15 = vector.load %arg5[%get3A_13, %get3A_14] : memref<1x128xf32, #tpu.memory_space<vmem>>, vector<1x128xf32>
    %add3A_16 = vector.broadcast %get3A_15 : vector<1x128xf32> to vector<1000x128xf32>
    %add3A_17 = arith.addf %dot_general3A_12, %add3A_16 : vector<1000x128xf32>
    %get3A_18 = arith.constant 0 : index
    %get3A_19 = arith.constant 0 : index
    %get3A_20 = vector.load %arg2[%get3A_18, %get3A_19] : memref<1000x128xf32, #tpu.memory_space<vmem>>, vector<1000x128xf32>
    %get3A_21 = arith.constant 0 : index
    %get3A_22 = arith.constant 0 : index
    %get3A_23 = vector.load %arg6[%get3A_21, %get3A_22] : memref<128x128xf32, #tpu.memory_space<vmem>>, vector<128x128xf32>
    %dot_general3A_24 = arith.constant dense<0.000000e+00> : vector<1000x128xf32>
    %dot_general3A_25 = tpu.matmul %get3A_20, %get3A_23, %dot_general3A_24 {dimension_numbers = #tpu.dot_dimension_numbers<[1], [0], [0], [1], [0, 0, 1, 1], [], []>, transpose_lhs_hint = false} : vector<1000x128xf32>, vector<128x128xf32>, vector<1000x128xf32> -> vector<1000x128xf32>
    %add3A_26 = arith.addf %add3A_17, %dot_general3A_25 : vector<1000x128xf32>
    %get3A_27 = arith.constant 0 : index
    %get3A_28 = arith.constant 0 : index
    %get3A_29 = vector.load %arg7[%get3A_27, %get3A_28] : memref<1x128xf32, #tpu.memory_space<vmem>>, vector<1x128xf32>
    %add3A_30 = vector.broadcast %get3A_29 : vector<1x128xf32> to vector<1000x128xf32>
    %add3A_31 = arith.addf %add3A_26, %add3A_30 : vector<1000x128xf32>
    %max3A = arith.constant 0.000000e+00 : f32
    %max3A_32 = vector.broadcast %max3A : f32 to vector<1000x128xf32>
    %max3A_33 = arith.maximumf %add3A_31, %max3A_32 : vector<1000x128xf32>
    %swap3A = arith.constant 0 : index
    %swap3A_34 = arith.constant 0 : index
    %swap3A_35 = vector.load %arg8[%swap3A, %swap3A_34] : memref<1000x128xf32, #tpu.memory_space<vmem>>, vector<1000x128xf32>
    tpu.vector_store %arg8[%swap3A, %swap3A_34], %max3A_33 {strides = array<i32>} : memref<1000x128xf32, #tpu.memory_space<vmem>>, vector<1000x128xf32>,
    %get3A_36 = arith.constant 0 : index
    %get3A_37 = arith.constant 0 : index
    %get3A_38 = vector.load %arg3[%get3A_36, %get3A_37] : memref<1000x1xf32, #tpu.memory_space<vmem>>, vector<1000x1xf32>
    %mul3A = vector.broadcast %get3A_38 : vector<1000x1xf32> to vector<1000x128xf32>
    %mul3A_39 = arith.mulf %max3A_33, %mul3A : vector<1000x128xf32>
    %swap3A_40 = arith.constant 0 : index
    %swap3A_41 = arith.constant 0 : index
    %swap3A_42 = vector.load %arg9[%swap3A_40, %swap3A_41] : memref<1000x128xf32, #tpu.memory_space<vmem>>, vector<1000x128xf32>
    tpu.vector_store %arg9[%swap3A_40, %swap3A_41], %mul3A_39 {strides = array<i32>} : memref<1000x128xf32, #tpu.memory_space<vmem>>, vector<1000x128xf32>,
    return
  }
  func.func @transform_0(%arg0: i32) -> (i32, i32, i32) {
    %c0_i32 = arith.constant 0 : i32
    %c0_i32_0 = arith.constant 0 : i32
    %c0_i32_1 = arith.constant 0 : i32
    return %c0_i32, %arg0, %c0_i32_0 : i32, i32, i32
  }
  func.func @transform_1(%arg0: i32) -> (i32, i32) {
    %c0_i32 = arith.constant 0 : i32
    %c0_i32_0 = arith.constant 0 : i32
    return %arg0, %c0_i32 : i32, i32
  }
  func.func @transform_2(%arg0: i32) -> (i32, i32) {
    %c0_i32 = arith.constant 0 : i32
    %c0_i32_0 = arith.constant 0 : i32
    return %arg0, %c0_i32 : i32, i32
  }
  func.func @transform_3(%arg0: i32) -> (i32, i32) {
    %c0_i32 = arith.constant 0 : i32
    %c0_i32_0 = arith.constant 0 : i32
    %c0_i32_1 = arith.constant 0 : i32
    return %c0_i32, %c0_i32_0 : i32, i32
  }
  func.func @transform_4(%arg0: i32) -> (i32, i32) {
    %c0_i32 = arith.constant 0 : i32
    %c0_i32_0 = arith.constant 0 : i32
    %c0_i32_1 = arith.constant 0 : i32
    return %c0_i32, %c0_i32_0 : i32, i32
  }
  func.func @transform_5(%arg0: i32) -> (i32, i32) {
    %c0_i32 = arith.constant 0 : i32
    %c0_i32_0 = arith.constant 0 : i32
    %c0_i32_1 = arith.constant 0 : i32
    return %c0_i32, %c0_i32_0 : i32, i32
  }
  func.func @transform_6(%arg0: i32) -> (i32, i32) {
    %c0_i32 = arith.constant 0 : i32
    %c0_i32_0 = arith.constant 0 : i32
    %c0_i32_1 = arith.constant 0 : i32
    return %c0_i32, %c0_i32_0 : i32, i32
  }
  func.func @transform_7(%arg0: i32) -> (i32, i32) {
    %c0_i32 = arith.constant 0 : i32
    %c0_i32_0 = arith.constant 0 : i32
    return %arg0, %c0_i32 : i32, i32
  }
  func.func @transform_8(%arg0: i32) -> (i32, i32) {
    %c0_i32 = arith.constant 0 : i32
    %c0_i32_0 = arith.constant 0 : i32
    return %arg0, %c0_i32 : i32, i32
  }
}

module attributes {stable_mosaic.version = 14 : i64} {
  func.func @_conv_body(%arg0: i32, %arg1: memref<2x1000x128xf32, #tpu.memory_space<vmem>>, %arg2: memref<1000x128xf32, #tpu.memory_space<vmem>>, %arg3: memref<1000x1xf32, #tpu.memory_space<vmem>>, %arg4: memref<128x128xf32, #tpu.memory_space<vmem>>, %arg5: memref<1x128xf32, #tpu.memory_space<vmem>>, %arg6: memref<128x128xf32, #tpu.memory_space<vmem>>, %arg7: memref<1x128xf32, #tpu.memory_space<vmem>>, %arg8: memref<1000x128xf32, #tpu.memory_space<vmem>>, %arg9: memref<1000x128xf32, #tpu.memory_space<vmem>>) attributes {dimension_semantics = [#tpu.dimension_semantics<arbitrary>], iteration_bounds = array<i64: 10>, scalar_prefetch = 0 : i64, scratch_operands = 0 : i64, tpu.core_type = #tpu.core_type<tc>, window_params = [{transform_indices = @transform_0, window_bounds = array<i64: 2, 1000, 128>}, {transform_indices = @transform_1, window_bounds = array<i64: 1000, 128>}, {transform_indices = @transform_2, window_bounds = array<i64: 1000, 1>}, {pipeline_mode = #tpu.pipeline_mode<synchronous>, transform_indices = @transform_3, window_bounds = array<i64: 128, 128>}, {pipeline_mode = #tpu.pipeline_mode<synchronous>, transform_indices = @transform_4, window_bounds = array<i64: 1, 128>}, {pipeline_mode = #tpu.pipeline_mode<synchronous>, transform_indices = @transform_5, window_bounds = array<i64: 128, 128>}, {pipeline_mode = #tpu.pipeline_mode<synchronous>, transform_indices = @transform_6, window_bounds = array<i64: 1, 128>}, {transform_indices = @transform_7, window_bounds = array<i64: 1000, 128>}, {transform_indices = @transform_8, window_bounds = array<i64: 1000, 128>}]} {
    %get3A = arith.constant 0 : index
    %get3A_0 = arith.constant 0 : index
    %get3A_1 = arith.constant 0 : index
    %get3A_2 = vector.load %arg1[%get3A, %get3A_0, %get3A_1] : memref<2x1000x128xf32, #tpu.memory_space<vmem>>, vector<1x1000x128xf32>
    %get3A_3 = vector.shape_cast %get3A_2 : vector<1x1000x128xf32> to vector<1000x128xf32>
    %get3A_4 = arith.constant 1 : index
    %get3A_5 = arith.constant 0 : index
    %get3A_6 = arith.constant 0 : index
    %get3A_7 = vector.load %arg1[%get3A_4, %get3A_5, %get3A_6] : memref<2x1000x128xf32, #tpu.memory_space<vmem>>, vector<1x1000x128xf32>
    %get3A_8 = vector.shape_cast %get3A_7 : vector<1x1000x128xf32> to vector<1000x128xf32>
    %add3A = arith.addf %get3A_3, %get3A_8 : vector<1000x128xf32>
    %get3A_9 = arith.constant 0 : index
    %get3A_10 = arith.constant 0 : index
    %get3A_11 = vector.load %arg4[%get3A_9, %get3A_10] : memref<128x128xf32, #tpu.memory_space<vmem>>, vector<128x128xf32>
    %dot_general3A = arith.constant dense<0.000000e+00> : vector<1000x128xf32>
    %dot_general3A_12 = tpu.matmul %add3A, %get3A_11, %dot_general3A {dimension_numbers = #tpu.dot_dimension_numbers<[1], [0], [0], [1], [0, 0, 1, 1], [], []>, transpose_lhs_hint = false} : vector<1000x128xf32>, vector<128x128xf32>, vector<1000x128xf32> -> vector<1000x128xf32>
    %get3A_13 = arith.constant 0 : index
    %get3A_14 = arith.constant 0 : index
    %get3A_15 = vector.load %arg5[%get3A_13, %get3A_14] : memref<1x128xf32, #tpu.memory_space<vmem>>, vector<1x128xf32>
    %add3A_16 = vector.broadcast %get3A_15 : vector<1x128xf32> to vector<1000x128xf32>
    %add3A_17 = arith.addf %dot_general3A_12, %add3A_16 : vector<1000x128xf32>
    %get3A_18 = arith.constant 0 : index
    %get3A_19 = arith.constant 0 : index
    %get3A_20 = vector.load %arg2[%get3A_18, %get3A_19] : memref<1000x128xf32, #tpu.memory_space<vmem>>, vector<1000x128xf32>
    %get3A_21 = arith.constant 0 : index
    %get3A_22 = arith.constant 0 : index
    %get3A_23 = vector.load %arg6[%get3A_21, %get3A_22] : memref<128x128xf32, #tpu.memory_space<vmem>>, vector<128x128xf32>
    %dot_general3A_24 = arith.constant dense<0.000000e+00> : vector<1000x128xf32>
    %dot_general3A_25 = tpu.matmul %get3A_20, %get3A_23, %dot_general3A_24 {dimension_numbers = #tpu.dot_dimension_numbers<[1], [0], [0], [1], [0, 0, 1, 1], [], []>, transpose_lhs_hint = false} : vector<1000x128xf32>, vector<128x128xf32>, vector<1000x128xf32> -> vector<1000x128xf32>
    %add3A_26 = arith.addf %add3A_17, %dot_general3A_25 : vector<1000x128xf32>
    %get3A_27 = arith.constant 0 : index
    %get3A_28 = arith.constant 0 : index
    %get3A_29 = vector.load %arg7[%get3A_27, %get3A_28] : memref<1x128xf32, #tpu.memory_space<vmem>>, vector<1x128xf32>
    %add3A_30 = vector.broadcast %get3A_29 : vector<1x128xf32> to vector<1000x128xf32>
    %add3A_31 = arith.addf %add3A_26, %add3A_30 : vector<1000x128xf32>
    %max3A = arith.constant 0.000000e+00 : f32
    %max3A_32 = vector.broadcast %max3A : f32 to vector<1000x128xf32>
    %max3A_33 = arith.maximumf %add3A_31, %max3A_32 : vector<1000x128xf32>
    %swap3A = arith.constant 0 : index
    %swap3A_34 = arith.constant 0 : index
    %swap3A_35 = vector.load %arg8[%swap3A, %swap3A_34] : memref<1000x128xf32, #tpu.memory_space<vmem>>, vector<1000x128xf32>
    tpu.vector_store %arg8[%swap3A, %swap3A_34], %max3A_33 {strides = array<i32>} : memref<1000x128xf32, #tpu.memory_space<vmem>>, vector<1000x128xf32>,
    %get3A_36 = arith.constant 0 : index
    %get3A_37 = arith.constant 0 : index
    %get3A_38 = vector.load %arg3[%get3A_36, %get3A_37] : memref<1000x1xf32, #tpu.memory_space<vmem>>, vector<1000x1xf32>
    %mul3A = vector.broadcast %get3A_38 : vector<1000x1xf32> to vector<1000x128xf32>
    %mul3A_39 = arith.mulf %max3A_33, %mul3A : vector<1000x128xf32>
    %swap3A_40 = arith.constant 0 : index
    %swap3A_41 = arith.constant 0 : index
    %swap3A_42 = vector.load %arg9[%swap3A_40, %swap3A_41] : memref<1000x128xf32, #tpu.memory_space<vmem>>, vector<1000x128xf32>
    tpu.vector_store %arg9[%swap3A_40, %swap3A_41], %mul3A_39 {strides = array<i32>} : memref<1000x128xf32, #tpu.memory_space<vmem>>, vector<1000x128xf32>,
    return
  }
  func.func @transform_0(%arg0: i32) -> (i32, i32, i32) {
    %c0_i32 = arith.constant 0 : i32
    %c0_i32_0 = arith.constant 0 : i32
    %c0_i32_1 = arith.constant 0 : i32
    return %c0_i32, %arg0, %c0_i32_0 : i32, i32, i32
  }
  func.func @transform_1(%arg0: i32) -> (i32, i32) {
    %c0_i32 = arith.constant 0 : i32
    %c0_i32_0 = arith.constant 0 : i32
    return %arg0, %c0_i32 : i32, i32
  }
  func.func @transform_2(%arg0: i32) -> (i32, i32) {
    %c0_i32 = arith.constant 0 : i32
    %c0_i32_0 = arith.constant 0 : i32
    return %arg0, %c0_i32 : i32, i32
  }
  func.func @transform_3(%arg0: i32) -> (i32, i32) {
    %c0_i32 = arith.constant 0 : i32
    %c0_i32_0 = arith.constant 0 : i32
    %c0_i32_1 = arith.constant 0 : i32
    return %c0_i32, %c0_i32_0 : i32, i32
  }
  func.func @transform_4(%arg0: i32) -> (i32, i32) {
    %c0_i32 = arith.constant 0 : i32
    %c0_i32_0 = arith.constant 0 : i32
    %c0_i32_1 = arith.constant 0 : i32
    return %c0_i32, %c0_i32_0 : i32, i32
  }
  func.func @transform_5(%arg0: i32) -> (i32, i32) {
    %c0_i32 = arith.constant 0 : i32
    %c0_i32_0 = arith.constant 0 : i32
    %c0_i32_1 = arith.constant 0 : i32
    return %c0_i32, %c0_i32_0 : i32, i32
  }
  func.func @transform_6(%arg0: i32) -> (i32, i32) {
    %c0_i32 = arith.constant 0 : i32
    %c0_i32_0 = arith.constant 0 : i32
    %c0_i32_1 = arith.constant 0 : i32
    return %c0_i32, %c0_i32_0 : i32, i32
  }
  func.func @transform_7(%arg0: i32) -> (i32, i32) {
    %c0_i32 = arith.constant 0 : i32
    %c0_i32_0 = arith.constant 0 : i32
    return %arg0, %c0_i32 : i32, i32
  }
  func.func @transform_8(%arg0: i32) -> (i32, i32) {
    %c0_i32 = arith.constant 0 : i32
    %c0_i32_0 = arith.constant 0 : i32
    return %arg0, %c0_i32 : i32, i32
  }
}

module attributes {stable_mosaic.version = 14 : i64} {
  func.func @_head_body(%arg0: i32, %arg1: memref<1000x128xf32, #tpu.memory_space<vmem>>, %arg2: memref<1x1x1000xi32, #tpu.memory_space<vmem>>, %arg3: memref<128x128xf32, #tpu.memory_space<vmem>>, %arg4: memref<1x128xf32, #tpu.memory_space<vmem>>, %arg5: memref<128x10xf32, #tpu.memory_space<vmem>>, %arg6: memref<1x10xf32, #tpu.memory_space<vmem>>, %arg7: memref<16x10xf32, #tpu.memory_space<vmem>>, %arg8: memref<16x128xf32, #tpu.memory_space<vmem>>) attributes {dimension_semantics = [#tpu.dimension_semantics<arbitrary>], iteration_bounds = array<i64: 10>, scalar_prefetch = 0 : i64, scratch_operands = 1 : i64, tpu.core_type = #tpu.core_type<tc>, window_params = [{transform_indices = @transform_0, window_bounds = array<i64: 1000, 128>}, {transform_indices = @transform_1, window_bounds = array<i64: 1, 1, 1000>}, {pipeline_mode = #tpu.pipeline_mode<synchronous>, transform_indices = @transform_2, window_bounds = array<i64: 128, 128>}, {pipeline_mode = #tpu.pipeline_mode<synchronous>, transform_indices = @transform_3, window_bounds = array<i64: 1, 128>}, {pipeline_mode = #tpu.pipeline_mode<synchronous>, transform_indices = @transform_4, window_bounds = array<i64: 128, 10>}, {pipeline_mode = #tpu.pipeline_mode<synchronous>, transform_indices = @transform_5, window_bounds = array<i64: 1, 10>}, {pipeline_mode = #tpu.pipeline_mode<synchronous>, transform_indices = @transform_6, window_bounds = array<i64: 16, 10>}]} {
    %eq3A = arith.constant 0 : i32
    %eq3A_0 = arith.cmpi eq, %arg0, %eq3A : i32
    %convert_element_type3A = arith.extui %eq3A_0 : i1 to i32
    %cond3A = arith.constant 0 : i32
    %cond3A_1 = arith.cmpi ne, %convert_element_type3A, %cond3A : i32
    scf.if %cond3A_1 {
      %broadcast_in_dim3A = arith.constant 0.000000e+00 : f32
      %broadcast_in_dim3A_24 = vector.broadcast %broadcast_in_dim3A : f32 to vector<16x128xf32>
      %swap3A_25 = arith.constant 0 : index
      %swap3A_26 = arith.constant 0 : index
      %swap3A_27 = vector.load %arg8[%swap3A_25, %swap3A_26] : memref<16x128xf32, #tpu.memory_space<vmem>>, vector<16x128xf32>
      tpu.vector_store %arg8[%swap3A_25, %swap3A_26], %broadcast_in_dim3A_24 {strides = array<i32>} : memref<16x128xf32, #tpu.memory_space<vmem>>, vector<16x128xf32>,
    } else {
    }
    %iota3A = tpu.iota {dimensions = array<i32: 0>} : vector<16x1000xi32>
    %get3A = arith.constant 0 : index
    %get3A_2 = arith.constant 0 : index
    %get3A_3 = arith.constant 0 : index
    %get3A_4 = vector.load %arg2[%get3A, %get3A_2, %get3A_3] : memref<1x1x1000xi32, #tpu.memory_space<vmem>>, vector<1x1x1000xi32>
    %get3A_5 = vector.shape_cast %get3A_4 : vector<1x1x1000xi32> to vector<1x1000xi32>
    %eq3A_6 = vector.broadcast %get3A_5 : vector<1x1000xi32> to vector<16x1000xi32>
    %eq3A_7 = arith.cmpi eq, %iota3A, %eq3A_6 : vector<16x1000xi32>
    %convert_element_type3A_8 = arith.extui %eq3A_7 : vector<16x1000xi1> to vector<16x1000xi32>
    %convert_element_type3A_9 = arith.sitofp %convert_element_type3A_8 : vector<16x1000xi32> to vector<16x1000xf32>
    %get3A_10 = arith.constant 0 : index
    %get3A_11 = arith.constant 0 : index
    %get3A_12 = vector.load %arg8[%get3A_10, %get3A_11] : memref<16x128xf32, #tpu.memory_space<vmem>>, vector<16x128xf32>
    %get3A_13 = arith.constant 0 : index
    %get3A_14 = arith.constant 0 : index
    %get3A_15 = vector.load %arg1[%get3A_13, %get3A_14] : memref<1000x128xf32, #tpu.memory_space<vmem>>, vector<1000x128xf32>
    %dot_general3A = arith.constant dense<0.000000e+00> : vector<16x128xf32>
    %dot_general3A_16 = tpu.matmul %convert_element_type3A_9, %get3A_15, %dot_general3A {dimension_numbers = #tpu.dot_dimension_numbers<[1], [0], [0], [1], [0, 0, 1, 1], [], []>, transpose_lhs_hint = false} : vector<16x1000xf32>, vector<1000x128xf32>, vector<16x128xf32> -> vector<16x128xf32>
    %add3A = arith.addf %get3A_12, %dot_general3A_16 : vector<16x128xf32>
    %swap3A = arith.constant 0 : index
    %swap3A_17 = arith.constant 0 : index
    %swap3A_18 = vector.load %arg8[%swap3A, %swap3A_17] : memref<16x128xf32, #tpu.memory_space<vmem>>, vector<16x128xf32>
    tpu.vector_store %arg8[%swap3A, %swap3A_17], %add3A {strides = array<i32>} : memref<16x128xf32, #tpu.memory_space<vmem>>, vector<16x128xf32>,
    %eq3A_19 = arith.constant 9 : i32
    %eq3A_20 = arith.cmpi eq, %arg0, %eq3A_19 : i32
    %convert_element_type3A_21 = arith.extui %eq3A_20 : i1 to i32
    %cond3A_22 = arith.constant 0 : i32
    %cond3A_23 = arith.cmpi ne, %convert_element_type3A_21, %cond3A_22 : i32
    scf.if %cond3A_23 {
      %get3A_24 = arith.constant 0 : index
      %get3A_25 = arith.constant 0 : index
      %get3A_26 = vector.load %arg8[%get3A_24, %get3A_25] : memref<16x128xf32, #tpu.memory_space<vmem>>, vector<16x128xf32>
      %get3A_27 = arith.constant 0 : index
      %get3A_28 = arith.constant 0 : index
      %get3A_29 = vector.load %arg3[%get3A_27, %get3A_28] : memref<128x128xf32, #tpu.memory_space<vmem>>, vector<128x128xf32>
      %dot_general3A_30 = arith.constant dense<0.000000e+00> : vector<16x128xf32>
      %dot_general3A_31 = tpu.matmul %get3A_26, %get3A_29, %dot_general3A_30 {dimension_numbers = #tpu.dot_dimension_numbers<[1], [0], [0], [1], [0, 0, 1, 1], [], []>, transpose_lhs_hint = false} : vector<16x128xf32>, vector<128x128xf32>, vector<16x128xf32> -> vector<16x128xf32>
      %get3A_32 = arith.constant 0 : index
      %get3A_33 = arith.constant 0 : index
      %get3A_34 = vector.load %arg4[%get3A_32, %get3A_33] : memref<1x128xf32, #tpu.memory_space<vmem>>, vector<1x128xf32>
      %add3A_35 = vector.broadcast %get3A_34 : vector<1x128xf32> to vector<16x128xf32>
      %add3A_36 = arith.addf %dot_general3A_31, %add3A_35 : vector<16x128xf32>
      %max3A = arith.constant 0.000000e+00 : f32
      %max3A_37 = vector.broadcast %max3A : f32 to vector<16x128xf32>
      %max3A_38 = arith.maximumf %add3A_36, %max3A_37 : vector<16x128xf32>
      %get3A_39 = arith.constant 0 : index
      %get3A_40 = arith.constant 0 : index
      %get3A_41 = vector.load %arg5[%get3A_39, %get3A_40] : memref<128x10xf32, #tpu.memory_space<vmem>>, vector<128x10xf32>
      %dot_general3A_42 = arith.constant dense<0.000000e+00> : vector<16x10xf32>
      %dot_general3A_43 = tpu.matmul %max3A_38, %get3A_41, %dot_general3A_42 {dimension_numbers = #tpu.dot_dimension_numbers<[1], [0], [0], [1], [0, 0, 1, 1], [], []>, transpose_lhs_hint = false} : vector<16x128xf32>, vector<128x10xf32>, vector<16x10xf32> -> vector<16x10xf32>
      %get3A_44 = arith.constant 0 : index
      %get3A_45 = arith.constant 0 : index
      %get3A_46 = vector.load %arg6[%get3A_44, %get3A_45] : memref<1x10xf32, #tpu.memory_space<vmem>>, vector<1x10xf32>
      %add3A_47 = vector.broadcast %get3A_46 : vector<1x10xf32> to vector<16x10xf32>
      %add3A_48 = arith.addf %dot_general3A_43, %add3A_47 : vector<16x10xf32>
      %reduce_max3A = arith.constant dense<0xFF800000> : vector<16xf32>
      %reduce_max3A_49 = vector.multi_reduction <maximumf>, %add3A_48, %reduce_max3A [1] : vector<16x10xf32> to vector<16xf32>
      %broadcast_in_dim3A = vector.shape_cast %reduce_max3A_49 : vector<16xf32> to vector<16x1xf32>
      %sub3A = vector.broadcast %broadcast_in_dim3A : vector<16x1xf32> to vector<16x10xf32>
      %sub3A_50 = arith.subf %add3A_48, %sub3A : vector<16x10xf32>
      %exp3A = math.exp %sub3A_50 : vector<16x10xf32>
      %reduce_sum3A = arith.constant dense<0.000000e+00> : vector<16xf32>
      %reduce_sum3A_51 = vector.multi_reduction <add>, %exp3A, %reduce_sum3A [1] : vector<16x10xf32> to vector<16xf32>
      %broadcast_in_dim3A_52 = vector.shape_cast %reduce_sum3A_51 : vector<16xf32> to vector<16x1xf32>
      %log3A = math.log %broadcast_in_dim3A_52 : vector<16x1xf32>
      %add3A_53 = arith.addf %broadcast_in_dim3A, %log3A : vector<16x1xf32>
      %sub3A_54 = vector.broadcast %add3A_53 : vector<16x1xf32> to vector<16x10xf32>
      %sub3A_55 = arith.subf %add3A_48, %sub3A_54 : vector<16x10xf32>
      %swap3A_56 = arith.constant 0 : index
      %swap3A_57 = arith.constant 0 : index
      %swap3A_58 = vector.load %arg7[%swap3A_56, %swap3A_57] : memref<16x10xf32, #tpu.memory_space<vmem>>, vector<16x10xf32>
      tpu.vector_store %arg7[%swap3A_56, %swap3A_57], %sub3A_55 {strides = array<i32>} : memref<16x10xf32, #tpu.memory_space<vmem>>, vector<16x10xf32>,
    } else {
    }
    return
  }
  func.func @transform_0(%arg0: i32) -> (i32, i32) {
    %c0_i32 = arith.constant 0 : i32
    %c0_i32_0 = arith.constant 0 : i32
    return %arg0, %c0_i32 : i32, i32
  }
  func.func @transform_1(%arg0: i32) -> (i32, i32, i32) {
    %c0_i32 = arith.constant 0 : i32
    %c0_i32_0 = arith.constant 0 : i32
    %c0_i32_1 = arith.constant 0 : i32
    return %arg0, %c0_i32, %c0_i32_0 : i32, i32, i32
  }
  func.func @transform_2(%arg0: i32) -> (i32, i32) {
    %c0_i32 = arith.constant 0 : i32
    %c0_i32_0 = arith.constant 0 : i32
    %c0_i32_1 = arith.constant 0 : i32
    return %c0_i32, %c0_i32_0 : i32, i32
  }
  func.func @transform_3(%arg0: i32) -> (i32, i32) {
    %c0_i32 = arith.constant 0 : i32
    %c0_i32_0 = arith.constant 0 : i32
    %c0_i32_1 = arith.constant 0 : i32
    return %c0_i32, %c0_i32_0 : i32, i32
  }
  func.func @transform_4(%arg0: i32) -> (i32, i32) {
    %c0_i32 = arith.constant 0 : i32
    %c0_i32_0 = arith.constant 0 : i32
    %c0_i32_1 = arith.constant 0 : i32
    return %c0_i32, %c0_i32_0 : i32, i32
  }
  func.func @transform_5(%arg0: i32) -> (i32, i32) {
    %c0_i32 = arith.constant 0 : i32
    %c0_i32_0 = arith.constant 0 : i32
    %c0_i32_1 = arith.constant 0 : i32
    return %c0_i32, %c0_i32_0 : i32, i32
  }
  func.func @transform_6(%arg0: i32) -> (i32, i32) {
    %c0_i32 = arith.constant 0 : i32
    %c0_i32_0 = arith.constant 0 : i32
    %c0_i32_1 = arith.constant 0 : i32
    return %c0_i32, %c0_i32_0 : i32, i32
  }
}

</mosaic_0001>

<sc_bundles>
// kernel: kernel.16.cloned.1.call-start
scs
__scs_entry_jumppad:
0x0: {  	(pc) =	sbr.rel $0x88, $3  }
0x1: {  	(tag) =	ssettag $0x0;
	lr =	simm.s32 $0x1  }
0x2: {  	[smem:$0x3F8E] =	sst lr;
	_ =	strace $0xD0000000  }
0x3: {  	_ = 	snop  }
0x4: {  	_ = 	snop  }
0x5: {  	_ = 	snop  }
0x6: {  	_ = 	snop  }
0x7: {  	_ = 	snop  }
__scs_overlays_trampoline_lowered:
0x8: {  	[smem:$0x3F9D] =	sst s0  }
0x9: {  	[smem:$0x3F9E] =	sst s1  }
0xa: {  	[smem:$0x3F9F] =	sst s2  }
0xb: {  	[smem:$0x3FA0] =	sst s3  }
0xc: {  	[smem:$0x3FA1] =	sst s4  }
0xd: {  	[smem:$0x3FA2] =	sst s5  }
0xe: {  	[smem:$0x3FA3] =	sst s6  }
0xf: {  	[smem:$0x3FA4] =	sst s7  }
0x10: {  	[smem:$0x3FA5] =	sst s8  }
0x11: {  	[smem:$0x3FA6] =	sst s9;
	s0 =	simm.s32 @!p0 $0x0  }
0x12: {  	s1 =	sld [smem:$0x3F8C];
	s0 =	simm.s32 @p0 $0x1  }
0x13: {  	[smem:$0x3FA7] =	sst s0;
	s0 =	simm.s32 @!p1 $0x0  }
0x14: {  	s2 =	sld [smem:$0x3F8B];
	s0 =	simm.s32 @p1 $0x1  }
0x15: {  	[smem:$0x3FA8] =	sst s0;
	s0 =	simm.s32 @!p2 $0x0  }
0x16: {  	s3 =	sld [smem:$0x3FDB];
	s0 =	simm.s32 @p2 $0x1  }
0x17: {  	s4 =	simm.s32 $0x1BF5;
	[smem:$0x3FAA] =	sst s0  }
0x18: {  	s0 =	sld [smem:$0x3F8D];
	_ =	swait.ge [sflag:s4], $0x0  }
0x19: {  	s7 =	sld [smem:$0x3F8E]  }
0x1a: {  	s8 =	sadd.s32 $0xFFFFE003, lr  }
0x1b: {  	s9 =	sadd.s32 $0xFFFFFEF7, lr;
	s5 =	simm.s32 $0xFFFFFFFF;
	p2 =	slt.u32 s8, $0xFFFFF086  }
0x1c: {  	p1 =	slt.u32 s9, $0xF7A;
	s5 =	simm.s32 @!p2 $0x0  }
0x1d: {  	s5 =	simm.s32 @p1 $0x1;
	p0 =	seq.s32 s7, s2  }
0x1e: {  	s7 =	smul.u32 @!p0 $0xF7A, s2;
	p2 =	seq.s32 @!p0 s5, $0x0  }
0x1f: {  	s9 =	smul.u32 $0xF7A, s1;
	s8 =	simm.s32 @!p0 $0x1BF5;
	p2 =	por !p2, p0  }
0x20: {  	[sflag:s8] =	ssyncset.s32 @!p0 $0xFFFFF086;
	s6 =	sadd.s32 @!p0 s3, s7;
	s7 =	simm.s32 @!p0 $0x108  }
0x21: {  	s3 =	sadd.s32 s3, s9;
	s6 =	sadd.s32 @!p0 $0x88, s6;
	s7 =	simm.s32 @p2 $0x1082  }
0x22: {  	[simem:s7], [sflag:s8] =	dma.local @!p0 [hbm:s6], $0xF7A  }
0x23: {  	s9 =	sor.u32 $0xD0000000, s2;
	s6 =	simm.s32 $0x108;
	_ =	swait.ge @!p0 [sflag:s8], $0x0  }
0x24: {  	s3 =	sadd.s32 $0x88, s3;
	s6 =	simm.s32 @!p1 $0x1082;
	[sflag:s4] =	ssyncset.s32 $0xFFFFF086  }
0x25: {  	[simem:s6], [sflag:s4] =	dma.local [hbm:s3], $0xF7A  }
0x26: {  	[smem:$0x3F8E] =	sst s1;
	(tag) =	ssettag s2;
	_ =	strace s9  }
0x27: {  	s1 =	sld [smem:$0x3F9E]  }
0x28: {  	s2 =	sld [smem:$0x3F9F]  }
0x29: {  	s4 =	sld [smem:$0x3FA1]  }
0x2a: {  	p0 =	seq.s32 s5, $0x0;
	s5 =	sld [smem:$0x3FA2]  }
0x2b: {  	s6 =	sld [smem:$0x3FA3]  }
0x2c: {  	s7 =	sld [smem:$0x3FA4]  }
0x2d: {  	s3 =	simm.s32 $0x108;
	s8 =	sld [smem:$0x3FA5]  }
0x2e: {  	s3 =	simm.s32 @!p0 $0x1082;
	s9 =	sld [smem:$0x3FA6]  }
0x2f: {  	lr =	sadd.s32 s0, s3;
	s0 =	sld [smem:$0x3F9D]  }
0x30: {  	s3 =	sld [smem:$0x3FA0]  }
0x31: {  	[smem:$0x3FA9] =	sst s10  }
0x32: {  	s10 =	sld [smem:$0x3FA7];
	_ =	sdelay $0x3  }
0x33: {  	p0 =	seq.s32 s10, $0x1;
	s10 =	sld [smem:$0x3FA9];
	_ =	sdelay $0x3  }
0x34: {  	[smem:$0x3FA9] =	sst s10  }
0x35: {  	s10 =	sld [smem:$0x3FA8];
	_ =	sdelay $0x3  }
0x36: {  	p1 =	seq.s32 s10, $0x1;
	s10 =	sld [smem:$0x3FA9];
	_ =	sdelay $0x3  }
0x37: {  	[smem:$0x3FA9] =	sst s10  }
0x38: {  	s10 =	sld [smem:$0x3FAA]  }
0x39: {  	_ = 	snop;
	(pc) =	sbr.ind lr, $3  }
0x3a: {  	_ = 	snop  }
0x3b: {  	_ = 	snop  }
0x3c: {  	p2 =	seq.s32 s10, $0x1;
	s10 =	sld [smem:$0x3FA9]  }
0x3d: {  	_ =	shalt  }
0x3e: {  	_ =	shalt  }
0x3f: {  	_ =	shalt  }
0x40: {  	_ =	shalt  }
0x41: {  	_ =	shalt  }
0x42: {  	_ =	shalt  }
0x43: {  	_ =	shalt  }
0x44: {  	_ =	shalt  }
0x45: {  	_ =	shalt  }
0x46: {  	_ =	shalt  }
0x47: {  	_ =	shalt  }
0x48: {  	_ =	shalt  }
0x49: {  	_ =	shalt  }
0x4a: {  	_ =	shalt  }
0x4b: {  	_ =	shalt  }
0x4c: {  	_ =	shalt  }
0x4d: {  	_ =	shalt  }
0x4e: {  	_ =	shalt  }
0x4f: {  	_ =	shalt  }
0x50: {  	_ =	shalt  }
0x51: {  	_ =	shalt  }
0x52: {  	_ =	shalt  }
0x53: {  	_ =	shalt  }
0x54: {  	_ =	shalt  }
0x55: {  	_ =	shalt  }
0x56: {  	_ =	shalt  }
0x57: {  	_ =	shalt  }
0x58: {  	_ =	shalt  }
0x59: {  	_ =	shalt  }
0x5a: {  	_ =	shalt  }
0x5b: {  	_ =	shalt  }
0x5c: {  	_ =	shalt  }
0x5d: {  	_ =	shalt  }
0x5e: {  	_ =	shalt  }
0x5f: {  	_ =	shalt  }
0x60: {  	_ =	shalt  }
0x61: {  	_ =	shalt  }
0x62: {  	_ =	shalt  }
0x63: {  	_ =	shalt  }
0x64: {  	_ =	shalt  }
0x65: {  	_ =	shalt  }
0x66: {  	_ =	shalt  }
0x67: {  	_ =	shalt  }
0x68: {  	_ =	shalt  }
0x69: {  	_ =	shalt  }
0x6a: {  	_ =	shalt  }
0x6b: {  	_ =	shalt  }
0x6c: {  	_ =	shalt  }
0x6d: {  	_ =	shalt  }
0x6e: {  	_ =	shalt  }
0x6f: {  	_ =	shalt  }
0x70: {  	_ =	shalt  }
0x71: {  	_ =	shalt  }
0x72: {  	_ =	shalt  }
0x73: {  	_ =	shalt  }
0x74: {  	_ =	shalt  }
0x75: {  	_ =	shalt  }
0x76: {  	_ =	shalt  }
0x77: {  	_ =	shalt  }
0x78: {  	_ =	shalt  }
0x79: {  	_ =	shalt  }
0x7a: {  	_ =	shalt  }
0x7b: {  	_ =	shalt  }
0x7c: {  	_ =	shalt  }
0x7d: {  	_ =	shalt  }
0x7e: {  	_ =	shalt  }
0x7f: {  	_ =	shalt  }
0x80: {  	_ =	shalt  }
0x81: {  	_ =	shalt  }
0x82: {  	_ =	shalt  }
0x83: {  	_ =	shalt  }
0x84: {  	_ =	shalt  }
0x85: {  	_ =	shalt  }
0x86: {  	_ =	shalt  }
0x87: {  	_ =	shalt  }
.Lfunc_end0:
.L_simem_size_0:
called_computation_lowered:
.L_overlay_start_0:
0x88: {  	s2 =	sld [smem:$0x3FD9]  }
0x89: {  	s3 =	sld [smem:$0x3FFE];
	_ =	sdelay $0x1  }
0x8a: {  	s1 =	srdreg.scid  }
0x8b: {  	s0 =	sand.u32 $0x1, s1  }
0x8c: {  	s16 =	sshll.u32 s0, $0xA;
	s2 =	sadd.s32 s3, s2  }
0x8d: {  	s2 =	sadd.s32 s2, s16  }
0x8e: {  	[smem:$0x3FB5] =	sst s2  }
0x8f: {  	_ = 	snop  }
0x90: {  	(tm) =	ssettm $0x1  }
0x91: {  	s17 =	sld [smem:$0x3FFB];
	_ =	sdelay $0x3  }
0x92: {  	_ =	strace s17  }
0x93: {  	s2 =	sld [smem:$0x3FFC];
	_ =	sdelay $0x3  }
0x94: {  	_ =	strace s2  }
0x95: {  	s2 =	sld [smem:$0x3FFD];
	_ =	sdelay $0x3  }
0x96: {  	_ =	strace s2  }
0x97: {  	_ =	strace $0x8FFFFFFF  }
0x98: {  	s18 =	sld [smem:$0x3FDB];
	_ =	sdelay $0x1  }
0x99: {  	s19 =	simm.s32 $_scs_section_size  }
0x9a: {  	s4 =	simm.s32 $_size__tile_overlayer_lowered;
	s5 =	simm.s32 $_tile_overlayer_lowered  }
0x9b: {  	s22 =	simm.s32 $0x1BFF;
	s21 =	sshll.u32 s5, $0x1;
	s2 =	sadd.s32 s19, s18  }
0x9c: {  	s6 =	simm.s32 $0x0;
	s20 =	sshll.u32 s4, $0x1;
	s4 =	sadd.s32 s21, s2  }
0x9d: {  	[timem:s6], [sflag:s22] =	dma.local [hbm:s4], s20  }
0x9e: {  	_ =	swait.ge [sflag:s22], s20  }
0x9f: {  	s3 =	ssub.s32 $0x0, s20;
	[sflag:s22] =	ssyncset.done $0x0  }
0xa0: {  	[sflag:s22] =	ssyncadd.s32 s3;
	_ =	sdelay $0x1  }
0xa1: {  	s23 =	simm.s32 $0x1B8B  }
0xa2: {  	_ =	swait.ge [sflag:s23], $0x1  }
0xa3: {  	[sflag:s23] =	ssyncset.done $0x0  }
0xa4: {  	s25 =	simm.s32 $0x1B8E;
	s24 =	sld [smem:$0x3FFE];
	[sflag:s23] =	ssyncadd.s32 $0xFFFFFFFF  }
0xa5: {  	s26 =	simm.s32 $execute0_lowered;
	[smem:$0x3FD2] =	sst s25  }
0xa6: {  	s4 =	sshll.u32 s26, $0x1;
	_ =	strace $0x80000046;
	[dreg:$0x1] =	wrdreg $0xFFFFFFFF  }
0xa7: {  	s28 =	simm.s32 $_size_execute0_lowered;
	s2 =	sadd.s32 s2, s4;
	[dreg:$0x0] =	wrdreg $0x0  }
0xa8: {  	s4 =	sshll.u32 s28, $0x1;
	[dreg:$0x2] =	wrdreg s2  }
0xa9: {  	[dreg:$0x3] =	wrdreg s4  }
0xaa: {  	[dreg:$0x4] =	wrdreg $0xC0  }
0xab: {  	_ =	task [dreg:s6], $0x5FFFF  }
0xac: {  	[dreg:$0x1] =	wrdreg $0xFFFFFFFF  }
0xad: {  	[dreg:$0x0] =	wrdreg $0x60  }
0xae: {  	[dreg:$0x2] =	wrdreg s24  }
0xaf: {  	[dreg:$0x3] =	wrdreg $0xB7800  }
0xb0: {  	[dreg:$0x4] =	wrdreg $0x9  }
0xb1: {  	_ =	task.clear_ibuf [dreg:s6], $0x5FFFF;
	_ =	strace $0x90000046  }
0xb2: {  	s29 =	simm.s32 $0x9;
	_ =	strace $0x80000048  }
0xb3: {  	_ =	swait.ge [sflag:s29], $0x1  }
0xb4: {  	[sflag:s29] =	ssyncadd.s32 $0xFFFFFFFF  }
0xb5: {  	_ =	strace $0x90000048  }
0xb6: {  	_ =	sfence  }
0xb7: {  	s30 =	sld [smem:$0x0];
	_ =	sdelay $0x2  }
0xb8: {  	s31 =	sshll.u32 s1, $0xD;
	s1 =	sshrl.u32 s1, $0x2  }
0xb9: {  	s3 =	sand.u32 $0x4000, s31;
	s1 =	sadd.s32 s1, s30  }
0xba: {  	s0 =	sor.u32 s3, s0;
	s1 =	sshll.u32 s1, $0x11  }
0xbb: {  	s0 =	sor.u32 s1, s0  }
0xbc: {  	s0 =	sadd.s32 $0x8F2B, s0  }
0xbd: {  	[sflag:s0] =	ssyncadd.remote.s32 $0x1  }
0xbe: {  	_ =	sfence.sel $0xFFFF  }
0xbf: {  	[dreg:$0x0] =	wrdreg $0xFFFFFFFF;
	(pc) =	sbr.abs _section_cstart, $3  }
0xc0: {  	[dreg:$0x1] =	wrdreg $0xFFFFFFFF  }
0xc1: {  	_ =	task.clear_ibuf [dreg:s6], $0x2FFFF;
	_ =	strace $0x9FFFFFFF  }
0xc2: {  	(tm) =	ssettm $0x7FFFFFFF  }
0xc3: {  	_ =	shalt  }
tec
execute0_lowered:
.L_overlay_start_1:
0x0: {  	(tag) =	ssettag $0x1  }
0x1: {  	s0 =	rddreg [dreg:$0x0];
	s1 =	srdreg.scid  }
0x2: {  	s12 =	stileid.u32;
	s2 =	rddreg [dreg:$0x1]  }
0x3: {  	s13 =	simm.s32 $0x2780;
	s18 =	simm.s32 $0x1;
	s19 =	simm.s32 $0x2  }
0x4: {  	s20 =	simm.s32 $0x50;
	s21 =	simm.s32 $0x6780;
	s22 =	simm.s32 $0x8F80  }
0x5: {  	s23 =	simm.s32 $0x3;
	s24 =	simm.s32 $0x4;
	s25 =	simm.s32 $0x6480  }
0x6: {  	s28 =	simm.s32 $0x6500;
	s29 =	simm.s32 $0x6580;
	s30 =	simm.s32 $0x0  }
0x7: {  	s1 =	sand.u32 $0x1, s1;
	s3 =	sshll.u32 s12, $0x1;
	s8 =	smul.u32 $0x50000, s12  }
0x8: {  	s4 =	sshrl.u32 s12, $0x2;
	s11 =	smul.u32 $0x14000, s12;
	s15 =	sadd.s32 $0x12C000, s2  }
0x9: {  	p0 =	seq.s32 s12, $0xF;
	s5 =	sor.u32 s1, s3;
	s4 =	smul.u32 $0x13C00, s4  }
0xa: {  	s3 =	simm.s32 $0x0;
	s9 =	ssub.s32 $0x2, s1;
	s1 =	smul.u32 $0x138800, s1  }
0xb: {  	s14 =	sshll.u32 @!p0 s12, $0x6;
	s15 =	sshrl.u32 @p0 s15, $0x3;
	s6 =	sshll.u32 s5, $0x7  }
0xc: {  	[smem:$0x7FF] =	sst s3;
	s5 =	sshll.u32 s5, $0xB;
	s10 =	sshrl.u32 s9, $0x1  }
0xd: {  	s8 =	sshrl.u32 s8, $0x2;
	s16 =	sor.u32 @!p0 $0x1C03, s14;
	s6 =	sand.u32 $0x380, s6  }
0xe: {  	_ =	strace $0x80000047;
	s7 =	sadd.s32 s5, s0;
	s5 =	sadd.s32 $0x47400, s0  }
0xf: {  	s10 =	ssub.s32 s9, s10;
	s26 =	sadd.s32 s11, s1;
	s1 =	sshrl.u32 s1, $0x3  }
0x10: {  	s17 =	sadd.s32 s8, s2;
	s6 =	sor.u32 s4, s6;
	s4 =	sadd.s32 $0x20200, s0  }
0x11: {  	s7 =	sadd.s32 $0x6400, s7;
	s31 =	sshrl.u32 s26, $0x3;
	s6 =	sshrl.u32 s6, $0x3  }
0x12: {  	s10 =	smax.u32 s10, $0x1;
	s6 =	sadd.s32 s6, s0;
	s0 =	sadd.s32 $0x49C00, s0  }
0x13: {  	s17 =	sshrl.u32 @!p0 s17, $0x3;
	s26 =	simm.s32 $0x26C0;
	s1 =	sadd.s32 s0, s1  }
0x14: {  	s6 =	sadd.s32 $0x16400, s6;
	s8 =	sadd.s32 s0, s31;
	s9 =	sadd.s32 $0x25800, s1  }
.LBB2_1:
0x15: {  	s0 =	simm.s32 $0x80;
	s1 =	simm.s32 $0x400  }
0x16: {  	[tilespmem:s3], [sflag:$0x1] =	stream.strided.gather [hbm4b:s6+s0], $0x2780, s1, s0, $0x38;
	[tilespmem:$0x1F000] =	vst v63  }
0x17: {  	s0 =	simm.s32 @p0 $0x1FC3  }
0x18: {  	[tilespmem:s13], [sflag:$0x2] =	stream.linear.gather [hbm4b:s7+s3], $0x3E80, $0x38;
	[tilespmem:$0x1F000] =	vst v63  }
0x19: {  	[spmem:s15], [sflag:s0] =	dma.local @p0 [hbm:s5], $0x1900  }
0x1a: {  	[spmem:s17], [sflag:s16] =	dma.local @!p0 [hbm:s5], $0x2800  }
0x1b: {  	_ =	swait.ge [sflag:s18], $0x2780  }
0x1c: {  	[sflag:s18] =	ssyncset.done $0x0  }
0x1d: {  	[sflag:s18] =	ssyncadd.s32 $0xFFFFD880  }
0x1e: {  	_ =	swait.ge [sflag:s19], $0x3E80  }
0x1f: {  	[sflag:s19] =	ssyncset.done $0x0  }
0x20: {  	[sflag:s19] =	ssyncadd.s32 $0xFFFFC180  }
0x21: {  	[tilespmem:s21], [sflag:$0x1] =	stream.indirect.gather [hbm4b:s4+s20], $0x80, s3, s20, $0xb8;
	[tilespmem:$0x1F000] =	vst v63  }
0x22: {  	s0 =	simm.s32 @p0 $0x3  }
0x23: {  	[tilespmem:s22], [sflag:$0x2] =	stream.indirect.gather [hbm4b:s4+s20], $0x80, s20, s20, $0xb8;
	[tilespmem:$0x1F000] =	vst v63  }
0x24: {  	_ =	swait.ge @p0 [sflag:s0], $0x1900  }
0x25: {  	[sflag:s0] =	ssyncset.done @p0 $0x0  }
0x26: {  	[sflag:s0] =	ssyncadd.s32 @p0 $0xFFFFE700;
	s0 =	simm.s32 @!p0 $0x3  }
0x27: {  	_ =	swait.ge @!p0 [sflag:s0], $0x2800  }
0x28: {  	[sflag:s0] =	ssyncset.done @!p0 $0x0  }
0x29: {  	[sflag:s0] =	ssyncadd.s32 @!p0 $0xFFFFD800  }
0x2a: {  	[bflag:$0x0] =	sbarrier.arrive $0xFFFF  }
0x2b: {  	_ =	swait.ge [sflag:s18], $0x2800  }
0x2c: {  	[sflag:s18] =	ssyncset.done $0x0  }
0x2d: {  	s1 =	simm.s32 $0x2780;
	[sflag:s18] =	ssyncadd.s32 $0xFFFFD800  }
0x2e: {  	[spmem:s2] =	stream.indirect.scatter.add.f32 [tilespmem:s21], [sflag:$0x3], $0x80, s1, s20, $0xb8;
	[tilespmem:$0x1F000] =	vst v63  }
0x2f: {  	_ =	swait.ge [sflag:s23], $0x2800  }
0x30: {  	[sflag:s23] =	ssyncset.done $0x0  }
0x31: {  	s11 =	simm.s32 $0xA0;
	[sflag:s23] =	ssyncadd.s32 $0xFFFFD800  }
0x32: {  	[tilespmem:s21], [sflag:$0x1] =	stream.indirect.gather [hbm4b:s4+s20], $0x80, s11, s20, $0xb8;
	[tilespmem:$0x1F000] =	vst v63  }
0x33: {  	_ =	swait.ge [sflag:s19], $0x2800  }
0x34: {  	[sflag:s19] =	ssyncset.done $0x0  }
0x35: {  	s12 =	simm.s32 $0x2800;
	[sflag:s19] =	ssyncadd.s32 $0xFFFFD800  }
0x36: {  	[spmem:s2] =	stream.indirect.scatter.add.f32 [tilespmem:s22], [sflag:$0x4], $0x80, s12, s20, $0xb8;
	[tilespmem:$0x1F000] =	vst v63  }
0x37: {  	_ =	swait.ge [sflag:s24], $0x2800  }
0x38: {  	s31 =	simm.s32 $0xF0;
	[sflag:s24] =	ssyncset.done $0x0  }
0x39: {  	s0 =	simm.s32 $0x190;
	s1 =	simm.s32 $0x400;
	[sflag:s24] =	ssyncadd.s32 $0xFFFFD800  }
.LBB2_2:
0x3a: {  	[tilespmem:s22], [sflag:$0x2] =	stream.indirect.gather [hbm4b:s4+s20], $0x80, s31, s20, $0xb8;
	[tilespmem:$0x1F000] =	vst v63  }
0x3b: {  	s11 =	smov.u32 s1;
	s31 =	smov.u32 s0  }
0x3c: {  	p1 =	sne.s32 s1, $0xF000;
	s1 =	sadd.s32 $0x400, s1;
	_ =	swait.ge [sflag:s18], $0x2800  }
0x3d: {  	s11 =	sshra.s32 s11, $0x2;
	[sflag:s18] =	ssyncset.done $0x0  }
0x3e: {  	s12 =	sadd.s32 $0x2780, s11;
	[sflag:s18] =	ssyncadd.s32 $0xFFFFD800  }
0x3f: {  	[spmem:s2] =	stream.indirect.scatter.add.f32 [tilespmem:s21], [sflag:$0x3], $0x80, s12, s20, $0xb8;
	[tilespmem:$0x1F000] =	vst v63  }
0x40: {  	_ =	swait.ge [sflag:s23], $0x2800  }
0x41: {  	[sflag:s23] =	ssyncset.done $0x0  }
0x42: {  	s12 =	sadd.s32 $0xFFFFFFB0, s0;
	[sflag:s23] =	ssyncadd.s32 $0xFFFFD800  }
0x43: {  	[tilespmem:s21], [sflag:$0x1] =	stream.indirect.gather [hbm4b:s4+s20], $0x80, s12, s20, $0xb8;
	[tilespmem:$0x1F000] =	vst v63  }
0x44: {  	_ =	swait.ge [sflag:s19], $0x2800  }
0x45: {  	[sflag:s19] =	ssyncset.done $0x0  }
.Ltmp0:
0x46: {  	s11 =	sadd.s32 $0x2800, s11;
	[sflag:s19] =	ssyncadd.s32 $0xFFFFD800;
	(pc) =	sbr.rel @p1 .LBB2_2-.Ltmp0, $4  }
0x47: {  	[spmem:s2] =	stream.indirect.scatter.add.f32 [tilespmem:s22], [sflag:$0x4], $0x80, s11, s20, $0xb8;
	[tilespmem:$0x1F000] =	vst v63  }
0x48: {  	_ =	swait.ge [sflag:s24], $0x2800  }
0x49: {  	[sflag:s24] =	ssyncset.done $0x0  }
0x4a: {  	s0 =	sadd.s32 $0xA0, s0;
	[sflag:s24] =	ssyncadd.s32 $0xFFFFD800  }
0x4b: {  	[tilespmem:s22], [sflag:$0x2] =	stream.indirect.gather [hbm4b:s4+s20], $0x80, s31, s20, $0xb8;
	[tilespmem:$0x1F000] =	vst v63  }
0x4c: {  	_ =	swait.ge [sflag:s18], $0x2800  }
0x4d: {  	[sflag:s18] =	ssyncset.done $0x0  }
0x4e: {  	[sflag:s18] =	ssyncadd.s32 $0xFFFFD800  }
0x4f: {  	[spmem:s2] =	stream.indirect.scatter.add.f32 [tilespmem:s21], [sflag:$0x3], $0x80, s25, s20, $0xb8;
	[tilespmem:$0x1F000] =	vst v63  }
0x50: {  	_ =	swait.ge [sflag:s23], $0x2800  }
0x51: {  	[sflag:s23] =	ssyncset.done $0x0  }
0x52: {  	[sflag:s23] =	ssyncadd.s32 $0xFFFFD800  }
0x53: {  	[tilespmem:s21], [sflag:$0x1] =	stream.indirect.gather [hbm4b:s4+s20], $0x80, s26, s20, $0xb8;
	[tilespmem:$0x1F000] =	vst v63  }
0x54: {  	_ =	swait.ge [sflag:s19], $0x2800  }
0x55: {  	[sflag:s19] =	ssyncset.done $0x0  }
0x56: {  	[sflag:s19] =	ssyncadd.s32 $0xFFFFD800  }
0x57: {  	[spmem:s2] =	stream.indirect.scatter.add.f32 [tilespmem:s22], [sflag:$0x4], $0x80, s28, s20, $0xb8;
	[tilespmem:$0x1F000] =	vst v63  }
0x58: {  	_ =	swait.ge [sflag:s18], $0x2800  }
0x59: {  	[sflag:s18] =	ssyncset.done $0x0  }
0x5a: {  	[sflag:s18] =	ssyncadd.s32 $0xFFFFD800  }
0x5b: {  	[spmem:s2] =	stream.indirect.scatter.add.f32 [tilespmem:s21], [sflag:$0x3], $0x80, s29, s20, $0xb8;
	[tilespmem:$0x1F000] =	vst v63  }
0x5c: {  	_ =	swait.ge [sflag:s23], $0x2800  }
0x5d: {  	[sflag:s23] =	ssyncset.done $0x0  }
0x5e: {  	[sflag:s23] =	ssyncadd.s32 $0xFFFFD800  }
0x5f: {  	_ =	swait.ge [sflag:s24], $0x2800  }
0x60: {  	[sflag:s24] =	ssyncset.done $0x0  }
0x61: {  	[sflag:s24] =	ssyncadd.s32 $0xFFFFD800  }
0x62: {  	s0 =	simm.s32 @p0 $0x1FC5;
	[bflag:$0x0] =	sbarrier.arrive $0xFFFF  }
0x63: {  	[hbm:s9], [sflag:s0] =	dma.local @p0 [spmem:s15], $0x1900  }
0x64: {  	s0 =	simm.s32 @p0 $0x5  }
0x65: {  	_ =	swait.ge @p0 [sflag:s0], $0x1900  }
0x66: {  	s30 =	sadd.s32 $0x1, s30;
	[sflag:s0] =	ssyncset.done @p0 $0x0  }
0x67: {  	p1 =	sne.s32 s30, s10;
	[sflag:s0] =	ssyncadd.s32 @p0 $0xFFFFE700;
	s0 =	sor.u32 @!p0 $0x1C05, s14  }
0x68: {  	[hbm:s8], [sflag:s0] =	dma.local @!p0 [spmem:s17], $0x2800  }
.Ltmp1:
0x69: {  	_ = 	snop;
	(pc) =	sbr.rel @p1 .LBB2_1-.Ltmp1, $4  }
0x6a: {  	s0 =	simm.s32 @!p0 $0x5  }
0x6b: {  	_ =	swait.ge @!p0 [sflag:s0], $0x2800  }
0x6c: {  	[sflag:s0] =	ssyncset.done @!p0 $0x0  }
0x6d: {  	[sflag:s0] =	ssyncadd.s32 @!p0 $0xFFFFD800  }
0x6e: {  	_ =	sfence.sel $0x180000  }
0x6f: {  	[bflag:$0x0] =	sbarrier.arrive $0xFFFF  }
0x70: {  	_ =	strace $0x90000047  }
0x71: {  	s0 =	stileid.u32;
	[bflag:$0x2] =	sbarrier.arrive $0xFFFF  }
0x72: {  	p0 =	sne.s32 s0, $0x0;
	s0 =	rddreg [dreg:$0x2]  }
0x73: {  	s0 =	sadd.s32 @!p0 $0x100000, s0  }
0x74: {  	[sflag:s0] =	ssyncadd.tile.s32 @!p0 $0x1;
	_ =	shalt  }
.Lfunc_end2:
_tile_overlayer_lowered:
.L_overlay_start_2:
0x75: {  	(tag) =	ssettag $0x2  }
0x76: {  	s0 =	rddreg [dreg:$0x0];
	s2 =	stileid.u32  }
0x77: {  	s1 =	rddreg [dreg:$0x1];
	p0 =	sne.s32 s2, $0x0  }
0x78: {  	s3 =	rddreg [dreg:$0x2];
	[bflag:$0x3] =	sbarrier.arrive $0xFFFF;
	s2 =	simm.s32 @!p0 $0x1C05  }
0x79: {  	[timem:s3], [sflag:s2] =	dma.local @!p0 [hbm:s0], s1  }
0x7a: {  	s0 =	simm.s32 @!p0 $0x5  }
0x7b: {  	_ =	swait.ge @!p0 [sflag:s0], s1  }
0x7c: {  	s1 =	ssub.s32 @!p0 $0x0, s1;
	[sflag:s0] =	ssyncset.done @!p0 $0x0  }
0x7d: {  	[sflag:s0] =	ssyncadd.s32 @!p0 s1  }
0x7e: {  	[bflag:$0x3] =	sbarrier.arrive $0xFFFF  }
0x7f: {  	_ =	shalt  }

// kernel: kernel.19.cloned.1.call-start
scs
__scs_entry_jumppad:
0x0: {  	(pc) =	sbr.rel $0x88, $3  }
0x1: {  	(tag) =	ssettag $0x0;
	lr =	simm.s32 $0x1  }
0x2: {  	[smem:$0x3F8E] =	sst lr;
	_ =	strace $0xD0000000  }
0x3: {  	_ = 	snop  }
0x4: {  	_ = 	snop  }
0x5: {  	_ = 	snop  }
0x6: {  	_ = 	snop  }
0x7: {  	_ = 	snop  }
__scs_overlays_trampoline_lowered:
0x8: {  	[smem:$0x3F9D] =	sst s0  }
0x9: {  	[smem:$0x3F9E] =	sst s1  }
0xa: {  	[smem:$0x3F9F] =	sst s2  }
0xb: {  	[smem:$0x3FA0] =	sst s3  }
0xc: {  	[smem:$0x3FA1] =	sst s4  }
0xd: {  	[smem:$0x3FA2] =	sst s5  }
0xe: {  	[smem:$0x3FA3] =	sst s6  }
0xf: {  	[smem:$0x3FA4] =	sst s7  }
0x10: {  	[smem:$0x3FA5] =	sst s8  }
0x11: {  	[smem:$0x3FA6] =	sst s9;
	s0 =	simm.s32 @!p0 $0x0  }
0x12: {  	s1 =	sld [smem:$0x3F8C];
	s0 =	simm.s32 @p0 $0x1  }
0x13: {  	[smem:$0x3FA7] =	sst s0;
	s0 =	simm.s32 @!p1 $0x0  }
0x14: {  	s2 =	sld [smem:$0x3F8B];
	s0 =	simm.s32 @p1 $0x1  }
0x15: {  	[smem:$0x3FA8] =	sst s0;
	s0 =	simm.s32 @!p2 $0x0  }
0x16: {  	s3 =	sld [smem:$0x3FDB];
	s0 =	simm.s32 @p2 $0x1  }
0x17: {  	s4 =	simm.s32 $0x1BF5;
	[smem:$0x3FAA] =	sst s0  }
0x18: {  	s0 =	sld [smem:$0x3F8D];
	_ =	swait.ge [sflag:s4], $0x0  }
0x19: {  	s7 =	sld [smem:$0x3F8E]  }
0x1a: {  	s8 =	sadd.s32 $0xFFFFE003, lr  }
0x1b: {  	s9 =	sadd.s32 $0xFFFFFEF7, lr;
	s5 =	simm.s32 $0xFFFFFFFF;
	p2 =	slt.u32 s8, $0xFFFFF086  }
0x1c: {  	p1 =	slt.u32 s9, $0xF7A;
	s5 =	simm.s32 @!p2 $0x0  }
0x1d: {  	s5 =	simm.s32 @p1 $0x1;
	p0 =	seq.s32 s7, s2  }
0x1e: {  	s7 =	smul.u32 @!p0 $0xF7A, s2;
	p2 =	seq.s32 @!p0 s5, $0x0  }
0x1f: {  	s9 =	smul.u32 $0xF7A, s1;
	s8 =	simm.s32 @!p0 $0x1BF5;
	p2 =	por !p2, p0  }
0x20: {  	[sflag:s8] =	ssyncset.s32 @!p0 $0xFFFFF086;
	s6 =	sadd.s32 @!p0 s3, s7;
	s7 =	simm.s32 @!p0 $0x108  }
0x21: {  	s3 =	sadd.s32 s3, s9;
	s6 =	sadd.s32 @!p0 $0x88, s6;
	s7 =	simm.s32 @p2 $0x1082  }
0x22: {  	[simem:s7], [sflag:s8] =	dma.local @!p0 [hbm:s6], $0xF7A  }
0x23: {  	s9 =	sor.u32 $0xD0000000, s2;
	s6 =	simm.s32 $0x108;
	_ =	swait.ge @!p0 [sflag:s8], $0x0  }
0x24: {  	s3 =	sadd.s32 $0x88, s3;
	s6 =	simm.s32 @!p1 $0x1082;
	[sflag:s4] =	ssyncset.s32 $0xFFFFF086  }
0x25: {  	[simem:s6], [sflag:s4] =	dma.local [hbm:s3], $0xF7A  }
0x26: {  	[smem:$0x3F8E] =	sst s1;
	(tag) =	ssettag s2;
	_ =	strace s9  }
0x27: {  	s1 =	sld [smem:$0x3F9E]  }
0x28: {  	s2 =	sld [smem:$0x3F9F]  }
0x29: {  	s4 =	sld [smem:$0x3FA1]  }
0x2a: {  	p0 =	seq.s32 s5, $0x0;
	s5 =	sld [smem:$0x3FA2]  }
0x2b: {  	s6 =	sld [smem:$0x3FA3]  }
0x2c: {  	s7 =	sld [smem:$0x3FA4]  }
0x2d: {  	s3 =	simm.s32 $0x108;
	s8 =	sld [smem:$0x3FA5]  }
0x2e: {  	s3 =	simm.s32 @!p0 $0x1082;
	s9 =	sld [smem:$0x3FA6]  }
0x2f: {  	lr =	sadd.s32 s0, s3;
	s0 =	sld [smem:$0x3F9D]  }
0x30: {  	s3 =	sld [smem:$0x3FA0]  }
0x31: {  	[smem:$0x3FA9] =	sst s10  }
0x32: {  	s10 =	sld [smem:$0x3FA7];
	_ =	sdelay $0x3  }
0x33: {  	p0 =	seq.s32 s10, $0x1;
	s10 =	sld [smem:$0x3FA9];
	_ =	sdelay $0x3  }
0x34: {  	[smem:$0x3FA9] =	sst s10  }
0x35: {  	s10 =	sld [smem:$0x3FA8];
	_ =	sdelay $0x3  }
0x36: {  	p1 =	seq.s32 s10, $0x1;
	s10 =	sld [smem:$0x3FA9];
	_ =	sdelay $0x3  }
0x37: {  	[smem:$0x3FA9] =	sst s10  }
0x38: {  	s10 =	sld [smem:$0x3FAA]  }
0x39: {  	_ = 	snop;
	(pc) =	sbr.ind lr, $3  }
0x3a: {  	_ = 	snop  }
0x3b: {  	_ = 	snop  }
0x3c: {  	p2 =	seq.s32 s10, $0x1;
	s10 =	sld [smem:$0x3FA9]  }
0x3d: {  	_ =	shalt  }
0x3e: {  	_ =	shalt  }
0x3f: {  	_ =	shalt  }
0x40: {  	_ =	shalt  }
0x41: {  	_ =	shalt  }
0x42: {  	_ =	shalt  }
0x43: {  	_ =	shalt  }
0x44: {  	_ =	shalt  }
0x45: {  	_ =	shalt  }
0x46: {  	_ =	shalt  }
0x47: {  	_ =	shalt  }
0x48: {  	_ =	shalt  }
0x49: {  	_ =	shalt  }
0x4a: {  	_ =	shalt  }
0x4b: {  	_ =	shalt  }
0x4c: {  	_ =	shalt  }
0x4d: {  	_ =	shalt  }
0x4e: {  	_ =	shalt  }
0x4f: {  	_ =	shalt  }
0x50: {  	_ =	shalt  }
0x51: {  	_ =	shalt  }
0x52: {  	_ =	shalt  }
0x53: {  	_ =	shalt  }
0x54: {  	_ =	shalt  }
0x55: {  	_ =	shalt  }
0x56: {  	_ =	shalt  }
0x57: {  	_ =	shalt  }
0x58: {  	_ =	shalt  }
0x59: {  	_ =	shalt  }
0x5a: {  	_ =	shalt  }
0x5b: {  	_ =	shalt  }
0x5c: {  	_ =	shalt  }
0x5d: {  	_ =	shalt  }
0x5e: {  	_ =	shalt  }
0x5f: {  	_ =	shalt  }
0x60: {  	_ =	shalt  }
0x61: {  	_ =	shalt  }
0x62: {  	_ =	shalt  }
0x63: {  	_ =	shalt  }
0x64: {  	_ =	shalt  }
0x65: {  	_ =	shalt  }
0x66: {  	_ =	shalt  }
0x67: {  	_ =	shalt  }
0x68: {  	_ =	shalt  }
0x69: {  	_ =	shalt  }
0x6a: {  	_ =	shalt  }
0x6b: {  	_ =	shalt  }
0x6c: {  	_ =	shalt  }
0x6d: {  	_ =	shalt  }
0x6e: {  	_ =	shalt  }
0x6f: {  	_ =	shalt  }
0x70: {  	_ =	shalt  }
0x71: {  	_ =	shalt  }
0x72: {  	_ =	shalt  }
0x73: {  	_ =	shalt  }
0x74: {  	_ =	shalt  }
0x75: {  	_ =	shalt  }
0x76: {  	_ =	shalt  }
0x77: {  	_ =	shalt  }
0x78: {  	_ =	shalt  }
0x79: {  	_ =	shalt  }
0x7a: {  	_ =	shalt  }
0x7b: {  	_ =	shalt  }
0x7c: {  	_ =	shalt  }
0x7d: {  	_ =	shalt  }
0x7e: {  	_ =	shalt  }
0x7f: {  	_ =	shalt  }
0x80: {  	_ =	shalt  }
0x81: {  	_ =	shalt  }
0x82: {  	_ =	shalt  }
0x83: {  	_ =	shalt  }
0x84: {  	_ =	shalt  }
0x85: {  	_ =	shalt  }
0x86: {  	_ =	shalt  }
0x87: {  	_ =	shalt  }
.Lfunc_end0:
.L_simem_size_0:
called_computation.1_lowered:
.L_overlay_start_0:
0x88: {  	s2 =	sld [smem:$0x3FD9]  }
0x89: {  	s3 =	sld [smem:$0x3FFE];
	_ =	sdelay $0x1  }
0x8a: {  	s1 =	srdreg.scid  }
0x8b: {  	s0 =	sand.u32 $0x1, s1  }
0x8c: {  	s16 =	sshll.u32 s0, $0xA;
	s2 =	sadd.s32 s3, s2  }
0x8d: {  	s2 =	sadd.s32 s2, s16  }
0x8e: {  	[smem:$0x3FB5] =	sst s2  }
0x8f: {  	_ = 	snop  }
0x90: {  	(tm) =	ssettm $0x1  }
0x91: {  	s17 =	sld [smem:$0x3FFB];
	_ =	sdelay $0x3  }
0x92: {  	_ =	strace s17  }
0x93: {  	s2 =	sld [smem:$0x3FFC];
	_ =	sdelay $0x3  }
0x94: {  	_ =	strace s2  }
0x95: {  	s2 =	sld [smem:$0x3FFD];
	_ =	sdelay $0x3  }
0x96: {  	_ =	strace s2  }
0x97: {  	_ =	strace $0x8FFFFFFF  }
0x98: {  	s18 =	sld [smem:$0x3FDB];
	_ =	sdelay $0x1  }
0x99: {  	s19 =	simm.s32 $_scs_section_size  }
0x9a: {  	s4 =	simm.s32 $_size__tile_overlayer_lowered;
	s5 =	simm.s32 $_tile_overlayer_lowered  }
0x9b: {  	s22 =	simm.s32 $0x1BFF;
	s21 =	sshll.u32 s5, $0x1;
	s2 =	sadd.s32 s19, s18  }
0x9c: {  	s6 =	simm.s32 $0x0;
	s20 =	sshll.u32 s4, $0x1;
	s4 =	sadd.s32 s21, s2  }
0x9d: {  	[timem:s6], [sflag:s22] =	dma.local [hbm:s4], s20  }
0x9e: {  	_ =	swait.ge [sflag:s22], s20  }
0x9f: {  	s3 =	ssub.s32 $0x0, s20;
	[sflag:s22] =	ssyncset.done $0x0  }
0xa0: {  	[sflag:s22] =	ssyncadd.s32 s3;
	_ =	sdelay $0x1  }
0xa1: {  	s23 =	simm.s32 $0x1B8B  }
0xa2: {  	_ =	swait.ge [sflag:s23], $0x1  }
0xa3: {  	[sflag:s23] =	ssyncset.done $0x0  }
0xa4: {  	s25 =	simm.s32 $0x1B8E;
	s24 =	sld [smem:$0x3FFE];
	[sflag:s23] =	ssyncadd.s32 $0xFFFFFFFF  }
0xa5: {  	s26 =	simm.s32 $execute0_lowered;
	[smem:$0x3FD2] =	sst s25  }
0xa6: {  	s4 =	sshll.u32 s26, $0x1;
	_ =	strace $0x80000049;
	[dreg:$0x1] =	wrdreg $0xFFFFFFFF  }
0xa7: {  	s28 =	simm.s32 $_size_execute0_lowered;
	s2 =	sadd.s32 s2, s4;
	[dreg:$0x0] =	wrdreg $0x0  }
0xa8: {  	s4 =	sshll.u32 s28, $0x1;
	[dreg:$0x2] =	wrdreg s2  }
0xa9: {  	[dreg:$0x3] =	wrdreg s4  }
0xaa: {  	[dreg:$0x4] =	wrdreg $0xC0  }
0xab: {  	_ =	task [dreg:s6], $0x5FFFF  }
0xac: {  	[dreg:$0x1] =	wrdreg $0xFFFFFFFF  }
0xad: {  	[dreg:$0x0] =	wrdreg $0x60  }
0xae: {  	[dreg:$0x2] =	wrdreg s24  }
0xaf: {  	[dreg:$0x3] =	wrdreg $0xB7800  }
0xb0: {  	[dreg:$0x4] =	wrdreg $0x9  }
0xb1: {  	_ =	task.clear_ibuf [dreg:s6], $0x5FFFF;
	_ =	strace $0x90000049  }
0xb2: {  	s29 =	simm.s32 $0x9;
	_ =	strace $0x8000004B  }
0xb3: {  	_ =	swait.ge [sflag:s29], $0x1  }
0xb4: {  	[sflag:s29] =	ssyncadd.s32 $0xFFFFFFFF  }
0xb5: {  	_ =	strace $0x9000004B  }
0xb6: {  	_ =	sfence  }
0xb7: {  	s30 =	sld [smem:$0x0];
	_ =	sdelay $0x2  }
0xb8: {  	s31 =	sshll.u32 s1, $0xD;
	s1 =	sshrl.u32 s1, $0x2  }
0xb9: {  	s3 =	sand.u32 $0x4000, s31;
	s1 =	sadd.s32 s1, s30  }
0xba: {  	s0 =	sor.u32 s3, s0;
	s1 =	sshll.u32 s1, $0x11  }
0xbb: {  	s0 =	sor.u32 s1, s0  }
0xbc: {  	s0 =	sadd.s32 $0x8F2B, s0  }
0xbd: {  	[sflag:s0] =	ssyncadd.remote.s32 $0x1  }
0xbe: {  	_ =	sfence.sel $0xFFFF  }
0xbf: {  	[dreg:$0x0] =	wrdreg $0xFFFFFFFF;
	(pc) =	sbr.abs _section_cstart, $3  }
0xc0: {  	[dreg:$0x1] =	wrdreg $0xFFFFFFFF  }
0xc1: {  	_ =	task.clear_ibuf [dreg:s6], $0x2FFFF;
	_ =	strace $0x9FFFFFFF  }
0xc2: {  	(tm) =	ssettm $0x7FFFFFFF  }
0xc3: {  	_ =	shalt  }
tec
execute0_lowered:
.L_overlay_start_1:
0x0: {  	(tag) =	ssettag $0x1  }
0x1: {  	s0 =	rddreg [dreg:$0x0];
	s1 =	srdreg.scid  }
0x2: {  	s12 =	stileid.u32;
	s2 =	rddreg [dreg:$0x1]  }
0x3: {  	s13 =	simm.s32 $0x2780;
	s18 =	simm.s32 $0x1;
	s19 =	simm.s32 $0x2  }
0x4: {  	s20 =	simm.s32 $0x50;
	s21 =	simm.s32 $0x6780;
	s22 =	simm.s32 $0x8F80  }
0x5: {  	s23 =	simm.s32 $0x3;
	s24 =	simm.s32 $0x4;
	s25 =	simm.s32 $0x6480  }
0x6: {  	s28 =	simm.s32 $0x6500;
	s29 =	simm.s32 $0x6580;
	s30 =	simm.s32 $0x0  }
0x7: {  	s1 =	sand.u32 $0x1, s1;
	s3 =	sshll.u32 s12, $0x1;
	s8 =	smul.u32 $0x50000, s12  }
0x8: {  	s4 =	sshrl.u32 s12, $0x2;
	s11 =	smul.u32 $0x14000, s12;
	s15 =	sadd.s32 $0x12C000, s2  }
0x9: {  	p0 =	seq.s32 s12, $0xF;
	s5 =	sor.u32 s1, s3;
	s4 =	smul.u32 $0x13C00, s4  }
0xa: {  	s3 =	simm.s32 $0x0;
	s9 =	ssub.s32 $0x2, s1;
	s1 =	smul.u32 $0x138800, s1  }
0xb: {  	s14 =	sshll.u32 @!p0 s12, $0x6;
	s15 =	sshrl.u32 @p0 s15, $0x3;
	s6 =	sshll.u32 s5, $0x7  }
0xc: {  	[smem:$0x7FF] =	sst s3;
	s5 =	sshll.u32 s5, $0xB;
	s10 =	sshrl.u32 s9, $0x1  }
0xd: {  	s8 =	sshrl.u32 s8, $0x2;
	s16 =	sor.u32 @!p0 $0x1C03, s14;
	s6 =	sand.u32 $0x380, s6  }
0xe: {  	_ =	strace $0x8000004A;
	s7 =	sadd.s32 s5, s0;
	s5 =	sadd.s32 $0x47400, s0  }
0xf: {  	s10 =	ssub.s32 s9, s10;
	s26 =	sadd.s32 s11, s1;
	s1 =	sshrl.u32 s1, $0x3  }
0x10: {  	s17 =	sadd.s32 s8, s2;
	s6 =	sor.u32 s4, s6;
	s4 =	sadd.s32 $0x20200, s0  }
0x11: {  	s7 =	sadd.s32 $0x6400, s7;
	s31 =	sshrl.u32 s26, $0x3;
	s6 =	sshrl.u32 s6, $0x3  }
0x12: {  	s10 =	smax.u32 s10, $0x1;
	s6 =	sadd.s32 s6, s0;
	s0 =	sadd.s32 $0x49C00, s0  }
0x13: {  	s17 =	sshrl.u32 @!p0 s17, $0x3;
	s26 =	simm.s32 $0x26C0;
	s1 =	sadd.s32 s0, s1  }
0x14: {  	s6 =	sadd.s32 $0x16400, s6;
	s8 =	sadd.s32 s0, s31;
	s9 =	sadd.s32 $0x25800, s1  }
.LBB2_1:
0x15: {  	s0 =	simm.s32 $0x80;
	s1 =	simm.s32 $0x400  }
0x16: {  	[tilespmem:s3], [sflag:$0x1] =	stream.strided.gather [hbm4b:s6+s0], $0x2780, s1, s0, $0x38;
	[tilespmem:$0x1F000] =	vst v63  }
0x17: {  	s0 =	simm.s32 @p0 $0x1FC3  }
0x18: {  	[tilespmem:s13], [sflag:$0x2] =	stream.linear.gather [hbm4b:s7+s3], $0x3E80, $0x38;
	[tilespmem:$0x1F000] =	vst v63  }
0x19: {  	[spmem:s15], [sflag:s0] =	dma.local @p0 [hbm:s5], $0x1900  }
0x1a: {  	[spmem:s17], [sflag:s16] =	dma.local @!p0 [hbm:s5], $0x2800  }
0x1b: {  	_ =	swait.ge [sflag:s18], $0x2780  }
0x1c: {  	[sflag:s18] =	ssyncset.done $0x0  }
0x1d: {  	[sflag:s18] =	ssyncadd.s32 $0xFFFFD880  }
0x1e: {  	_ =	swait.ge [sflag:s19], $0x3E80  }
0x1f: {  	[sflag:s19] =	ssyncset.done $0x0  }
0x20: {  	[sflag:s19] =	ssyncadd.s32 $0xFFFFC180  }
0x21: {  	[tilespmem:s21], [sflag:$0x1] =	stream.indirect.gather [hbm4b:s4+s20], $0x80, s3, s20, $0xb8;
	[tilespmem:$0x1F000] =	vst v63  }
0x22: {  	s0 =	simm.s32 @p0 $0x3  }
0x23: {  	[tilespmem:s22], [sflag:$0x2] =	stream.indirect.gather [hbm4b:s4+s20], $0x80, s20, s20, $0xb8;
	[tilespmem:$0x1F000] =	vst v63  }
0x24: {  	_ =	swait.ge @p0 [sflag:s0], $0x1900  }
0x25: {  	[sflag:s0] =	ssyncset.done @p0 $0x0  }
0x26: {  	[sflag:s0] =	ssyncadd.s32 @p0 $0xFFFFE700;
	s0 =	simm.s32 @!p0 $0x3  }
0x27: {  	_ =	swait.ge @!p0 [sflag:s0], $0x2800  }
0x28: {  	[sflag:s0] =	ssyncset.done @!p0 $0x0  }
0x29: {  	[sflag:s0] =	ssyncadd.s32 @!p0 $0xFFFFD800  }
0x2a: {  	[bflag:$0x0] =	sbarrier.arrive $0xFFFF  }
0x2b: {  	_ =	swait.ge [sflag:s18], $0x2800  }
0x2c: {  	[sflag:s18] =	ssyncset.done $0x0  }
0x2d: {  	s1 =	simm.s32 $0x2780;
	[sflag:s18] =	ssyncadd.s32 $0xFFFFD800  }
0x2e: {  	[spmem:s2] =	stream.indirect.scatter.add.f32 [tilespmem:s21], [sflag:$0x3], $0x80, s1, s20, $0xb8;
	[tilespmem:$0x1F000] =	vst v63  }
0x2f: {  	_ =	swait.ge [sflag:s23], $0x2800  }
0x30: {  	[sflag:s23] =	ssyncset.done $0x0  }
0x31: {  	s11 =	simm.s32 $0xA0;
	[sflag:s23] =	ssyncadd.s32 $0xFFFFD800  }
0x32: {  	[tilespmem:s21], [sflag:$0x1] =	stream.indirect.gather [hbm4b:s4+s20], $0x80, s11, s20, $0xb8;
	[tilespmem:$0x1F000] =	vst v63  }
0x33: {  	_ =	swait.ge [sflag:s19], $0x2800  }
0x34: {  	[sflag:s19] =	ssyncset.done $0x0  }
0x35: {  	s12 =	simm.s32 $0x2800;
	[sflag:s19] =	ssyncadd.s32 $0xFFFFD800  }
0x36: {  	[spmem:s2] =	stream.indirect.scatter.add.f32 [tilespmem:s22], [sflag:$0x4], $0x80, s12, s20, $0xb8;
	[tilespmem:$0x1F000] =	vst v63  }
0x37: {  	_ =	swait.ge [sflag:s24], $0x2800  }
0x38: {  	s31 =	simm.s32 $0xF0;
	[sflag:s24] =	ssyncset.done $0x0  }
0x39: {  	s0 =	simm.s32 $0x190;
	s1 =	simm.s32 $0x400;
	[sflag:s24] =	ssyncadd.s32 $0xFFFFD800  }
.LBB2_2:
0x3a: {  	[tilespmem:s22], [sflag:$0x2] =	stream.indirect.gather [hbm4b:s4+s20], $0x80, s31, s20, $0xb8;
	[tilespmem:$0x1F000] =	vst v63  }
0x3b: {  	s11 =	smov.u32 s1;
	s31 =	smov.u32 s0  }
0x3c: {  	p1 =	sne.s32 s1, $0xF000;
	s1 =	sadd.s32 $0x400, s1;
	_ =	swait.ge [sflag:s18], $0x2800  }
0x3d: {  	s11 =	sshra.s32 s11, $0x2;
	[sflag:s18] =	ssyncset.done $0x0  }
0x3e: {  	s12 =	sadd.s32 $0x2780, s11;
	[sflag:s18] =	ssyncadd.s32 $0xFFFFD800  }
0x3f: {  	[spmem:s2] =	stream.indirect.scatter.add.f32 [tilespmem:s21], [sflag:$0x3], $0x80, s12, s20, $0xb8;
	[tilespmem:$0x1F000] =	vst v63  }
0x40: {  	_ =	swait.ge [sflag:s23], $0x2800  }
0x41: {  	[sflag:s23] =	ssyncset.done $0x0  }
0x42: {  	s12 =	sadd.s32 $0xFFFFFFB0, s0;
	[sflag:s23] =	ssyncadd.s32 $0xFFFFD800  }
0x43: {  	[tilespmem:s21], [sflag:$0x1] =	stream.indirect.gather [hbm4b:s4+s20], $0x80, s12, s20, $0xb8;
	[tilespmem:$0x1F000] =	vst v63  }
0x44: {  	_ =	swait.ge [sflag:s19], $0x2800  }
0x45: {  	[sflag:s19] =	ssyncset.done $0x0  }
.Ltmp0:
0x46: {  	s11 =	sadd.s32 $0x2800, s11;
	[sflag:s19] =	ssyncadd.s32 $0xFFFFD800;
	(pc) =	sbr.rel @p1 .LBB2_2-.Ltmp0, $4  }
0x47: {  	[spmem:s2] =	stream.indirect.scatter.add.f32 [tilespmem:s22], [sflag:$0x4], $0x80, s11, s20, $0xb8;
	[tilespmem:$0x1F000] =	vst v63  }
0x48: {  	_ =	swait.ge [sflag:s24], $0x2800  }
0x49: {  	[sflag:s24] =	ssyncset.done $0x0  }
0x4a: {  	s0 =	sadd.s32 $0xA0, s0;
	[sflag:s24] =	ssyncadd.s32 $0xFFFFD800  }
0x4b: {  	[tilespmem:s22], [sflag:$0x2] =	stream.indirect.gather [hbm4b:s4+s20], $0x80, s31, s20, $0xb8;
	[tilespmem:$0x1F000] =	vst v63  }
0x4c: {  	_ =	swait.ge [sflag:s18], $0x2800  }
0x4d: {  	[sflag:s18] =	ssyncset.done $0x0  }
0x4e: {  	[sflag:s18] =	ssyncadd.s32 $0xFFFFD800  }
0x4f: {  	[spmem:s2] =	stream.indirect.scatter.add.f32 [tilespmem:s21], [sflag:$0x3], $0x80, s25, s20, $0xb8;
	[tilespmem:$0x1F000] =	vst v63  }
0x50: {  	_ =	swait.ge [sflag:s23], $0x2800  }
0x51: {  	[sflag:s23] =	ssyncset.done $0x0  }
0x52: {  	[sflag:s23] =	ssyncadd.s32 $0xFFFFD800  }
0x53: {  	[tilespmem:s21], [sflag:$0x1] =	stream.indirect.gather [hbm4b:s4+s20], $0x80, s26, s20, $0xb8;
	[tilespmem:$0x1F000] =	vst v63  }
0x54: {  	_ =	swait.ge [sflag:s19], $0x2800  }
0x55: {  	[sflag:s19] =	ssyncset.done $0x0  }
0x56: {  	[sflag:s19] =	ssyncadd.s32 $0xFFFFD800  }
0x57: {  	[spmem:s2] =	stream.indirect.scatter.add.f32 [tilespmem:s22], [sflag:$0x4], $0x80, s28, s20, $0xb8;
	[tilespmem:$0x1F000] =	vst v63  }
0x58: {  	_ =	swait.ge [sflag:s18], $0x2800  }
0x59: {  	[sflag:s18] =	ssyncset.done $0x0  }
0x5a: {  	[sflag:s18] =	ssyncadd.s32 $0xFFFFD800  }
0x5b: {  	[spmem:s2] =	stream.indirect.scatter.add.f32 [tilespmem:s21], [sflag:$0x3], $0x80, s29, s20, $0xb8;
	[tilespmem:$0x1F000] =	vst v63  }
0x5c: {  	_ =	swait.ge [sflag:s23], $0x2800  }
0x5d: {  	[sflag:s23] =	ssyncset.done $0x0  }
0x5e: {  	[sflag:s23] =	ssyncadd.s32 $0xFFFFD800  }
0x5f: {  	_ =	swait.ge [sflag:s24], $0x2800  }
0x60: {  	[sflag:s24] =	ssyncset.done $0x0  }
0x61: {  	[sflag:s24] =	ssyncadd.s32 $0xFFFFD800  }
0x62: {  	s0 =	simm.s32 @p0 $0x1FC5;
	[bflag:$0x0] =	sbarrier.arrive $0xFFFF  }
0x63: {  	[hbm:s9], [sflag:s0] =	dma.local @p0 [spmem:s15], $0x1900  }
0x64: {  	s0 =	simm.s32 @p0 $0x5  }
0x65: {  	_ =	swait.ge @p0 [sflag:s0], $0x1900  }
0x66: {  	s30 =	sadd.s32 $0x1, s30;
	[sflag:s0] =	ssyncset.done @p0 $0x0  }
0x67: {  	p1 =	sne.s32 s30, s10;
	[sflag:s0] =	ssyncadd.s32 @p0 $0xFFFFE700;
	s0 =	sor.u32 @!p0 $0x1C05, s14  }
0x68: {  	[hbm:s8], [sflag:s0] =	dma.local @!p0 [spmem:s17], $0x2800  }
.Ltmp1:
0x69: {  	_ = 	snop;
	(pc) =	sbr.rel @p1 .LBB2_1-.Ltmp1, $4  }
0x6a: {  	s0 =	simm.s32 @!p0 $0x5  }
0x6b: {  	_ =	swait.ge @!p0 [sflag:s0], $0x2800  }
0x6c: {  	[sflag:s0] =	ssyncset.done @!p0 $0x0  }
0x6d: {  	[sflag:s0] =	ssyncadd.s32 @!p0 $0xFFFFD800  }
0x6e: {  	_ =	sfence.sel $0x180000  }
0x6f: {  	[bflag:$0x0] =	sbarrier.arrive $0xFFFF  }
0x70: {  	_ =	strace $0x9000004A  }
0x71: {  	s0 =	stileid.u32;
	[bflag:$0x2] =	sbarrier.arrive $0xFFFF  }
0x72: {  	p0 =	sne.s32 s0, $0x0;
	s0 =	rddreg [dreg:$0x2]  }
0x73: {  	s0 =	sadd.s32 @!p0 $0x100000, s0  }
0x74: {  	[sflag:s0] =	ssyncadd.tile.s32 @!p0 $0x1;
	_ =	shalt  }
.Lfunc_end2:
_tile_overlayer_lowered:
.L_overlay_start_2:
0x75: {  	(tag) =	ssettag $0x2  }
0x76: {  	s0 =	rddreg [dreg:$0x0];
	s2 =	stileid.u32  }
0x77: {  	s1 =	rddreg [dreg:$0x1];
	p0 =	sne.s32 s2, $0x0  }
0x78: {  	s3 =	rddreg [dreg:$0x2];
	[bflag:$0x3] =	sbarrier.arrive $0xFFFF;
	s2 =	simm.s32 @!p0 $0x1C05  }
0x79: {  	[timem:s3], [sflag:s2] =	dma.local @!p0 [hbm:s0], s1  }
0x7a: {  	s0 =	simm.s32 @!p0 $0x5  }
0x7b: {  	_ =	swait.ge @!p0 [sflag:s0], s1  }
0x7c: {  	s1 =	ssub.s32 @!p0 $0x0, s1;
	[sflag:s0] =	ssyncset.done @!p0 $0x0  }
0x7d: {  	[sflag:s0] =	ssyncadd.s32 @!p0 s1  }
0x7e: {  	[bflag:$0x3] =	sbarrier.arrive $0xFFFF  }
0x7f: {  	_ =	shalt  }

// kernel: kernel.22.cloned.1.call-start
scs
__scs_entry_jumppad:
0x0: {  	(pc) =	sbr.rel $0x88, $3  }
0x1: {  	(tag) =	ssettag $0x0;
	lr =	simm.s32 $0x1  }
0x2: {  	[smem:$0x3F8E] =	sst lr;
	_ =	strace $0xD0000000  }
0x3: {  	_ = 	snop  }
0x4: {  	_ = 	snop  }
0x5: {  	_ = 	snop  }
0x6: {  	_ = 	snop  }
0x7: {  	_ = 	snop  }
__scs_overlays_trampoline_lowered:
0x8: {  	[smem:$0x3F9D] =	sst s0  }
0x9: {  	[smem:$0x3F9E] =	sst s1  }
0xa: {  	[smem:$0x3F9F] =	sst s2  }
0xb: {  	[smem:$0x3FA0] =	sst s3  }
0xc: {  	[smem:$0x3FA1] =	sst s4  }
0xd: {  	[smem:$0x3FA2] =	sst s5  }
0xe: {  	[smem:$0x3FA3] =	sst s6  }
0xf: {  	[smem:$0x3FA4] =	sst s7  }
0x10: {  	[smem:$0x3FA5] =	sst s8  }
0x11: {  	[smem:$0x3FA6] =	sst s9;
	s0 =	simm.s32 @!p0 $0x0  }
0x12: {  	s1 =	sld [smem:$0x3F8C];
	s0 =	simm.s32 @p0 $0x1  }
0x13: {  	[smem:$0x3FA7] =	sst s0;
	s0 =	simm.s32 @!p1 $0x0  }
0x14: {  	s2 =	sld [smem:$0x3F8B];
	s0 =	simm.s32 @p1 $0x1  }
0x15: {  	[smem:$0x3FA8] =	sst s0;
	s0 =	simm.s32 @!p2 $0x0  }
0x16: {  	s3 =	sld [smem:$0x3FDB];
	s0 =	simm.s32 @p2 $0x1  }
0x17: {  	s4 =	simm.s32 $0x1BF5;
	[smem:$0x3FAA] =	sst s0  }
0x18: {  	s0 =	sld [smem:$0x3F8D];
	_ =	swait.ge [sflag:s4], $0x0  }
0x19: {  	s7 =	sld [smem:$0x3F8E]  }
0x1a: {  	s8 =	sadd.s32 $0xFFFFE003, lr  }
0x1b: {  	s9 =	sadd.s32 $0xFFFFFEF7, lr;
	s5 =	simm.s32 $0xFFFFFFFF;
	p2 =	slt.u32 s8, $0xFFFFF086  }
0x1c: {  	p1 =	slt.u32 s9, $0xF7A;
	s5 =	simm.s32 @!p2 $0x0  }
0x1d: {  	s5 =	simm.s32 @p1 $0x1;
	p0 =	seq.s32 s7, s2  }
0x1e: {  	s7 =	smul.u32 @!p0 $0xF7A, s2;
	p2 =	seq.s32 @!p0 s5, $0x0  }
0x1f: {  	s9 =	smul.u32 $0xF7A, s1;
	s8 =	simm.s32 @!p0 $0x1BF5;
	p2 =	por !p2, p0  }
0x20: {  	[sflag:s8] =	ssyncset.s32 @!p0 $0xFFFFF086;
	s6 =	sadd.s32 @!p0 s3, s7;
	s7 =	simm.s32 @!p0 $0x108  }
0x21: {  	s3 =	sadd.s32 s3, s9;
	s6 =	sadd.s32 @!p0 $0x88, s6;
	s7 =	simm.s32 @p2 $0x1082  }
0x22: {  	[simem:s7], [sflag:s8] =	dma.local @!p0 [hbm:s6], $0xF7A  }
0x23: {  	s9 =	sor.u32 $0xD0000000, s2;
	s6 =	simm.s32 $0x108;
	_ =	swait.ge @!p0 [sflag:s8], $0x0  }
0x24: {  	s3 =	sadd.s32 $0x88, s3;
	s6 =	simm.s32 @!p1 $0x1082;
	[sflag:s4] =	ssyncset.s32 $0xFFFFF086  }
0x25: {  	[simem:s6], [sflag:s4] =	dma.local [hbm:s3], $0xF7A  }
0x26: {  	[smem:$0x3F8E] =	sst s1;
	(tag) =	ssettag s2;
	_ =	strace s9  }
0x27: {  	s1 =	sld [smem:$0x3F9E]  }
0x28: {  	s2 =	sld [smem:$0x3F9F]  }
0x29: {  	s4 =	sld [smem:$0x3FA1]  }
0x2a: {  	p0 =	seq.s32 s5, $0x0;
	s5 =	sld [smem:$0x3FA2]  }
0x2b: {  	s6 =	sld [smem:$0x3FA3]  }
0x2c: {  	s7 =	sld [smem:$0x3FA4]  }
0x2d: {  	s3 =	simm.s32 $0x108;
	s8 =	sld [smem:$0x3FA5]  }
0x2e: {  	s3 =	simm.s32 @!p0 $0x1082;
	s9 =	sld [smem:$0x3FA6]  }
0x2f: {  	lr =	sadd.s32 s0, s3;
	s0 =	sld [smem:$0x3F9D]  }
0x30: {  	s3 =	sld [smem:$0x3FA0]  }
0x31: {  	[smem:$0x3FA9] =	sst s10  }
0x32: {  	s10 =	sld [smem:$0x3FA7];
	_ =	sdelay $0x3  }
0x33: {  	p0 =	seq.s32 s10, $0x1;
	s10 =	sld [smem:$0x3FA9];
	_ =	sdelay $0x3  }
0x34: {  	[smem:$0x3FA9] =	sst s10  }
0x35: {  	s10 =	sld [smem:$0x3FA8];
	_ =	sdelay $0x3  }
0x36: {  	p1 =	seq.s32 s10, $0x1;
	s10 =	sld [smem:$0x3FA9];
	_ =	sdelay $0x3  }
0x37: {  	[smem:$0x3FA9] =	sst s10  }
0x38: {  	s10 =	sld [smem:$0x3FAA]  }
0x39: {  	_ = 	snop;
	(pc) =	sbr.ind lr, $3  }
0x3a: {  	_ = 	snop  }
0x3b: {  	_ = 	snop  }
0x3c: {  	p2 =	seq.s32 s10, $0x1;
	s10 =	sld [smem:$0x3FA9]  }
0x3d: {  	_ =	shalt  }
0x3e: {  	_ =	shalt  }
0x3f: {  	_ =	shalt  }
0x40: {  	_ =	shalt  }
0x41: {  	_ =	shalt  }
0x42: {  	_ =	shalt  }
0x43: {  	_ =	shalt  }
0x44: {  	_ =	shalt  }
0x45: {  	_ =	shalt  }
0x46: {  	_ =	shalt  }
0x47: {  	_ =	shalt  }
0x48: {  	_ =	shalt  }
0x49: {  	_ =	shalt  }
0x4a: {  	_ =	shalt  }
0x4b: {  	_ =	shalt  }
0x4c: {  	_ =	shalt  }
0x4d: {  	_ =	shalt  }
0x4e: {  	_ =	shalt  }
0x4f: {  	_ =	shalt  }
0x50: {  	_ =	shalt  }
0x51: {  	_ =	shalt  }
0x52: {  	_ =	shalt  }
0x53: {  	_ =	shalt  }
0x54: {  	_ =	shalt  }
0x55: {  	_ =	shalt  }
0x56: {  	_ =	shalt  }
0x57: {  	_ =	shalt  }
0x58: {  	_ =	shalt  }
0x59: {  	_ =	shalt  }
0x5a: {  	_ =	shalt  }
0x5b: {  	_ =	shalt  }
0x5c: {  	_ =	shalt  }
0x5d: {  	_ =	shalt  }
0x5e: {  	_ =	shalt  }
0x5f: {  	_ =	shalt  }
0x60: {  	_ =	shalt  }
0x61: {  	_ =	shalt  }
0x62: {  	_ =	shalt  }
0x63: {  	_ =	shalt  }
0x64: {  	_ =	shalt  }
0x65: {  	_ =	shalt  }
0x66: {  	_ =	shalt  }
0x67: {  	_ =	shalt  }
0x68: {  	_ =	shalt  }
0x69: {  	_ =	shalt  }
0x6a: {  	_ =	shalt  }
0x6b: {  	_ =	shalt  }
0x6c: {  	_ =	shalt  }
0x6d: {  	_ =	shalt  }
0x6e: {  	_ =	shalt  }
0x6f: {  	_ =	shalt  }
0x70: {  	_ =	shalt  }
0x71: {  	_ =	shalt  }
0x72: {  	_ =	shalt  }
0x73: {  	_ =	shalt  }
0x74: {  	_ =	shalt  }
0x75: {  	_ =	shalt  }
0x76: {  	_ =	shalt  }
0x77: {  	_ =	shalt  }
0x78: {  	_ =	shalt  }
0x79: {  	_ =	shalt  }
0x7a: {  	_ =	shalt  }
0x7b: {  	_ =	shalt  }
0x7c: {  	_ =	shalt  }
0x7d: {  	_ =	shalt  }
0x7e: {  	_ =	shalt  }
0x7f: {  	_ =	shalt  }
0x80: {  	_ =	shalt  }
0x81: {  	_ =	shalt  }
0x82: {  	_ =	shalt  }
0x83: {  	_ =	shalt  }
0x84: {  	_ =	shalt  }
0x85: {  	_ =	shalt  }
0x86: {  	_ =	shalt  }
0x87: {  	_ =	shalt  }
.Lfunc_end0:
.L_simem_size_0:
called_computation.2_lowered:
.L_overlay_start_0:
0x88: {  	s2 =	sld [smem:$0x3FD9]  }
0x89: {  	s3 =	sld [smem:$0x3FFE];
	_ =	sdelay $0x1  }
0x8a: {  	s1 =	srdreg.scid  }
0x8b: {  	s0 =	sand.u32 $0x1, s1  }
0x8c: {  	s16 =	sshll.u32 s0, $0xA;
	s2 =	sadd.s32 s3, s2  }
0x8d: {  	s2 =	sadd.s32 s2, s16  }
0x8e: {  	[smem:$0x3FB5] =	sst s2  }
0x8f: {  	_ = 	snop  }
0x90: {  	(tm) =	ssettm $0x1  }
0x91: {  	s17 =	sld [smem:$0x3FFB];
	_ =	sdelay $0x3  }
0x92: {  	_ =	strace s17  }
0x93: {  	s2 =	sld [smem:$0x3FFC];
	_ =	sdelay $0x3  }
0x94: {  	_ =	strace s2  }
0x95: {  	s2 =	sld [smem:$0x3FFD];
	_ =	sdelay $0x3  }
0x96: {  	_ =	strace s2  }
0x97: {  	_ =	strace $0x8FFFFFFF  }
0x98: {  	s18 =	sld [smem:$0x3FDB];
	_ =	sdelay $0x1  }
0x99: {  	s19 =	simm.s32 $_scs_section_size  }
0x9a: {  	s4 =	simm.s32 $_size__tile_overlayer_lowered;
	s5 =	simm.s32 $_tile_overlayer_lowered  }
0x9b: {  	s22 =	simm.s32 $0x1BFF;
	s21 =	sshll.u32 s5, $0x1;
	s2 =	sadd.s32 s19, s18  }
0x9c: {  	s6 =	simm.s32 $0x0;
	s20 =	sshll.u32 s4, $0x1;
	s4 =	sadd.s32 s21, s2  }
0x9d: {  	[timem:s6], [sflag:s22] =	dma.local [hbm:s4], s20  }
0x9e: {  	_ =	swait.ge [sflag:s22], s20  }
0x9f: {  	s3 =	ssub.s32 $0x0, s20;
	[sflag:s22] =	ssyncset.done $0x0  }
0xa0: {  	[sflag:s22] =	ssyncadd.s32 s3;
	_ =	sdelay $0x1  }
0xa1: {  	s23 =	simm.s32 $0x1B8B  }
0xa2: {  	_ =	swait.ge [sflag:s23], $0x1  }
0xa3: {  	[sflag:s23] =	ssyncset.done $0x0  }
0xa4: {  	s25 =	simm.s32 $0x1B8E;
	s24 =	sld [smem:$0x3FFE];
	[sflag:s23] =	ssyncadd.s32 $0xFFFFFFFF  }
0xa5: {  	s26 =	simm.s32 $execute0_lowered;
	[smem:$0x3FD2] =	sst s25  }
0xa6: {  	s4 =	sshll.u32 s26, $0x1;
	_ =	strace $0x8000004C;
	[dreg:$0x1] =	wrdreg $0xFFFFFFFF  }
0xa7: {  	s28 =	simm.s32 $_size_execute0_lowered;
	s2 =	sadd.s32 s2, s4;
	[dreg:$0x0] =	wrdreg $0x0  }
0xa8: {  	s4 =	sshll.u32 s28, $0x1;
	[dreg:$0x2] =	wrdreg s2  }
0xa9: {  	[dreg:$0x3] =	wrdreg s4  }
0xaa: {  	[dreg:$0x4] =	wrdreg $0xC0  }
0xab: {  	_ =	task [dreg:s6], $0x5FFFF  }
0xac: {  	[dreg:$0x1] =	wrdreg $0xFFFFFFFF  }
0xad: {  	[dreg:$0x0] =	wrdreg $0x60  }
0xae: {  	[dreg:$0x2] =	wrdreg s24  }
0xaf: {  	[dreg:$0x3] =	wrdreg $0xB7800  }
0xb0: {  	[dreg:$0x4] =	wrdreg $0x9  }
0xb1: {  	_ =	task.clear_ibuf [dreg:s6], $0x5FFFF;
	_ =	strace $0x9000004C  }
0xb2: {  	s29 =	simm.s32 $0x9;
	_ =	strace $0x8000004E  }
0xb3: {  	_ =	swait.ge [sflag:s29], $0x1  }
0xb4: {  	[sflag:s29] =	ssyncadd.s32 $0xFFFFFFFF  }
0xb5: {  	_ =	strace $0x9000004E  }
0xb6: {  	_ =	sfence  }
0xb7: {  	s30 =	sld [smem:$0x0];
	_ =	sdelay $0x2  }
0xb8: {  	s31 =	sshll.u32 s1, $0xD;
	s1 =	sshrl.u32 s1, $0x2  }
0xb9: {  	s3 =	sand.u32 $0x4000, s31;
	s1 =	sadd.s32 s1, s30  }
0xba: {  	s0 =	sor.u32 s3, s0;
	s1 =	sshll.u32 s1, $0x11  }
0xbb: {  	s0 =	sor.u32 s1, s0  }
0xbc: {  	s0 =	sadd.s32 $0x8F2B, s0  }
0xbd: {  	[sflag:s0] =	ssyncadd.remote.s32 $0x1  }
0xbe: {  	_ =	sfence.sel $0xFFFF  }
0xbf: {  	[dreg:$0x0] =	wrdreg $0xFFFFFFFF;
	(pc) =	sbr.abs _section_cstart, $3  }
0xc0: {  	[dreg:$0x1] =	wrdreg $0xFFFFFFFF  }
0xc1: {  	_ =	task.clear_ibuf [dreg:s6], $0x2FFFF;
	_ =	strace $0x9FFFFFFF  }
0xc2: {  	(tm) =	ssettm $0x7FFFFFFF  }
0xc3: {  	_ =	shalt  }
tec
execute0_lowered:
.L_overlay_start_1:
0x0: {  	(tag) =	ssettag $0x1  }
0x1: {  	s0 =	rddreg [dreg:$0x0];
	s1 =	srdreg.scid  }
0x2: {  	s12 =	stileid.u32;
	s2 =	rddreg [dreg:$0x1]  }
0x3: {  	s13 =	simm.s32 $0x2780;
	s18 =	simm.s32 $0x1;
	s19 =	simm.s32 $0x2  }
0x4: {  	s20 =	simm.s32 $0x50;
	s21 =	simm.s32 $0x6780;
	s22 =	simm.s32 $0x8F80  }
0x5: {  	s23 =	simm.s32 $0x3;
	s24 =	simm.s32 $0x4;
	s25 =	simm.s32 $0x6480  }
0x6: {  	s28 =	simm.s32 $0x6500;
	s29 =	simm.s32 $0x6580;
	s30 =	simm.s32 $0x0  }
0x7: {  	s1 =	sand.u32 $0x1, s1;
	s3 =	sshll.u32 s12, $0x1;
	s8 =	smul.u32 $0x50000, s12  }
0x8: {  	s4 =	sshrl.u32 s12, $0x2;
	s11 =	smul.u32 $0x14000, s12;
	s15 =	sadd.s32 $0x12C000, s2  }
0x9: {  	p0 =	seq.s32 s12, $0xF;
	s5 =	sor.u32 s1, s3;
	s4 =	smul.u32 $0x13C00, s4  }
0xa: {  	s3 =	simm.s32 $0x0;
	s9 =	ssub.s32 $0x2, s1;
	s1 =	smul.u32 $0x138800, s1  }
0xb: {  	s14 =	sshll.u32 @!p0 s12, $0x6;
	s15 =	sshrl.u32 @p0 s15, $0x3;
	s6 =	sshll.u32 s5, $0x7  }
0xc: {  	[smem:$0x7FF] =	sst s3;
	s5 =	sshll.u32 s5, $0xB;
	s10 =	sshrl.u32 s9, $0x1  }
0xd: {  	s8 =	sshrl.u32 s8, $0x2;
	s16 =	sor.u32 @!p0 $0x1C03, s14;
	s6 =	sand.u32 $0x380, s6  }
0xe: {  	_ =	strace $0x8000004D;
	s7 =	sadd.s32 s5, s0;
	s5 =	sadd.s32 $0x47400, s0  }
0xf: {  	s10 =	ssub.s32 s9, s10;
	s26 =	sadd.s32 s11, s1;
	s1 =	sshrl.u32 s1, $0x3  }
0x10: {  	s17 =	sadd.s32 s8, s2;
	s6 =	sor.u32 s4, s6;
	s4 =	sadd.s32 $0x20200, s0  }
0x11: {  	s7 =	sadd.s32 $0x6400, s7;
	s31 =	sshrl.u32 s26, $0x3;
	s6 =	sshrl.u32 s6, $0x3  }
0x12: {  	s10 =	smax.u32 s10, $0x1;
	s6 =	sadd.s32 s6, s0;
	s0 =	sadd.s32 $0x49C00, s0  }
0x13: {  	s17 =	sshrl.u32 @!p0 s17, $0x3;
	s26 =	simm.s32 $0x26C0;
	s1 =	sadd.s32 s0, s1  }
0x14: {  	s6 =	sadd.s32 $0x16400, s6;
	s8 =	sadd.s32 s0, s31;
	s9 =	sadd.s32 $0x25800, s1  }
.LBB2_1:
0x15: {  	s0 =	simm.s32 $0x80;
	s1 =	simm.s32 $0x400  }
0x16: {  	[tilespmem:s3], [sflag:$0x1] =	stream.strided.gather [hbm4b:s6+s0], $0x2780, s1, s0, $0x38;
	[tilespmem:$0x1F000] =	vst v63  }
0x17: {  	s0 =	simm.s32 @p0 $0x1FC3  }
0x18: {  	[tilespmem:s13], [sflag:$0x2] =	stream.linear.gather [hbm4b:s7+s3], $0x3E80, $0x38;
	[tilespmem:$0x1F000] =	vst v63  }
0x19: {  	[spmem:s15], [sflag:s0] =	dma.local @p0 [hbm:s5], $0x1900  }
0x1a: {  	[spmem:s17], [sflag:s16] =	dma.local @!p0 [hbm:s5], $0x2800  }
0x1b: {  	_ =	swait.ge [sflag:s18], $0x2780  }
0x1c: {  	[sflag:s18] =	ssyncset.done $0x0  }
0x1d: {  	[sflag:s18] =	ssyncadd.s32 $0xFFFFD880  }
0x1e: {  	_ =	swait.ge [sflag:s19], $0x3E80  }
0x1f: {  	[sflag:s19] =	ssyncset.done $0x0  }
0x20: {  	[sflag:s19] =	ssyncadd.s32 $0xFFFFC180  }
0x21: {  	[tilespmem:s21], [sflag:$0x1] =	stream.indirect.gather [hbm4b:s4+s20], $0x80, s3, s20, $0xb8;
	[tilespmem:$0x1F000] =	vst v63  }
0x22: {  	s0 =	simm.s32 @p0 $0x3  }
0x23: {  	[tilespmem:s22], [sflag:$0x2] =	stream.indirect.gather [hbm4b:s4+s20], $0x80, s20, s20, $0xb8;
	[tilespmem:$0x1F000] =	vst v63  }
0x24: {  	_ =	swait.ge @p0 [sflag:s0], $0x1900  }
0x25: {  	[sflag:s0] =	ssyncset.done @p0 $0x0  }
0x26: {  	[sflag:s0] =	ssyncadd.s32 @p0 $0xFFFFE700;
	s0 =	simm.s32 @!p0 $0x3  }
0x27: {  	_ =	swait.ge @!p0 [sflag:s0], $0x2800  }
0x28: {  	[sflag:s0] =	ssyncset.done @!p0 $0x0  }
0x29: {  	[sflag:s0] =	ssyncadd.s32 @!p0 $0xFFFFD800  }
0x2a: {  	[bflag:$0x0] =	sbarrier.arrive $0xFFFF  }
0x2b: {  	_ =	swait.ge [sflag:s18], $0x2800  }
0x2c: {  	[sflag:s18] =	ssyncset.done $0x0  }
0x2d: {  	s1 =	simm.s32 $0x2780;
	[sflag:s18] =	ssyncadd.s32 $0xFFFFD800  }
0x2e: {  	[spmem:s2] =	stream.indirect.scatter.add.f32 [tilespmem:s21], [sflag:$0x3], $0x80, s1, s20, $0xb8;
	[tilespmem:$0x1F000] =	vst v63  }
0x2f: {  	_ =	swait.ge [sflag:s23], $0x2800  }
0x30: {  	[sflag:s23] =	ssyncset.done $0x0  }
0x31: {  	s11 =	simm.s32 $0xA0;
	[sflag:s23] =	ssyncadd.s32 $0xFFFFD800  }
0x32: {  	[tilespmem:s21], [sflag:$0x1] =	stream.indirect.gather [hbm4b:s4+s20], $0x80, s11, s20, $0xb8;
	[tilespmem:$0x1F000] =	vst v63  }
0x33: {  	_ =	swait.ge [sflag:s19], $0x2800  }
0x34: {  	[sflag:s19] =	ssyncset.done $0x0  }
0x35: {  	s12 =	simm.s32 $0x2800;
	[sflag:s19] =	ssyncadd.s32 $0xFFFFD800  }
0x36: {  	[spmem:s2] =	stream.indirect.scatter.add.f32 [tilespmem:s22], [sflag:$0x4], $0x80, s12, s20, $0xb8;
	[tilespmem:$0x1F000] =	vst v63  }
0x37: {  	_ =	swait.ge [sflag:s24], $0x2800  }
0x38: {  	s31 =	simm.s32 $0xF0;
	[sflag:s24] =	ssyncset.done $0x0  }
0x39: {  	s0 =	simm.s32 $0x190;
	s1 =	simm.s32 $0x400;
	[sflag:s24] =	ssyncadd.s32 $0xFFFFD800  }
.LBB2_2:
0x3a: {  	[tilespmem:s22], [sflag:$0x2] =	stream.indirect.gather [hbm4b:s4+s20], $0x80, s31, s20, $0xb8;
	[tilespmem:$0x1F000] =	vst v63  }
0x3b: {  	s11 =	smov.u32 s1;
	s31 =	smov.u32 s0  }
0x3c: {  	p1 =	sne.s32 s1, $0xF000;
	s1 =	sadd.s32 $0x400, s1;
	_ =	swait.ge [sflag:s18], $0x2800  }
0x3d: {  	s11 =	sshra.s32 s11, $0x2;
	[sflag:s18] =	ssyncset.done $0x0  }
0x3e: {  	s12 =	sadd.s32 $0x2780, s11;
	[sflag:s18] =	ssyncadd.s32 $0xFFFFD800  }
0x3f: {  	[spmem:s2] =	stream.indirect.scatter.add.f32 [tilespmem:s21], [sflag:$0x3], $0x80, s12, s20, $0xb8;
	[tilespmem:$0x1F000] =	vst v63  }
0x40: {  	_ =	swait.ge [sflag:s23], $0x2800  }
0x41: {  	[sflag:s23] =	ssyncset.done $0x0  }
0x42: {  	s12 =	sadd.s32 $0xFFFFFFB0, s0;
	[sflag:s23] =	ssyncadd.s32 $0xFFFFD800  }
0x43: {  	[tilespmem:s21], [sflag:$0x1] =	stream.indirect.gather [hbm4b:s4+s20], $0x80, s12, s20, $0xb8;
	[tilespmem:$0x1F000] =	vst v63  }
0x44: {  	_ =	swait.ge [sflag:s19], $0x2800  }
0x45: {  	[sflag:s19] =	ssyncset.done $0x0  }
.Ltmp0:
0x46: {  	s11 =	sadd.s32 $0x2800, s11;
	[sflag:s19] =	ssyncadd.s32 $0xFFFFD800;
	(pc) =	sbr.rel @p1 .LBB2_2-.Ltmp0, $4  }
0x47: {  	[spmem:s2] =	stream.indirect.scatter.add.f32 [tilespmem:s22], [sflag:$0x4], $0x80, s11, s20, $0xb8;
	[tilespmem:$0x1F000] =	vst v63  }
0x48: {  	_ =	swait.ge [sflag:s24], $0x2800  }
0x49: {  	[sflag:s24] =	ssyncset.done $0x0  }
0x4a: {  	s0 =	sadd.s32 $0xA0, s0;
	[sflag:s24] =	ssyncadd.s32 $0xFFFFD800  }
0x4b: {  	[tilespmem:s22], [sflag:$0x2] =	stream.indirect.gather [hbm4b:s4+s20], $0x80, s31, s20, $0xb8;
	[tilespmem:$0x1F000] =	vst v63  }
0x4c: {  	_ =	swait.ge [sflag:s18], $0x2800  }
0x4d: {  	[sflag:s18] =	ssyncset.done $0x0  }
0x4e: {  	[sflag:s18] =	ssyncadd.s32 $0xFFFFD800  }
0x4f: {  	[spmem:s2] =	stream.indirect.scatter.add.f32 [tilespmem:s21], [sflag:$0x3], $0x80, s25, s20, $0xb8;
	[tilespmem:$0x1F000] =	vst v63  }
0x50: {  	_ =	swait.ge [sflag:s23], $0x2800  }
0x51: {  	[sflag:s23] =	ssyncset.done $0x0  }
0x52: {  	[sflag:s23] =	ssyncadd.s32 $0xFFFFD800  }
0x53: {  	[tilespmem:s21], [sflag:$0x1] =	stream.indirect.gather [hbm4b:s4+s20], $0x80, s26, s20, $0xb8;
	[tilespmem:$0x1F000] =	vst v63  }
0x54: {  	_ =	swait.ge [sflag:s19], $0x2800  }
0x55: {  	[sflag:s19] =	ssyncset.done $0x0  }
0x56: {  	[sflag:s19] =	ssyncadd.s32 $0xFFFFD800  }
0x57: {  	[spmem:s2] =	stream.indirect.scatter.add.f32 [tilespmem:s22], [sflag:$0x4], $0x80, s28, s20, $0xb8;
	[tilespmem:$0x1F000] =	vst v63  }
0x58: {  	_ =	swait.ge [sflag:s18], $0x2800  }
0x59: {  	[sflag:s18] =	ssyncset.done $0x0  }
0x5a: {  	[sflag:s18] =	ssyncadd.s32 $0xFFFFD800  }
0x5b: {  	[spmem:s2] =	stream.indirect.scatter.add.f32 [tilespmem:s21], [sflag:$0x3], $0x80, s29, s20, $0xb8;
	[tilespmem:$0x1F000] =	vst v63  }
0x5c: {  	_ =	swait.ge [sflag:s23], $0x2800  }
0x5d: {  	[sflag:s23] =	ssyncset.done $0x0  }
0x5e: {  	[sflag:s23] =	ssyncadd.s32 $0xFFFFD800  }
0x5f: {  	_ =	swait.ge [sflag:s24], $0x2800  }
0x60: {  	[sflag:s24] =	ssyncset.done $0x0  }
0x61: {  	[sflag:s24] =	ssyncadd.s32 $0xFFFFD800  }
0x62: {  	s0 =	simm.s32 @p0 $0x1FC5;
	[bflag:$0x0] =	sbarrier.arrive $0xFFFF  }
0x63: {  	[hbm:s9], [sflag:s0] =	dma.local @p0 [spmem:s15], $0x1900  }
0x64: {  	s0 =	simm.s32 @p0 $0x5  }
0x65: {  	_ =	swait.ge @p0 [sflag:s0], $0x1900  }
0x66: {  	s30 =	sadd.s32 $0x1, s30;
	[sflag:s0] =	ssyncset.done @p0 $0x0  }
0x67: {  	p1 =	sne.s32 s30, s10;
	[sflag:s0] =	ssyncadd.s32 @p0 $0xFFFFE700;
	s0 =	sor.u32 @!p0 $0x1C05, s14  }
0x68: {  	[hbm:s8], [sflag:s0] =	dma.local @!p0 [spmem:s17], $0x2800  }
.Ltmp1:
0x69: {  	_ = 	snop;
	(pc) =	sbr.rel @p1 .LBB2_1-.Ltmp1, $4  }
0x6a: {  	s0 =	simm.s32 @!p0 $0x5  }
0x6b: {  	_ =	swait.ge @!p0 [sflag:s0], $0x2800  }
0x6c: {  	[sflag:s0] =	ssyncset.done @!p0 $0x0  }
0x6d: {  	[sflag:s0] =	ssyncadd.s32 @!p0 $0xFFFFD800  }
0x6e: {  	_ =	sfence.sel $0x180000  }
0x6f: {  	[bflag:$0x0] =	sbarrier.arrive $0xFFFF  }
0x70: {  	_ =	strace $0x9000004D  }
0x71: {  	s0 =	stileid.u32;
	[bflag:$0x2] =	sbarrier.arrive $0xFFFF  }
0x72: {  	p0 =	sne.s32 s0, $0x0;
	s0 =	rddreg [dreg:$0x2]  }
0x73: {  	s0 =	sadd.s32 @!p0 $0x100000, s0  }
0x74: {  	[sflag:s0] =	ssyncadd.tile.s32 @!p0 $0x1;
	_ =	shalt  }
.Lfunc_end2:
_tile_overlayer_lowered:
.L_overlay_start_2:
0x75: {  	(tag) =	ssettag $0x2  }
0x76: {  	s0 =	rddreg [dreg:$0x0];
	s2 =	stileid.u32  }
0x77: {  	s1 =	rddreg [dreg:$0x1];
	p0 =	sne.s32 s2, $0x0  }
0x78: {  	s3 =	rddreg [dreg:$0x2];
	[bflag:$0x3] =	sbarrier.arrive $0xFFFF;
	s2 =	simm.s32 @!p0 $0x1C05  }
0x79: {  	[timem:s3], [sflag:s2] =	dma.local @!p0 [hbm:s0], s1  }
0x7a: {  	s0 =	simm.s32 @!p0 $0x5  }
0x7b: {  	_ =	swait.ge @!p0 [sflag:s0], s1  }
0x7c: {  	s1 =	ssub.s32 @!p0 $0x0, s1;
	[sflag:s0] =	ssyncset.done @!p0 $0x0  }
0x7d: {  	[sflag:s0] =	ssyncadd.s32 @!p0 s1  }
0x7e: {  	[bflag:$0x3] =	sbarrier.arrive $0xFFFF  }
0x7f: {  	_ =	shalt  }

// kernel: kernel.25.cloned.1.call-start
scs
__scs_entry_jumppad:
0x0: {  	(pc) =	sbr.rel $0x88, $3  }
0x1: {  	(tag) =	ssettag $0x0;
	lr =	simm.s32 $0x1  }
0x2: {  	[smem:$0x3F8E] =	sst lr;
	_ =	strace $0xD0000000  }
0x3: {  	_ = 	snop  }
0x4: {  	_ = 	snop  }
0x5: {  	_ = 	snop  }
0x6: {  	_ = 	snop  }
0x7: {  	_ = 	snop  }
__scs_overlays_trampoline_lowered:
0x8: {  	[smem:$0x3F9D] =	sst s0  }
0x9: {  	[smem:$0x3F9E] =	sst s1  }
0xa: {  	[smem:$0x3F9F] =	sst s2  }
0xb: {  	[smem:$0x3FA0] =	sst s3  }
0xc: {  	[smem:$0x3FA1] =	sst s4  }
0xd: {  	[smem:$0x3FA2] =	sst s5  }
0xe: {  	[smem:$0x3FA3] =	sst s6  }
0xf: {  	[smem:$0x3FA4] =	sst s7  }
0x10: {  	[smem:$0x3FA5] =	sst s8  }
0x11: {  	[smem:$0x3FA6] =	sst s9;
	s0 =	simm.s32 @!p0 $0x0  }
0x12: {  	s1 =	sld [smem:$0x3F8C];
	s0 =	simm.s32 @p0 $0x1  }
0x13: {  	[smem:$0x3FA7] =	sst s0;
	s0 =	simm.s32 @!p1 $0x0  }
0x14: {  	s2 =	sld [smem:$0x3F8B];
	s0 =	simm.s32 @p1 $0x1  }
0x15: {  	[smem:$0x3FA8] =	sst s0;
	s0 =	simm.s32 @!p2 $0x0  }
0x16: {  	s3 =	sld [smem:$0x3FDB];
	s0 =	simm.s32 @p2 $0x1  }
0x17: {  	s4 =	simm.s32 $0x1BF5;
	[smem:$0x3FAA] =	sst s0  }
0x18: {  	s0 =	sld [smem:$0x3F8D];
	_ =	swait.ge [sflag:s4], $0x0  }
0x19: {  	s7 =	sld [smem:$0x3F8E]  }
0x1a: {  	s8 =	sadd.s32 $0xFFFFE003, lr  }
0x1b: {  	s9 =	sadd.s32 $0xFFFFFEF7, lr;
	s5 =	simm.s32 $0xFFFFFFFF;
	p2 =	slt.u32 s8, $0xFFFFF086  }
0x1c: {  	p1 =	slt.u32 s9, $0xF7A;
	s5 =	simm.s32 @!p2 $0x0  }
0x1d: {  	s5 =	simm.s32 @p1 $0x1;
	p0 =	seq.s32 s7, s2  }
0x1e: {  	s7 =	smul.u32 @!p0 $0xF7A, s2;
	p2 =	seq.s32 @!p0 s5, $0x0  }
0x1f: {  	s9 =	smul.u32 $0xF7A, s1;
	s8 =	simm.s32 @!p0 $0x1BF5;
	p2 =	por !p2, p0  }
0x20: {  	[sflag:s8] =	ssyncset.s32 @!p0 $0xFFFFF086;
	s6 =	sadd.s32 @!p0 s3, s7;
	s7 =	simm.s32 @!p0 $0x108  }
0x21: {  	s3 =	sadd.s32 s3, s9;
	s6 =	sadd.s32 @!p0 $0x88, s6;
	s7 =	simm.s32 @p2 $0x1082  }
0x22: {  	[simem:s7], [sflag:s8] =	dma.local @!p0 [hbm:s6], $0xF7A  }
0x23: {  	s9 =	sor.u32 $0xD0000000, s2;
	s6 =	simm.s32 $0x108;
	_ =	swait.ge @!p0 [sflag:s8], $0x0  }
0x24: {  	s3 =	sadd.s32 $0x88, s3;
	s6 =	simm.s32 @!p1 $0x1082;
	[sflag:s4] =	ssyncset.s32 $0xFFFFF086  }
0x25: {  	[simem:s6], [sflag:s4] =	dma.local [hbm:s3], $0xF7A  }
0x26: {  	[smem:$0x3F8E] =	sst s1;
	(tag) =	ssettag s2;
	_ =	strace s9  }
0x27: {  	s1 =	sld [smem:$0x3F9E]  }
0x28: {  	s2 =	sld [smem:$0x3F9F]  }
0x29: {  	s4 =	sld [smem:$0x3FA1]  }
0x2a: {  	p0 =	seq.s32 s5, $0x0;
	s5 =	sld [smem:$0x3FA2]  }
0x2b: {  	s6 =	sld [smem:$0x3FA3]  }
0x2c: {  	s7 =	sld [smem:$0x3FA4]  }
0x2d: {  	s3 =	simm.s32 $0x108;
	s8 =	sld [smem:$0x3FA5]  }
0x2e: {  	s3 =	simm.s32 @!p0 $0x1082;
	s9 =	sld [smem:$0x3FA6]  }
0x2f: {  	lr =	sadd.s32 s0, s3;
	s0 =	sld [smem:$0x3F9D]  }
0x30: {  	s3 =	sld [smem:$0x3FA0]  }
0x31: {  	[smem:$0x3FA9] =	sst s10  }
0x32: {  	s10 =	sld [smem:$0x3FA7];
	_ =	sdelay $0x3  }
0x33: {  	p0 =	seq.s32 s10, $0x1;
	s10 =	sld [smem:$0x3FA9];
	_ =	sdelay $0x3  }
0x34: {  	[smem:$0x3FA9] =	sst s10  }
0x35: {  	s10 =	sld [smem:$0x3FA8];
	_ =	sdelay $0x3  }
0x36: {  	p1 =	seq.s32 s10, $0x1;
	s10 =	sld [smem:$0x3FA9];
	_ =	sdelay $0x3  }
0x37: {  	[smem:$0x3FA9] =	sst s10  }
0x38: {  	s10 =	sld [smem:$0x3FAA]  }
0x39: {  	_ = 	snop;
	(pc) =	sbr.ind lr, $3  }
0x3a: {  	_ = 	snop  }
0x3b: {  	_ = 	snop  }
0x3c: {  	p2 =	seq.s32 s10, $0x1;
	s10 =	sld [smem:$0x3FA9]  }
0x3d: {  	_ =	shalt  }
0x3e: {  	_ =	shalt  }
0x3f: {  	_ =	shalt  }
0x40: {  	_ =	shalt  }
0x41: {  	_ =	shalt  }
0x42: {  	_ =	shalt  }
0x43: {  	_ =	shalt  }
0x44: {  	_ =	shalt  }
0x45: {  	_ =	shalt  }
0x46: {  	_ =	shalt  }
0x47: {  	_ =	shalt  }
0x48: {  	_ =	shalt  }
0x49: {  	_ =	shalt  }
0x4a: {  	_ =	shalt  }
0x4b: {  	_ =	shalt  }
0x4c: {  	_ =	shalt  }
0x4d: {  	_ =	shalt  }
0x4e: {  	_ =	shalt  }
0x4f: {  	_ =	shalt  }
0x50: {  	_ =	shalt  }
0x51: {  	_ =	shalt  }
0x52: {  	_ =	shalt  }
0x53: {  	_ =	shalt  }
0x54: {  	_ =	shalt  }
0x55: {  	_ =	shalt  }
0x56: {  	_ =	shalt  }
0x57: {  	_ =	shalt  }
0x58: {  	_ =	shalt  }
0x59: {  	_ =	shalt  }
0x5a: {  	_ =	shalt  }
0x5b: {  	_ =	shalt  }
0x5c: {  	_ =	shalt  }
0x5d: {  	_ =	shalt  }
0x5e: {  	_ =	shalt  }
0x5f: {  	_ =	shalt  }
0x60: {  	_ =	shalt  }
0x61: {  	_ =	shalt  }
0x62: {  	_ =	shalt  }
0x63: {  	_ =	shalt  }
0x64: {  	_ =	shalt  }
0x65: {  	_ =	shalt  }
0x66: {  	_ =	shalt  }
0x67: {  	_ =	shalt  }
0x68: {  	_ =	shalt  }
0x69: {  	_ =	shalt  }
0x6a: {  	_ =	shalt  }
0x6b: {  	_ =	shalt  }
0x6c: {  	_ =	shalt  }
0x6d: {  	_ =	shalt  }
0x6e: {  	_ =	shalt  }
0x6f: {  	_ =	shalt  }
0x70: {  	_ =	shalt  }
0x71: {  	_ =	shalt  }
0x72: {  	_ =	shalt  }
0x73: {  	_ =	shalt  }
0x74: {  	_ =	shalt  }
0x75: {  	_ =	shalt  }
0x76: {  	_ =	shalt  }
0x77: {  	_ =	shalt  }
0x78: {  	_ =	shalt  }
0x79: {  	_ =	shalt  }
0x7a: {  	_ =	shalt  }
0x7b: {  	_ =	shalt  }
0x7c: {  	_ =	shalt  }
0x7d: {  	_ =	shalt  }
0x7e: {  	_ =	shalt  }
0x7f: {  	_ =	shalt  }
0x80: {  	_ =	shalt  }
0x81: {  	_ =	shalt  }
0x82: {  	_ =	shalt  }
0x83: {  	_ =	shalt  }
0x84: {  	_ =	shalt  }
0x85: {  	_ =	shalt  }
0x86: {  	_ =	shalt  }
0x87: {  	_ =	shalt  }
.Lfunc_end0:
.L_simem_size_0:
called_computation.3_lowered:
.L_overlay_start_0:
0x88: {  	s2 =	sld [smem:$0x3FD9]  }
0x89: {  	s3 =	sld [smem:$0x3FFE];
	_ =	sdelay $0x1  }
0x8a: {  	s1 =	srdreg.scid  }
0x8b: {  	s0 =	sand.u32 $0x1, s1  }
0x8c: {  	s16 =	sshll.u32 s0, $0xA;
	s2 =	sadd.s32 s3, s2  }
0x8d: {  	s2 =	sadd.s32 s2, s16  }
0x8e: {  	[smem:$0x3FB5] =	sst s2  }
0x8f: {  	_ = 	snop  }
0x90: {  	(tm) =	ssettm $0x1  }
0x91: {  	s17 =	sld [smem:$0x3FFB];
	_ =	sdelay $0x3  }
0x92: {  	_ =	strace s17  }
0x93: {  	s2 =	sld [smem:$0x3FFC];
	_ =	sdelay $0x3  }
0x94: {  	_ =	strace s2  }
0x95: {  	s2 =	sld [smem:$0x3FFD];
	_ =	sdelay $0x3  }
0x96: {  	_ =	strace s2  }
0x97: {  	_ =	strace $0x8FFFFFFF  }
0x98: {  	s18 =	sld [smem:$0x3FDB];
	_ =	sdelay $0x1  }
0x99: {  	s19 =	simm.s32 $_scs_section_size  }
0x9a: {  	s4 =	simm.s32 $_size__tile_overlayer_lowered;
	s5 =	simm.s32 $_tile_overlayer_lowered  }
0x9b: {  	s22 =	simm.s32 $0x1BFF;
	s21 =	sshll.u32 s5, $0x1;
	s2 =	sadd.s32 s19, s18  }
0x9c: {  	s6 =	simm.s32 $0x0;
	s20 =	sshll.u32 s4, $0x1;
	s4 =	sadd.s32 s21, s2  }
0x9d: {  	[timem:s6], [sflag:s22] =	dma.local [hbm:s4], s20  }
0x9e: {  	_ =	swait.ge [sflag:s22], s20  }
0x9f: {  	s3 =	ssub.s32 $0x0, s20;
	[sflag:s22] =	ssyncset.done $0x0  }
0xa0: {  	[sflag:s22] =	ssyncadd.s32 s3;
	_ =	sdelay $0x1  }
0xa1: {  	s23 =	simm.s32 $0x1B8B  }
0xa2: {  	_ =	swait.ge [sflag:s23], $0x1  }
0xa3: {  	[sflag:s23] =	ssyncset.done $0x0  }
0xa4: {  	s25 =	simm.s32 $0x1B8E;
	s24 =	sld [smem:$0x3FFE];
	[sflag:s23] =	ssyncadd.s32 $0xFFFFFFFF  }
0xa5: {  	s26 =	simm.s32 $execute0_lowered;
	[smem:$0x3FD2] =	sst s25  }
0xa6: {  	s4 =	sshll.u32 s26, $0x1;
	_ =	strace $0x8000004F;
	[dreg:$0x1] =	wrdreg $0xFFFFFFFF  }
0xa7: {  	s28 =	simm.s32 $_size_execute0_lowered;
	s2 =	sadd.s32 s2, s4;
	[dreg:$0x0] =	wrdreg $0x0  }
0xa8: {  	s4 =	sshll.u32 s28, $0x1;
	[dreg:$0x2] =	wrdreg s2  }
0xa9: {  	[dreg:$0x3] =	wrdreg s4  }
0xaa: {  	[dreg:$0x4] =	wrdreg $0xC0  }
0xab: {  	_ =	task [dreg:s6], $0x5FFFF  }
0xac: {  	[dreg:$0x1] =	wrdreg $0xFFFFFFFF  }
0xad: {  	[dreg:$0x0] =	wrdreg $0x60  }
0xae: {  	[dreg:$0x2] =	wrdreg s24  }
0xaf: {  	[dreg:$0x3] =	wrdreg $0xB7800  }
0xb0: {  	[dreg:$0x4] =	wrdreg $0x9  }
0xb1: {  	_ =	task.clear_ibuf [dreg:s6], $0x5FFFF;
	_ =	strace $0x9000004F  }
0xb2: {  	s29 =	simm.s32 $0x9;
	_ =	strace $0x80000051  }
0xb3: {  	_ =	swait.ge [sflag:s29], $0x1  }
0xb4: {  	[sflag:s29] =	ssyncadd.s32 $0xFFFFFFFF  }
0xb5: {  	_ =	strace $0x90000051  }
0xb6: {  	_ =	sfence  }
0xb7: {  	s30 =	sld [smem:$0x0];
	_ =	sdelay $0x2  }
0xb8: {  	s31 =	sshll.u32 s1, $0xD;
	s1 =	sshrl.u32 s1, $0x2  }
0xb9: {  	s3 =	sand.u32 $0x4000, s31;
	s1 =	sadd.s32 s1, s30  }
0xba: {  	s0 =	sor.u32 s3, s0;
	s1 =	sshll.u32 s1, $0x11  }
0xbb: {  	s0 =	sor.u32 s1, s0  }
0xbc: {  	s0 =	sadd.s32 $0x8F2B, s0  }
0xbd: {  	[sflag:s0] =	ssyncadd.remote.s32 $0x1  }
0xbe: {  	_ =	sfence.sel $0xFFFF  }
0xbf: {  	[dreg:$0x0] =	wrdreg $0xFFFFFFFF;
	(pc) =	sbr.abs _section_cstart, $3  }
0xc0: {  	[dreg:$0x1] =	wrdreg $0xFFFFFFFF  }
0xc1: {  	_ =	task.clear_ibuf [dreg:s6], $0x2FFFF;
	_ =	strace $0x9FFFFFFF  }
0xc2: {  	(tm) =	ssettm $0x7FFFFFFF  }
0xc3: {  	_ =	shalt  }
tec
execute0_lowered:
.L_overlay_start_1:
0x0: {  	(tag) =	ssettag $0x1  }
0x1: {  	s0 =	rddreg [dreg:$0x0];
	s1 =	srdreg.scid  }
0x2: {  	s12 =	stileid.u32;
	s2 =	rddreg [dreg:$0x1]  }
0x3: {  	s13 =	simm.s32 $0x2780;
	s18 =	simm.s32 $0x1;
	s19 =	simm.s32 $0x2  }
0x4: {  	s20 =	simm.s32 $0x50;
	s21 =	simm.s32 $0x6780;
	s22 =	simm.s32 $0x8F80  }
0x5: {  	s23 =	simm.s32 $0x3;
	s24 =	simm.s32 $0x4;
	s25 =	simm.s32 $0x6480  }
0x6: {  	s28 =	simm.s32 $0x6500;
	s29 =	simm.s32 $0x6580;
	s30 =	simm.s32 $0x0  }
0x7: {  	s1 =	sand.u32 $0x1, s1;
	s3 =	sshll.u32 s12, $0x1;
	s8 =	smul.u32 $0x50000, s12  }
0x8: {  	s4 =	sshrl.u32 s12, $0x2;
	s11 =	smul.u32 $0x14000, s12;
	s15 =	sadd.s32 $0x12C000, s2  }
0x9: {  	p0 =	seq.s32 s12, $0xF;
	s5 =	sor.u32 s1, s3;
	s4 =	smul.u32 $0x13C00, s4  }
0xa: {  	s3 =	simm.s32 $0x0;
	s9 =	ssub.s32 $0x2, s1;
	s1 =	smul.u32 $0x138800, s1  }
0xb: {  	s14 =	sshll.u32 @!p0 s12, $0x6;
	s15 =	sshrl.u32 @p0 s15, $0x3;
	s6 =	sshll.u32 s5, $0x7  }
0xc: {  	[smem:$0x7FF] =	sst s3;
	s5 =	sshll.u32 s5, $0xB;
	s10 =	sshrl.u32 s9, $0x1  }
0xd: {  	s8 =	sshrl.u32 s8, $0x2;
	s16 =	sor.u32 @!p0 $0x1C03, s14;
	s6 =	sand.u32 $0x380, s6  }
0xe: {  	_ =	strace $0x80000050;
	s7 =	sadd.s32 s5, s0;
	s5 =	sadd.s32 $0x47400, s0  }
0xf: {  	s10 =	ssub.s32 s9, s10;
	s26 =	sadd.s32 s11, s1;
	s1 =	sshrl.u32 s1, $0x3  }
0x10: {  	s17 =	sadd.s32 s8, s2;
	s6 =	sor.u32 s4, s6;
	s4 =	sadd.s32 $0x20200, s0  }
0x11: {  	s7 =	sadd.s32 $0x6400, s7;
	s31 =	sshrl.u32 s26, $0x3;
	s6 =	sshrl.u32 s6, $0x3  }
0x12: {  	s10 =	smax.u32 s10, $0x1;
	s6 =	sadd.s32 s6, s0;
	s0 =	sadd.s32 $0x49C00, s0  }
0x13: {  	s17 =	sshrl.u32 @!p0 s17, $0x3;
	s26 =	simm.s32 $0x26C0;
	s1 =	sadd.s32 s0, s1  }
0x14: {  	s6 =	sadd.s32 $0x16400, s6;
	s8 =	sadd.s32 s0, s31;
	s9 =	sadd.s32 $0x25800, s1  }
.LBB2_1:
0x15: {  	s0 =	simm.s32 $0x80;
	s1 =	simm.s32 $0x400  }
0x16: {  	[tilespmem:s3], [sflag:$0x1] =	stream.strided.gather [hbm4b:s6+s0], $0x2780, s1, s0, $0x38;
	[tilespmem:$0x1F000] =	vst v63  }
0x17: {  	s0 =	simm.s32 @p0 $0x1FC3  }
0x18: {  	[tilespmem:s13], [sflag:$0x2] =	stream.linear.gather [hbm4b:s7+s3], $0x3E80, $0x38;
	[tilespmem:$0x1F000] =	vst v63  }
0x19: {  	[spmem:s15], [sflag:s0] =	dma.local @p0 [hbm:s5], $0x1900  }
0x1a: {  	[spmem:s17], [sflag:s16] =	dma.local @!p0 [hbm:s5], $0x2800  }
0x1b: {  	_ =	swait.ge [sflag:s18], $0x2780  }
0x1c: {  	[sflag:s18] =	ssyncset.done $0x0  }
0x1d: {  	[sflag:s18] =	ssyncadd.s32 $0xFFFFD880  }
0x1e: {  	_ =	swait.ge [sflag:s19], $0x3E80  }
0x1f: {  	[sflag:s19] =	ssyncset.done $0x0  }
0x20: {  	[sflag:s19] =	ssyncadd.s32 $0xFFFFC180  }
0x21: {  	[tilespmem:s21], [sflag:$0x1] =	stream.indirect.gather [hbm4b:s4+s20], $0x80, s3, s20, $0xb8;
	[tilespmem:$0x1F000] =	vst v63  }
0x22: {  	s0 =	simm.s32 @p0 $0x3  }
0x23: {  	[tilespmem:s22], [sflag:$0x2] =	stream.indirect.gather [hbm4b:s4+s20], $0x80, s20, s20, $0xb8;
	[tilespmem:$0x1F000] =	vst v63  }
0x24: {  	_ =	swait.ge @p0 [sflag:s0], $0x1900  }
0x25: {  	[sflag:s0] =	ssyncset.done @p0 $0x0  }
0x26: {  	[sflag:s0] =	ssyncadd.s32 @p0 $0xFFFFE700;
	s0 =	simm.s32 @!p0 $0x3  }
0x27: {  	_ =	swait.ge @!p0 [sflag:s0], $0x2800  }
0x28: {  	[sflag:s0] =	ssyncset.done @!p0 $0x0  }
0x29: {  	[sflag:s0] =	ssyncadd.s32 @!p0 $0xFFFFD800  }
0x2a: {  	[bflag:$0x0] =	sbarrier.arrive $0xFFFF  }
0x2b: {  	_ =	swait.ge [sflag:s18], $0x2800  }
0x2c: {  	[sflag:s18] =	ssyncset.done $0x0  }
0x2d: {  	s1 =	simm.s32 $0x2780;
	[sflag:s18] =	ssyncadd.s32 $0xFFFFD800  }
0x2e: {  	[spmem:s2] =	stream.indirect.scatter.add.f32 [tilespmem:s21], [sflag:$0x3], $0x80, s1, s20, $0xb8;
	[tilespmem:$0x1F000] =	vst v63  }
0x2f: {  	_ =	swait.ge [sflag:s23], $0x2800  }
0x30: {  	[sflag:s23] =	ssyncset.done $0x0  }
0x31: {  	s11 =	simm.s32 $0xA0;
	[sflag:s23] =	ssyncadd.s32 $0xFFFFD800  }
0x32: {  	[tilespmem:s21], [sflag:$0x1] =	stream.indirect.gather [hbm4b:s4+s20], $0x80, s11, s20, $0xb8;
	[tilespmem:$0x1F000] =	vst v63  }
0x33: {  	_ =	swait.ge [sflag:s19], $0x2800  }
0x34: {  	[sflag:s19] =	ssyncset.done $0x0  }
0x35: {  	s12 =	simm.s32 $0x2800;
	[sflag:s19] =	ssyncadd.s32 $0xFFFFD800  }
0x36: {  	[spmem:s2] =	stream.indirect.scatter.add.f32 [tilespmem:s22], [sflag:$0x4], $0x80, s12, s20, $0xb8;
	[tilespmem:$0x1F000] =	vst v63  }
0x37: {  	_ =	swait.ge [sflag:s24], $0x2800  }
0x38: {  	s31 =	simm.s32 $0xF0;
	[sflag:s24] =	ssyncset.done $0x0  }
0x39: {  	s0 =	simm.s32 $0x190;
	s1 =	simm.s32 $0x400;
	[sflag:s24] =	ssyncadd.s32 $0xFFFFD800  }
.LBB2_2:
0x3a: {  	[tilespmem:s22], [sflag:$0x2] =	stream.indirect.gather [hbm4b:s4+s20], $0x80, s31, s20, $0xb8;
	[tilespmem:$0x1F000] =	vst v63  }
0x3b: {  	s11 =	smov.u32 s1;
	s31 =	smov.u32 s0  }
0x3c: {  	p1 =	sne.s32 s1, $0xF000;
	s1 =	sadd.s32 $0x400, s1;
	_ =	swait.ge [sflag:s18], $0x2800  }
0x3d: {  	s11 =	sshra.s32 s11, $0x2;
	[sflag:s18] =	ssyncset.done $0x0  }
0x3e: {  	s12 =	sadd.s32 $0x2780, s11;
	[sflag:s18] =	ssyncadd.s32 $0xFFFFD800  }
0x3f: {  	[spmem:s2] =	stream.indirect.scatter.add.f32 [tilespmem:s21], [sflag:$0x3], $0x80, s12, s20, $0xb8;
	[tilespmem:$0x1F000] =	vst v63  }
0x40: {  	_ =	swait.ge [sflag:s23], $0x2800  }
0x41: {  	[sflag:s23] =	ssyncset.done $0x0  }
0x42: {  	s12 =	sadd.s32 $0xFFFFFFB0, s0;
	[sflag:s23] =	ssyncadd.s32 $0xFFFFD800  }
0x43: {  	[tilespmem:s21], [sflag:$0x1] =	stream.indirect.gather [hbm4b:s4+s20], $0x80, s12, s20, $0xb8;
	[tilespmem:$0x1F000] =	vst v63  }
0x44: {  	_ =	swait.ge [sflag:s19], $0x2800  }
0x45: {  	[sflag:s19] =	ssyncset.done $0x0  }
.Ltmp0:
0x46: {  	s11 =	sadd.s32 $0x2800, s11;
	[sflag:s19] =	ssyncadd.s32 $0xFFFFD800;
	(pc) =	sbr.rel @p1 .LBB2_2-.Ltmp0, $4  }
0x47: {  	[spmem:s2] =	stream.indirect.scatter.add.f32 [tilespmem:s22], [sflag:$0x4], $0x80, s11, s20, $0xb8;
	[tilespmem:$0x1F000] =	vst v63  }
0x48: {  	_ =	swait.ge [sflag:s24], $0x2800  }
0x49: {  	[sflag:s24] =	ssyncset.done $0x0  }
0x4a: {  	s0 =	sadd.s32 $0xA0, s0;
	[sflag:s24] =	ssyncadd.s32 $0xFFFFD800  }
0x4b: {  	[tilespmem:s22], [sflag:$0x2] =	stream.indirect.gather [hbm4b:s4+s20], $0x80, s31, s20, $0xb8;
	[tilespmem:$0x1F000] =	vst v63  }
0x4c: {  	_ =	swait.ge [sflag:s18], $0x2800  }
0x4d: {  	[sflag:s18] =	ssyncset.done $0x0  }
0x4e: {  	[sflag:s18] =	ssyncadd.s32 $0xFFFFD800  }
0x4f: {  	[spmem:s2] =	stream.indirect.scatter.add.f32 [tilespmem:s21], [sflag:$0x3], $0x80, s25, s20, $0xb8;
	[tilespmem:$0x1F000] =	vst v63  }
0x50: {  	_ =	swait.ge [sflag:s23], $0x2800  }
0x51: {  	[sflag:s23] =	ssyncset.done $0x0  }
0x52: {  	[sflag:s23] =	ssyncadd.s32 $0xFFFFD800  }
0x53: {  	[tilespmem:s21], [sflag:$0x1] =	stream.indirect.gather [hbm4b:s4+s20], $0x80, s26, s20, $0xb8;
	[tilespmem:$0x1F000] =	vst v63  }
0x54: {  	_ =	swait.ge [sflag:s19], $0x2800  }
0x55: {  	[sflag:s19] =	ssyncset.done $0x0  }
0x56: {  	[sflag:s19] =	ssyncadd.s32 $0xFFFFD800  }
0x57: {  	[spmem:s2] =	stream.indirect.scatter.add.f32 [tilespmem:s22], [sflag:$0x4], $0x80, s28, s20, $0xb8;
	[tilespmem:$0x1F000] =	vst v63  }
0x58: {  	_ =	swait.ge [sflag:s18], $0x2800  }
0x59: {  	[sflag:s18] =	ssyncset.done $0x0  }
0x5a: {  	[sflag:s18] =	ssyncadd.s32 $0xFFFFD800  }
0x5b: {  	[spmem:s2] =	stream.indirect.scatter.add.f32 [tilespmem:s21], [sflag:$0x3], $0x80, s29, s20, $0xb8;
	[tilespmem:$0x1F000] =	vst v63  }
0x5c: {  	_ =	swait.ge [sflag:s23], $0x2800  }
0x5d: {  	[sflag:s23] =	ssyncset.done $0x0  }
0x5e: {  	[sflag:s23] =	ssyncadd.s32 $0xFFFFD800  }
0x5f: {  	_ =	swait.ge [sflag:s24], $0x2800  }
0x60: {  	[sflag:s24] =	ssyncset.done $0x0  }
0x61: {  	[sflag:s24] =	ssyncadd.s32 $0xFFFFD800  }
0x62: {  	s0 =	simm.s32 @p0 $0x1FC5;
	[bflag:$0x0] =	sbarrier.arrive $0xFFFF  }
0x63: {  	[hbm:s9], [sflag:s0] =	dma.local @p0 [spmem:s15], $0x1900  }
0x64: {  	s0 =	simm.s32 @p0 $0x5  }
0x65: {  	_ =	swait.ge @p0 [sflag:s0], $0x1900  }
0x66: {  	s30 =	sadd.s32 $0x1, s30;
	[sflag:s0] =	ssyncset.done @p0 $0x0  }
0x67: {  	p1 =	sne.s32 s30, s10;
	[sflag:s0] =	ssyncadd.s32 @p0 $0xFFFFE700;
	s0 =	sor.u32 @!p0 $0x1C05, s14  }
0x68: {  	[hbm:s8], [sflag:s0] =	dma.local @!p0 [spmem:s17], $0x2800  }
.Ltmp1:
0x69: {  	_ = 	snop;
	(pc) =	sbr.rel @p1 .LBB2_1-.Ltmp1, $4  }
0x6a: {  	s0 =	simm.s32 @!p0 $0x5  }
0x6b: {  	_ =	swait.ge @!p0 [sflag:s0], $0x2800  }
0x6c: {  	[sflag:s0] =	ssyncset.done @!p0 $0x0  }
0x6d: {  	[sflag:s0] =	ssyncadd.s32 @!p0 $0xFFFFD800  }
0x6e: {  	_ =	sfence.sel $0x180000  }
0x6f: {  	[bflag:$0x0] =	sbarrier.arrive $0xFFFF  }
0x70: {  	_ =	strace $0x90000050  }
0x71: {  	s0 =	stileid.u32;
	[bflag:$0x2] =	sbarrier.arrive $0xFFFF  }
0x72: {  	p0 =	sne.s32 s0, $0x0;
	s0 =	rddreg [dreg:$0x2]  }
0x73: {  	s0 =	sadd.s32 @!p0 $0x100000, s0  }
0x74: {  	[sflag:s0] =	ssyncadd.tile.s32 @!p0 $0x1;
	_ =	shalt  }
.Lfunc_end2:
_tile_overlayer_lowered:
.L_overlay_start_2:
0x75: {  	(tag) =	ssettag $0x2  }
0x76: {  	s0 =	rddreg [dreg:$0x0];
	s2 =	stileid.u32  }
0x77: {  	s1 =	rddreg [dreg:$0x1];
	p0 =	sne.s32 s2, $0x0  }
0x78: {  	s3 =	rddreg [dreg:$0x2];
	[bflag:$0x3] =	sbarrier.arrive $0xFFFF;
	s2 =	simm.s32 @!p0 $0x1C05  }
0x79: {  	[timem:s3], [sflag:s2] =	dma.local @!p0 [hbm:s0], s1  }
0x7a: {  	s0 =	simm.s32 @!p0 $0x5  }
0x7b: {  	_ =	swait.ge @!p0 [sflag:s0], s1  }
0x7c: {  	s1 =	ssub.s32 @!p0 $0x0, s1;
	[sflag:s0] =	ssyncset.done @!p0 $0x0  }
0x7d: {  	[sflag:s0] =	ssyncadd.s32 @!p0 s1  }
0x7e: {  	[bflag:$0x3] =	sbarrier.arrive $0xFFFF  }
0x7f: {  	_ =	shalt  }

// kernel: kernel.28.cloned.1.call-start
scs
__scs_entry_jumppad:
0x0: {  	(pc) =	sbr.rel $0x88, $3  }
0x1: {  	(tag) =	ssettag $0x0;
	lr =	simm.s32 $0x1  }
0x2: {  	[smem:$0x3F8E] =	sst lr;
	_ =	strace $0xD0000000  }
0x3: {  	_ = 	snop  }
0x4: {  	_ = 	snop  }
0x5: {  	_ = 	snop  }
0x6: {  	_ = 	snop  }
0x7: {  	_ = 	snop  }
__scs_overlays_trampoline_lowered:
0x8: {  	[smem:$0x3F9D] =	sst s0  }
0x9: {  	[smem:$0x3F9E] =	sst s1  }
0xa: {  	[smem:$0x3F9F] =	sst s2  }
0xb: {  	[smem:$0x3FA0] =	sst s3  }
0xc: {  	[smem:$0x3FA1] =	sst s4  }
0xd: {  	[smem:$0x3FA2] =	sst s5  }
0xe: {  	[smem:$0x3FA3] =	sst s6  }
0xf: {  	[smem:$0x3FA4] =	sst s7  }
0x10: {  	[smem:$0x3FA5] =	sst s8  }
0x11: {  	[smem:$0x3FA6] =	sst s9;
	s0 =	simm.s32 @!p0 $0x0  }
0x12: {  	s1 =	sld [smem:$0x3F8C];
	s0 =	simm.s32 @p0 $0x1  }
0x13: {  	[smem:$0x3FA7] =	sst s0;
	s0 =	simm.s32 @!p1 $0x0  }
0x14: {  	s2 =	sld [smem:$0x3F8B];
	s0 =	simm.s32 @p1 $0x1  }
0x15: {  	[smem:$0x3FA8] =	sst s0;
	s0 =	simm.s32 @!p2 $0x0  }
0x16: {  	s3 =	sld [smem:$0x3FDB];
	s0 =	simm.s32 @p2 $0x1  }
0x17: {  	s4 =	simm.s32 $0x1BF5;
	[smem:$0x3FAA] =	sst s0  }
0x18: {  	s0 =	sld [smem:$0x3F8D];
	_ =	swait.ge [sflag:s4], $0x0  }
0x19: {  	s7 =	sld [smem:$0x3F8E]  }
0x1a: {  	s8 =	sadd.s32 $0xFFFFE003, lr  }
0x1b: {  	s9 =	sadd.s32 $0xFFFFFEF7, lr;
	s5 =	simm.s32 $0xFFFFFFFF;
	p2 =	slt.u32 s8, $0xFFFFF086  }
0x1c: {  	p1 =	slt.u32 s9, $0xF7A;
	s5 =	simm.s32 @!p2 $0x0  }
0x1d: {  	s5 =	simm.s32 @p1 $0x1;
	p0 =	seq.s32 s7, s2  }
0x1e: {  	s7 =	smul.u32 @!p0 $0xF7A, s2;
	p2 =	seq.s32 @!p0 s5, $0x0  }
0x1f: {  	s9 =	smul.u32 $0xF7A, s1;
	s8 =	simm.s32 @!p0 $0x1BF5;
	p2 =	por !p2, p0  }
0x20: {  	[sflag:s8] =	ssyncset.s32 @!p0 $0xFFFFF086;
	s6 =	sadd.s32 @!p0 s3, s7;
	s7 =	simm.s32 @!p0 $0x108  }
0x21: {  	s3 =	sadd.s32 s3, s9;
	s6 =	sadd.s32 @!p0 $0x88, s6;
	s7 =	simm.s32 @p2 $0x1082  }
0x22: {  	[simem:s7], [sflag:s8] =	dma.local @!p0 [hbm:s6], $0xF7A  }
0x23: {  	s9 =	sor.u32 $0xD0000000, s2;
	s6 =	simm.s32 $0x108;
	_ =	swait.ge @!p0 [sflag:s8], $0x0  }
0x24: {  	s3 =	sadd.s32 $0x88, s3;
	s6 =	simm.s32 @!p1 $0x1082;
	[sflag:s4] =	ssyncset.s32 $0xFFFFF086  }
0x25: {  	[simem:s6], [sflag:s4] =	dma.local [hbm:s3], $0xF7A  }
0x26: {  	[smem:$0x3F8E] =	sst s1;
	(tag) =	ssettag s2;
	_ =	strace s9  }
0x27: {  	s1 =	sld [smem:$0x3F9E]  }
0x28: {  	s2 =	sld [smem:$0x3F9F]  }
0x29: {  	s4 =	sld [smem:$0x3FA1]  }
0x2a: {  	p0 =	seq.s32 s5, $0x0;
	s5 =	sld [smem:$0x3FA2]  }
0x2b: {  	s6 =	sld [smem:$0x3FA3]  }
0x2c: {  	s7 =	sld [smem:$0x3FA4]  }
0x2d: {  	s3 =	simm.s32 $0x108;
	s8 =	sld [smem:$0x3FA5]  }
0x2e: {  	s3 =	simm.s32 @!p0 $0x1082;
	s9 =	sld [smem:$0x3FA6]  }
0x2f: {  	lr =	sadd.s32 s0, s3;
	s0 =	sld [smem:$0x3F9D]  }
0x30: {  	s3 =	sld [smem:$0x3FA0]  }
0x31: {  	[smem:$0x3FA9] =	sst s10  }
0x32: {  	s10 =	sld [smem:$0x3FA7];
	_ =	sdelay $0x3  }
0x33: {  	p0 =	seq.s32 s10, $0x1;
	s10 =	sld [smem:$0x3FA9];
	_ =	sdelay $0x3  }
0x34: {  	[smem:$0x3FA9] =	sst s10  }
0x35: {  	s10 =	sld [smem:$0x3FA8];
	_ =	sdelay $0x3  }
0x36: {  	p1 =	seq.s32 s10, $0x1;
	s10 =	sld [smem:$0x3FA9];
	_ =	sdelay $0x3  }
0x37: {  	[smem:$0x3FA9] =	sst s10  }
0x38: {  	s10 =	sld [smem:$0x3FAA]  }
0x39: {  	_ = 	snop;
	(pc) =	sbr.ind lr, $3  }
0x3a: {  	_ = 	snop  }
0x3b: {  	_ = 	snop  }
0x3c: {  	p2 =	seq.s32 s10, $0x1;
	s10 =	sld [smem:$0x3FA9]  }
0x3d: {  	_ =	shalt  }
0x3e: {  	_ =	shalt  }
0x3f: {  	_ =	shalt  }
0x40: {  	_ =	shalt  }
0x41: {  	_ =	shalt  }
0x42: {  	_ =	shalt  }
0x43: {  	_ =	shalt  }
0x44: {  	_ =	shalt  }
0x45: {  	_ =	shalt  }
0x46: {  	_ =	shalt  }
0x47: {  	_ =	shalt  }
0x48: {  	_ =	shalt  }
0x49: {  	_ =	shalt  }
0x4a: {  	_ =	shalt  }
0x4b: {  	_ =	shalt  }
0x4c: {  	_ =	shalt  }
0x4d: {  	_ =	shalt  }
0x4e: {  	_ =	shalt  }
0x4f: {  	_ =	shalt  }
0x50: {  	_ =	shalt  }
0x51: {  	_ =	shalt  }
0x52: {  	_ =	shalt  }
0x53: {  	_ =	shalt  }
0x54: {  	_ =	shalt  }
0x55: {  	_ =	shalt  }
0x56: {  	_ =	shalt  }
0x57: {  	_ =	shalt  }
0x58: {  	_ =	shalt  }
0x59: {  	_ =	shalt  }
0x5a: {  	_ =	shalt  }
0x5b: {  	_ =	shalt  }
0x5c: {  	_ =	shalt  }
0x5d: {  	_ =	shalt  }
0x5e: {  	_ =	shalt  }
0x5f: {  	_ =	shalt  }
0x60: {  	_ =	shalt  }
0x61: {  	_ =	shalt  }
0x62: {  	_ =	shalt  }
0x63: {  	_ =	shalt  }
0x64: {  	_ =	shalt  }
0x65: {  	_ =	shalt  }
0x66: {  	_ =	shalt  }
0x67: {  	_ =	shalt  }
0x68: {  	_ =	shalt  }
0x69: {  	_ =	shalt  }
0x6a: {  	_ =	shalt  }
0x6b: {  	_ =	shalt  }
0x6c: {  	_ =	shalt  }
0x6d: {  	_ =	shalt  }
0x6e: {  	_ =	shalt  }
0x6f: {  	_ =	shalt  }
0x70: {  	_ =	shalt  }
0x71: {  	_ =	shalt  }
0x72: {  	_ =	shalt  }
0x73: {  	_ =	shalt  }
0x74: {  	_ =	shalt  }
0x75: {  	_ =	shalt  }
0x76: {  	_ =	shalt  }
0x77: {  	_ =	shalt  }
0x78: {  	_ =	shalt  }
0x79: {  	_ =	shalt  }
0x7a: {  	_ =	shalt  }
0x7b: {  	_ =	shalt  }
0x7c: {  	_ =	shalt  }
0x7d: {  	_ =	shalt  }
0x7e: {  	_ =	shalt  }
0x7f: {  	_ =	shalt  }
0x80: {  	_ =	shalt  }
0x81: {  	_ =	shalt  }
0x82: {  	_ =	shalt  }
0x83: {  	_ =	shalt  }
0x84: {  	_ =	shalt  }
0x85: {  	_ =	shalt  }
0x86: {  	_ =	shalt  }
0x87: {  	_ =	shalt  }
.Lfunc_end0:
.L_simem_size_0:
called_computation.4_lowered:
.L_overlay_start_0:
0x88: {  	s2 =	sld [smem:$0x3FD9]  }
0x89: {  	s3 =	sld [smem:$0x3FFE];
	_ =	sdelay $0x1  }
0x8a: {  	s1 =	srdreg.scid  }
0x8b: {  	s0 =	sand.u32 $0x1, s1  }
0x8c: {  	s16 =	sshll.u32 s0, $0xA;
	s2 =	sadd.s32 s3, s2  }
0x8d: {  	s2 =	sadd.s32 s2, s16  }
0x8e: {  	[smem:$0x3FB5] =	sst s2  }
0x8f: {  	_ = 	snop  }
0x90: {  	(tm) =	ssettm $0x1  }
0x91: {  	s17 =	sld [smem:$0x3FFB];
	_ =	sdelay $0x3  }
0x92: {  	_ =	strace s17  }
0x93: {  	s2 =	sld [smem:$0x3FFC];
	_ =	sdelay $0x3  }
0x94: {  	_ =	strace s2  }
0x95: {  	s2 =	sld [smem:$0x3FFD];
	_ =	sdelay $0x3  }
0x96: {  	_ =	strace s2  }
0x97: {  	_ =	strace $0x8FFFFFFF  }
0x98: {  	s18 =	sld [smem:$0x3FDB];
	_ =	sdelay $0x1  }
0x99: {  	s19 =	simm.s32 $_scs_section_size  }
0x9a: {  	s4 =	simm.s32 $_size__tile_overlayer_lowered;
	s5 =	simm.s32 $_tile_overlayer_lowered  }
0x9b: {  	s22 =	simm.s32 $0x1BFF;
	s21 =	sshll.u32 s5, $0x1;
	s2 =	sadd.s32 s19, s18  }
0x9c: {  	s6 =	simm.s32 $0x0;
	s20 =	sshll.u32 s4, $0x1;
	s4 =	sadd.s32 s21, s2  }
0x9d: {  	[timem:s6], [sflag:s22] =	dma.local [hbm:s4], s20  }
0x9e: {  	_ =	swait.ge [sflag:s22], s20  }
0x9f: {  	s3 =	ssub.s32 $0x0, s20;
	[sflag:s22] =	ssyncset.done $0x0  }
0xa0: {  	[sflag:s22] =	ssyncadd.s32 s3;
	_ =	sdelay $0x1  }
0xa1: {  	s23 =	simm.s32 $0x1B8B  }
0xa2: {  	_ =	swait.ge [sflag:s23], $0x1  }
0xa3: {  	[sflag:s23] =	ssyncset.done $0x0  }
0xa4: {  	s25 =	simm.s32 $0x1B8E;
	s24 =	sld [smem:$0x3FFE];
	[sflag:s23] =	ssyncadd.s32 $0xFFFFFFFF  }
0xa5: {  	s26 =	simm.s32 $execute0_lowered;
	[smem:$0x3FD2] =	sst s25  }
0xa6: {  	s4 =	sshll.u32 s26, $0x1;
	_ =	strace $0x80000052;
	[dreg:$0x1] =	wrdreg $0xFFFFFFFF  }
0xa7: {  	s28 =	simm.s32 $_size_execute0_lowered;
	s2 =	sadd.s32 s2, s4;
	[dreg:$0x0] =	wrdreg $0x0  }
0xa8: {  	s4 =	sshll.u32 s28, $0x1;
	[dreg:$0x2] =	wrdreg s2  }
0xa9: {  	[dreg:$0x3] =	wrdreg s4  }
0xaa: {  	[dreg:$0x4] =	wrdreg $0xC0  }
0xab: {  	_ =	task [dreg:s6], $0x5FFFF  }
0xac: {  	[dreg:$0x1] =	wrdreg $0xFFFFFFFF  }
0xad: {  	[dreg:$0x0] =	wrdreg $0x60  }
0xae: {  	[dreg:$0x2] =	wrdreg s24  }
0xaf: {  	[dreg:$0x3] =	wrdreg $0xB7800  }
0xb0: {  	[dreg:$0x4] =	wrdreg $0x9  }
0xb1: {  	_ =	task.clear_ibuf [dreg:s6], $0x5FFFF;
	_ =	strace $0x90000052  }
0xb2: {  	s29 =	simm.s32 $0x9;
	_ =	strace $0x80000054  }
0xb3: {  	_ =	swait.ge [sflag:s29], $0x1  }
0xb4: {  	[sflag:s29] =	ssyncadd.s32 $0xFFFFFFFF  }
0xb5: {  	_ =	strace $0x90000054  }
0xb6: {  	_ =	sfence  }
0xb7: {  	s30 =	sld [smem:$0x0];
	_ =	sdelay $0x2  }
0xb8: {  	s31 =	sshll.u32 s1, $0xD;
	s1 =	sshrl.u32 s1, $0x2  }
0xb9: {  	s3 =	sand.u32 $0x4000, s31;
	s1 =	sadd.s32 s1, s30  }
0xba: {  	s0 =	sor.u32 s3, s0;
	s1 =	sshll.u32 s1, $0x11  }
0xbb: {  	s0 =	sor.u32 s1, s0  }
0xbc: {  	s0 =	sadd.s32 $0x8F2B, s0  }
0xbd: {  	[sflag:s0] =	ssyncadd.remote.s32 $0x1  }
0xbe: {  	_ =	sfence.sel $0xFFFF  }
0xbf: {  	[dreg:$0x0] =	wrdreg $0xFFFFFFFF;
	(pc) =	sbr.abs _section_cstart, $3  }
0xc0: {  	[dreg:$0x1] =	wrdreg $0xFFFFFFFF  }
0xc1: {  	_ =	task.clear_ibuf [dreg:s6], $0x2FFFF;
	_ =	strace $0x9FFFFFFF  }
0xc2: {  	(tm) =	ssettm $0x7FFFFFFF  }
0xc3: {  	_ =	shalt  }
tec
execute0_lowered:
.L_overlay_start_1:
0x0: {  	(tag) =	ssettag $0x1  }
0x1: {  	s0 =	rddreg [dreg:$0x0];
	s1 =	srdreg.scid  }
0x2: {  	s12 =	stileid.u32;
	s2 =	rddreg [dreg:$0x1]  }
0x3: {  	s13 =	simm.s32 $0x2780;
	s18 =	simm.s32 $0x1;
	s19 =	simm.s32 $0x2  }
0x4: {  	s20 =	simm.s32 $0x50;
	s21 =	simm.s32 $0x6780;
	s22 =	simm.s32 $0x8F80  }
0x5: {  	s23 =	simm.s32 $0x3;
	s24 =	simm.s32 $0x4;
	s25 =	simm.s32 $0x6480  }
0x6: {  	s28 =	simm.s32 $0x6500;
	s29 =	simm.s32 $0x6580;
	s30 =	simm.s32 $0x0  }
0x7: {  	s1 =	sand.u32 $0x1, s1;
	s3 =	sshll.u32 s12, $0x1;
	s8 =	smul.u32 $0x50000, s12  }
0x8: {  	s4 =	sshrl.u32 s12, $0x2;
	s11 =	smul.u32 $0x14000, s12;
	s15 =	sadd.s32 $0x12C000, s2  }
0x9: {  	p0 =	seq.s32 s12, $0xF;
	s5 =	sor.u32 s1, s3;
	s4 =	smul.u32 $0x13C00, s4  }
0xa: {  	s3 =	simm.s32 $0x0;
	s9 =	ssub.s32 $0x2, s1;
	s1 =	smul.u32 $0x138800, s1  }
0xb: {  	s14 =	sshll.u32 @!p0 s12, $0x6;
	s15 =	sshrl.u32 @p0 s15, $0x3;
	s6 =	sshll.u32 s5, $0x7  }
0xc: {  	[smem:$0x7FF] =	sst s3;
	s5 =	sshll.u32 s5, $0xB;
	s10 =	sshrl.u32 s9, $0x1  }
0xd: {  	s8 =	sshrl.u32 s8, $0x2;
	s16 =	sor.u32 @!p0 $0x1C03, s14;
	s6 =	sand.u32 $0x380, s6  }
0xe: {  	_ =	strace $0x80000053;
	s7 =	sadd.s32 s5, s0;
	s5 =	sadd.s32 $0x47400, s0  }
0xf: {  	s10 =	ssub.s32 s9, s10;
	s26 =	sadd.s32 s11, s1;
	s1 =	sshrl.u32 s1, $0x3  }
0x10: {  	s17 =	sadd.s32 s8, s2;
	s6 =	sor.u32 s4, s6;
	s4 =	sadd.s32 $0x20200, s0  }
0x11: {  	s7 =	sadd.s32 $0x6400, s7;
	s31 =	sshrl.u32 s26, $0x3;
	s6 =	sshrl.u32 s6, $0x3  }
0x12: {  	s10 =	smax.u32 s10, $0x1;
	s6 =	sadd.s32 s6, s0;
	s0 =	sadd.s32 $0x49C00, s0  }
0x13: {  	s17 =	sshrl.u32 @!p0 s17, $0x3;
	s26 =	simm.s32 $0x26C0;
	s1 =	sadd.s32 s0, s1  }
0x14: {  	s6 =	sadd.s32 $0x16400, s6;
	s8 =	sadd.s32 s0, s31;
	s9 =	sadd.s32 $0x25800, s1  }
.LBB2_1:
0x15: {  	s0 =	simm.s32 $0x80;
	s1 =	simm.s32 $0x400  }
0x16: {  	[tilespmem:s3], [sflag:$0x1] =	stream.strided.gather [hbm4b:s6+s0], $0x2780, s1, s0, $0x38;
	[tilespmem:$0x1F000] =	vst v63  }
0x17: {  	s0 =	simm.s32 @p0 $0x1FC3  }
0x18: {  	[tilespmem:s13], [sflag:$0x2] =	stream.linear.gather [hbm4b:s7+s3], $0x3E80, $0x38;
	[tilespmem:$0x1F000] =	vst v63  }
0x19: {  	[spmem:s15], [sflag:s0] =	dma.local @p0 [hbm:s5], $0x1900  }
0x1a: {  	[spmem:s17], [sflag:s16] =	dma.local @!p0 [hbm:s5], $0x2800  }
0x1b: {  	_ =	swait.ge [sflag:s18], $0x2780  }
0x1c: {  	[sflag:s18] =	ssyncset.done $0x0  }
0x1d: {  	[sflag:s18] =	ssyncadd.s32 $0xFFFFD880  }
0x1e: {  	_ =	swait.ge [sflag:s19], $0x3E80  }
0x1f: {  	[sflag:s19] =	ssyncset.done $0x0  }
0x20: {  	[sflag:s19] =	ssyncadd.s32 $0xFFFFC180  }
0x21: {  	[tilespmem:s21], [sflag:$0x1] =	stream.indirect.gather [hbm4b:s4+s20], $0x80, s3, s20, $0xb8;
	[tilespmem:$0x1F000] =	vst v63  }
0x22: {  	s0 =	simm.s32 @p0 $0x3  }
0x23: {  	[tilespmem:s22], [sflag:$0x2] =	stream.indirect.gather [hbm4b:s4+s20], $0x80, s20, s20, $0xb8;
	[tilespmem:$0x1F000] =	vst v63  }
0x24: {  	_ =	swait.ge @p0 [sflag:s0], $0x1900  }
0x25: {  	[sflag:s0] =	ssyncset.done @p0 $0x0  }
0x26: {  	[sflag:s0] =	ssyncadd.s32 @p0 $0xFFFFE700;
	s0 =	simm.s32 @!p0 $0x3  }
0x27: {  	_ =	swait.ge @!p0 [sflag:s0], $0x2800  }
0x28: {  	[sflag:s0] =	ssyncset.done @!p0 $0x0  }
0x29: {  	[sflag:s0] =	ssyncadd.s32 @!p0 $0xFFFFD800  }
0x2a: {  	[bflag:$0x0] =	sbarrier.arrive $0xFFFF  }
0x2b: {  	_ =	swait.ge [sflag:s18], $0x2800  }
0x2c: {  	[sflag:s18] =	ssyncset.done $0x0  }
0x2d: {  	s1 =	simm.s32 $0x2780;
	[sflag:s18] =	ssyncadd.s32 $0xFFFFD800  }
0x2e: {  	[spmem:s2] =	stream.indirect.scatter.add.f32 [tilespmem:s21], [sflag:$0x3], $0x80, s1, s20, $0xb8;
	[tilespmem:$0x1F000] =	vst v63  }
0x2f: {  	_ =	swait.ge [sflag:s23], $0x2800  }
0x30: {  	[sflag:s23] =	ssyncset.done $0x0  }
0x31: {  	s11 =	simm.s32 $0xA0;
	[sflag:s23] =	ssyncadd.s32 $0xFFFFD800  }
0x32: {  	[tilespmem:s21], [sflag:$0x1] =	stream.indirect.gather [hbm4b:s4+s20], $0x80, s11, s20, $0xb8;
	[tilespmem:$0x1F000] =	vst v63  }
0x33: {  	_ =	swait.ge [sflag:s19], $0x2800  }
0x34: {  	[sflag:s19] =	ssyncset.done $0x0  }
0x35: {  	s12 =	simm.s32 $0x2800;
	[sflag:s19] =	ssyncadd.s32 $0xFFFFD800  }
0x36: {  	[spmem:s2] =	stream.indirect.scatter.add.f32 [tilespmem:s22], [sflag:$0x4], $0x80, s12, s20, $0xb8;
	[tilespmem:$0x1F000] =	vst v63  }
0x37: {  	_ =	swait.ge [sflag:s24], $0x2800  }
0x38: {  	s31 =	simm.s32 $0xF0;
	[sflag:s24] =	ssyncset.done $0x0  }
0x39: {  	s0 =	simm.s32 $0x190;
	s1 =	simm.s32 $0x400;
	[sflag:s24] =	ssyncadd.s32 $0xFFFFD800  }
.LBB2_2:
0x3a: {  	[tilespmem:s22], [sflag:$0x2] =	stream.indirect.gather [hbm4b:s4+s20], $0x80, s31, s20, $0xb8;
	[tilespmem:$0x1F000] =	vst v63  }
0x3b: {  	s11 =	smov.u32 s1;
	s31 =	smov.u32 s0  }
0x3c: {  	p1 =	sne.s32 s1, $0xF000;
	s1 =	sadd.s32 $0x400, s1;
	_ =	swait.ge [sflag:s18], $0x2800  }
0x3d: {  	s11 =	sshra.s32 s11, $0x2;
	[sflag:s18] =	ssyncset.done $0x0  }
0x3e: {  	s12 =	sadd.s32 $0x2780, s11;
	[sflag:s18] =	ssyncadd.s32 $0xFFFFD800  }
0x3f: {  	[spmem:s2] =	stream.indirect.scatter.add.f32 [tilespmem:s21], [sflag:$0x3], $0x80, s12, s20, $0xb8;
	[tilespmem:$0x1F000] =	vst v63  }
0x40: {  	_ =	swait.ge [sflag:s23], $0x2800  }
0x41: {  	[sflag:s23] =	ssyncset.done $0x0  }
0x42: {  	s12 =	sadd.s32 $0xFFFFFFB0, s0;
	[sflag:s23] =	ssyncadd.s32 $0xFFFFD800  }
0x43: {  	[tilespmem:s21], [sflag:$0x1] =	stream.indirect.gather [hbm4b:s4+s20], $0x80, s12, s20, $0xb8;
	[tilespmem:$0x1F000] =	vst v63  }
0x44: {  	_ =	swait.ge [sflag:s19], $0x2800  }
0x45: {  	[sflag:s19] =	ssyncset.done $0x0  }
.Ltmp0:
0x46: {  	s11 =	sadd.s32 $0x2800, s11;
	[sflag:s19] =	ssyncadd.s32 $0xFFFFD800;
	(pc) =	sbr.rel @p1 .LBB2_2-.Ltmp0, $4  }
0x47: {  	[spmem:s2] =	stream.indirect.scatter.add.f32 [tilespmem:s22], [sflag:$0x4], $0x80, s11, s20, $0xb8;
	[tilespmem:$0x1F000] =	vst v63  }
0x48: {  	_ =	swait.ge [sflag:s24], $0x2800  }
0x49: {  	[sflag:s24] =	ssyncset.done $0x0  }
0x4a: {  	s0 =	sadd.s32 $0xA0, s0;
	[sflag:s24] =	ssyncadd.s32 $0xFFFFD800  }
0x4b: {  	[tilespmem:s22], [sflag:$0x2] =	stream.indirect.gather [hbm4b:s4+s20], $0x80, s31, s20, $0xb8;
	[tilespmem:$0x1F000] =	vst v63  }
0x4c: {  	_ =	swait.ge [sflag:s18], $0x2800  }
0x4d: {  	[sflag:s18] =	ssyncset.done $0x0  }
0x4e: {  	[sflag:s18] =	ssyncadd.s32 $0xFFFFD800  }
0x4f: {  	[spmem:s2] =	stream.indirect.scatter.add.f32 [tilespmem:s21], [sflag:$0x3], $0x80, s25, s20, $0xb8;
	[tilespmem:$0x1F000] =	vst v63  }
0x50: {  	_ =	swait.ge [sflag:s23], $0x2800  }
0x51: {  	[sflag:s23] =	ssyncset.done $0x0  }
0x52: {  	[sflag:s23] =	ssyncadd.s32 $0xFFFFD800  }
0x53: {  	[tilespmem:s21], [sflag:$0x1] =	stream.indirect.gather [hbm4b:s4+s20], $0x80, s26, s20, $0xb8;
	[tilespmem:$0x1F000] =	vst v63  }
0x54: {  	_ =	swait.ge [sflag:s19], $0x2800  }
0x55: {  	[sflag:s19] =	ssyncset.done $0x0  }
0x56: {  	[sflag:s19] =	ssyncadd.s32 $0xFFFFD800  }
0x57: {  	[spmem:s2] =	stream.indirect.scatter.add.f32 [tilespmem:s22], [sflag:$0x4], $0x80, s28, s20, $0xb8;
	[tilespmem:$0x1F000] =	vst v63  }
0x58: {  	_ =	swait.ge [sflag:s18], $0x2800  }
0x59: {  	[sflag:s18] =	ssyncset.done $0x0  }
0x5a: {  	[sflag:s18] =	ssyncadd.s32 $0xFFFFD800  }
0x5b: {  	[spmem:s2] =	stream.indirect.scatter.add.f32 [tilespmem:s21], [sflag:$0x3], $0x80, s29, s20, $0xb8;
	[tilespmem:$0x1F000] =	vst v63  }
0x5c: {  	_ =	swait.ge [sflag:s23], $0x2800  }
0x5d: {  	[sflag:s23] =	ssyncset.done $0x0  }
0x5e: {  	[sflag:s23] =	ssyncadd.s32 $0xFFFFD800  }
0x5f: {  	_ =	swait.ge [sflag:s24], $0x2800  }
0x60: {  	[sflag:s24] =	ssyncset.done $0x0  }
0x61: {  	[sflag:s24] =	ssyncadd.s32 $0xFFFFD800  }
0x62: {  	s0 =	simm.s32 @p0 $0x1FC5;
	[bflag:$0x0] =	sbarrier.arrive $0xFFFF  }
0x63: {  	[hbm:s9], [sflag:s0] =	dma.local @p0 [spmem:s15], $0x1900  }
0x64: {  	s0 =	simm.s32 @p0 $0x5  }
0x65: {  	_ =	swait.ge @p0 [sflag:s0], $0x1900  }
0x66: {  	s30 =	sadd.s32 $0x1, s30;
	[sflag:s0] =	ssyncset.done @p0 $0x0  }
0x67: {  	p1 =	sne.s32 s30, s10;
	[sflag:s0] =	ssyncadd.s32 @p0 $0xFFFFE700;
	s0 =	sor.u32 @!p0 $0x1C05, s14  }
0x68: {  	[hbm:s8], [sflag:s0] =	dma.local @!p0 [spmem:s17], $0x2800  }
.Ltmp1:
0x69: {  	_ = 	snop;
	(pc) =	sbr.rel @p1 .LBB2_1-.Ltmp1, $4  }
0x6a: {  	s0 =	simm.s32 @!p0 $0x5  }
0x6b: {  	_ =	swait.ge @!p0 [sflag:s0], $0x2800  }
0x6c: {  	[sflag:s0] =	ssyncset.done @!p0 $0x0  }
0x6d: {  	[sflag:s0] =	ssyncadd.s32 @!p0 $0xFFFFD800  }
0x6e: {  	_ =	sfence.sel $0x180000  }
0x6f: {  	[bflag:$0x0] =	sbarrier.arrive $0xFFFF  }
0x70: {  	_ =	strace $0x90000053  }
0x71: {  	s0 =	stileid.u32;
	[bflag:$0x2] =	sbarrier.arrive $0xFFFF  }
0x72: {  	p0 =	sne.s32 s0, $0x0;
	s0 =	rddreg [dreg:$0x2]  }
0x73: {  	s0 =	sadd.s32 @!p0 $0x100000, s0  }
0x74: {  	[sflag:s0] =	ssyncadd.tile.s32 @!p0 $0x1;
	_ =	shalt  }
.Lfunc_end2:
_tile_overlayer_lowered:
.L_overlay_start_2:
0x75: {  	(tag) =	ssettag $0x2  }
0x76: {  	s0 =	rddreg [dreg:$0x0];
	s2 =	stileid.u32  }
0x77: {  	s1 =	rddreg [dreg:$0x1];
	p0 =	sne.s32 s2, $0x0  }
0x78: {  	s3 =	rddreg [dreg:$0x2];
	[bflag:$0x3] =	sbarrier.arrive $0xFFFF;
	s2 =	simm.s32 @!p0 $0x1C05  }
0x79: {  	[timem:s3], [sflag:s2] =	dma.local @!p0 [hbm:s0], s1  }
0x7a: {  	s0 =	simm.s32 @!p0 $0x5  }
0x7b: {  	_ =	swait.ge @!p0 [sflag:s0], s1  }
0x7c: {  	s1 =	ssub.s32 @!p0 $0x0, s1;
	[sflag:s0] =	ssyncset.done @!p0 $0x0  }
0x7d: {  	[sflag:s0] =	ssyncadd.s32 @!p0 s1  }
0x7e: {  	[bflag:$0x3] =	sbarrier.arrive $0xFFFF  }
0x7f: {  	_ =	shalt  }

// kernel: kernel.31.cloned.1.call-start
scs
__scs_entry_jumppad:
0x0: {  	(pc) =	sbr.rel $0x88, $3  }
0x1: {  	(tag) =	ssettag $0x0;
	lr =	simm.s32 $0x1  }
0x2: {  	[smem:$0x3F8E] =	sst lr;
	_ =	strace $0xD0000000  }
0x3: {  	_ = 	snop  }
0x4: {  	_ = 	snop  }
0x5: {  	_ = 	snop  }
0x6: {  	_ = 	snop  }
0x7: {  	_ = 	snop  }
__scs_overlays_trampoline_lowered:
0x8: {  	[smem:$0x3F9D] =	sst s0  }
0x9: {  	[smem:$0x3F9E] =	sst s1  }
0xa: {  	[smem:$0x3F9F] =	sst s2  }
0xb: {  	[smem:$0x3FA0] =	sst s3  }
0xc: {  	[smem:$0x3FA1] =	sst s4  }
0xd: {  	[smem:$0x3FA2] =	sst s5  }
0xe: {  	[smem:$0x3FA3] =	sst s6  }
0xf: {  	[smem:$0x3FA4] =	sst s7  }
0x10: {  	[smem:$0x3FA5] =	sst s8  }
0x11: {  	[smem:$0x3FA6] =	sst s9;
	s0 =	simm.s32 @!p0 $0x0  }
0x12: {  	s1 =	sld [smem:$0x3F8C];
	s0 =	simm.s32 @p0 $0x1  }
0x13: {  	[smem:$0x3FA7] =	sst s0;
	s0 =	simm.s32 @!p1 $0x0  }
0x14: {  	s2 =	sld [smem:$0x3F8B];
	s0 =	simm.s32 @p1 $0x1  }
0x15: {  	[smem:$0x3FA8] =	sst s0;
	s0 =	simm.s32 @!p2 $0x0  }
0x16: {  	s3 =	sld [smem:$0x3FDB];
	s0 =	simm.s32 @p2 $0x1  }
0x17: {  	s4 =	simm.s32 $0x1BF5;
	[smem:$0x3FAA] =	sst s0  }
0x18: {  	s0 =	sld [smem:$0x3F8D];
	_ =	swait.ge [sflag:s4], $0x0  }
0x19: {  	s7 =	sld [smem:$0x3F8E]  }
0x1a: {  	s8 =	sadd.s32 $0xFFFFE003, lr  }
0x1b: {  	s9 =	sadd.s32 $0xFFFFFEF7, lr;
	s5 =	simm.s32 $0xFFFFFFFF;
	p2 =	slt.u32 s8, $0xFFFFF086  }
0x1c: {  	p1 =	slt.u32 s9, $0xF7A;
	s5 =	simm.s32 @!p2 $0x0  }
0x1d: {  	s5 =	simm.s32 @p1 $0x1;
	p0 =	seq.s32 s7, s2  }
0x1e: {  	s7 =	smul.u32 @!p0 $0xF7A, s2;
	p2 =	seq.s32 @!p0 s5, $0x0  }
0x1f: {  	s9 =	smul.u32 $0xF7A, s1;
	s8 =	simm.s32 @!p0 $0x1BF5;
	p2 =	por !p2, p0  }
0x20: {  	[sflag:s8] =	ssyncset.s32 @!p0 $0xFFFFF086;
	s6 =	sadd.s32 @!p0 s3, s7;
	s7 =	simm.s32 @!p0 $0x108  }
0x21: {  	s3 =	sadd.s32 s3, s9;
	s6 =	sadd.s32 @!p0 $0x88, s6;
	s7 =	simm.s32 @p2 $0x1082  }
0x22: {  	[simem:s7], [sflag:s8] =	dma.local @!p0 [hbm:s6], $0xF7A  }
0x23: {  	s9 =	sor.u32 $0xD0000000, s2;
	s6 =	simm.s32 $0x108;
	_ =	swait.ge @!p0 [sflag:s8], $0x0  }
0x24: {  	s3 =	sadd.s32 $0x88, s3;
	s6 =	simm.s32 @!p1 $0x1082;
	[sflag:s4] =	ssyncset.s32 $0xFFFFF086  }
0x25: {  	[simem:s6], [sflag:s4] =	dma.local [hbm:s3], $0xF7A  }
0x26: {  	[smem:$0x3F8E] =	sst s1;
	(tag) =	ssettag s2;
	_ =	strace s9  }
0x27: {  	s1 =	sld [smem:$0x3F9E]  }
0x28: {  	s2 =	sld [smem:$0x3F9F]  }
0x29: {  	s4 =	sld [smem:$0x3FA1]  }
0x2a: {  	p0 =	seq.s32 s5, $0x0;
	s5 =	sld [smem:$0x3FA2]  }
0x2b: {  	s6 =	sld [smem:$0x3FA3]  }
0x2c: {  	s7 =	sld [smem:$0x3FA4]  }
0x2d: {  	s3 =	simm.s32 $0x108;
	s8 =	sld [smem:$0x3FA5]  }
0x2e: {  	s3 =	simm.s32 @!p0 $0x1082;
	s9 =	sld [smem:$0x3FA6]  }
0x2f: {  	lr =	sadd.s32 s0, s3;
	s0 =	sld [smem:$0x3F9D]  }
0x30: {  	s3 =	sld [smem:$0x3FA0]  }
0x31: {  	[smem:$0x3FA9] =	sst s10  }
0x32: {  	s10 =	sld [smem:$0x3FA7];
	_ =	sdelay $0x3  }
0x33: {  	p0 =	seq.s32 s10, $0x1;
	s10 =	sld [smem:$0x3FA9];
	_ =	sdelay $0x3  }
0x34: {  	[smem:$0x3FA9] =	sst s10  }
0x35: {  	s10 =	sld [smem:$0x3FA8];
	_ =	sdelay $0x3  }
0x36: {  	p1 =	seq.s32 s10, $0x1;
	s10 =	sld [smem:$0x3FA9];
	_ =	sdelay $0x3  }
0x37: {  	[smem:$0x3FA9] =	sst s10  }
0x38: {  	s10 =	sld [smem:$0x3FAA]  }
0x39: {  	_ = 	snop;
	(pc) =	sbr.ind lr, $3  }
0x3a: {  	_ = 	snop  }
0x3b: {  	_ = 	snop  }
0x3c: {  	p2 =	seq.s32 s10, $0x1;
	s10 =	sld [smem:$0x3FA9]  }
0x3d: {  	_ =	shalt  }
0x3e: {  	_ =	shalt  }
0x3f: {  	_ =	shalt  }
0x40: {  	_ =	shalt  }
0x41: {  	_ =	shalt  }
0x42: {  	_ =	shalt  }
0x43: {  	_ =	shalt  }
0x44: {  	_ =	shalt  }
0x45: {  	_ =	shalt  }
0x46: {  	_ =	shalt  }
0x47: {  	_ =	shalt  }
0x48: {  	_ =	shalt  }
0x49: {  	_ =	shalt  }
0x4a: {  	_ =	shalt  }
0x4b: {  	_ =	shalt  }
0x4c: {  	_ =	shalt  }
0x4d: {  	_ =	shalt  }
0x4e: {  	_ =	shalt  }
0x4f: {  	_ =	shalt  }
0x50: {  	_ =	shalt  }
0x51: {  	_ =	shalt  }
0x52: {  	_ =	shalt  }
0x53: {  	_ =	shalt  }
0x54: {  	_ =	shalt  }
0x55: {  	_ =	shalt  }
0x56: {  	_ =	shalt  }
0x57: {  	_ =	shalt  }
0x58: {  	_ =	shalt  }
0x59: {  	_ =	shalt  }
0x5a: {  	_ =	shalt  }
0x5b: {  	_ =	shalt  }
0x5c: {  	_ =	shalt  }
0x5d: {  	_ =	shalt  }
0x5e: {  	_ =	shalt  }
0x5f: {  	_ =	shalt  }
0x60: {  	_ =	shalt  }
0x61: {  	_ =	shalt  }
0x62: {  	_ =	shalt  }
0x63: {  	_ =	shalt  }
0x64: {  	_ =	shalt  }
0x65: {  	_ =	shalt  }
0x66: {  	_ =	shalt  }
0x67: {  	_ =	shalt  }
0x68: {  	_ =	shalt  }
0x69: {  	_ =	shalt  }
0x6a: {  	_ =	shalt  }
0x6b: {  	_ =	shalt  }
0x6c: {  	_ =	shalt  }
0x6d: {  	_ =	shalt  }
0x6e: {  	_ =	shalt  }
0x6f: {  	_ =	shalt  }
0x70: {  	_ =	shalt  }
0x71: {  	_ =	shalt  }
0x72: {  	_ =	shalt  }
0x73: {  	_ =	shalt  }
0x74: {  	_ =	shalt  }
0x75: {  	_ =	shalt  }
0x76: {  	_ =	shalt  }
0x77: {  	_ =	shalt  }
0x78: {  	_ =	shalt  }
0x79: {  	_ =	shalt  }
0x7a: {  	_ =	shalt  }
0x7b: {  	_ =	shalt  }
0x7c: {  	_ =	shalt  }
0x7d: {  	_ =	shalt  }
0x7e: {  	_ =	shalt  }
0x7f: {  	_ =	shalt  }
0x80: {  	_ =	shalt  }
0x81: {  	_ =	shalt  }
0x82: {  	_ =	shalt  }
0x83: {  	_ =	shalt  }
0x84: {  	_ =	shalt  }
0x85: {  	_ =	shalt  }
0x86: {  	_ =	shalt  }
0x87: {  	_ =	shalt  }
.Lfunc_end0:
.L_simem_size_0:
called_computation.5_lowered:
.L_overlay_start_0:
0x88: {  	s2 =	sld [smem:$0x3FD9]  }
0x89: {  	s3 =	sld [smem:$0x3FFE];
	_ =	sdelay $0x1  }
0x8a: {  	s1 =	srdreg.scid  }
0x8b: {  	s0 =	sand.u32 $0x1, s1  }
0x8c: {  	s16 =	sshll.u32 s0, $0xA;
	s2 =	sadd.s32 s3, s2  }
0x8d: {  	s2 =	sadd.s32 s2, s16  }
0x8e: {  	[smem:$0x3FB5] =	sst s2  }
0x8f: {  	_ = 	snop  }
0x90: {  	(tm) =	ssettm $0x1  }
0x91: {  	s17 =	sld [smem:$0x3FFB];
	_ =	sdelay $0x3  }
0x92: {  	_ =	strace s17  }
0x93: {  	s2 =	sld [smem:$0x3FFC];
	_ =	sdelay $0x3  }
0x94: {  	_ =	strace s2  }
0x95: {  	s2 =	sld [smem:$0x3FFD];
	_ =	sdelay $0x3  }
0x96: {  	_ =	strace s2  }
0x97: {  	_ =	strace $0x8FFFFFFF  }
0x98: {  	s18 =	sld [smem:$0x3FDB];
	_ =	sdelay $0x1  }
0x99: {  	s19 =	simm.s32 $_scs_section_size  }
0x9a: {  	s4 =	simm.s32 $_size__tile_overlayer_lowered;
	s5 =	simm.s32 $_tile_overlayer_lowered  }
0x9b: {  	s22 =	simm.s32 $0x1BFF;
	s21 =	sshll.u32 s5, $0x1;
	s2 =	sadd.s32 s19, s18  }
0x9c: {  	s6 =	simm.s32 $0x0;
	s20 =	sshll.u32 s4, $0x1;
	s4 =	sadd.s32 s21, s2  }
0x9d: {  	[timem:s6], [sflag:s22] =	dma.local [hbm:s4], s20  }
0x9e: {  	_ =	swait.ge [sflag:s22], s20  }
0x9f: {  	s3 =	ssub.s32 $0x0, s20;
	[sflag:s22] =	ssyncset.done $0x0  }
0xa0: {  	[sflag:s22] =	ssyncadd.s32 s3;
	_ =	sdelay $0x1  }
0xa1: {  	s23 =	simm.s32 $0x1B8B  }
0xa2: {  	_ =	swait.ge [sflag:s23], $0x1  }
0xa3: {  	[sflag:s23] =	ssyncset.done $0x0  }
0xa4: {  	s25 =	simm.s32 $0x1B8E;
	s24 =	sld [smem:$0x3FFE];
	[sflag:s23] =	ssyncadd.s32 $0xFFFFFFFF  }
0xa5: {  	s26 =	simm.s32 $execute0_lowered;
	[smem:$0x3FD2] =	sst s25  }
0xa6: {  	s4 =	sshll.u32 s26, $0x1;
	_ =	strace $0x80000055;
	[dreg:$0x1] =	wrdreg $0xFFFFFFFF  }
0xa7: {  	s28 =	simm.s32 $_size_execute0_lowered;
	s2 =	sadd.s32 s2, s4;
	[dreg:$0x0] =	wrdreg $0x0  }
0xa8: {  	s4 =	sshll.u32 s28, $0x1;
	[dreg:$0x2] =	wrdreg s2  }
0xa9: {  	[dreg:$0x3] =	wrdreg s4  }
0xaa: {  	[dreg:$0x4] =	wrdreg $0xC0  }
0xab: {  	_ =	task [dreg:s6], $0x5FFFF  }
0xac: {  	[dreg:$0x1] =	wrdreg $0xFFFFFFFF  }
0xad: {  	[dreg:$0x0] =	wrdreg $0x60  }
0xae: {  	[dreg:$0x2] =	wrdreg s24  }
0xaf: {  	[dreg:$0x3] =	wrdreg $0xB7800  }
0xb0: {  	[dreg:$0x4] =	wrdreg $0x9  }
0xb1: {  	_ =	task.clear_ibuf [dreg:s6], $0x5FFFF;
	_ =	strace $0x90000055  }
0xb2: {  	s29 =	simm.s32 $0x9;
	_ =	strace $0x80000057  }
0xb3: {  	_ =	swait.ge [sflag:s29], $0x1  }
0xb4: {  	[sflag:s29] =	ssyncadd.s32 $0xFFFFFFFF  }
0xb5: {  	_ =	strace $0x90000057  }
0xb6: {  	_ =	sfence  }
0xb7: {  	s30 =	sld [smem:$0x0];
	_ =	sdelay $0x2  }
0xb8: {  	s31 =	sshll.u32 s1, $0xD;
	s1 =	sshrl.u32 s1, $0x2  }
0xb9: {  	s3 =	sand.u32 $0x4000, s31;
	s1 =	sadd.s32 s1, s30  }
0xba: {  	s0 =	sor.u32 s3, s0;
	s1 =	sshll.u32 s1, $0x11  }
0xbb: {  	s0 =	sor.u32 s1, s0  }
0xbc: {  	s0 =	sadd.s32 $0x8F2B, s0  }
0xbd: {  	[sflag:s0] =	ssyncadd.remote.s32 $0x1  }
0xbe: {  	_ =	sfence.sel $0xFFFF  }
0xbf: {  	[dreg:$0x0] =	wrdreg $0xFFFFFFFF;
	(pc) =	sbr.abs _section_cstart, $3  }
0xc0: {  	[dreg:$0x1] =	wrdreg $0xFFFFFFFF  }
0xc1: {  	_ =	task.clear_ibuf [dreg:s6], $0x2FFFF;
	_ =	strace $0x9FFFFFFF  }
0xc2: {  	(tm) =	ssettm $0x7FFFFFFF  }
0xc3: {  	_ =	shalt  }
tec
execute0_lowered:
.L_overlay_start_1:
0x0: {  	(tag) =	ssettag $0x1  }
0x1: {  	s0 =	rddreg [dreg:$0x0];
	s1 =	srdreg.scid  }
0x2: {  	s12 =	stileid.u32;
	s2 =	rddreg [dreg:$0x1]  }
0x3: {  	s13 =	simm.s32 $0x2780;
	s18 =	simm.s32 $0x1;
	s19 =	simm.s32 $0x2  }
0x4: {  	s20 =	simm.s32 $0x50;
	s21 =	simm.s32 $0x6780;
	s22 =	simm.s32 $0x8F80  }
0x5: {  	s23 =	simm.s32 $0x3;
	s24 =	simm.s32 $0x4;
	s25 =	simm.s32 $0x6480  }
0x6: {  	s28 =	simm.s32 $0x6500;
	s29 =	simm.s32 $0x6580;
	s30 =	simm.s32 $0x0  }
0x7: {  	s1 =	sand.u32 $0x1, s1;
	s3 =	sshll.u32 s12, $0x1;
	s8 =	smul.u32 $0x50000, s12  }
0x8: {  	s4 =	sshrl.u32 s12, $0x2;
	s11 =	smul.u32 $0x14000, s12;
	s15 =	sadd.s32 $0x12C000, s2  }
0x9: {  	p0 =	seq.s32 s12, $0xF;
	s5 =	sor.u32 s1, s3;
	s4 =	smul.u32 $0x13C00, s4  }
0xa: {  	s3 =	simm.s32 $0x0;
	s9 =	ssub.s32 $0x2, s1;
	s1 =	smul.u32 $0x138800, s1  }
0xb: {  	s14 =	sshll.u32 @!p0 s12, $0x6;
	s15 =	sshrl.u32 @p0 s15, $0x3;
	s6 =	sshll.u32 s5, $0x7  }
0xc: {  	[smem:$0x7FF] =	sst s3;
	s5 =	sshll.u32 s5, $0xB;
	s10 =	sshrl.u32 s9, $0x1  }
0xd: {  	s8 =	sshrl.u32 s8, $0x2;
	s16 =	sor.u32 @!p0 $0x1C03, s14;
	s6 =	sand.u32 $0x380, s6  }
0xe: {  	_ =	strace $0x80000056;
	s7 =	sadd.s32 s5, s0;
	s5 =	sadd.s32 $0x47400, s0  }
0xf: {  	s10 =	ssub.s32 s9, s10;
	s26 =	sadd.s32 s11, s1;
	s1 =	sshrl.u32 s1, $0x3  }
0x10: {  	s17 =	sadd.s32 s8, s2;
	s6 =	sor.u32 s4, s6;
	s4 =	sadd.s32 $0x20200, s0  }
0x11: {  	s7 =	sadd.s32 $0x6400, s7;
	s31 =	sshrl.u32 s26, $0x3;
	s6 =	sshrl.u32 s6, $0x3  }
0x12: {  	s10 =	smax.u32 s10, $0x1;
	s6 =	sadd.s32 s6, s0;
	s0 =	sadd.s32 $0x49C00, s0  }
0x13: {  	s17 =	sshrl.u32 @!p0 s17, $0x3;
	s26 =	simm.s32 $0x26C0;
	s1 =	sadd.s32 s0, s1  }
0x14: {  	s6 =	sadd.s32 $0x16400, s6;
	s8 =	sadd.s32 s0, s31;
	s9 =	sadd.s32 $0x25800, s1  }
.LBB2_1:
0x15: {  	s0 =	simm.s32 $0x80;
	s1 =	simm.s32 $0x400  }
0x16: {  	[tilespmem:s3], [sflag:$0x1] =	stream.strided.gather [hbm4b:s6+s0], $0x2780, s1, s0, $0x38;
	[tilespmem:$0x1F000] =	vst v63  }
0x17: {  	s0 =	simm.s32 @p0 $0x1FC3  }
0x18: {  	[tilespmem:s13], [sflag:$0x2] =	stream.linear.gather [hbm4b:s7+s3], $0x3E80, $0x38;
	[tilespmem:$0x1F000] =	vst v63  }
0x19: {  	[spmem:s15], [sflag:s0] =	dma.local @p0 [hbm:s5], $0x1900  }
0x1a: {  	[spmem:s17], [sflag:s16] =	dma.local @!p0 [hbm:s5], $0x2800  }
0x1b: {  	_ =	swait.ge [sflag:s18], $0x2780  }
0x1c: {  	[sflag:s18] =	ssyncset.done $0x0  }
0x1d: {  	[sflag:s18] =	ssyncadd.s32 $0xFFFFD880  }
0x1e: {  	_ =	swait.ge [sflag:s19], $0x3E80  }
0x1f: {  	[sflag:s19] =	ssyncset.done $0x0  }
0x20: {  	[sflag:s19] =	ssyncadd.s32 $0xFFFFC180  }
0x21: {  	[tilespmem:s21], [sflag:$0x1] =	stream.indirect.gather [hbm4b:s4+s20], $0x80, s3, s20, $0xb8;
	[tilespmem:$0x1F000] =	vst v63  }
0x22: {  	s0 =	simm.s32 @p0 $0x3  }
0x23: {  	[tilespmem:s22], [sflag:$0x2] =	stream.indirect.gather [hbm4b:s4+s20], $0x80, s20, s20, $0xb8;
	[tilespmem:$0x1F000] =	vst v63  }
0x24: {  	_ =	swait.ge @p0 [sflag:s0], $0x1900  }
0x25: {  	[sflag:s0] =	ssyncset.done @p0 $0x0  }
0x26: {  	[sflag:s0] =	ssyncadd.s32 @p0 $0xFFFFE700;
	s0 =	simm.s32 @!p0 $0x3  }
0x27: {  	_ =	swait.ge @!p0 [sflag:s0], $0x2800  }
0x28: {  	[sflag:s0] =	ssyncset.done @!p0 $0x0  }
0x29: {  	[sflag:s0] =	ssyncadd.s32 @!p0 $0xFFFFD800  }
0x2a: {  	[bflag:$0x0] =	sbarrier.arrive $0xFFFF  }
0x2b: {  	_ =	swait.ge [sflag:s18], $0x2800  }
0x2c: {  	[sflag:s18] =	ssyncset.done $0x0  }
0x2d: {  	s1 =	simm.s32 $0x2780;
	[sflag:s18] =	ssyncadd.s32 $0xFFFFD800  }
0x2e: {  	[spmem:s2] =	stream.indirect.scatter.add.f32 [tilespmem:s21], [sflag:$0x3], $0x80, s1, s20, $0xb8;
	[tilespmem:$0x1F000] =	vst v63  }
0x2f: {  	_ =	swait.ge [sflag:s23], $0x2800  }
0x30: {  	[sflag:s23] =	ssyncset.done $0x0  }
0x31: {  	s11 =	simm.s32 $0xA0;
	[sflag:s23] =	ssyncadd.s32 $0xFFFFD800  }
0x32: {  	[tilespmem:s21], [sflag:$0x1] =	stream.indirect.gather [hbm4b:s4+s20], $0x80, s11, s20, $0xb8;
	[tilespmem:$0x1F000] =	vst v63  }
0x33: {  	_ =	swait.ge [sflag:s19], $0x2800  }
0x34: {  	[sflag:s19] =	ssyncset.done $0x0  }
0x35: {  	s12 =	simm.s32 $0x2800;
	[sflag:s19] =	ssyncadd.s32 $0xFFFFD800  }
0x36: {  	[spmem:s2] =	stream.indirect.scatter.add.f32 [tilespmem:s22], [sflag:$0x4], $0x80, s12, s20, $0xb8;
	[tilespmem:$0x1F000] =	vst v63  }
0x37: {  	_ =	swait.ge [sflag:s24], $0x2800  }
0x38: {  	s31 =	simm.s32 $0xF0;
	[sflag:s24] =	ssyncset.done $0x0  }
0x39: {  	s0 =	simm.s32 $0x190;
	s1 =	simm.s32 $0x400;
	[sflag:s24] =	ssyncadd.s32 $0xFFFFD800  }
.LBB2_2:
0x3a: {  	[tilespmem:s22], [sflag:$0x2] =	stream.indirect.gather [hbm4b:s4+s20], $0x80, s31, s20, $0xb8;
	[tilespmem:$0x1F000] =	vst v63  }
0x3b: {  	s11 =	smov.u32 s1;
	s31 =	smov.u32 s0  }
0x3c: {  	p1 =	sne.s32 s1, $0xF000;
	s1 =	sadd.s32 $0x400, s1;
	_ =	swait.ge [sflag:s18], $0x2800  }
0x3d: {  	s11 =	sshra.s32 s11, $0x2;
	[sflag:s18] =	ssyncset.done $0x0  }
0x3e: {  	s12 =	sadd.s32 $0x2780, s11;
	[sflag:s18] =	ssyncadd.s32 $0xFFFFD800  }
0x3f: {  	[spmem:s2] =	stream.indirect.scatter.add.f32 [tilespmem:s21], [sflag:$0x3], $0x80, s12, s20, $0xb8;
	[tilespmem:$0x1F000] =	vst v63  }
0x40: {  	_ =	swait.ge [sflag:s23], $0x2800  }
0x41: {  	[sflag:s23] =	ssyncset.done $0x0  }
0x42: {  	s12 =	sadd.s32 $0xFFFFFFB0, s0;
	[sflag:s23] =	ssyncadd.s32 $0xFFFFD800  }
0x43: {  	[tilespmem:s21], [sflag:$0x1] =	stream.indirect.gather [hbm4b:s4+s20], $0x80, s12, s20, $0xb8;
	[tilespmem:$0x1F000] =	vst v63  }
0x44: {  	_ =	swait.ge [sflag:s19], $0x2800  }
0x45: {  	[sflag:s19] =	ssyncset.done $0x0  }
.Ltmp0:
0x46: {  	s11 =	sadd.s32 $0x2800, s11;
	[sflag:s19] =	ssyncadd.s32 $0xFFFFD800;
	(pc) =	sbr.rel @p1 .LBB2_2-.Ltmp0, $4  }
0x47: {  	[spmem:s2] =	stream.indirect.scatter.add.f32 [tilespmem:s22], [sflag:$0x4], $0x80, s11, s20, $0xb8;
	[tilespmem:$0x1F000] =	vst v63  }
0x48: {  	_ =	swait.ge [sflag:s24], $0x2800  }
0x49: {  	[sflag:s24] =	ssyncset.done $0x0  }
0x4a: {  	s0 =	sadd.s32 $0xA0, s0;
	[sflag:s24] =	ssyncadd.s32 $0xFFFFD800  }
0x4b: {  	[tilespmem:s22], [sflag:$0x2] =	stream.indirect.gather [hbm4b:s4+s20], $0x80, s31, s20, $0xb8;
	[tilespmem:$0x1F000] =	vst v63  }
0x4c: {  	_ =	swait.ge [sflag:s18], $0x2800  }
0x4d: {  	[sflag:s18] =	ssyncset.done $0x0  }
0x4e: {  	[sflag:s18] =	ssyncadd.s32 $0xFFFFD800  }
0x4f: {  	[spmem:s2] =	stream.indirect.scatter.add.f32 [tilespmem:s21], [sflag:$0x3], $0x80, s25, s20, $0xb8;
	[tilespmem:$0x1F000] =	vst v63  }
0x50: {  	_ =	swait.ge [sflag:s23], $0x2800  }
0x51: {  	[sflag:s23] =	ssyncset.done $0x0  }
0x52: {  	[sflag:s23] =	ssyncadd.s32 $0xFFFFD800  }
0x53: {  	[tilespmem:s21], [sflag:$0x1] =	stream.indirect.gather [hbm4b:s4+s20], $0x80, s26, s20, $0xb8;
	[tilespmem:$0x1F000] =	vst v63  }
0x54: {  	_ =	swait.ge [sflag:s19], $0x2800  }
0x55: {  	[sflag:s19] =	ssyncset.done $0x0  }
0x56: {  	[sflag:s19] =	ssyncadd.s32 $0xFFFFD800  }
0x57: {  	[spmem:s2] =	stream.indirect.scatter.add.f32 [tilespmem:s22], [sflag:$0x4], $0x80, s28, s20, $0xb8;
	[tilespmem:$0x1F000] =	vst v63  }
0x58: {  	_ =	swait.ge [sflag:s18], $0x2800  }
0x59: {  	[sflag:s18] =	ssyncset.done $0x0  }
0x5a: {  	[sflag:s18] =	ssyncadd.s32 $0xFFFFD800  }
0x5b: {  	[spmem:s2] =	stream.indirect.scatter.add.f32 [tilespmem:s21], [sflag:$0x3], $0x80, s29, s20, $0xb8;
	[tilespmem:$0x1F000] =	vst v63  }
0x5c: {  	_ =	swait.ge [sflag:s23], $0x2800  }
0x5d: {  	[sflag:s23] =	ssyncset.done $0x0  }
0x5e: {  	[sflag:s23] =	ssyncadd.s32 $0xFFFFD800  }
0x5f: {  	_ =	swait.ge [sflag:s24], $0x2800  }
0x60: {  	[sflag:s24] =	ssyncset.done $0x0  }
0x61: {  	[sflag:s24] =	ssyncadd.s32 $0xFFFFD800  }
0x62: {  	s0 =	simm.s32 @p0 $0x1FC5;
	[bflag:$0x0] =	sbarrier.arrive $0xFFFF  }
0x63: {  	[hbm:s9], [sflag:s0] =	dma.local @p0 [spmem:s15], $0x1900  }
0x64: {  	s0 =	simm.s32 @p0 $0x5  }
0x65: {  	_ =	swait.ge @p0 [sflag:s0], $0x1900  }
0x66: {  	s30 =	sadd.s32 $0x1, s30;
	[sflag:s0] =	ssyncset.done @p0 $0x0  }
0x67: {  	p1 =	sne.s32 s30, s10;
	[sflag:s0] =	ssyncadd.s32 @p0 $0xFFFFE700;
	s0 =	sor.u32 @!p0 $0x1C05, s14  }
0x68: {  	[hbm:s8], [sflag:s0] =	dma.local @!p0 [spmem:s17], $0x2800  }
.Ltmp1:
0x69: {  	_ = 	snop;
	(pc) =	sbr.rel @p1 .LBB2_1-.Ltmp1, $4  }
0x6a: {  	s0 =	simm.s32 @!p0 $0x5  }
0x6b: {  	_ =	swait.ge @!p0 [sflag:s0], $0x2800  }
0x6c: {  	[sflag:s0] =	ssyncset.done @!p0 $0x0  }
0x6d: {  	[sflag:s0] =	ssyncadd.s32 @!p0 $0xFFFFD800  }
0x6e: {  	_ =	sfence.sel $0x180000  }
0x6f: {  	[bflag:$0x0] =	sbarrier.arrive $0xFFFF  }
0x70: {  	_ =	strace $0x90000056  }
0x71: {  	s0 =	stileid.u32;
	[bflag:$0x2] =	sbarrier.arrive $0xFFFF  }
0x72: {  	p0 =	sne.s32 s0, $0x0;
	s0 =	rddreg [dreg:$0x2]  }
0x73: {  	s0 =	sadd.s32 @!p0 $0x100000, s0  }
0x74: {  	[sflag:s0] =	ssyncadd.tile.s32 @!p0 $0x1;
	_ =	shalt  }
.Lfunc_end2:
_tile_overlayer_lowered:
.L_overlay_start_2:
0x75: {  	(tag) =	ssettag $0x2  }
0x76: {  	s0 =	rddreg [dreg:$0x0];
	s2 =	stileid.u32  }
0x77: {  	s1 =	rddreg [dreg:$0x1];
	p0 =	sne.s32 s2, $0x0  }
0x78: {  	s3 =	rddreg [dreg:$0x2];
	[bflag:$0x3] =	sbarrier.arrive $0xFFFF;
	s2 =	simm.s32 @!p0 $0x1C05  }
0x79: {  	[timem:s3], [sflag:s2] =	dma.local @!p0 [hbm:s0], s1  }
0x7a: {  	s0 =	simm.s32 @!p0 $0x5  }
0x7b: {  	_ =	swait.ge @!p0 [sflag:s0], s1  }
0x7c: {  	s1 =	ssub.s32 @!p0 $0x0, s1;
	[sflag:s0] =	ssyncset.done @!p0 $0x0  }
0x7d: {  	[sflag:s0] =	ssyncadd.s32 @!p0 s1  }
0x7e: {  	[bflag:$0x3] =	sbarrier.arrive $0xFFFF  }
0x7f: {  	_ =	shalt  }

</sc_bundles>
